<compile_context>
chip_gen: v7x
topology: tpu7x:2x2x1
jax: 0.10.2.dev20260603
libtpu: 0.0.44.dev20260713+nightly
codegen_flags: <defaults>
</compile_context>

<pallas_src>
import functools

import jax
import jax.numpy as jnp
from jax import lax
from jax.experimental import pallas as pl
from jax.experimental.pallas import tpu as pltpu
from jax.experimental.pallas import tpu_sc as plsc

N = 10000
E = 320000
F_IN = 128
H = 64
G = 64

NC = 2
NS = 16
NW = NC * NS
EPW = E // NW
CHUNK = 100
NCHUNK = EPW // CHUNK
NA = 10240
RPS = NA // NS

KB = 10
SKEW = 5

R = 2000


def _sc_mesh():
    return plsc.VectorSubcoreMesh(core_axis_name="c", subcore_axis_name="s")


_SC_PARAMS = pltpu.CompilerParams(use_tc_tiling_on_sc=False)


def _sc_degree(dst3, zeros16):

    @functools.partial(
        pl.kernel,
        out_type=jax.ShapeDtypeStruct((NC, NA, 16), jnp.float32),
        mesh=_sc_mesh(),
        compiler_params=_SC_PARAMS,
        scratch_types=[
            pltpu.VMEM((NCHUNK, CHUNK), jnp.int32),
            pltpu.VMEM((CHUNK, 16), jnp.float32),
            pltpu.VMEM_SHARED((NA, 16), jnp.float32),
        ]
        + [pltpu.SemaphoreType.DMA] * KB,
    )
    def k(dst_hbm, zeros_hbm, out_hbm, dstv, ones_v, acc, *ssem):
        c = lax.axis_index("c")
        s = lax.axis_index("s")
        wid = c * NS + s
        pltpu.sync_copy(dst_hbm.at[wid], dstv)

        @pl.loop(0, CHUNK)
        def _(i):
            ones_v.at[i][...] = jnp.full((16,), 1.0, jnp.float32)

        pltpu.sync_copy(
            zeros_hbm.at[pl.ds(s * RPS, RPS)], acc.at[pl.ds(s * RPS, RPS)]
        )
        plsc.subcore_barrier()

        @pl.loop(0, NCHUNK, step=KB)
        def _(j):
            for b in range(KB):
                @pl.when(j + b >= KB)
                def _():
                    pltpu.make_async_copy(
                        ones_v, acc.at[dstv.at[j + b - KB]], ssem[b]
                    ).wait()

                pltpu.async_copy(ones_v, acc.at[dstv.at[j + b]], ssem[b], add=True)

        for b in range(KB):
            pltpu.make_async_copy(
                ones_v, acc.at[dstv.at[NCHUNK - KB + b]], ssem[b]
            ).wait()

        plsc.subcore_barrier()
        pltpu.sync_copy(
            acc.at[pl.ds(s * RPS, RPS)], out_hbm.at[c, pl.ds(s * RPS, RPS)]
        )

    return k(dst3, zeros16)


def _sc_aggregate(hp, src3, dst3, zeros64):

    @functools.partial(
        pl.kernel,
        out_type=jax.ShapeDtypeStruct((NC, NA, H), jnp.float32),
        mesh=_sc_mesh(),
        compiler_params=_SC_PARAMS,
        scratch_types=[
            pltpu.VMEM((NCHUNK, CHUNK), jnp.int32),
            pltpu.VMEM((NCHUNK, CHUNK), jnp.int32),
            pltpu.VMEM((KB, CHUNK, H), jnp.float32),
            pltpu.VMEM_SHARED((NA, H), jnp.float32),
        ]
        + [pltpu.SemaphoreType.DMA] * (2 * KB),
    )
    def k(hp_hbm, src_hbm, dst_hbm, zeros_hbm, out_hbm, srcv, dstv, rows, acc, *sems):
        gsem = sems[:KB]
        ssem = sems[KB:]
        c = lax.axis_index("c")
        s = lax.axis_index("s")
        wid = c * NS + s
        pltpu.sync_copy(src_hbm.at[wid], srcv)
        pltpu.sync_copy(dst_hbm.at[wid], dstv)
        pltpu.sync_copy(
            zeros_hbm.at[pl.ds(s * RPS, RPS)], acc.at[pl.ds(s * RPS, RPS)]
        )
        plsc.subcore_barrier()

        @pl.loop(0, NCHUNK, step=KB)
        def _(j):
            for b in range(KB):
                @pl.when(j + b >= KB)
                def _():
                    pltpu.make_async_copy(
                        rows.at[b], acc.at[dstv.at[j + b - KB]], ssem[b]
                    ).wait()

                pltpu.async_copy(hp_hbm.at[srcv.at[j + b]], rows.at[b], gsem[b])

                bd = (b - SKEW) % KB

                @pl.when(j + b >= SKEW)
                def _():
                    pltpu.make_async_copy(
                        hp_hbm.at[srcv.at[j + b - SKEW]], rows.at[bd], gsem[bd]
                    ).wait()
                    pltpu.async_copy(
                        rows.at[bd],
                        acc.at[dstv.at[j + b - SKEW]],
                        ssem[bd],
                        add=True,
                    )

        for t in range(SKEW):
            jj = NCHUNK - SKEW + t
            b = jj % KB
            pltpu.make_async_copy(
                hp_hbm.at[srcv.at[jj]], rows.at[b], gsem[b]
            ).wait()
            pltpu.async_copy(rows.at[b], acc.at[dstv.at[jj]], ssem[b], add=True)
        for b in range(KB):
            jj = NCHUNK - KB + b
            pltpu.make_async_copy(
                rows.at[b], acc.at[dstv.at[jj]], ssem[b]
            ).wait()

        plsc.subcore_barrier()
        pltpu.sync_copy(
            acc.at[pl.ds(s * RPS, RPS)], out_hbm.at[c, pl.ds(s * RPS, RPS)]
        )

    return k(hp, src3, dst3, zeros64)


def _tc_prep(degp, x, W1):

    def body(degp_ref, x_ref, w_ref, dinv_ref, hp_ref):
        d = degp_ref[0, :, 0:1] + degp_ref[1, :, 0:1] + 1.0
        dinv = 1.0 / jnp.sqrt(d)
        dinv_ref[...] = jnp.broadcast_to(dinv, (R, H))
        h1 = jnp.dot(x_ref[...], w_ref[...], preferred_element_type=jnp.float32)
        hp_ref[...] = h1 * dinv

    return pl.pallas_call(
        body,
        grid=(N // R,),
        in_specs=[
            pl.BlockSpec((NC, R, 16), lambda i: (0, i, 0)),
            pl.BlockSpec((R, F_IN), lambda i: (i, 0)),
            pl.BlockSpec((F_IN, H), lambda i: (0, 0)),
        ],
        out_specs=[
            pl.BlockSpec((R, H), lambda i: (i, 0)),
            pl.BlockSpec((R, H), lambda i: (i, 0)),
        ],
        out_shape=[
            jax.ShapeDtypeStruct((N, H), jnp.float32),
            jax.ShapeDtypeStruct((N, H), jnp.float32),
        ],
    )(degp, x, W1)


def _tc_mid(S1, hp1, dinv, b1, W2):

    def body(S_ref, hp_ref, dinv_ref, b_ref, w_ref, o_ref):
        z = dinv_ref[...] * (S_ref[0] + S_ref[1] + hp_ref[...]) + b_ref[...]
        z = jnp.maximum(z, 0.0)
        o_ref[...] = dinv_ref[...] * jnp.dot(
            z, w_ref[...], preferred_element_type=jnp.float32
        )

    return pl.pallas_call(
        body,
        grid=(N // R,),
        in_specs=[
            pl.BlockSpec((NC, R, H), lambda i: (0, i, 0)),
            pl.BlockSpec((R, H), lambda i: (i, 0)),
            pl.BlockSpec((R, H), lambda i: (i, 0)),
            pl.BlockSpec((1, H), lambda i: (0, 0)),
            pl.BlockSpec((H, H), lambda i: (0, 0)),
        ],
        out_specs=pl.BlockSpec((R, H), lambda i: (i, 0)),
        out_shape=jax.ShapeDtypeStruct((N, H), jnp.float32),
    )(S1, hp1, dinv, b1, W2)


def _tc_final(S2, hp2, dinv, b2, batch2, W3, b3, W4, b4):

    def body(
        S_ref, hp_ref, dinv_ref, b2_ref, bat_ref, w3_ref, b3_ref, w4_ref,
        b4_ref, o_ref, psum, cnt,
    ):
        i = pl.program_id(0)

        @pl.when(i == 0)
        def _():
            psum[...] = jnp.zeros((G, H), jnp.float32)
            cnt[...] = jnp.zeros((G, 1), jnp.float32)

        z = dinv_ref[...] * (S_ref[0] + S_ref[1] + hp_ref[...]) + b2_ref[...]
        z = jnp.maximum(z, 0.0)
        gid = lax.broadcasted_iota(jnp.int32, (R, G), 1)
        onehot = (bat_ref[...] == gid).astype(jnp.float32)
        psum[...] += lax.dot_general(
            onehot, z, (((0,), (0,)), ((), ())),
            preferred_element_type=jnp.float32,
            precision=lax.Precision.HIGHEST,
        )
        cnt[...] += lax.dot_general(
            onehot, jnp.ones((R, 1), jnp.float32), (((0,), (0,)), ((), ())),
            preferred_element_type=jnp.float32,
        )

        @pl.when(i == pl.num_programs(0) - 1)
        def _():
            p = psum[...] / jnp.maximum(cnt[...], 1.0)
            r = jnp.maximum(
                jnp.dot(p, w3_ref[...], preferred_element_type=jnp.float32)
                + b3_ref[...],
                0.0,
            )
            o_ref[...] = (
                jnp.dot(r, w4_ref[...], preferred_element_type=jnp.float32)
                + b4_ref[...]
            )

    return pl.pallas_call(
        body,
        grid=(N // R,),
        in_specs=[
            pl.BlockSpec((NC, R, H), lambda i: (0, i, 0)),
            pl.BlockSpec((R, H), lambda i: (i, 0)),
            pl.BlockSpec((R, H), lambda i: (i, 0)),
            pl.BlockSpec((1, H), lambda i: (0, 0)),
            pl.BlockSpec((R, 1), lambda i: (i, 0)),
            pl.BlockSpec((H, 128), lambda i: (0, 0)),
            pl.BlockSpec((1, 128), lambda i: (0, 0)),
            pl.BlockSpec((128, 1), lambda i: (0, 0)),
            pl.BlockSpec((1, 1), lambda i: (0, 0)),
        ],
        out_specs=pl.BlockSpec((G, 1), lambda i: (0, 0)),
        out_shape=jax.ShapeDtypeStruct((G, 1), jnp.float32),
        scratch_shapes=[
            pltpu.VMEM((G, H), jnp.float32),
            pltpu.VMEM((G, 1), jnp.float32),
        ],
    )(S2, hp2, dinv, b2, batch2, W3, b3, W4, b4)


def kernel(x, edge_index, batch, W1, b1, W2, b2, W3, b3, W4, b4):
    src3 = edge_index[0].reshape(NW, NCHUNK, CHUNK)
    dst3 = edge_index[1].reshape(NW, NCHUNK, CHUNK)
    zeros16 = jnp.zeros((NA, 16), jnp.float32)
    zeros64 = jnp.zeros((NA, H), jnp.float32)
    batch2 = batch.reshape(N, 1)
    b1r = b1.reshape(1, H)
    b2r = b2.reshape(1, H)
    b3r = b3.reshape(1, 128)
    b4r = b4.reshape(1, 1)

    degp = _sc_degree(dst3, zeros16)
    dinv, hp1 = _tc_prep(degp, x, W1)
    S1 = _sc_aggregate(hp1, src3, dst3, zeros64)
    hp2 = _tc_mid(S1, hp1, dinv, b1r, W2)
    S2 = _sc_aggregate(hp2, src3, dst3, zeros64)
    out = _tc_final(S2, hp2, dinv, b2r, batch2, W3, b3r, W4, b4r)
    return jnp.squeeze(out)

# --- scband reference (transcript-rebuilt; emitter-appended) ---
"""Pipeline reference for scband-gnn-86509231276701 (READ-ONLY COPY).

The authoritative reference and input builder live on the scoring server;
editing this copy changes nothing except your own understanding.
"""

import jax, jax.numpy as jnp
import numpy as np

N = 10000
E = 320000
F_IN = 128
H = 64
G = 64


def setup_inputs(seed: int = 0) -> dict:
    key = jax.random.key(seed)
    ks = jax.random.split(key, 12)
    x = jax.random.normal(ks[0], (N, F_IN), dtype=jnp.float32)
    edge_index = jax.random.randint(ks[1], (2, E), 0, N, dtype=jnp.int32)
    batch = jnp.sort(jax.random.randint(ks[2], (N,), 0, G, dtype=jnp.int32))
    W1 = jax.random.normal(ks[3], (F_IN, H), dtype=jnp.float32) * (1.0 / np.sqrt(F_IN))
    b1 = jnp.zeros((H,), dtype=jnp.float32)
    W2 = jax.random.normal(ks[4], (H, H), dtype=jnp.float32) * (1.0 / np.sqrt(H))
    b2 = jnp.zeros((H,), dtype=jnp.float32)
    W3 = jax.random.normal(ks[5], (H, 128), dtype=jnp.float32) * (1.0 / np.sqrt(H))
    b3 = jnp.zeros((128,), dtype=jnp.float32)
    W4 = jax.random.normal(ks[6], (128, 1), dtype=jnp.float32) * (1.0 / np.sqrt(128.0))
    b4 = jnp.zeros((1,), dtype=jnp.float32)
    return {"x": x, "edge_index": edge_index, "batch": batch,
            "W1": W1, "b1": b1, "W2": W2, "b2": b2,
            "W3": W3, "b3": b3, "W4": W4, "b4": b4}


def _gcn_conv(x, edge_index, W, b):
    # GCNConv: out = D^{-1/2} (A + I) D^{-1/2} X W + b
    loop = jnp.arange(N, dtype=edge_index.dtype)
    src = jnp.concatenate([edge_index[0], loop])
    dst = jnp.concatenate([edge_index[1], loop])
    deg = jnp.zeros((N,), dtype=x.dtype).at[dst].add(1.0)
    deg_inv_sqrt = jnp.where(deg > 0, 1.0 / jnp.sqrt(deg), 0.0)
    norm = deg_inv_sqrt[src] * deg_inv_sqrt[dst]
    h = x @ W
    msg = h[src] * norm[:, None]
    out = jnp.zeros((N, h.shape[1]), dtype=x.dtype).at[dst].add(msg)
    return out + b


def _global_mean_pool(x, batch):
    sums = jax.ops.segment_sum(x, batch, num_segments=G)
    counts = jax.ops.segment_sum(jnp.ones((x.shape[0],), dtype=x.dtype), batch, num_segments=G)
    return sums / jnp.maximum(counts, 1.0)[:, None]


def reference(x, edge_index, batch, W1, b1, W2, b2, W3, b3, W4, b4):
    h = jax.nn.relu(_gcn_conv(x, edge_index, W1, b1))
    h = jax.nn.relu(_gcn_conv(h, edge_index, W2, b2))
    h = _global_mean_pool(h, batch)
    h = jax.nn.relu(h @ W3 + b3)
    h = h @ W4 + b4
    return jnp.squeeze(h)

if __name__ == "__main__":
    import jax
    _d = setup_inputs()
    print(jax.jit(kernel)(*tuple(_d.values())))

</pallas_src>

<mosaic_0001>
#map = affine_map<(d0, d1) -> (0, 0, 0)>
#map1 = affine_map<(d0, d1) -> (0, 0)>
module attributes {stable_mosaic.version = 14 : i64} {
  func.func @k(%arg0: i32, %arg1: i32, %arg2: memref<32x100x100xi32, #tpu.memory_space<hbm>>, %arg3: memref<10240x16xf32, #tpu.memory_space<hbm>>, %arg4: memref<2x10240x16xf32, #tpu.memory_space<hbm>>, %arg5: memref<100x100xi32, #tpu.memory_space<vmem>>, %arg6: memref<100x16xf32, #tpu.memory_space<vmem>>, %arg7: memref<10240x16xf32, #tpu.memory_space<vmem_shared>>, %arg8: memref<!tpu.dma_semaphore, #tpu.memory_space<semaphore_mem>>, %arg9: memref<!tpu.dma_semaphore, #tpu.memory_space<semaphore_mem>>, %arg10: memref<!tpu.dma_semaphore, #tpu.memory_space<semaphore_mem>>, %arg11: memref<!tpu.dma_semaphore, #tpu.memory_space<semaphore_mem>>, %arg12: memref<!tpu.dma_semaphore, #tpu.memory_space<semaphore_mem>>, %arg13: memref<!tpu.dma_semaphore, #tpu.memory_space<semaphore_mem>>, %arg14: memref<!tpu.dma_semaphore, #tpu.memory_space<semaphore_mem>>, %arg15: memref<!tpu.dma_semaphore, #tpu.memory_space<semaphore_mem>>, %arg16: memref<!tpu.dma_semaphore, #tpu.memory_space<semaphore_mem>>, %arg17: memref<!tpu.dma_semaphore, #tpu.memory_space<semaphore_mem>>) attributes {dimension_semantics = [#tpu.dimension_semantics<core_parallel>, #tpu.dimension_semantics<subcore_parallel>], iteration_bounds = array<i64: 2, 16>, scalar_prefetch = 0 : i64, scratch_operands = 13 : i64, tpu.core_type = #tpu.core_type<sc_vector_subcore>, window_params = [{transform_indices = #map}, {transform_indices = #map1}, {transform_indices = #map}]} {
    %mul3A = arith.constant 16 : i32
    %mul3A_0 = arith.muli %arg0, %mul3A : i32
    %add3A = arith.addi %mul3A_0, %arg1 : i32
    "tpu.region"() ({
      %run_scoped3A = tpu.sem_alloc : memref<!tpu.dma_semaphore, #tpu.memory_space<semaphore_mem>>
      %dma_start3A = arith.constant 0 : i32
      %dma_start3A_88 = arith.constant 0 : i32
      %dma_start3A_89 = tpu.memref_slice %arg2[%add3A, %dma_start3A, %dma_start3A_88] : memref<32x100x100xi32, #tpu.memory_space<hbm>> -> memref<1x100x100xi32, #tpu.memory_space<hbm>>
      %dma_start3A_90 = tpu.memref_squeeze %dma_start3A_89 : memref<1x100x100xi32, #tpu.memory_space<hbm>> -> memref<100x100xi32, #tpu.memory_space<hbm>>
      %dma_start3A_91 = arith.constant 0 : i32
      %dma_start3A_92 = arith.constant 0 : i32
      %dma_start3A_93 = tpu.memref_slice %arg2[%add3A, %dma_start3A_91, %dma_start3A_92] : memref<32x100x100xi32, #tpu.memory_space<hbm>> -> memref<1x100x100xi32, #tpu.memory_space<hbm>>
      %dma_start3A_94 = tpu.memref_squeeze %dma_start3A_93 : memref<1x100x100xi32, #tpu.memory_space<hbm>> -> memref<100x100xi32, #tpu.memory_space<hbm>>
      tpu.enqueue_dma source(%dma_start3A_94 : memref<100x100xi32, #tpu.memory_space<hbm>>) target(%arg5 : memref<100x100xi32, #tpu.memory_space<vmem>>) target_semaphore(%run_scoped3A : memref<!tpu.dma_semaphore, #tpu.memory_space<semaphore_mem>>)
      %dma_wait3A_95 = arith.constant 0 : i32
      %dma_wait3A_96 = arith.constant 0 : i32
      %dma_wait3A_97 = tpu.memref_slice %arg2[%add3A, %dma_wait3A_95, %dma_wait3A_96] : memref<32x100x100xi32, #tpu.memory_space<hbm>> -> memref<1x100x100xi32, #tpu.memory_space<hbm>>
      %dma_wait3A_98 = tpu.memref_squeeze %dma_wait3A_97 : memref<1x100x100xi32, #tpu.memory_space<hbm>> -> memref<100x100xi32, #tpu.memory_space<hbm>>
      %dma_wait3A_99 = arith.constant 0 : i32
      %dma_wait3A_100 = arith.constant 0 : i32
      %dma_wait3A_101 = tpu.memref_slice %arg2[%add3A, %dma_wait3A_99, %dma_wait3A_100] : memref<32x100x100xi32, #tpu.memory_space<hbm>> -> memref<1x100x100xi32, #tpu.memory_space<hbm>>
      %dma_wait3A_102 = tpu.memref_squeeze %dma_wait3A_101 : memref<1x100x100xi32, #tpu.memory_space<hbm>> -> memref<100x100xi32, #tpu.memory_space<hbm>>
      tpu.wait_dma2 semaphore(%run_scoped3A : memref<!tpu.dma_semaphore, #tpu.memory_space<semaphore_mem>>) src(%dma_wait3A_102 : memref<100x100xi32, #tpu.memory_space<hbm>>) dst(%arg5 : memref<100x100xi32, #tpu.memory_space<vmem>>)
      tpu.yield
    }) : () -> ()
    %scan3A = arith.constant 0 : i32
    %scan3A_1 = arith.constant 100 : i32
    %scan3A_2 = arith.addi %scan3A, %scan3A_1 : i32
    %scan3A_3 = arith.constant 1 : i32
    scf.for %scan3A_88 = %scan3A to %scan3A_2 step %scan3A_3  : i32 {
      %mul3A_89 = arith.constant 1 : i32
      %mul3A_90 = arith.muli %scan3A_88, %mul3A_89 : i32
      %add3A_91 = arith.constant 0 : i32
      %add3A_92 = arith.addi %add3A_91, %mul3A_90 : i32
      %broadcast_in_dim3A = arith.constant 1.000000e+00 : f32
      %broadcast_in_dim3A_93 = vector.broadcast %broadcast_in_dim3A : f32 to vector<16xf32>
      %swap3A = arith.index_cast %add3A_92 : i32 to index
      %swap3A_94 = arith.constant 0 : index
      %swap3A_95 = tpu.vector_load %arg6[%swap3A, %swap3A_94] {strides = array<i32>} : memref<100x16xf32, #tpu.memory_space<vmem>>, vector<1x16xf32>,
      %swap3A_96 = vector.shape_cast %swap3A_95 : vector<1x16xf32> to vector<16xf32>
      %swap3A_97 = vector.shape_cast %broadcast_in_dim3A_93 : vector<16xf32> to vector<1x16xf32>
      tpu.vector_store %arg6[%swap3A, %swap3A_94], %swap3A_97 {strides = array<i32>} : memref<100x16xf32, #tpu.memory_space<vmem>>, vector<1x16xf32>,
    }
    %scan3A_4 = arith.constant 100 : i32
    %mul3A_5 = arith.constant 640 : i32
    %mul3A_6 = arith.muli %arg1, %mul3A_5 : i32
    %mul3A_7 = arith.constant 640 : i32
    %mul3A_8 = arith.muli %arg1, %mul3A_7 : i32
    "tpu.region"() ({
      %run_scoped3A = tpu.sem_alloc : memref<!tpu.dma_semaphore, #tpu.memory_space<semaphore_mem>>
      %dma_start3A = arith.constant 0 : i32
      %dma_start3A_88 = tpu.memref_slice %arg7[%mul3A_8, %dma_start3A] : memref<10240x16xf32, #tpu.memory_space<vmem_shared>> -> memref<640x16xf32, #tpu.memory_space<vmem_shared>>
      %dma_start3A_89 = arith.constant 0 : i32
      %dma_start3A_90 = tpu.memref_slice %arg3[%mul3A_6, %dma_start3A_89] : memref<10240x16xf32, #tpu.memory_space<hbm>> -> memref<640x16xf32, #tpu.memory_space<hbm>>
      tpu.enqueue_dma source(%dma_start3A_90 : memref<640x16xf32, #tpu.memory_space<hbm>>) target(%dma_start3A_88 : memref<640x16xf32, #tpu.memory_space<vmem_shared>>) target_semaphore(%run_scoped3A : memref<!tpu.dma_semaphore, #tpu.memory_space<semaphore_mem>>)
      %dma_wait3A_91 = arith.constant 0 : i32
      %dma_wait3A_92 = tpu.memref_slice %arg7[%mul3A_8, %dma_wait3A_91] : memref<10240x16xf32, #tpu.memory_space<vmem_shared>> -> memref<640x16xf32, #tpu.memory_space<vmem_shared>>
      %dma_wait3A_93 = arith.constant 0 : i32
      %dma_wait3A_94 = tpu.memref_slice %arg3[%mul3A_6, %dma_wait3A_93] : memref<10240x16xf32, #tpu.memory_space<hbm>> -> memref<640x16xf32, #tpu.memory_space<hbm>>
      tpu.wait_dma2 semaphore(%run_scoped3A : memref<!tpu.dma_semaphore, #tpu.memory_space<semaphore_mem>>) src(%dma_wait3A_94 : memref<640x16xf32, #tpu.memory_space<hbm>>) dst(%dma_wait3A_92 : memref<640x16xf32, #tpu.memory_space<vmem_shared>>)
      tpu.yield
    }) : () -> ()
    %barrier3A = arith.constant 0 : index
    tpu.barrier barrier_id(%barrier3A)
    %scan3A_9 = arith.constant 0 : i32
    %scan3A_10 = arith.constant 10 : i32
    %scan3A_11 = arith.addi %scan3A_9, %scan3A_10 : i32
    %scan3A_12 = arith.constant 1 : i32
    scf.for %scan3A_88 = %scan3A_9 to %scan3A_11 step %scan3A_12  : i32 {
      %mul3A_89 = arith.constant 10 : i32
      %mul3A_90 = arith.muli %scan3A_88, %mul3A_89 : i32
      %add3A_91 = arith.constant 0 : i32
      %add3A_92 = arith.addi %add3A_91, %mul3A_90 : i32
      %add3A_93 = arith.constant 0 : i32
      %add3A_94 = arith.addi %add3A_92, %add3A_93 : i32
      %ge3A = arith.constant 10 : i32
      %ge3A_95 = arith.cmpi sge, %add3A_94, %ge3A : i32
      %convert_element_type3A = arith.extui %ge3A_95 : i1 to i32
      %cond3A = arith.constant 0 : i32
      %cond3A_96 = arith.cmpi ne, %convert_element_type3A, %cond3A : i32
      scf.if %cond3A_96 {
        %add3A_239 = arith.constant 0 : i32
        %add3A_240 = arith.addi %add3A_92, %add3A_239 : i32
        %sub3A = arith.constant 10 : i32
        %sub3A_241 = arith.subi %add3A_240, %sub3A : i32
        %dma_wait3A_242 = arith.constant 0 : i32
        %dma_wait3A_243 = tpu.memref_slice %arg5[%sub3A_241, %dma_wait3A_242] : memref<100x100xi32, #tpu.memory_space<vmem>> -> memref<1x100xi32, #tpu.memory_space<vmem>>
        %dma_wait3A_244 = tpu.memref_squeeze %dma_wait3A_243 : memref<1x100xi32, #tpu.memory_space<vmem>> -> memref<100xi32, #tpu.memory_space<vmem>>
        %dma_wait3A_245 = arith.constant 0 : i32
        %dma_wait3A_246 = arith.constant 0 : i32
        %dma_wait3A_247 = tpu.memref_slice %arg7[%dma_wait3A_245, %dma_wait3A_246] : memref<10240x16xf32, #tpu.memory_space<vmem_shared>> -> memref<10240x16xf32, #tpu.memory_space<vmem_shared>>
        tpu.wait_indirect_dma semaphore(%arg8 : memref<!tpu.dma_semaphore, #tpu.memory_space<semaphore_mem>>) src(%arg6 : memref<100x16xf32, #tpu.memory_space<vmem>>) dst(%dma_wait3A_247 : memref<10240x16xf32, #tpu.memory_space<vmem_shared>>)
      } else {
      }
      %add3A_97 = arith.constant 0 : i32
      %add3A_98 = arith.addi %add3A_92, %add3A_97 : i32
      %dma_start3A = arith.constant 0 : i32
      %dma_start3A_99 = tpu.memref_slice %arg5[%add3A_98, %dma_start3A] : memref<100x100xi32, #tpu.memory_space<vmem>> -> memref<1x100xi32, #tpu.memory_space<vmem>>
      %dma_start3A_100 = tpu.memref_squeeze %dma_start3A_99 : memref<1x100xi32, #tpu.memory_space<vmem>> -> memref<100xi32, #tpu.memory_space<vmem>>
      %dma_start3A_101 = arith.constant 0 : i32
      %dma_start3A_102 = arith.constant 0 : i32
      %dma_start3A_103 = tpu.memref_slice %arg7[%dma_start3A_101, %dma_start3A_102] : memref<10240x16xf32, #tpu.memory_space<vmem_shared>> -> memref<10240x16xf32, #tpu.memory_space<vmem_shared>>
      tpu.enqueue_indirect_dma source(%arg6 : memref<100x16xf32, #tpu.memory_space<vmem>>) target(%dma_start3A_103 : memref<10240x16xf32, #tpu.memory_space<vmem_shared>>) offsets(%dma_start3A_100 : memref<100xi32, #tpu.memory_space<vmem>>) semaphore(%arg8 : memref<!tpu.dma_semaphore, #tpu.memory_space<semaphore_mem>>) {add = true}
      %add3A_104 = arith.constant 1 : i32
      %add3A_105 = arith.addi %add3A_92, %add3A_104 : i32
      %ge3A_106 = arith.constant 10 : i32
      %ge3A_107 = arith.cmpi sge, %add3A_105, %ge3A_106 : i32
      %convert_element_type3A_108 = arith.extui %ge3A_107 : i1 to i32
      %cond3A_109 = arith.constant 0 : i32
      %cond3A_110 = arith.cmpi ne, %convert_element_type3A_108, %cond3A_109 : i32
      scf.if %cond3A_110 {
        %add3A_239 = arith.constant 1 : i32
        %add3A_240 = arith.addi %add3A_92, %add3A_239 : i32
        %sub3A = arith.constant 10 : i32
        %sub3A_241 = arith.subi %add3A_240, %sub3A : i32
        %dma_wait3A_242 = arith.constant 0 : i32
        %dma_wait3A_243 = tpu.memref_slice %arg5[%sub3A_241, %dma_wait3A_242] : memref<100x100xi32, #tpu.memory_space<vmem>> -> memref<1x100xi32, #tpu.memory_space<vmem>>
        %dma_wait3A_244 = tpu.memref_squeeze %dma_wait3A_243 : memref<1x100xi32, #tpu.memory_space<vmem>> -> memref<100xi32, #tpu.memory_space<vmem>>
        %dma_wait3A_245 = arith.constant 0 : i32
        %dma_wait3A_246 = arith.constant 0 : i32
        %dma_wait3A_247 = tpu.memref_slice %arg7[%dma_wait3A_245, %dma_wait3A_246] : memref<10240x16xf32, #tpu.memory_space<vmem_shared>> -> memref<10240x16xf32, #tpu.memory_space<vmem_shared>>
        tpu.wait_indirect_dma semaphore(%arg9 : memref<!tpu.dma_semaphore, #tpu.memory_space<semaphore_mem>>) src(%arg6 : memref<100x16xf32, #tpu.memory_space<vmem>>) dst(%dma_wait3A_247 : memref<10240x16xf32, #tpu.memory_space<vmem_shared>>)
      } else {
      }
      %add3A_111 = arith.constant 1 : i32
      %add3A_112 = arith.addi %add3A_92, %add3A_111 : i32
      %dma_start3A_113 = arith.constant 0 : i32
      %dma_start3A_114 = tpu.memref_slice %arg5[%add3A_112, %dma_start3A_113] : memref<100x100xi32, #tpu.memory_space<vmem>> -> memref<1x100xi32, #tpu.memory_space<vmem>>
      %dma_start3A_115 = tpu.memref_squeeze %dma_start3A_114 : memref<1x100xi32, #tpu.memory_space<vmem>> -> memref<100xi32, #tpu.memory_space<vmem>>
      %dma_start3A_116 = arith.constant 0 : i32
      %dma_start3A_117 = arith.constant 0 : i32
      %dma_start3A_118 = tpu.memref_slice %arg7[%dma_start3A_116, %dma_start3A_117] : memref<10240x16xf32, #tpu.memory_space<vmem_shared>> -> memref<10240x16xf32, #tpu.memory_space<vmem_shared>>
      tpu.enqueue_indirect_dma source(%arg6 : memref<100x16xf32, #tpu.memory_space<vmem>>) target(%dma_start3A_118 : memref<10240x16xf32, #tpu.memory_space<vmem_shared>>) offsets(%dma_start3A_115 : memref<100xi32, #tpu.memory_space<vmem>>) semaphore(%arg9 : memref<!tpu.dma_semaphore, #tpu.memory_space<semaphore_mem>>) {add = true}
      %add3A_119 = arith.constant 2 : i32
      %add3A_120 = arith.addi %add3A_92, %add3A_119 : i32
      %ge3A_121 = arith.constant 10 : i32
      %ge3A_122 = arith.cmpi sge, %add3A_120, %ge3A_121 : i32
      %convert_element_type3A_123 = arith.extui %ge3A_122 : i1 to i32
      %cond3A_124 = arith.constant 0 : i32
      %cond3A_125 = arith.cmpi ne, %convert_element_type3A_123, %cond3A_124 : i32
      scf.if %cond3A_125 {
        %add3A_239 = arith.constant 2 : i32
        %add3A_240 = arith.addi %add3A_92, %add3A_239 : i32
        %sub3A = arith.constant 10 : i32
        %sub3A_241 = arith.subi %add3A_240, %sub3A : i32
        %dma_wait3A_242 = arith.constant 0 : i32
        %dma_wait3A_243 = tpu.memref_slice %arg5[%sub3A_241, %dma_wait3A_242] : memref<100x100xi32, #tpu.memory_space<vmem>> -> memref<1x100xi32, #tpu.memory_space<vmem>>
        %dma_wait3A_244 = tpu.memref_squeeze %dma_wait3A_243 : memref<1x100xi32, #tpu.memory_space<vmem>> -> memref<100xi32, #tpu.memory_space<vmem>>
        %dma_wait3A_245 = arith.constant 0 : i32
        %dma_wait3A_246 = arith.constant 0 : i32
        %dma_wait3A_247 = tpu.memref_slice %arg7[%dma_wait3A_245, %dma_wait3A_246] : memref<10240x16xf32, #tpu.memory_space<vmem_shared>> -> memref<10240x16xf32, #tpu.memory_space<vmem_shared>>
        tpu.wait_indirect_dma semaphore(%arg10 : memref<!tpu.dma_semaphore, #tpu.memory_space<semaphore_mem>>) src(%arg6 : memref<100x16xf32, #tpu.memory_space<vmem>>) dst(%dma_wait3A_247 : memref<10240x16xf32, #tpu.memory_space<vmem_shared>>)
      } else {
      }
      %add3A_126 = arith.constant 2 : i32
      %add3A_127 = arith.addi %add3A_92, %add3A_126 : i32
      %dma_start3A_128 = arith.constant 0 : i32
      %dma_start3A_129 = tpu.memref_slice %arg5[%add3A_127, %dma_start3A_128] : memref<100x100xi32, #tpu.memory_space<vmem>> -> memref<1x100xi32, #tpu.memory_space<vmem>>
      %dma_start3A_130 = tpu.memref_squeeze %dma_start3A_129 : memref<1x100xi32, #tpu.memory_space<vmem>> -> memref<100xi32, #tpu.memory_space<vmem>>
      %dma_start3A_131 = arith.constant 0 : i32
      %dma_start3A_132 = arith.constant 0 : i32
      %dma_start3A_133 = tpu.memref_slice %arg7[%dma_start3A_131, %dma_start3A_132] : memref<10240x16xf32, #tpu.memory_space<vmem_shared>> -> memref<10240x16xf32, #tpu.memory_space<vmem_shared>>
      tpu.enqueue_indirect_dma source(%arg6 : memref<100x16xf32, #tpu.memory_space<vmem>>) target(%dma_start3A_133 : memref<10240x16xf32, #tpu.memory_space<vmem_shared>>) offsets(%dma_start3A_130 : memref<100xi32, #tpu.memory_space<vmem>>) semaphore(%arg10 : memref<!tpu.dma_semaphore, #tpu.memory_space<semaphore_mem>>) {add = true}
      %add3A_134 = arith.constant 3 : i32
      %add3A_135 = arith.addi %add3A_92, %add3A_134 : i32
      %ge3A_136 = arith.constant 10 : i32
      %ge3A_137 = arith.cmpi sge, %add3A_135, %ge3A_136 : i32
      %convert_element_type3A_138 = arith.extui %ge3A_137 : i1 to i32
      %cond3A_139 = arith.constant 0 : i32
      %cond3A_140 = arith.cmpi ne, %convert_element_type3A_138, %cond3A_139 : i32
      scf.if %cond3A_140 {
        %add3A_239 = arith.constant 3 : i32
        %add3A_240 = arith.addi %add3A_92, %add3A_239 : i32
        %sub3A = arith.constant 10 : i32
        %sub3A_241 = arith.subi %add3A_240, %sub3A : i32
        %dma_wait3A_242 = arith.constant 0 : i32
        %dma_wait3A_243 = tpu.memref_slice %arg5[%sub3A_241, %dma_wait3A_242] : memref<100x100xi32, #tpu.memory_space<vmem>> -> memref<1x100xi32, #tpu.memory_space<vmem>>
        %dma_wait3A_244 = tpu.memref_squeeze %dma_wait3A_243 : memref<1x100xi32, #tpu.memory_space<vmem>> -> memref<100xi32, #tpu.memory_space<vmem>>
        %dma_wait3A_245 = arith.constant 0 : i32
        %dma_wait3A_246 = arith.constant 0 : i32
        %dma_wait3A_247 = tpu.memref_slice %arg7[%dma_wait3A_245, %dma_wait3A_246] : memref<10240x16xf32, #tpu.memory_space<vmem_shared>> -> memref<10240x16xf32, #tpu.memory_space<vmem_shared>>
        tpu.wait_indirect_dma semaphore(%arg11 : memref<!tpu.dma_semaphore, #tpu.memory_space<semaphore_mem>>) src(%arg6 : memref<100x16xf32, #tpu.memory_space<vmem>>) dst(%dma_wait3A_247 : memref<10240x16xf32, #tpu.memory_space<vmem_shared>>)
      } else {
      }
      %add3A_141 = arith.constant 3 : i32
      %add3A_142 = arith.addi %add3A_92, %add3A_141 : i32
      %dma_start3A_143 = arith.constant 0 : i32
      %dma_start3A_144 = tpu.memref_slice %arg5[%add3A_142, %dma_start3A_143] : memref<100x100xi32, #tpu.memory_space<vmem>> -> memref<1x100xi32, #tpu.memory_space<vmem>>
      %dma_start3A_145 = tpu.memref_squeeze %dma_start3A_144 : memref<1x100xi32, #tpu.memory_space<vmem>> -> memref<100xi32, #tpu.memory_space<vmem>>
      %dma_start3A_146 = arith.constant 0 : i32
      %dma_start3A_147 = arith.constant 0 : i32
      %dma_start3A_148 = tpu.memref_slice %arg7[%dma_start3A_146, %dma_start3A_147] : memref<10240x16xf32, #tpu.memory_space<vmem_shared>> -> memref<10240x16xf32, #tpu.memory_space<vmem_shared>>
      tpu.enqueue_indirect_dma source(%arg6 : memref<100x16xf32, #tpu.memory_space<vmem>>) target(%dma_start3A_148 : memref<10240x16xf32, #tpu.memory_space<vmem_shared>>) offsets(%dma_start3A_145 : memref<100xi32, #tpu.memory_space<vmem>>) semaphore(%arg11 : memref<!tpu.dma_semaphore, #tpu.memory_space<semaphore_mem>>) {add = true}
      %add3A_149 = arith.constant 4 : i32
      %add3A_150 = arith.addi %add3A_92, %add3A_149 : i32
      %ge3A_151 = arith.constant 10 : i32
      %ge3A_152 = arith.cmpi sge, %add3A_150, %ge3A_151 : i32
      %convert_element_type3A_153 = arith.extui %ge3A_152 : i1 to i32
      %cond3A_154 = arith.constant 0 : i32
      %cond3A_155 = arith.cmpi ne, %convert_element_type3A_153, %cond3A_154 : i32
      scf.if %cond3A_155 {
        %add3A_239 = arith.constant 4 : i32
        %add3A_240 = arith.addi %add3A_92, %add3A_239 : i32
        %sub3A = arith.constant 10 : i32
        %sub3A_241 = arith.subi %add3A_240, %sub3A : i32
        %dma_wait3A_242 = arith.constant 0 : i32
        %dma_wait3A_243 = tpu.memref_slice %arg5[%sub3A_241, %dma_wait3A_242] : memref<100x100xi32, #tpu.memory_space<vmem>> -> memref<1x100xi32, #tpu.memory_space<vmem>>
        %dma_wait3A_244 = tpu.memref_squeeze %dma_wait3A_243 : memref<1x100xi32, #tpu.memory_space<vmem>> -> memref<100xi32, #tpu.memory_space<vmem>>
        %dma_wait3A_245 = arith.constant 0 : i32
        %dma_wait3A_246 = arith.constant 0 : i32
        %dma_wait3A_247 = tpu.memref_slice %arg7[%dma_wait3A_245, %dma_wait3A_246] : memref<10240x16xf32, #tpu.memory_space<vmem_shared>> -> memref<10240x16xf32, #tpu.memory_space<vmem_shared>>
        tpu.wait_indirect_dma semaphore(%arg12 : memref<!tpu.dma_semaphore, #tpu.memory_space<semaphore_mem>>) src(%arg6 : memref<100x16xf32, #tpu.memory_space<vmem>>) dst(%dma_wait3A_247 : memref<10240x16xf32, #tpu.memory_space<vmem_shared>>)
      } else {
      }
      %add3A_156 = arith.constant 4 : i32
      %add3A_157 = arith.addi %add3A_92, %add3A_156 : i32
      %dma_start3A_158 = arith.constant 0 : i32
      %dma_start3A_159 = tpu.memref_slice %arg5[%add3A_157, %dma_start3A_158] : memref<100x100xi32, #tpu.memory_space<vmem>> -> memref<1x100xi32, #tpu.memory_space<vmem>>
      %dma_start3A_160 = tpu.memref_squeeze %dma_start3A_159 : memref<1x100xi32, #tpu.memory_space<vmem>> -> memref<100xi32, #tpu.memory_space<vmem>>
      %dma_start3A_161 = arith.constant 0 : i32
      %dma_start3A_162 = arith.constant 0 : i32
      %dma_start3A_163 = tpu.memref_slice %arg7[%dma_start3A_161, %dma_start3A_162] : memref<10240x16xf32, #tpu.memory_space<vmem_shared>> -> memref<10240x16xf32, #tpu.memory_space<vmem_shared>>
      tpu.enqueue_indirect_dma source(%arg6 : memref<100x16xf32, #tpu.memory_space<vmem>>) target(%dma_start3A_163 : memref<10240x16xf32, #tpu.memory_space<vmem_shared>>) offsets(%dma_start3A_160 : memref<100xi32, #tpu.memory_space<vmem>>) semaphore(%arg12 : memref<!tpu.dma_semaphore, #tpu.memory_space<semaphore_mem>>) {add = true}
      %add3A_164 = arith.constant 5 : i32
      %add3A_165 = arith.addi %add3A_92, %add3A_164 : i32
      %ge3A_166 = arith.constant 10 : i32
      %ge3A_167 = arith.cmpi sge, %add3A_165, %ge3A_166 : i32
      %convert_element_type3A_168 = arith.extui %ge3A_167 : i1 to i32
      %cond3A_169 = arith.constant 0 : i32
      %cond3A_170 = arith.cmpi ne, %convert_element_type3A_168, %cond3A_169 : i32
      scf.if %cond3A_170 {
        %add3A_239 = arith.constant 5 : i32
        %add3A_240 = arith.addi %add3A_92, %add3A_239 : i32
        %sub3A = arith.constant 10 : i32
        %sub3A_241 = arith.subi %add3A_240, %sub3A : i32
        %dma_wait3A_242 = arith.constant 0 : i32
        %dma_wait3A_243 = tpu.memref_slice %arg5[%sub3A_241, %dma_wait3A_242] : memref<100x100xi32, #tpu.memory_space<vmem>> -> memref<1x100xi32, #tpu.memory_space<vmem>>
        %dma_wait3A_244 = tpu.memref_squeeze %dma_wait3A_243 : memref<1x100xi32, #tpu.memory_space<vmem>> -> memref<100xi32, #tpu.memory_space<vmem>>
        %dma_wait3A_245 = arith.constant 0 : i32
        %dma_wait3A_246 = arith.constant 0 : i32
        %dma_wait3A_247 = tpu.memref_slice %arg7[%dma_wait3A_245, %dma_wait3A_246] : memref<10240x16xf32, #tpu.memory_space<vmem_shared>> -> memref<10240x16xf32, #tpu.memory_space<vmem_shared>>
        tpu.wait_indirect_dma semaphore(%arg13 : memref<!tpu.dma_semaphore, #tpu.memory_space<semaphore_mem>>) src(%arg6 : memref<100x16xf32, #tpu.memory_space<vmem>>) dst(%dma_wait3A_247 : memref<10240x16xf32, #tpu.memory_space<vmem_shared>>)
      } else {
      }
      %add3A_171 = arith.constant 5 : i32
      %add3A_172 = arith.addi %add3A_92, %add3A_171 : i32
      %dma_start3A_173 = arith.constant 0 : i32
      %dma_start3A_174 = tpu.memref_slice %arg5[%add3A_172, %dma_start3A_173] : memref<100x100xi32, #tpu.memory_space<vmem>> -> memref<1x100xi32, #tpu.memory_space<vmem>>
      %dma_start3A_175 = tpu.memref_squeeze %dma_start3A_174 : memref<1x100xi32, #tpu.memory_space<vmem>> -> memref<100xi32, #tpu.memory_space<vmem>>
      %dma_start3A_176 = arith.constant 0 : i32
      %dma_start3A_177 = arith.constant 0 : i32
      %dma_start3A_178 = tpu.memref_slice %arg7[%dma_start3A_176, %dma_start3A_177] : memref<10240x16xf32, #tpu.memory_space<vmem_shared>> -> memref<10240x16xf32, #tpu.memory_space<vmem_shared>>
      tpu.enqueue_indirect_dma source(%arg6 : memref<100x16xf32, #tpu.memory_space<vmem>>) target(%dma_start3A_178 : memref<10240x16xf32, #tpu.memory_space<vmem_shared>>) offsets(%dma_start3A_175 : memref<100xi32, #tpu.memory_space<vmem>>) semaphore(%arg13 : memref<!tpu.dma_semaphore, #tpu.memory_space<semaphore_mem>>) {add = true}
      %add3A_179 = arith.constant 6 : i32
      %add3A_180 = arith.addi %add3A_92, %add3A_179 : i32
      %ge3A_181 = arith.constant 10 : i32
      %ge3A_182 = arith.cmpi sge, %add3A_180, %ge3A_181 : i32
      %convert_element_type3A_183 = arith.extui %ge3A_182 : i1 to i32
      %cond3A_184 = arith.constant 0 : i32
      %cond3A_185 = arith.cmpi ne, %convert_element_type3A_183, %cond3A_184 : i32
      scf.if %cond3A_185 {
        %add3A_239 = arith.constant 6 : i32
        %add3A_240 = arith.addi %add3A_92, %add3A_239 : i32
        %sub3A = arith.constant 10 : i32
        %sub3A_241 = arith.subi %add3A_240, %sub3A : i32
        %dma_wait3A_242 = arith.constant 0 : i32
        %dma_wait3A_243 = tpu.memref_slice %arg5[%sub3A_241, %dma_wait3A_242] : memref<100x100xi32, #tpu.memory_space<vmem>> -> memref<1x100xi32, #tpu.memory_space<vmem>>
        %dma_wait3A_244 = tpu.memref_squeeze %dma_wait3A_243 : memref<1x100xi32, #tpu.memory_space<vmem>> -> memref<100xi32, #tpu.memory_space<vmem>>
        %dma_wait3A_245 = arith.constant 0 : i32
        %dma_wait3A_246 = arith.constant 0 : i32
        %dma_wait3A_247 = tpu.memref_slice %arg7[%dma_wait3A_245, %dma_wait3A_246] : memref<10240x16xf32, #tpu.memory_space<vmem_shared>> -> memref<10240x16xf32, #tpu.memory_space<vmem_shared>>
        tpu.wait_indirect_dma semaphore(%arg14 : memref<!tpu.dma_semaphore, #tpu.memory_space<semaphore_mem>>) src(%arg6 : memref<100x16xf32, #tpu.memory_space<vmem>>) dst(%dma_wait3A_247 : memref<10240x16xf32, #tpu.memory_space<vmem_shared>>)
      } else {
      }
      %add3A_186 = arith.constant 6 : i32
      %add3A_187 = arith.addi %add3A_92, %add3A_186 : i32
      %dma_start3A_188 = arith.constant 0 : i32
      %dma_start3A_189 = tpu.memref_slice %arg5[%add3A_187, %dma_start3A_188] : memref<100x100xi32, #tpu.memory_space<vmem>> -> memref<1x100xi32, #tpu.memory_space<vmem>>
      %dma_start3A_190 = tpu.memref_squeeze %dma_start3A_189 : memref<1x100xi32, #tpu.memory_space<vmem>> -> memref<100xi32, #tpu.memory_space<vmem>>
      %dma_start3A_191 = arith.constant 0 : i32
      %dma_start3A_192 = arith.constant 0 : i32
      %dma_start3A_193 = tpu.memref_slice %arg7[%dma_start3A_191, %dma_start3A_192] : memref<10240x16xf32, #tpu.memory_space<vmem_shared>> -> memref<10240x16xf32, #tpu.memory_space<vmem_shared>>
      tpu.enqueue_indirect_dma source(%arg6 : memref<100x16xf32, #tpu.memory_space<vmem>>) target(%dma_start3A_193 : memref<10240x16xf32, #tpu.memory_space<vmem_shared>>) offsets(%dma_start3A_190 : memref<100xi32, #tpu.memory_space<vmem>>) semaphore(%arg14 : memref<!tpu.dma_semaphore, #tpu.memory_space<semaphore_mem>>) {add = true}
      %add3A_194 = arith.constant 7 : i32
      %add3A_195 = arith.addi %add3A_92, %add3A_194 : i32
      %ge3A_196 = arith.constant 10 : i32
      %ge3A_197 = arith.cmpi sge, %add3A_195, %ge3A_196 : i32
      %convert_element_type3A_198 = arith.extui %ge3A_197 : i1 to i32
      %cond3A_199 = arith.constant 0 : i32
      %cond3A_200 = arith.cmpi ne, %convert_element_type3A_198, %cond3A_199 : i32
      scf.if %cond3A_200 {
        %add3A_239 = arith.constant 7 : i32
        %add3A_240 = arith.addi %add3A_92, %add3A_239 : i32
        %sub3A = arith.constant 10 : i32
        %sub3A_241 = arith.subi %add3A_240, %sub3A : i32
        %dma_wait3A_242 = arith.constant 0 : i32
        %dma_wait3A_243 = tpu.memref_slice %arg5[%sub3A_241, %dma_wait3A_242] : memref<100x100xi32, #tpu.memory_space<vmem>> -> memref<1x100xi32, #tpu.memory_space<vmem>>
        %dma_wait3A_244 = tpu.memref_squeeze %dma_wait3A_243 : memref<1x100xi32, #tpu.memory_space<vmem>> -> memref<100xi32, #tpu.memory_space<vmem>>
        %dma_wait3A_245 = arith.constant 0 : i32
        %dma_wait3A_246 = arith.constant 0 : i32
        %dma_wait3A_247 = tpu.memref_slice %arg7[%dma_wait3A_245, %dma_wait3A_246] : memref<10240x16xf32, #tpu.memory_space<vmem_shared>> -> memref<10240x16xf32, #tpu.memory_space<vmem_shared>>
        tpu.wait_indirect_dma semaphore(%arg15 : memref<!tpu.dma_semaphore, #tpu.memory_space<semaphore_mem>>) src(%arg6 : memref<100x16xf32, #tpu.memory_space<vmem>>) dst(%dma_wait3A_247 : memref<10240x16xf32, #tpu.memory_space<vmem_shared>>)
      } else {
      }
      %add3A_201 = arith.constant 7 : i32
      %add3A_202 = arith.addi %add3A_92, %add3A_201 : i32
      %dma_start3A_203 = arith.constant 0 : i32
      %dma_start3A_204 = tpu.memref_slice %arg5[%add3A_202, %dma_start3A_203] : memref<100x100xi32, #tpu.memory_space<vmem>> -> memref<1x100xi32, #tpu.memory_space<vmem>>
      %dma_start3A_205 = tpu.memref_squeeze %dma_start3A_204 : memref<1x100xi32, #tpu.memory_space<vmem>> -> memref<100xi32, #tpu.memory_space<vmem>>
      %dma_start3A_206 = arith.constant 0 : i32
      %dma_start3A_207 = arith.constant 0 : i32
      %dma_start3A_208 = tpu.memref_slice %arg7[%dma_start3A_206, %dma_start3A_207] : memref<10240x16xf32, #tpu.memory_space<vmem_shared>> -> memref<10240x16xf32, #tpu.memory_space<vmem_shared>>
      tpu.enqueue_indirect_dma source(%arg6 : memref<100x16xf32, #tpu.memory_space<vmem>>) target(%dma_start3A_208 : memref<10240x16xf32, #tpu.memory_space<vmem_shared>>) offsets(%dma_start3A_205 : memref<100xi32, #tpu.memory_space<vmem>>) semaphore(%arg15 : memref<!tpu.dma_semaphore, #tpu.memory_space<semaphore_mem>>) {add = true}
      %add3A_209 = arith.constant 8 : i32
      %add3A_210 = arith.addi %add3A_92, %add3A_209 : i32
      %ge3A_211 = arith.constant 10 : i32
      %ge3A_212 = arith.cmpi sge, %add3A_210, %ge3A_211 : i32
      %convert_element_type3A_213 = arith.extui %ge3A_212 : i1 to i32
      %cond3A_214 = arith.constant 0 : i32
      %cond3A_215 = arith.cmpi ne, %convert_element_type3A_213, %cond3A_214 : i32
      scf.if %cond3A_215 {
        %add3A_239 = arith.constant 8 : i32
        %add3A_240 = arith.addi %add3A_92, %add3A_239 : i32
        %sub3A = arith.constant 10 : i32
        %sub3A_241 = arith.subi %add3A_240, %sub3A : i32
        %dma_wait3A_242 = arith.constant 0 : i32
        %dma_wait3A_243 = tpu.memref_slice %arg5[%sub3A_241, %dma_wait3A_242] : memref<100x100xi32, #tpu.memory_space<vmem>> -> memref<1x100xi32, #tpu.memory_space<vmem>>
        %dma_wait3A_244 = tpu.memref_squeeze %dma_wait3A_243 : memref<1x100xi32, #tpu.memory_space<vmem>> -> memref<100xi32, #tpu.memory_space<vmem>>
        %dma_wait3A_245 = arith.constant 0 : i32
        %dma_wait3A_246 = arith.constant 0 : i32
        %dma_wait3A_247 = tpu.memref_slice %arg7[%dma_wait3A_245, %dma_wait3A_246] : memref<10240x16xf32, #tpu.memory_space<vmem_shared>> -> memref<10240x16xf32, #tpu.memory_space<vmem_shared>>
        tpu.wait_indirect_dma semaphore(%arg16 : memref<!tpu.dma_semaphore, #tpu.memory_space<semaphore_mem>>) src(%arg6 : memref<100x16xf32, #tpu.memory_space<vmem>>) dst(%dma_wait3A_247 : memref<10240x16xf32, #tpu.memory_space<vmem_shared>>)
      } else {
      }
      %add3A_216 = arith.constant 8 : i32
      %add3A_217 = arith.addi %add3A_92, %add3A_216 : i32
      %dma_start3A_218 = arith.constant 0 : i32
      %dma_start3A_219 = tpu.memref_slice %arg5[%add3A_217, %dma_start3A_218] : memref<100x100xi32, #tpu.memory_space<vmem>> -> memref<1x100xi32, #tpu.memory_space<vmem>>
      %dma_start3A_220 = tpu.memref_squeeze %dma_start3A_219 : memref<1x100xi32, #tpu.memory_space<vmem>> -> memref<100xi32, #tpu.memory_space<vmem>>
      %dma_start3A_221 = arith.constant 0 : i32
      %dma_start3A_222 = arith.constant 0 : i32
      %dma_start3A_223 = tpu.memref_slice %arg7[%dma_start3A_221, %dma_start3A_222] : memref<10240x16xf32, #tpu.memory_space<vmem_shared>> -> memref<10240x16xf32, #tpu.memory_space<vmem_shared>>
      tpu.enqueue_indirect_dma source(%arg6 : memref<100x16xf32, #tpu.memory_space<vmem>>) target(%dma_start3A_223 : memref<10240x16xf32, #tpu.memory_space<vmem_shared>>) offsets(%dma_start3A_220 : memref<100xi32, #tpu.memory_space<vmem>>) semaphore(%arg16 : memref<!tpu.dma_semaphore, #tpu.memory_space<semaphore_mem>>) {add = true}
      %add3A_224 = arith.constant 9 : i32
      %add3A_225 = arith.addi %add3A_92, %add3A_224 : i32
      %ge3A_226 = arith.constant 10 : i32
      %ge3A_227 = arith.cmpi sge, %add3A_225, %ge3A_226 : i32
      %convert_element_type3A_228 = arith.extui %ge3A_227 : i1 to i32
      %cond3A_229 = arith.constant 0 : i32
      %cond3A_230 = arith.cmpi ne, %convert_element_type3A_228, %cond3A_229 : i32
      scf.if %cond3A_230 {
        %add3A_239 = arith.constant 9 : i32
        %add3A_240 = arith.addi %add3A_92, %add3A_239 : i32
        %sub3A = arith.constant 10 : i32
        %sub3A_241 = arith.subi %add3A_240, %sub3A : i32
        %dma_wait3A_242 = arith.constant 0 : i32
        %dma_wait3A_243 = tpu.memref_slice %arg5[%sub3A_241, %dma_wait3A_242] : memref<100x100xi32, #tpu.memory_space<vmem>> -> memref<1x100xi32, #tpu.memory_space<vmem>>
        %dma_wait3A_244 = tpu.memref_squeeze %dma_wait3A_243 : memref<1x100xi32, #tpu.memory_space<vmem>> -> memref<100xi32, #tpu.memory_space<vmem>>
        %dma_wait3A_245 = arith.constant 0 : i32
        %dma_wait3A_246 = arith.constant 0 : i32
        %dma_wait3A_247 = tpu.memref_slice %arg7[%dma_wait3A_245, %dma_wait3A_246] : memref<10240x16xf32, #tpu.memory_space<vmem_shared>> -> memref<10240x16xf32, #tpu.memory_space<vmem_shared>>
        tpu.wait_indirect_dma semaphore(%arg17 : memref<!tpu.dma_semaphore, #tpu.memory_space<semaphore_mem>>) src(%arg6 : memref<100x16xf32, #tpu.memory_space<vmem>>) dst(%dma_wait3A_247 : memref<10240x16xf32, #tpu.memory_space<vmem_shared>>)
      } else {
      }
      %add3A_231 = arith.constant 9 : i32
      %add3A_232 = arith.addi %add3A_92, %add3A_231 : i32
      %dma_start3A_233 = arith.constant 0 : i32
      %dma_start3A_234 = tpu.memref_slice %arg5[%add3A_232, %dma_start3A_233] : memref<100x100xi32, #tpu.memory_space<vmem>> -> memref<1x100xi32, #tpu.memory_space<vmem>>
      %dma_start3A_235 = tpu.memref_squeeze %dma_start3A_234 : memref<1x100xi32, #tpu.memory_space<vmem>> -> memref<100xi32, #tpu.memory_space<vmem>>
      %dma_start3A_236 = arith.constant 0 : i32
      %dma_start3A_237 = arith.constant 0 : i32
      %dma_start3A_238 = tpu.memref_slice %arg7[%dma_start3A_236, %dma_start3A_237] : memref<10240x16xf32, #tpu.memory_space<vmem_shared>> -> memref<10240x16xf32, #tpu.memory_space<vmem_shared>>
      tpu.enqueue_indirect_dma source(%arg6 : memref<100x16xf32, #tpu.memory_space<vmem>>) target(%dma_start3A_238 : memref<10240x16xf32, #tpu.memory_space<vmem_shared>>) offsets(%dma_start3A_235 : memref<100xi32, #tpu.memory_space<vmem>>) semaphore(%arg17 : memref<!tpu.dma_semaphore, #tpu.memory_space<semaphore_mem>>) {add = true}
    }
    %scan3A_13 = arith.constant 10 : i32
    %dma_wait3A = arith.constant 90 : i32
    %dma_wait3A_14 = arith.constant 0 : i32
    %dma_wait3A_15 = tpu.memref_slice %arg5[%dma_wait3A, %dma_wait3A_14] : memref<100x100xi32, #tpu.memory_space<vmem>> -> memref<1x100xi32, #tpu.memory_space<vmem>>
    %dma_wait3A_16 = tpu.memref_squeeze %dma_wait3A_15 : memref<1x100xi32, #tpu.memory_space<vmem>> -> memref<100xi32, #tpu.memory_space<vmem>>
    %dma_wait3A_17 = arith.constant 0 : i32
    %dma_wait3A_18 = arith.constant 0 : i32
    %dma_wait3A_19 = tpu.memref_slice %arg7[%dma_wait3A_17, %dma_wait3A_18] : memref<10240x16xf32, #tpu.memory_space<vmem_shared>> -> memref<10240x16xf32, #tpu.memory_space<vmem_shared>>
    tpu.wait_indirect_dma semaphore(%arg8 : memref<!tpu.dma_semaphore, #tpu.memory_space<semaphore_mem>>) src(%arg6 : memref<100x16xf32, #tpu.memory_space<vmem>>) dst(%dma_wait3A_19 : memref<10240x16xf32, #tpu.memory_space<vmem_shared>>)
    %dma_wait3A_20 = arith.constant 91 : i32
    %dma_wait3A_21 = arith.constant 0 : i32
    %dma_wait3A_22 = tpu.memref_slice %arg5[%dma_wait3A_20, %dma_wait3A_21] : memref<100x100xi32, #tpu.memory_space<vmem>> -> memref<1x100xi32, #tpu.memory_space<vmem>>
    %dma_wait3A_23 = tpu.memref_squeeze %dma_wait3A_22 : memref<1x100xi32, #tpu.memory_space<vmem>> -> memref<100xi32, #tpu.memory_space<vmem>>
    %dma_wait3A_24 = arith.constant 0 : i32
    %dma_wait3A_25 = arith.constant 0 : i32
    %dma_wait3A_26 = tpu.memref_slice %arg7[%dma_wait3A_24, %dma_wait3A_25] : memref<10240x16xf32, #tpu.memory_space<vmem_shared>> -> memref<10240x16xf32, #tpu.memory_space<vmem_shared>>
    tpu.wait_indirect_dma semaphore(%arg9 : memref<!tpu.dma_semaphore, #tpu.memory_space<semaphore_mem>>) src(%arg6 : memref<100x16xf32, #tpu.memory_space<vmem>>) dst(%dma_wait3A_26 : memref<10240x16xf32, #tpu.memory_space<vmem_shared>>)
    %dma_wait3A_27 = arith.constant 92 : i32
    %dma_wait3A_28 = arith.constant 0 : i32
    %dma_wait3A_29 = tpu.memref_slice %arg5[%dma_wait3A_27, %dma_wait3A_28] : memref<100x100xi32, #tpu.memory_space<vmem>> -> memref<1x100xi32, #tpu.memory_space<vmem>>
    %dma_wait3A_30 = tpu.memref_squeeze %dma_wait3A_29 : memref<1x100xi32, #tpu.memory_space<vmem>> -> memref<100xi32, #tpu.memory_space<vmem>>
    %dma_wait3A_31 = arith.constant 0 : i32
    %dma_wait3A_32 = arith.constant 0 : i32
    %dma_wait3A_33 = tpu.memref_slice %arg7[%dma_wait3A_31, %dma_wait3A_32] : memref<10240x16xf32, #tpu.memory_space<vmem_shared>> -> memref<10240x16xf32, #tpu.memory_space<vmem_shared>>
    tpu.wait_indirect_dma semaphore(%arg10 : memref<!tpu.dma_semaphore, #tpu.memory_space<semaphore_mem>>) src(%arg6 : memref<100x16xf32, #tpu.memory_space<vmem>>) dst(%dma_wait3A_33 : memref<10240x16xf32, #tpu.memory_space<vmem_shared>>)
    %dma_wait3A_34 = arith.constant 93 : i32
    %dma_wait3A_35 = arith.constant 0 : i32
    %dma_wait3A_36 = tpu.memref_slice %arg5[%dma_wait3A_34, %dma_wait3A_35] : memref<100x100xi32, #tpu.memory_space<vmem>> -> memref<1x100xi32, #tpu.memory_space<vmem>>
    %dma_wait3A_37 = tpu.memref_squeeze %dma_wait3A_36 : memref<1x100xi32, #tpu.memory_space<vmem>> -> memref<100xi32, #tpu.memory_space<vmem>>
    %dma_wait3A_38 = arith.constant 0 : i32
    %dma_wait3A_39 = arith.constant 0 : i32
    %dma_wait3A_40 = tpu.memref_slice %arg7[%dma_wait3A_38, %dma_wait3A_39] : memref<10240x16xf32, #tpu.memory_space<vmem_shared>> -> memref<10240x16xf32, #tpu.memory_space<vmem_shared>>
    tpu.wait_indirect_dma semaphore(%arg11 : memref<!tpu.dma_semaphore, #tpu.memory_space<semaphore_mem>>) src(%arg6 : memref<100x16xf32, #tpu.memory_space<vmem>>) dst(%dma_wait3A_40 : memref<10240x16xf32, #tpu.memory_space<vmem_shared>>)
    %dma_wait3A_41 = arith.constant 94 : i32
    %dma_wait3A_42 = arith.constant 0 : i32
    %dma_wait3A_43 = tpu.memref_slice %arg5[%dma_wait3A_41, %dma_wait3A_42] : memref<100x100xi32, #tpu.memory_space<vmem>> -> memref<1x100xi32, #tpu.memory_space<vmem>>
    %dma_wait3A_44 = tpu.memref_squeeze %dma_wait3A_43 : memref<1x100xi32, #tpu.memory_space<vmem>> -> memref<100xi32, #tpu.memory_space<vmem>>
    %dma_wait3A_45 = arith.constant 0 : i32
    %dma_wait3A_46 = arith.constant 0 : i32
    %dma_wait3A_47 = tpu.memref_slice %arg7[%dma_wait3A_45, %dma_wait3A_46] : memref<10240x16xf32, #tpu.memory_space<vmem_shared>> -> memref<10240x16xf32, #tpu.memory_space<vmem_shared>>
    tpu.wait_indirect_dma semaphore(%arg12 : memref<!tpu.dma_semaphore, #tpu.memory_space<semaphore_mem>>) src(%arg6 : memref<100x16xf32, #tpu.memory_space<vmem>>) dst(%dma_wait3A_47 : memref<10240x16xf32, #tpu.memory_space<vmem_shared>>)
    %dma_wait3A_48 = arith.constant 95 : i32
    %dma_wait3A_49 = arith.constant 0 : i32
    %dma_wait3A_50 = tpu.memref_slice %arg5[%dma_wait3A_48, %dma_wait3A_49] : memref<100x100xi32, #tpu.memory_space<vmem>> -> memref<1x100xi32, #tpu.memory_space<vmem>>
    %dma_wait3A_51 = tpu.memref_squeeze %dma_wait3A_50 : memref<1x100xi32, #tpu.memory_space<vmem>> -> memref<100xi32, #tpu.memory_space<vmem>>
    %dma_wait3A_52 = arith.constant 0 : i32
    %dma_wait3A_53 = arith.constant 0 : i32
    %dma_wait3A_54 = tpu.memref_slice %arg7[%dma_wait3A_52, %dma_wait3A_53] : memref<10240x16xf32, #tpu.memory_space<vmem_shared>> -> memref<10240x16xf32, #tpu.memory_space<vmem_shared>>
    tpu.wait_indirect_dma semaphore(%arg13 : memref<!tpu.dma_semaphore, #tpu.memory_space<semaphore_mem>>) src(%arg6 : memref<100x16xf32, #tpu.memory_space<vmem>>) dst(%dma_wait3A_54 : memref<10240x16xf32, #tpu.memory_space<vmem_shared>>)
    %dma_wait3A_55 = arith.constant 96 : i32
    %dma_wait3A_56 = arith.constant 0 : i32
    %dma_wait3A_57 = tpu.memref_slice %arg5[%dma_wait3A_55, %dma_wait3A_56] : memref<100x100xi32, #tpu.memory_space<vmem>> -> memref<1x100xi32, #tpu.memory_space<vmem>>
    %dma_wait3A_58 = tpu.memref_squeeze %dma_wait3A_57 : memref<1x100xi32, #tpu.memory_space<vmem>> -> memref<100xi32, #tpu.memory_space<vmem>>
    %dma_wait3A_59 = arith.constant 0 : i32
    %dma_wait3A_60 = arith.constant 0 : i32
    %dma_wait3A_61 = tpu.memref_slice %arg7[%dma_wait3A_59, %dma_wait3A_60] : memref<10240x16xf32, #tpu.memory_space<vmem_shared>> -> memref<10240x16xf32, #tpu.memory_space<vmem_shared>>
    tpu.wait_indirect_dma semaphore(%arg14 : memref<!tpu.dma_semaphore, #tpu.memory_space<semaphore_mem>>) src(%arg6 : memref<100x16xf32, #tpu.memory_space<vmem>>) dst(%dma_wait3A_61 : memref<10240x16xf32, #tpu.memory_space<vmem_shared>>)
    %dma_wait3A_62 = arith.constant 97 : i32
    %dma_wait3A_63 = arith.constant 0 : i32
    %dma_wait3A_64 = tpu.memref_slice %arg5[%dma_wait3A_62, %dma_wait3A_63] : memref<100x100xi32, #tpu.memory_space<vmem>> -> memref<1x100xi32, #tpu.memory_space<vmem>>
    %dma_wait3A_65 = tpu.memref_squeeze %dma_wait3A_64 : memref<1x100xi32, #tpu.memory_space<vmem>> -> memref<100xi32, #tpu.memory_space<vmem>>
    %dma_wait3A_66 = arith.constant 0 : i32
    %dma_wait3A_67 = arith.constant 0 : i32
    %dma_wait3A_68 = tpu.memref_slice %arg7[%dma_wait3A_66, %dma_wait3A_67] : memref<10240x16xf32, #tpu.memory_space<vmem_shared>> -> memref<10240x16xf32, #tpu.memory_space<vmem_shared>>
    tpu.wait_indirect_dma semaphore(%arg15 : memref<!tpu.dma_semaphore, #tpu.memory_space<semaphore_mem>>) src(%arg6 : memref<100x16xf32, #tpu.memory_space<vmem>>) dst(%dma_wait3A_68 : memref<10240x16xf32, #tpu.memory_space<vmem_shared>>)
    %dma_wait3A_69 = arith.constant 98 : i32
    %dma_wait3A_70 = arith.constant 0 : i32
    %dma_wait3A_71 = tpu.memref_slice %arg5[%dma_wait3A_69, %dma_wait3A_70] : memref<100x100xi32, #tpu.memory_space<vmem>> -> memref<1x100xi32, #tpu.memory_space<vmem>>
    %dma_wait3A_72 = tpu.memref_squeeze %dma_wait3A_71 : memref<1x100xi32, #tpu.memory_space<vmem>> -> memref<100xi32, #tpu.memory_space<vmem>>
    %dma_wait3A_73 = arith.constant 0 : i32
    %dma_wait3A_74 = arith.constant 0 : i32
    %dma_wait3A_75 = tpu.memref_slice %arg7[%dma_wait3A_73, %dma_wait3A_74] : memref<10240x16xf32, #tpu.memory_space<vmem_shared>> -> memref<10240x16xf32, #tpu.memory_space<vmem_shared>>
    tpu.wait_indirect_dma semaphore(%arg16 : memref<!tpu.dma_semaphore, #tpu.memory_space<semaphore_mem>>) src(%arg6 : memref<100x16xf32, #tpu.memory_space<vmem>>) dst(%dma_wait3A_75 : memref<10240x16xf32, #tpu.memory_space<vmem_shared>>)
    %dma_wait3A_76 = arith.constant 99 : i32
    %dma_wait3A_77 = arith.constant 0 : i32
    %dma_wait3A_78 = tpu.memref_slice %arg5[%dma_wait3A_76, %dma_wait3A_77] : memref<100x100xi32, #tpu.memory_space<vmem>> -> memref<1x100xi32, #tpu.memory_space<vmem>>
    %dma_wait3A_79 = tpu.memref_squeeze %dma_wait3A_78 : memref<1x100xi32, #tpu.memory_space<vmem>> -> memref<100xi32, #tpu.memory_space<vmem>>
    %dma_wait3A_80 = arith.constant 0 : i32
    %dma_wait3A_81 = arith.constant 0 : i32
    %dma_wait3A_82 = tpu.memref_slice %arg7[%dma_wait3A_80, %dma_wait3A_81] : memref<10240x16xf32, #tpu.memory_space<vmem_shared>> -> memref<10240x16xf32, #tpu.memory_space<vmem_shared>>
    tpu.wait_indirect_dma semaphore(%arg17 : memref<!tpu.dma_semaphore, #tpu.memory_space<semaphore_mem>>) src(%arg6 : memref<100x16xf32, #tpu.memory_space<vmem>>) dst(%dma_wait3A_82 : memref<10240x16xf32, #tpu.memory_space<vmem_shared>>)
    %barrier3A_83 = arith.constant 0 : index
    tpu.barrier barrier_id(%barrier3A_83)
    %mul3A_84 = arith.constant 640 : i32
    %mul3A_85 = arith.muli %arg1, %mul3A_84 : i32
    %mul3A_86 = arith.constant 640 : i32
    %mul3A_87 = arith.muli %arg1, %mul3A_86 : i32
    "tpu.region"() ({
      %run_scoped3A = tpu.sem_alloc : memref<!tpu.dma_semaphore, #tpu.memory_space<semaphore_mem>>
      %dma_start3A = arith.constant 0 : i32
      %dma_start3A_88 = tpu.memref_slice %arg4[%arg0, %mul3A_87, %dma_start3A] : memref<2x10240x16xf32, #tpu.memory_space<hbm>> -> memref<1x640x16xf32, #tpu.memory_space<hbm>>
      %dma_start3A_89 = tpu.memref_squeeze %dma_start3A_88 : memref<1x640x16xf32, #tpu.memory_space<hbm>> -> memref<640x16xf32, #tpu.memory_space<hbm>>
      %dma_start3A_90 = arith.constant 0 : i32
      %dma_start3A_91 = tpu.memref_slice %arg7[%mul3A_85, %dma_start3A_90] : memref<10240x16xf32, #tpu.memory_space<vmem_shared>> -> memref<640x16xf32, #tpu.memory_space<vmem_shared>>
      tpu.enqueue_dma source(%dma_start3A_91 : memref<640x16xf32, #tpu.memory_space<vmem_shared>>) target(%dma_start3A_89 : memref<640x16xf32, #tpu.memory_space<hbm>>) target_semaphore(%run_scoped3A : memref<!tpu.dma_semaphore, #tpu.memory_space<semaphore_mem>>)
      %dma_wait3A_92 = arith.constant 0 : i32
      %dma_wait3A_93 = tpu.memref_slice %arg4[%arg0, %mul3A_87, %dma_wait3A_92] : memref<2x10240x16xf32, #tpu.memory_space<hbm>> -> memref<1x640x16xf32, #tpu.memory_space<hbm>>
      %dma_wait3A_94 = tpu.memref_squeeze %dma_wait3A_93 : memref<1x640x16xf32, #tpu.memory_space<hbm>> -> memref<640x16xf32, #tpu.memory_space<hbm>>
      %dma_wait3A_95 = arith.constant 0 : i32
      %dma_wait3A_96 = tpu.memref_slice %arg7[%mul3A_85, %dma_wait3A_95] : memref<10240x16xf32, #tpu.memory_space<vmem_shared>> -> memref<640x16xf32, #tpu.memory_space<vmem_shared>>
      tpu.wait_dma2 semaphore(%run_scoped3A : memref<!tpu.dma_semaphore, #tpu.memory_space<semaphore_mem>>) src(%dma_wait3A_96 : memref<640x16xf32, #tpu.memory_space<vmem_shared>>) dst(%dma_wait3A_94 : memref<640x16xf32, #tpu.memory_space<hbm>>)
      tpu.yield
    }) : () -> ()
    return
  }
}

#map = affine_map<(d0, d1) -> (0, 0)>
#map1 = affine_map<(d0, d1) -> (0, 0, 0)>
module attributes {stable_mosaic.version = 14 : i64} {
  func.func @k(%arg0: i32, %arg1: i32, %arg2: memref<10000x64xf32, #tpu.memory_space<hbm>>, %arg3: memref<32x100x100xi32, #tpu.memory_space<hbm>>, %arg4: memref<32x100x100xi32, #tpu.memory_space<hbm>>, %arg5: memref<10240x64xf32, #tpu.memory_space<hbm>>, %arg6: memref<2x10240x64xf32, #tpu.memory_space<hbm>>, %arg7: memref<100x100xi32, #tpu.memory_space<vmem>>, %arg8: memref<100x100xi32, #tpu.memory_space<vmem>>, %arg9: memref<10x100x64xf32, #tpu.memory_space<vmem>>, %arg10: memref<10240x64xf32, #tpu.memory_space<vmem_shared>>, %arg11: memref<!tpu.dma_semaphore, #tpu.memory_space<semaphore_mem>>, %arg12: memref<!tpu.dma_semaphore, #tpu.memory_space<semaphore_mem>>, %arg13: memref<!tpu.dma_semaphore, #tpu.memory_space<semaphore_mem>>, %arg14: memref<!tpu.dma_semaphore, #tpu.memory_space<semaphore_mem>>, %arg15: memref<!tpu.dma_semaphore, #tpu.memory_space<semaphore_mem>>, %arg16: memref<!tpu.dma_semaphore, #tpu.memory_space<semaphore_mem>>, %arg17: memref<!tpu.dma_semaphore, #tpu.memory_space<semaphore_mem>>, %arg18: memref<!tpu.dma_semaphore, #tpu.memory_space<semaphore_mem>>, %arg19: memref<!tpu.dma_semaphore, #tpu.memory_space<semaphore_mem>>, %arg20: memref<!tpu.dma_semaphore, #tpu.memory_space<semaphore_mem>>, %arg21: memref<!tpu.dma_semaphore, #tpu.memory_space<semaphore_mem>>, %arg22: memref<!tpu.dma_semaphore, #tpu.memory_space<semaphore_mem>>, %arg23: memref<!tpu.dma_semaphore, #tpu.memory_space<semaphore_mem>>, %arg24: memref<!tpu.dma_semaphore, #tpu.memory_space<semaphore_mem>>, %arg25: memref<!tpu.dma_semaphore, #tpu.memory_space<semaphore_mem>>, %arg26: memref<!tpu.dma_semaphore, #tpu.memory_space<semaphore_mem>>, %arg27: memref<!tpu.dma_semaphore, #tpu.memory_space<semaphore_mem>>, %arg28: memref<!tpu.dma_semaphore, #tpu.memory_space<semaphore_mem>>, %arg29: memref<!tpu.dma_semaphore, #tpu.memory_space<semaphore_mem>>, %arg30: memref<!tpu.dma_semaphore, #tpu.memory_space<semaphore_mem>>) attributes {dimension_semantics = [#tpu.dimension_semantics<core_parallel>, #tpu.dimension_semantics<subcore_parallel>], iteration_bounds = array<i64: 2, 16>, scalar_prefetch = 0 : i64, scratch_operands = 24 : i64, tpu.core_type = #tpu.core_type<sc_vector_subcore>, window_params = [{transform_indices = #map}, {transform_indices = #map1}, {transform_indices = #map1}, {transform_indices = #map}, {transform_indices = #map1}]} {
    %mul3A = arith.constant 16 : i32
    %mul3A_0 = arith.muli %arg0, %mul3A : i32
    %add3A = arith.addi %mul3A_0, %arg1 : i32
    "tpu.region"() ({
      %run_scoped3A = tpu.sem_alloc : memref<!tpu.dma_semaphore, #tpu.memory_space<semaphore_mem>>
      %dma_start3A_252 = arith.constant 0 : i32
      %dma_start3A_253 = arith.constant 0 : i32
      %dma_start3A_254 = tpu.memref_slice %arg3[%add3A, %dma_start3A_252, %dma_start3A_253] : memref<32x100x100xi32, #tpu.memory_space<hbm>> -> memref<1x100x100xi32, #tpu.memory_space<hbm>>
      %dma_start3A_255 = tpu.memref_squeeze %dma_start3A_254 : memref<1x100x100xi32, #tpu.memory_space<hbm>> -> memref<100x100xi32, #tpu.memory_space<hbm>>
      %dma_start3A_256 = arith.constant 0 : i32
      %dma_start3A_257 = arith.constant 0 : i32
      %dma_start3A_258 = tpu.memref_slice %arg3[%add3A, %dma_start3A_256, %dma_start3A_257] : memref<32x100x100xi32, #tpu.memory_space<hbm>> -> memref<1x100x100xi32, #tpu.memory_space<hbm>>
      %dma_start3A_259 = tpu.memref_squeeze %dma_start3A_258 : memref<1x100x100xi32, #tpu.memory_space<hbm>> -> memref<100x100xi32, #tpu.memory_space<hbm>>
      tpu.enqueue_dma source(%dma_start3A_259 : memref<100x100xi32, #tpu.memory_space<hbm>>) target(%arg7 : memref<100x100xi32, #tpu.memory_space<vmem>>) target_semaphore(%run_scoped3A : memref<!tpu.dma_semaphore, #tpu.memory_space<semaphore_mem>>)
      %dma_wait3A_260 = arith.constant 0 : i32
      %dma_wait3A_261 = arith.constant 0 : i32
      %dma_wait3A_262 = tpu.memref_slice %arg3[%add3A, %dma_wait3A_260, %dma_wait3A_261] : memref<32x100x100xi32, #tpu.memory_space<hbm>> -> memref<1x100x100xi32, #tpu.memory_space<hbm>>
      %dma_wait3A_263 = tpu.memref_squeeze %dma_wait3A_262 : memref<1x100x100xi32, #tpu.memory_space<hbm>> -> memref<100x100xi32, #tpu.memory_space<hbm>>
      %dma_wait3A_264 = arith.constant 0 : i32
      %dma_wait3A_265 = arith.constant 0 : i32
      %dma_wait3A_266 = tpu.memref_slice %arg3[%add3A, %dma_wait3A_264, %dma_wait3A_265] : memref<32x100x100xi32, #tpu.memory_space<hbm>> -> memref<1x100x100xi32, #tpu.memory_space<hbm>>
      %dma_wait3A_267 = tpu.memref_squeeze %dma_wait3A_266 : memref<1x100x100xi32, #tpu.memory_space<hbm>> -> memref<100x100xi32, #tpu.memory_space<hbm>>
      tpu.wait_dma2 semaphore(%run_scoped3A : memref<!tpu.dma_semaphore, #tpu.memory_space<semaphore_mem>>) src(%dma_wait3A_267 : memref<100x100xi32, #tpu.memory_space<hbm>>) dst(%arg7 : memref<100x100xi32, #tpu.memory_space<vmem>>)
      tpu.yield
    }) : () -> ()
    "tpu.region"() ({
      %run_scoped3A = tpu.sem_alloc : memref<!tpu.dma_semaphore, #tpu.memory_space<semaphore_mem>>
      %dma_start3A_252 = arith.constant 0 : i32
      %dma_start3A_253 = arith.constant 0 : i32
      %dma_start3A_254 = tpu.memref_slice %arg4[%add3A, %dma_start3A_252, %dma_start3A_253] : memref<32x100x100xi32, #tpu.memory_space<hbm>> -> memref<1x100x100xi32, #tpu.memory_space<hbm>>
      %dma_start3A_255 = tpu.memref_squeeze %dma_start3A_254 : memref<1x100x100xi32, #tpu.memory_space<hbm>> -> memref<100x100xi32, #tpu.memory_space<hbm>>
      %dma_start3A_256 = arith.constant 0 : i32
      %dma_start3A_257 = arith.constant 0 : i32
      %dma_start3A_258 = tpu.memref_slice %arg4[%add3A, %dma_start3A_256, %dma_start3A_257] : memref<32x100x100xi32, #tpu.memory_space<hbm>> -> memref<1x100x100xi32, #tpu.memory_space<hbm>>
      %dma_start3A_259 = tpu.memref_squeeze %dma_start3A_258 : memref<1x100x100xi32, #tpu.memory_space<hbm>> -> memref<100x100xi32, #tpu.memory_space<hbm>>
      tpu.enqueue_dma source(%dma_start3A_259 : memref<100x100xi32, #tpu.memory_space<hbm>>) target(%arg8 : memref<100x100xi32, #tpu.memory_space<vmem>>) target_semaphore(%run_scoped3A : memref<!tpu.dma_semaphore, #tpu.memory_space<semaphore_mem>>)
      %dma_wait3A_260 = arith.constant 0 : i32
      %dma_wait3A_261 = arith.constant 0 : i32
      %dma_wait3A_262 = tpu.memref_slice %arg4[%add3A, %dma_wait3A_260, %dma_wait3A_261] : memref<32x100x100xi32, #tpu.memory_space<hbm>> -> memref<1x100x100xi32, #tpu.memory_space<hbm>>
      %dma_wait3A_263 = tpu.memref_squeeze %dma_wait3A_262 : memref<1x100x100xi32, #tpu.memory_space<hbm>> -> memref<100x100xi32, #tpu.memory_space<hbm>>
      %dma_wait3A_264 = arith.constant 0 : i32
      %dma_wait3A_265 = arith.constant 0 : i32
      %dma_wait3A_266 = tpu.memref_slice %arg4[%add3A, %dma_wait3A_264, %dma_wait3A_265] : memref<32x100x100xi32, #tpu.memory_space<hbm>> -> memref<1x100x100xi32, #tpu.memory_space<hbm>>
      %dma_wait3A_267 = tpu.memref_squeeze %dma_wait3A_266 : memref<1x100x100xi32, #tpu.memory_space<hbm>> -> memref<100x100xi32, #tpu.memory_space<hbm>>
      tpu.wait_dma2 semaphore(%run_scoped3A : memref<!tpu.dma_semaphore, #tpu.memory_space<semaphore_mem>>) src(%dma_wait3A_267 : memref<100x100xi32, #tpu.memory_space<hbm>>) dst(%arg8 : memref<100x100xi32, #tpu.memory_space<vmem>>)
      tpu.yield
    }) : () -> ()
    %mul3A_1 = arith.constant 640 : i32
    %mul3A_2 = arith.muli %arg1, %mul3A_1 : i32
    %mul3A_3 = arith.constant 640 : i32
    %mul3A_4 = arith.muli %arg1, %mul3A_3 : i32
    "tpu.region"() ({
      %run_scoped3A = tpu.sem_alloc : memref<!tpu.dma_semaphore, #tpu.memory_space<semaphore_mem>>
      %dma_start3A_252 = arith.constant 0 : i32
      %dma_start3A_253 = tpu.memref_slice %arg10[%mul3A_4, %dma_start3A_252] : memref<10240x64xf32, #tpu.memory_space<vmem_shared>> -> memref<640x64xf32, #tpu.memory_space<vmem_shared>>
      %dma_start3A_254 = arith.constant 0 : i32
      %dma_start3A_255 = tpu.memref_slice %arg5[%mul3A_2, %dma_start3A_254] : memref<10240x64xf32, #tpu.memory_space<hbm>> -> memref<640x64xf32, #tpu.memory_space<hbm>>
      tpu.enqueue_dma source(%dma_start3A_255 : memref<640x64xf32, #tpu.memory_space<hbm>>) target(%dma_start3A_253 : memref<640x64xf32, #tpu.memory_space<vmem_shared>>) target_semaphore(%run_scoped3A : memref<!tpu.dma_semaphore, #tpu.memory_space<semaphore_mem>>)
      %dma_wait3A_256 = arith.constant 0 : i32
      %dma_wait3A_257 = tpu.memref_slice %arg10[%mul3A_4, %dma_wait3A_256] : memref<10240x64xf32, #tpu.memory_space<vmem_shared>> -> memref<640x64xf32, #tpu.memory_space<vmem_shared>>
      %dma_wait3A_258 = arith.constant 0 : i32
      %dma_wait3A_259 = tpu.memref_slice %arg5[%mul3A_2, %dma_wait3A_258] : memref<10240x64xf32, #tpu.memory_space<hbm>> -> memref<640x64xf32, #tpu.memory_space<hbm>>
      tpu.wait_dma2 semaphore(%run_scoped3A : memref<!tpu.dma_semaphore, #tpu.memory_space<semaphore_mem>>) src(%dma_wait3A_259 : memref<640x64xf32, #tpu.memory_space<hbm>>) dst(%dma_wait3A_257 : memref<640x64xf32, #tpu.memory_space<vmem_shared>>)
      tpu.yield
    }) : () -> ()
    %barrier3A = arith.constant 0 : index
    tpu.barrier barrier_id(%barrier3A)
    %scan3A = arith.constant 0 : i32
    %scan3A_5 = arith.constant 10 : i32
    %scan3A_6 = arith.addi %scan3A, %scan3A_5 : i32
    %scan3A_7 = arith.constant 1 : i32
    scf.for %scan3A_252 = %scan3A to %scan3A_6 step %scan3A_7  : i32 {
      %mul3A_253 = arith.constant 10 : i32
      %mul3A_254 = arith.muli %scan3A_252, %mul3A_253 : i32
      %add3A_255 = arith.constant 0 : i32
      %add3A_256 = arith.addi %add3A_255, %mul3A_254 : i32
      %add3A_257 = arith.constant 0 : i32
      %add3A_258 = arith.addi %add3A_256, %add3A_257 : i32
      %ge3A = arith.constant 10 : i32
      %ge3A_259 = arith.cmpi sge, %add3A_258, %ge3A : i32
      %convert_element_type3A = arith.extui %ge3A_259 : i1 to i32
      %cond3A = arith.constant 0 : i32
      %cond3A_260 = arith.cmpi ne, %convert_element_type3A, %cond3A : i32
      scf.if %cond3A_260 {
        %add3A_524 = arith.constant 0 : i32
        %add3A_525 = arith.addi %add3A_256, %add3A_524 : i32
        %sub3A = arith.constant 10 : i32
        %sub3A_526 = arith.subi %add3A_525, %sub3A : i32
        %dma_wait3A_527 = arith.constant 0 : i32
        %dma_wait3A_528 = arith.constant 0 : i32
        %dma_wait3A_529 = arith.constant 0 : i32
        %dma_wait3A_530 = tpu.memref_slice %arg9[%dma_wait3A_527, %dma_wait3A_528, %dma_wait3A_529] : memref<10x100x64xf32, #tpu.memory_space<vmem>> -> memref<1x100x64xf32, #tpu.memory_space<vmem>>
        %dma_wait3A_531 = tpu.memref_squeeze %dma_wait3A_530 : memref<1x100x64xf32, #tpu.memory_space<vmem>> -> memref<100x64xf32, #tpu.memory_space<vmem>>
        %dma_wait3A_532 = arith.constant 0 : i32
        %dma_wait3A_533 = tpu.memref_slice %arg8[%sub3A_526, %dma_wait3A_532] : memref<100x100xi32, #tpu.memory_space<vmem>> -> memref<1x100xi32, #tpu.memory_space<vmem>>
        %dma_wait3A_534 = tpu.memref_squeeze %dma_wait3A_533 : memref<1x100xi32, #tpu.memory_space<vmem>> -> memref<100xi32, #tpu.memory_space<vmem>>
        %dma_wait3A_535 = arith.constant 0 : i32
        %dma_wait3A_536 = arith.constant 0 : i32
        %dma_wait3A_537 = tpu.memref_slice %arg10[%dma_wait3A_535, %dma_wait3A_536] : memref<10240x64xf32, #tpu.memory_space<vmem_shared>> -> memref<10240x64xf32, #tpu.memory_space<vmem_shared>>
        tpu.wait_indirect_dma semaphore(%arg21 : memref<!tpu.dma_semaphore, #tpu.memory_space<semaphore_mem>>) src(%dma_wait3A_531 : memref<100x64xf32, #tpu.memory_space<vmem>>) dst(%dma_wait3A_537 : memref<10240x64xf32, #tpu.memory_space<vmem_shared>>)
      } else {
      }
      %add3A_261 = arith.constant 0 : i32
      %add3A_262 = arith.addi %add3A_256, %add3A_261 : i32
      %dma_start3A_263 = arith.constant 0 : i32
      %dma_start3A_264 = arith.constant 0 : i32
      %dma_start3A_265 = arith.constant 0 : i32
      %dma_start3A_266 = tpu.memref_slice %arg9[%dma_start3A_263, %dma_start3A_264, %dma_start3A_265] : memref<10x100x64xf32, #tpu.memory_space<vmem>> -> memref<1x100x64xf32, #tpu.memory_space<vmem>>
      %dma_start3A_267 = tpu.memref_squeeze %dma_start3A_266 : memref<1x100x64xf32, #tpu.memory_space<vmem>> -> memref<100x64xf32, #tpu.memory_space<vmem>>
      %dma_start3A_268 = arith.constant 0 : i32
      %dma_start3A_269 = tpu.memref_slice %arg7[%add3A_262, %dma_start3A_268] : memref<100x100xi32, #tpu.memory_space<vmem>> -> memref<1x100xi32, #tpu.memory_space<vmem>>
      %dma_start3A_270 = tpu.memref_squeeze %dma_start3A_269 : memref<1x100xi32, #tpu.memory_space<vmem>> -> memref<100xi32, #tpu.memory_space<vmem>>
      %dma_start3A_271 = arith.constant 0 : i32
      %dma_start3A_272 = arith.constant 0 : i32
      %dma_start3A_273 = tpu.memref_slice %arg2[%dma_start3A_271, %dma_start3A_272] : memref<10000x64xf32, #tpu.memory_space<hbm>> -> memref<10000x64xf32, #tpu.memory_space<hbm>>
      tpu.enqueue_indirect_dma source(%dma_start3A_273 : memref<10000x64xf32, #tpu.memory_space<hbm>>) target(%dma_start3A_267 : memref<100x64xf32, #tpu.memory_space<vmem>>) offsets(%dma_start3A_270 : memref<100xi32, #tpu.memory_space<vmem>>) semaphore(%arg11 : memref<!tpu.dma_semaphore, #tpu.memory_space<semaphore_mem>>)
      %add3A_274 = arith.constant 0 : i32
      %add3A_275 = arith.addi %add3A_256, %add3A_274 : i32
      %ge3A_276 = arith.constant 5 : i32
      %ge3A_277 = arith.cmpi sge, %add3A_275, %ge3A_276 : i32
      %convert_element_type3A_278 = arith.extui %ge3A_277 : i1 to i32
      %cond3A_279 = arith.constant 0 : i32
      %cond3A_280 = arith.cmpi ne, %convert_element_type3A_278, %cond3A_279 : i32
      scf.if %cond3A_280 {
        %add3A_524 = arith.constant 0 : i32
        %add3A_525 = arith.addi %add3A_256, %add3A_524 : i32
        %sub3A = arith.constant 5 : i32
        %sub3A_526 = arith.subi %add3A_525, %sub3A : i32
        %dma_wait3A_527 = arith.constant 5 : i32
        %dma_wait3A_528 = arith.constant 0 : i32
        %dma_wait3A_529 = arith.constant 0 : i32
        %dma_wait3A_530 = tpu.memref_slice %arg9[%dma_wait3A_527, %dma_wait3A_528, %dma_wait3A_529] : memref<10x100x64xf32, #tpu.memory_space<vmem>> -> memref<1x100x64xf32, #tpu.memory_space<vmem>>
        %dma_wait3A_531 = tpu.memref_squeeze %dma_wait3A_530 : memref<1x100x64xf32, #tpu.memory_space<vmem>> -> memref<100x64xf32, #tpu.memory_space<vmem>>
        %dma_wait3A_532 = arith.constant 0 : i32
        %dma_wait3A_533 = tpu.memref_slice %arg7[%sub3A_526, %dma_wait3A_532] : memref<100x100xi32, #tpu.memory_space<vmem>> -> memref<1x100xi32, #tpu.memory_space<vmem>>
        %dma_wait3A_534 = tpu.memref_squeeze %dma_wait3A_533 : memref<1x100xi32, #tpu.memory_space<vmem>> -> memref<100xi32, #tpu.memory_space<vmem>>
        %dma_wait3A_535 = arith.constant 0 : i32
        %dma_wait3A_536 = arith.constant 0 : i32
        %dma_wait3A_537 = tpu.memref_slice %arg2[%dma_wait3A_535, %dma_wait3A_536] : memref<10000x64xf32, #tpu.memory_space<hbm>> -> memref<10000x64xf32, #tpu.memory_space<hbm>>
        tpu.wait_indirect_dma semaphore(%arg16 : memref<!tpu.dma_semaphore, #tpu.memory_space<semaphore_mem>>) src(%dma_wait3A_537 : memref<10000x64xf32, #tpu.memory_space<hbm>>) dst(%dma_wait3A_531 : memref<100x64xf32, #tpu.memory_space<vmem>>)
        %add3A_538 = arith.constant 0 : i32
        %add3A_539 = arith.addi %add3A_256, %add3A_538 : i32
        %sub3A_540 = arith.constant 5 : i32
        %sub3A_541 = arith.subi %add3A_539, %sub3A_540 : i32
        %dma_start3A_542 = arith.constant 5 : i32
        %dma_start3A_543 = arith.constant 0 : i32
        %dma_start3A_544 = arith.constant 0 : i32
        %dma_start3A_545 = tpu.memref_slice %arg9[%dma_start3A_542, %dma_start3A_543, %dma_start3A_544] : memref<10x100x64xf32, #tpu.memory_space<vmem>> -> memref<1x100x64xf32, #tpu.memory_space<vmem>>
        %dma_start3A_546 = tpu.memref_squeeze %dma_start3A_545 : memref<1x100x64xf32, #tpu.memory_space<vmem>> -> memref<100x64xf32, #tpu.memory_space<vmem>>
        %dma_start3A_547 = arith.constant 0 : i32
        %dma_start3A_548 = tpu.memref_slice %arg8[%sub3A_541, %dma_start3A_547] : memref<100x100xi32, #tpu.memory_space<vmem>> -> memref<1x100xi32, #tpu.memory_space<vmem>>
        %dma_start3A_549 = tpu.memref_squeeze %dma_start3A_548 : memref<1x100xi32, #tpu.memory_space<vmem>> -> memref<100xi32, #tpu.memory_space<vmem>>
        %dma_start3A_550 = arith.constant 0 : i32
        %dma_start3A_551 = arith.constant 0 : i32
        %dma_start3A_552 = tpu.memref_slice %arg10[%dma_start3A_550, %dma_start3A_551] : memref<10240x64xf32, #tpu.memory_space<vmem_shared>> -> memref<10240x64xf32, #tpu.memory_space<vmem_shared>>
        tpu.enqueue_indirect_dma source(%dma_start3A_546 : memref<100x64xf32, #tpu.memory_space<vmem>>) target(%dma_start3A_552 : memref<10240x64xf32, #tpu.memory_space<vmem_shared>>) offsets(%dma_start3A_549 : memref<100xi32, #tpu.memory_space<vmem>>) semaphore(%arg26 : memref<!tpu.dma_semaphore, #tpu.memory_space<semaphore_mem>>) {add = true}
      } else {
      }
      %add3A_281 = arith.constant 1 : i32
      %add3A_282 = arith.addi %add3A_256, %add3A_281 : i32
      %ge3A_283 = arith.constant 10 : i32
      %ge3A_284 = arith.cmpi sge, %add3A_282, %ge3A_283 : i32
      %convert_element_type3A_285 = arith.extui %ge3A_284 : i1 to i32
      %cond3A_286 = arith.constant 0 : i32
      %cond3A_287 = arith.cmpi ne, %convert_element_type3A_285, %cond3A_286 : i32
      scf.if %cond3A_287 {
        %add3A_524 = arith.constant 1 : i32
        %add3A_525 = arith.addi %add3A_256, %add3A_524 : i32
        %sub3A = arith.constant 10 : i32
        %sub3A_526 = arith.subi %add3A_525, %sub3A : i32
        %dma_wait3A_527 = arith.constant 1 : i32
        %dma_wait3A_528 = arith.constant 0 : i32
        %dma_wait3A_529 = arith.constant 0 : i32
        %dma_wait3A_530 = tpu.memref_slice %arg9[%dma_wait3A_527, %dma_wait3A_528, %dma_wait3A_529] : memref<10x100x64xf32, #tpu.memory_space<vmem>> -> memref<1x100x64xf32, #tpu.memory_space<vmem>>
        %dma_wait3A_531 = tpu.memref_squeeze %dma_wait3A_530 : memref<1x100x64xf32, #tpu.memory_space<vmem>> -> memref<100x64xf32, #tpu.memory_space<vmem>>
        %dma_wait3A_532 = arith.constant 0 : i32
        %dma_wait3A_533 = tpu.memref_slice %arg8[%sub3A_526, %dma_wait3A_532] : memref<100x100xi32, #tpu.memory_space<vmem>> -> memref<1x100xi32, #tpu.memory_space<vmem>>
        %dma_wait3A_534 = tpu.memref_squeeze %dma_wait3A_533 : memref<1x100xi32, #tpu.memory_space<vmem>> -> memref<100xi32, #tpu.memory_space<vmem>>
        %dma_wait3A_535 = arith.constant 0 : i32
        %dma_wait3A_536 = arith.constant 0 : i32
        %dma_wait3A_537 = tpu.memref_slice %arg10[%dma_wait3A_535, %dma_wait3A_536] : memref<10240x64xf32, #tpu.memory_space<vmem_shared>> -> memref<10240x64xf32, #tpu.memory_space<vmem_shared>>
        tpu.wait_indirect_dma semaphore(%arg22 : memref<!tpu.dma_semaphore, #tpu.memory_space<semaphore_mem>>) src(%dma_wait3A_531 : memref<100x64xf32, #tpu.memory_space<vmem>>) dst(%dma_wait3A_537 : memref<10240x64xf32, #tpu.memory_space<vmem_shared>>)
      } else {
      }
      %add3A_288 = arith.constant 1 : i32
      %add3A_289 = arith.addi %add3A_256, %add3A_288 : i32
      %dma_start3A_290 = arith.constant 1 : i32
      %dma_start3A_291 = arith.constant 0 : i32
      %dma_start3A_292 = arith.constant 0 : i32
      %dma_start3A_293 = tpu.memref_slice %arg9[%dma_start3A_290, %dma_start3A_291, %dma_start3A_292] : memref<10x100x64xf32, #tpu.memory_space<vmem>> -> memref<1x100x64xf32, #tpu.memory_space<vmem>>
      %dma_start3A_294 = tpu.memref_squeeze %dma_start3A_293 : memref<1x100x64xf32, #tpu.memory_space<vmem>> -> memref<100x64xf32, #tpu.memory_space<vmem>>
      %dma_start3A_295 = arith.constant 0 : i32
      %dma_start3A_296 = tpu.memref_slice %arg7[%add3A_289, %dma_start3A_295] : memref<100x100xi32, #tpu.memory_space<vmem>> -> memref<1x100xi32, #tpu.memory_space<vmem>>
      %dma_start3A_297 = tpu.memref_squeeze %dma_start3A_296 : memref<1x100xi32, #tpu.memory_space<vmem>> -> memref<100xi32, #tpu.memory_space<vmem>>
      %dma_start3A_298 = arith.constant 0 : i32
      %dma_start3A_299 = arith.constant 0 : i32
      %dma_start3A_300 = tpu.memref_slice %arg2[%dma_start3A_298, %dma_start3A_299] : memref<10000x64xf32, #tpu.memory_space<hbm>> -> memref<10000x64xf32, #tpu.memory_space<hbm>>
      tpu.enqueue_indirect_dma source(%dma_start3A_300 : memref<10000x64xf32, #tpu.memory_space<hbm>>) target(%dma_start3A_294 : memref<100x64xf32, #tpu.memory_space<vmem>>) offsets(%dma_start3A_297 : memref<100xi32, #tpu.memory_space<vmem>>) semaphore(%arg12 : memref<!tpu.dma_semaphore, #tpu.memory_space<semaphore_mem>>)
      %add3A_301 = arith.constant 1 : i32
      %add3A_302 = arith.addi %add3A_256, %add3A_301 : i32
      %ge3A_303 = arith.constant 5 : i32
      %ge3A_304 = arith.cmpi sge, %add3A_302, %ge3A_303 : i32
      %convert_element_type3A_305 = arith.extui %ge3A_304 : i1 to i32
      %cond3A_306 = arith.constant 0 : i32
      %cond3A_307 = arith.cmpi ne, %convert_element_type3A_305, %cond3A_306 : i32
      scf.if %cond3A_307 {
        %add3A_524 = arith.constant 1 : i32
        %add3A_525 = arith.addi %add3A_256, %add3A_524 : i32
        %sub3A = arith.constant 5 : i32
        %sub3A_526 = arith.subi %add3A_525, %sub3A : i32
        %dma_wait3A_527 = arith.constant 6 : i32
        %dma_wait3A_528 = arith.constant 0 : i32
        %dma_wait3A_529 = arith.constant 0 : i32
        %dma_wait3A_530 = tpu.memref_slice %arg9[%dma_wait3A_527, %dma_wait3A_528, %dma_wait3A_529] : memref<10x100x64xf32, #tpu.memory_space<vmem>> -> memref<1x100x64xf32, #tpu.memory_space<vmem>>
        %dma_wait3A_531 = tpu.memref_squeeze %dma_wait3A_530 : memref<1x100x64xf32, #tpu.memory_space<vmem>> -> memref<100x64xf32, #tpu.memory_space<vmem>>
        %dma_wait3A_532 = arith.constant 0 : i32
        %dma_wait3A_533 = tpu.memref_slice %arg7[%sub3A_526, %dma_wait3A_532] : memref<100x100xi32, #tpu.memory_space<vmem>> -> memref<1x100xi32, #tpu.memory_space<vmem>>
        %dma_wait3A_534 = tpu.memref_squeeze %dma_wait3A_533 : memref<1x100xi32, #tpu.memory_space<vmem>> -> memref<100xi32, #tpu.memory_space<vmem>>
        %dma_wait3A_535 = arith.constant 0 : i32
        %dma_wait3A_536 = arith.constant 0 : i32
        %dma_wait3A_537 = tpu.memref_slice %arg2[%dma_wait3A_535, %dma_wait3A_536] : memref<10000x64xf32, #tpu.memory_space<hbm>> -> memref<10000x64xf32, #tpu.memory_space<hbm>>
        tpu.wait_indirect_dma semaphore(%arg17 : memref<!tpu.dma_semaphore, #tpu.memory_space<semaphore_mem>>) src(%dma_wait3A_537 : memref<10000x64xf32, #tpu.memory_space<hbm>>) dst(%dma_wait3A_531 : memref<100x64xf32, #tpu.memory_space<vmem>>)
        %add3A_538 = arith.constant 1 : i32
        %add3A_539 = arith.addi %add3A_256, %add3A_538 : i32
        %sub3A_540 = arith.constant 5 : i32
        %sub3A_541 = arith.subi %add3A_539, %sub3A_540 : i32
        %dma_start3A_542 = arith.constant 6 : i32
        %dma_start3A_543 = arith.constant 0 : i32
        %dma_start3A_544 = arith.constant 0 : i32
        %dma_start3A_545 = tpu.memref_slice %arg9[%dma_start3A_542, %dma_start3A_543, %dma_start3A_544] : memref<10x100x64xf32, #tpu.memory_space<vmem>> -> memref<1x100x64xf32, #tpu.memory_space<vmem>>
        %dma_start3A_546 = tpu.memref_squeeze %dma_start3A_545 : memref<1x100x64xf32, #tpu.memory_space<vmem>> -> memref<100x64xf32, #tpu.memory_space<vmem>>
        %dma_start3A_547 = arith.constant 0 : i32
        %dma_start3A_548 = tpu.memref_slice %arg8[%sub3A_541, %dma_start3A_547] : memref<100x100xi32, #tpu.memory_space<vmem>> -> memref<1x100xi32, #tpu.memory_space<vmem>>
        %dma_start3A_549 = tpu.memref_squeeze %dma_start3A_548 : memref<1x100xi32, #tpu.memory_space<vmem>> -> memref<100xi32, #tpu.memory_space<vmem>>
        %dma_start3A_550 = arith.constant 0 : i32
        %dma_start3A_551 = arith.constant 0 : i32
        %dma_start3A_552 = tpu.memref_slice %arg10[%dma_start3A_550, %dma_start3A_551] : memref<10240x64xf32, #tpu.memory_space<vmem_shared>> -> memref<10240x64xf32, #tpu.memory_space<vmem_shared>>
        tpu.enqueue_indirect_dma source(%dma_start3A_546 : memref<100x64xf32, #tpu.memory_space<vmem>>) target(%dma_start3A_552 : memref<10240x64xf32, #tpu.memory_space<vmem_shared>>) offsets(%dma_start3A_549 : memref<100xi32, #tpu.memory_space<vmem>>) semaphore(%arg27 : memref<!tpu.dma_semaphore, #tpu.memory_space<semaphore_mem>>) {add = true}
      } else {
      }
      %add3A_308 = arith.constant 2 : i32
      %add3A_309 = arith.addi %add3A_256, %add3A_308 : i32
      %ge3A_310 = arith.constant 10 : i32
      %ge3A_311 = arith.cmpi sge, %add3A_309, %ge3A_310 : i32
      %convert_element_type3A_312 = arith.extui %ge3A_311 : i1 to i32
      %cond3A_313 = arith.constant 0 : i32
      %cond3A_314 = arith.cmpi ne, %convert_element_type3A_312, %cond3A_313 : i32
      scf.if %cond3A_314 {
        %add3A_524 = arith.constant 2 : i32
        %add3A_525 = arith.addi %add3A_256, %add3A_524 : i32
        %sub3A = arith.constant 10 : i32
        %sub3A_526 = arith.subi %add3A_525, %sub3A : i32
        %dma_wait3A_527 = arith.constant 2 : i32
        %dma_wait3A_528 = arith.constant 0 : i32
        %dma_wait3A_529 = arith.constant 0 : i32
        %dma_wait3A_530 = tpu.memref_slice %arg9[%dma_wait3A_527, %dma_wait3A_528, %dma_wait3A_529] : memref<10x100x64xf32, #tpu.memory_space<vmem>> -> memref<1x100x64xf32, #tpu.memory_space<vmem>>
        %dma_wait3A_531 = tpu.memref_squeeze %dma_wait3A_530 : memref<1x100x64xf32, #tpu.memory_space<vmem>> -> memref<100x64xf32, #tpu.memory_space<vmem>>
        %dma_wait3A_532 = arith.constant 0 : i32
        %dma_wait3A_533 = tpu.memref_slice %arg8[%sub3A_526, %dma_wait3A_532] : memref<100x100xi32, #tpu.memory_space<vmem>> -> memref<1x100xi32, #tpu.memory_space<vmem>>
        %dma_wait3A_534 = tpu.memref_squeeze %dma_wait3A_533 : memref<1x100xi32, #tpu.memory_space<vmem>> -> memref<100xi32, #tpu.memory_space<vmem>>
        %dma_wait3A_535 = arith.constant 0 : i32
        %dma_wait3A_536 = arith.constant 0 : i32
        %dma_wait3A_537 = tpu.memref_slice %arg10[%dma_wait3A_535, %dma_wait3A_536] : memref<10240x64xf32, #tpu.memory_space<vmem_shared>> -> memref<10240x64xf32, #tpu.memory_space<vmem_shared>>
        tpu.wait_indirect_dma semaphore(%arg23 : memref<!tpu.dma_semaphore, #tpu.memory_space<semaphore_mem>>) src(%dma_wait3A_531 : memref<100x64xf32, #tpu.memory_space<vmem>>) dst(%dma_wait3A_537 : memref<10240x64xf32, #tpu.memory_space<vmem_shared>>)
      } else {
      }
      %add3A_315 = arith.constant 2 : i32
      %add3A_316 = arith.addi %add3A_256, %add3A_315 : i32
      %dma_start3A_317 = arith.constant 2 : i32
      %dma_start3A_318 = arith.constant 0 : i32
      %dma_start3A_319 = arith.constant 0 : i32
      %dma_start3A_320 = tpu.memref_slice %arg9[%dma_start3A_317, %dma_start3A_318, %dma_start3A_319] : memref<10x100x64xf32, #tpu.memory_space<vmem>> -> memref<1x100x64xf32, #tpu.memory_space<vmem>>
      %dma_start3A_321 = tpu.memref_squeeze %dma_start3A_320 : memref<1x100x64xf32, #tpu.memory_space<vmem>> -> memref<100x64xf32, #tpu.memory_space<vmem>>
      %dma_start3A_322 = arith.constant 0 : i32
      %dma_start3A_323 = tpu.memref_slice %arg7[%add3A_316, %dma_start3A_322] : memref<100x100xi32, #tpu.memory_space<vmem>> -> memref<1x100xi32, #tpu.memory_space<vmem>>
      %dma_start3A_324 = tpu.memref_squeeze %dma_start3A_323 : memref<1x100xi32, #tpu.memory_space<vmem>> -> memref<100xi32, #tpu.memory_space<vmem>>
      %dma_start3A_325 = arith.constant 0 : i32
      %dma_start3A_326 = arith.constant 0 : i32
      %dma_start3A_327 = tpu.memref_slice %arg2[%dma_start3A_325, %dma_start3A_326] : memref<10000x64xf32, #tpu.memory_space<hbm>> -> memref<10000x64xf32, #tpu.memory_space<hbm>>
      tpu.enqueue_indirect_dma source(%dma_start3A_327 : memref<10000x64xf32, #tpu.memory_space<hbm>>) target(%dma_start3A_321 : memref<100x64xf32, #tpu.memory_space<vmem>>) offsets(%dma_start3A_324 : memref<100xi32, #tpu.memory_space<vmem>>) semaphore(%arg13 : memref<!tpu.dma_semaphore, #tpu.memory_space<semaphore_mem>>)
      %add3A_328 = arith.constant 2 : i32
      %add3A_329 = arith.addi %add3A_256, %add3A_328 : i32
      %ge3A_330 = arith.constant 5 : i32
      %ge3A_331 = arith.cmpi sge, %add3A_329, %ge3A_330 : i32
      %convert_element_type3A_332 = arith.extui %ge3A_331 : i1 to i32
      %cond3A_333 = arith.constant 0 : i32
      %cond3A_334 = arith.cmpi ne, %convert_element_type3A_332, %cond3A_333 : i32
      scf.if %cond3A_334 {
        %add3A_524 = arith.constant 2 : i32
        %add3A_525 = arith.addi %add3A_256, %add3A_524 : i32
        %sub3A = arith.constant 5 : i32
        %sub3A_526 = arith.subi %add3A_525, %sub3A : i32
        %dma_wait3A_527 = arith.constant 7 : i32
        %dma_wait3A_528 = arith.constant 0 : i32
        %dma_wait3A_529 = arith.constant 0 : i32
        %dma_wait3A_530 = tpu.memref_slice %arg9[%dma_wait3A_527, %dma_wait3A_528, %dma_wait3A_529] : memref<10x100x64xf32, #tpu.memory_space<vmem>> -> memref<1x100x64xf32, #tpu.memory_space<vmem>>
        %dma_wait3A_531 = tpu.memref_squeeze %dma_wait3A_530 : memref<1x100x64xf32, #tpu.memory_space<vmem>> -> memref<100x64xf32, #tpu.memory_space<vmem>>
        %dma_wait3A_532 = arith.constant 0 : i32
        %dma_wait3A_533 = tpu.memref_slice %arg7[%sub3A_526, %dma_wait3A_532] : memref<100x100xi32, #tpu.memory_space<vmem>> -> memref<1x100xi32, #tpu.memory_space<vmem>>
        %dma_wait3A_534 = tpu.memref_squeeze %dma_wait3A_533 : memref<1x100xi32, #tpu.memory_space<vmem>> -> memref<100xi32, #tpu.memory_space<vmem>>
        %dma_wait3A_535 = arith.constant 0 : i32
        %dma_wait3A_536 = arith.constant 0 : i32
        %dma_wait3A_537 = tpu.memref_slice %arg2[%dma_wait3A_535, %dma_wait3A_536] : memref<10000x64xf32, #tpu.memory_space<hbm>> -> memref<10000x64xf32, #tpu.memory_space<hbm>>
        tpu.wait_indirect_dma semaphore(%arg18 : memref<!tpu.dma_semaphore, #tpu.memory_space<semaphore_mem>>) src(%dma_wait3A_537 : memref<10000x64xf32, #tpu.memory_space<hbm>>) dst(%dma_wait3A_531 : memref<100x64xf32, #tpu.memory_space<vmem>>)
        %add3A_538 = arith.constant 2 : i32
        %add3A_539 = arith.addi %add3A_256, %add3A_538 : i32
        %sub3A_540 = arith.constant 5 : i32
        %sub3A_541 = arith.subi %add3A_539, %sub3A_540 : i32
        %dma_start3A_542 = arith.constant 7 : i32
        %dma_start3A_543 = arith.constant 0 : i32
        %dma_start3A_544 = arith.constant 0 : i32
        %dma_start3A_545 = tpu.memref_slice %arg9[%dma_start3A_542, %dma_start3A_543, %dma_start3A_544] : memref<10x100x64xf32, #tpu.memory_space<vmem>> -> memref<1x100x64xf32, #tpu.memory_space<vmem>>
        %dma_start3A_546 = tpu.memref_squeeze %dma_start3A_545 : memref<1x100x64xf32, #tpu.memory_space<vmem>> -> memref<100x64xf32, #tpu.memory_space<vmem>>
        %dma_start3A_547 = arith.constant 0 : i32
        %dma_start3A_548 = tpu.memref_slice %arg8[%sub3A_541, %dma_start3A_547] : memref<100x100xi32, #tpu.memory_space<vmem>> -> memref<1x100xi32, #tpu.memory_space<vmem>>
        %dma_start3A_549 = tpu.memref_squeeze %dma_start3A_548 : memref<1x100xi32, #tpu.memory_space<vmem>> -> memref<100xi32, #tpu.memory_space<vmem>>
        %dma_start3A_550 = arith.constant 0 : i32
        %dma_start3A_551 = arith.constant 0 : i32
        %dma_start3A_552 = tpu.memref_slice %arg10[%dma_start3A_550, %dma_start3A_551] : memref<10240x64xf32, #tpu.memory_space<vmem_shared>> -> memref<10240x64xf32, #tpu.memory_space<vmem_shared>>
        tpu.enqueue_indirect_dma source(%dma_start3A_546 : memref<100x64xf32, #tpu.memory_space<vmem>>) target(%dma_start3A_552 : memref<10240x64xf32, #tpu.memory_space<vmem_shared>>) offsets(%dma_start3A_549 : memref<100xi32, #tpu.memory_space<vmem>>) semaphore(%arg28 : memref<!tpu.dma_semaphore, #tpu.memory_space<semaphore_mem>>) {add = true}
      } else {
      }
      %add3A_335 = arith.constant 3 : i32
      %add3A_336 = arith.addi %add3A_256, %add3A_335 : i32
      %ge3A_337 = arith.constant 10 : i32
      %ge3A_338 = arith.cmpi sge, %add3A_336, %ge3A_337 : i32
      %convert_element_type3A_339 = arith.extui %ge3A_338 : i1 to i32
      %cond3A_340 = arith.constant 0 : i32
      %cond3A_341 = arith.cmpi ne, %convert_element_type3A_339, %cond3A_340 : i32
      scf.if %cond3A_341 {
        %add3A_524 = arith.constant 3 : i32
        %add3A_525 = arith.addi %add3A_256, %add3A_524 : i32
        %sub3A = arith.constant 10 : i32
        %sub3A_526 = arith.subi %add3A_525, %sub3A : i32
        %dma_wait3A_527 = arith.constant 3 : i32
        %dma_wait3A_528 = arith.constant 0 : i32
        %dma_wait3A_529 = arith.constant 0 : i32
        %dma_wait3A_530 = tpu.memref_slice %arg9[%dma_wait3A_527, %dma_wait3A_528, %dma_wait3A_529] : memref<10x100x64xf32, #tpu.memory_space<vmem>> -> memref<1x100x64xf32, #tpu.memory_space<vmem>>
        %dma_wait3A_531 = tpu.memref_squeeze %dma_wait3A_530 : memref<1x100x64xf32, #tpu.memory_space<vmem>> -> memref<100x64xf32, #tpu.memory_space<vmem>>
        %dma_wait3A_532 = arith.constant 0 : i32
        %dma_wait3A_533 = tpu.memref_slice %arg8[%sub3A_526, %dma_wait3A_532] : memref<100x100xi32, #tpu.memory_space<vmem>> -> memref<1x100xi32, #tpu.memory_space<vmem>>
        %dma_wait3A_534 = tpu.memref_squeeze %dma_wait3A_533 : memref<1x100xi32, #tpu.memory_space<vmem>> -> memref<100xi32, #tpu.memory_space<vmem>>
        %dma_wait3A_535 = arith.constant 0 : i32
        %dma_wait3A_536 = arith.constant 0 : i32
        %dma_wait3A_537 = tpu.memref_slice %arg10[%dma_wait3A_535, %dma_wait3A_536] : memref<10240x64xf32, #tpu.memory_space<vmem_shared>> -> memref<10240x64xf32, #tpu.memory_space<vmem_shared>>
        tpu.wait_indirect_dma semaphore(%arg24 : memref<!tpu.dma_semaphore, #tpu.memory_space<semaphore_mem>>) src(%dma_wait3A_531 : memref<100x64xf32, #tpu.memory_space<vmem>>) dst(%dma_wait3A_537 : memref<10240x64xf32, #tpu.memory_space<vmem_shared>>)
      } else {
      }
      %add3A_342 = arith.constant 3 : i32
      %add3A_343 = arith.addi %add3A_256, %add3A_342 : i32
      %dma_start3A_344 = arith.constant 3 : i32
      %dma_start3A_345 = arith.constant 0 : i32
      %dma_start3A_346 = arith.constant 0 : i32
      %dma_start3A_347 = tpu.memref_slice %arg9[%dma_start3A_344, %dma_start3A_345, %dma_start3A_346] : memref<10x100x64xf32, #tpu.memory_space<vmem>> -> memref<1x100x64xf32, #tpu.memory_space<vmem>>
      %dma_start3A_348 = tpu.memref_squeeze %dma_start3A_347 : memref<1x100x64xf32, #tpu.memory_space<vmem>> -> memref<100x64xf32, #tpu.memory_space<vmem>>
      %dma_start3A_349 = arith.constant 0 : i32
      %dma_start3A_350 = tpu.memref_slice %arg7[%add3A_343, %dma_start3A_349] : memref<100x100xi32, #tpu.memory_space<vmem>> -> memref<1x100xi32, #tpu.memory_space<vmem>>
      %dma_start3A_351 = tpu.memref_squeeze %dma_start3A_350 : memref<1x100xi32, #tpu.memory_space<vmem>> -> memref<100xi32, #tpu.memory_space<vmem>>
      %dma_start3A_352 = arith.constant 0 : i32
      %dma_start3A_353 = arith.constant 0 : i32
      %dma_start3A_354 = tpu.memref_slice %arg2[%dma_start3A_352, %dma_start3A_353] : memref<10000x64xf32, #tpu.memory_space<hbm>> -> memref<10000x64xf32, #tpu.memory_space<hbm>>
      tpu.enqueue_indirect_dma source(%dma_start3A_354 : memref<10000x64xf32, #tpu.memory_space<hbm>>) target(%dma_start3A_348 : memref<100x64xf32, #tpu.memory_space<vmem>>) offsets(%dma_start3A_351 : memref<100xi32, #tpu.memory_space<vmem>>) semaphore(%arg14 : memref<!tpu.dma_semaphore, #tpu.memory_space<semaphore_mem>>)
      %add3A_355 = arith.constant 3 : i32
      %add3A_356 = arith.addi %add3A_256, %add3A_355 : i32
      %ge3A_357 = arith.constant 5 : i32
      %ge3A_358 = arith.cmpi sge, %add3A_356, %ge3A_357 : i32
      %convert_element_type3A_359 = arith.extui %ge3A_358 : i1 to i32
      %cond3A_360 = arith.constant 0 : i32
      %cond3A_361 = arith.cmpi ne, %convert_element_type3A_359, %cond3A_360 : i32
      scf.if %cond3A_361 {
        %add3A_524 = arith.constant 3 : i32
        %add3A_525 = arith.addi %add3A_256, %add3A_524 : i32
        %sub3A = arith.constant 5 : i32
        %sub3A_526 = arith.subi %add3A_525, %sub3A : i32
        %dma_wait3A_527 = arith.constant 8 : i32
        %dma_wait3A_528 = arith.constant 0 : i32
        %dma_wait3A_529 = arith.constant 0 : i32
        %dma_wait3A_530 = tpu.memref_slice %arg9[%dma_wait3A_527, %dma_wait3A_528, %dma_wait3A_529] : memref<10x100x64xf32, #tpu.memory_space<vmem>> -> memref<1x100x64xf32, #tpu.memory_space<vmem>>
        %dma_wait3A_531 = tpu.memref_squeeze %dma_wait3A_530 : memref<1x100x64xf32, #tpu.memory_space<vmem>> -> memref<100x64xf32, #tpu.memory_space<vmem>>
        %dma_wait3A_532 = arith.constant 0 : i32
        %dma_wait3A_533 = tpu.memref_slice %arg7[%sub3A_526, %dma_wait3A_532] : memref<100x100xi32, #tpu.memory_space<vmem>> -> memref<1x100xi32, #tpu.memory_space<vmem>>
        %dma_wait3A_534 = tpu.memref_squeeze %dma_wait3A_533 : memref<1x100xi32, #tpu.memory_space<vmem>> -> memref<100xi32, #tpu.memory_space<vmem>>
        %dma_wait3A_535 = arith.constant 0 : i32
        %dma_wait3A_536 = arith.constant 0 : i32
        %dma_wait3A_537 = tpu.memref_slice %arg2[%dma_wait3A_535, %dma_wait3A_536] : memref<10000x64xf32, #tpu.memory_space<hbm>> -> memref<10000x64xf32, #tpu.memory_space<hbm>>
        tpu.wait_indirect_dma semaphore(%arg19 : memref<!tpu.dma_semaphore, #tpu.memory_space<semaphore_mem>>) src(%dma_wait3A_537 : memref<10000x64xf32, #tpu.memory_space<hbm>>) dst(%dma_wait3A_531 : memref<100x64xf32, #tpu.memory_space<vmem>>)
        %add3A_538 = arith.constant 3 : i32
        %add3A_539 = arith.addi %add3A_256, %add3A_538 : i32
        %sub3A_540 = arith.constant 5 : i32
        %sub3A_541 = arith.subi %add3A_539, %sub3A_540 : i32
        %dma_start3A_542 = arith.constant 8 : i32
        %dma_start3A_543 = arith.constant 0 : i32
        %dma_start3A_544 = arith.constant 0 : i32
        %dma_start3A_545 = tpu.memref_slice %arg9[%dma_start3A_542, %dma_start3A_543, %dma_start3A_544] : memref<10x100x64xf32, #tpu.memory_space<vmem>> -> memref<1x100x64xf32, #tpu.memory_space<vmem>>
        %dma_start3A_546 = tpu.memref_squeeze %dma_start3A_545 : memref<1x100x64xf32, #tpu.memory_space<vmem>> -> memref<100x64xf32, #tpu.memory_space<vmem>>
        %dma_start3A_547 = arith.constant 0 : i32
        %dma_start3A_548 = tpu.memref_slice %arg8[%sub3A_541, %dma_start3A_547] : memref<100x100xi32, #tpu.memory_space<vmem>> -> memref<1x100xi32, #tpu.memory_space<vmem>>
        %dma_start3A_549 = tpu.memref_squeeze %dma_start3A_548 : memref<1x100xi32, #tpu.memory_space<vmem>> -> memref<100xi32, #tpu.memory_space<vmem>>
        %dma_start3A_550 = arith.constant 0 : i32
        %dma_start3A_551 = arith.constant 0 : i32
        %dma_start3A_552 = tpu.memref_slice %arg10[%dma_start3A_550, %dma_start3A_551] : memref<10240x64xf32, #tpu.memory_space<vmem_shared>> -> memref<10240x64xf32, #tpu.memory_space<vmem_shared>>
        tpu.enqueue_indirect_dma source(%dma_start3A_546 : memref<100x64xf32, #tpu.memory_space<vmem>>) target(%dma_start3A_552 : memref<10240x64xf32, #tpu.memory_space<vmem_shared>>) offsets(%dma_start3A_549 : memref<100xi32, #tpu.memory_space<vmem>>) semaphore(%arg29 : memref<!tpu.dma_semaphore, #tpu.memory_space<semaphore_mem>>) {add = true}
      } else {
      }
      %add3A_362 = arith.constant 4 : i32
      %add3A_363 = arith.addi %add3A_256, %add3A_362 : i32
      %ge3A_364 = arith.constant 10 : i32
      %ge3A_365 = arith.cmpi sge, %add3A_363, %ge3A_364 : i32
      %convert_element_type3A_366 = arith.extui %ge3A_365 : i1 to i32
      %cond3A_367 = arith.constant 0 : i32
      %cond3A_368 = arith.cmpi ne, %convert_element_type3A_366, %cond3A_367 : i32
      scf.if %cond3A_368 {
        %add3A_524 = arith.constant 4 : i32
        %add3A_525 = arith.addi %add3A_256, %add3A_524 : i32
        %sub3A = arith.constant 10 : i32
        %sub3A_526 = arith.subi %add3A_525, %sub3A : i32
        %dma_wait3A_527 = arith.constant 4 : i32
        %dma_wait3A_528 = arith.constant 0 : i32
        %dma_wait3A_529 = arith.constant 0 : i32
        %dma_wait3A_530 = tpu.memref_slice %arg9[%dma_wait3A_527, %dma_wait3A_528, %dma_wait3A_529] : memref<10x100x64xf32, #tpu.memory_space<vmem>> -> memref<1x100x64xf32, #tpu.memory_space<vmem>>
        %dma_wait3A_531 = tpu.memref_squeeze %dma_wait3A_530 : memref<1x100x64xf32, #tpu.memory_space<vmem>> -> memref<100x64xf32, #tpu.memory_space<vmem>>
        %dma_wait3A_532 = arith.constant 0 : i32
        %dma_wait3A_533 = tpu.memref_slice %arg8[%sub3A_526, %dma_wait3A_532] : memref<100x100xi32, #tpu.memory_space<vmem>> -> memref<1x100xi32, #tpu.memory_space<vmem>>
        %dma_wait3A_534 = tpu.memref_squeeze %dma_wait3A_533 : memref<1x100xi32, #tpu.memory_space<vmem>> -> memref<100xi32, #tpu.memory_space<vmem>>
        %dma_wait3A_535 = arith.constant 0 : i32
        %dma_wait3A_536 = arith.constant 0 : i32
        %dma_wait3A_537 = tpu.memref_slice %arg10[%dma_wait3A_535, %dma_wait3A_536] : memref<10240x64xf32, #tpu.memory_space<vmem_shared>> -> memref<10240x64xf32, #tpu.memory_space<vmem_shared>>
        tpu.wait_indirect_dma semaphore(%arg25 : memref<!tpu.dma_semaphore, #tpu.memory_space<semaphore_mem>>) src(%dma_wait3A_531 : memref<100x64xf32, #tpu.memory_space<vmem>>) dst(%dma_wait3A_537 : memref<10240x64xf32, #tpu.memory_space<vmem_shared>>)
      } else {
      }
      %add3A_369 = arith.constant 4 : i32
      %add3A_370 = arith.addi %add3A_256, %add3A_369 : i32
      %dma_start3A_371 = arith.constant 4 : i32
      %dma_start3A_372 = arith.constant 0 : i32
      %dma_start3A_373 = arith.constant 0 : i32
      %dma_start3A_374 = tpu.memref_slice %arg9[%dma_start3A_371, %dma_start3A_372, %dma_start3A_373] : memref<10x100x64xf32, #tpu.memory_space<vmem>> -> memref<1x100x64xf32, #tpu.memory_space<vmem>>
      %dma_start3A_375 = tpu.memref_squeeze %dma_start3A_374 : memref<1x100x64xf32, #tpu.memory_space<vmem>> -> memref<100x64xf32, #tpu.memory_space<vmem>>
      %dma_start3A_376 = arith.constant 0 : i32
      %dma_start3A_377 = tpu.memref_slice %arg7[%add3A_370, %dma_start3A_376] : memref<100x100xi32, #tpu.memory_space<vmem>> -> memref<1x100xi32, #tpu.memory_space<vmem>>
      %dma_start3A_378 = tpu.memref_squeeze %dma_start3A_377 : memref<1x100xi32, #tpu.memory_space<vmem>> -> memref<100xi32, #tpu.memory_space<vmem>>
      %dma_start3A_379 = arith.constant 0 : i32
      %dma_start3A_380 = arith.constant 0 : i32
      %dma_start3A_381 = tpu.memref_slice %arg2[%dma_start3A_379, %dma_start3A_380] : memref<10000x64xf32, #tpu.memory_space<hbm>> -> memref<10000x64xf32, #tpu.memory_space<hbm>>
      tpu.enqueue_indirect_dma source(%dma_start3A_381 : memref<10000x64xf32, #tpu.memory_space<hbm>>) target(%dma_start3A_375 : memref<100x64xf32, #tpu.memory_space<vmem>>) offsets(%dma_start3A_378 : memref<100xi32, #tpu.memory_space<vmem>>) semaphore(%arg15 : memref<!tpu.dma_semaphore, #tpu.memory_space<semaphore_mem>>)
      %add3A_382 = arith.constant 4 : i32
      %add3A_383 = arith.addi %add3A_256, %add3A_382 : i32
      %ge3A_384 = arith.constant 5 : i32
      %ge3A_385 = arith.cmpi sge, %add3A_383, %ge3A_384 : i32
      %convert_element_type3A_386 = arith.extui %ge3A_385 : i1 to i32
      %cond3A_387 = arith.constant 0 : i32
      %cond3A_388 = arith.cmpi ne, %convert_element_type3A_386, %cond3A_387 : i32
      scf.if %cond3A_388 {
        %add3A_524 = arith.constant 4 : i32
        %add3A_525 = arith.addi %add3A_256, %add3A_524 : i32
        %sub3A = arith.constant 5 : i32
        %sub3A_526 = arith.subi %add3A_525, %sub3A : i32
        %dma_wait3A_527 = arith.constant 9 : i32
        %dma_wait3A_528 = arith.constant 0 : i32
        %dma_wait3A_529 = arith.constant 0 : i32
        %dma_wait3A_530 = tpu.memref_slice %arg9[%dma_wait3A_527, %dma_wait3A_528, %dma_wait3A_529] : memref<10x100x64xf32, #tpu.memory_space<vmem>> -> memref<1x100x64xf32, #tpu.memory_space<vmem>>
        %dma_wait3A_531 = tpu.memref_squeeze %dma_wait3A_530 : memref<1x100x64xf32, #tpu.memory_space<vmem>> -> memref<100x64xf32, #tpu.memory_space<vmem>>
        %dma_wait3A_532 = arith.constant 0 : i32
        %dma_wait3A_533 = tpu.memref_slice %arg7[%sub3A_526, %dma_wait3A_532] : memref<100x100xi32, #tpu.memory_space<vmem>> -> memref<1x100xi32, #tpu.memory_space<vmem>>
        %dma_wait3A_534 = tpu.memref_squeeze %dma_wait3A_533 : memref<1x100xi32, #tpu.memory_space<vmem>> -> memref<100xi32, #tpu.memory_space<vmem>>
        %dma_wait3A_535 = arith.constant 0 : i32
        %dma_wait3A_536 = arith.constant 0 : i32
        %dma_wait3A_537 = tpu.memref_slice %arg2[%dma_wait3A_535, %dma_wait3A_536] : memref<10000x64xf32, #tpu.memory_space<hbm>> -> memref<10000x64xf32, #tpu.memory_space<hbm>>
        tpu.wait_indirect_dma semaphore(%arg20 : memref<!tpu.dma_semaphore, #tpu.memory_space<semaphore_mem>>) src(%dma_wait3A_537 : memref<10000x64xf32, #tpu.memory_space<hbm>>) dst(%dma_wait3A_531 : memref<100x64xf32, #tpu.memory_space<vmem>>)
        %add3A_538 = arith.constant 4 : i32
        %add3A_539 = arith.addi %add3A_256, %add3A_538 : i32
        %sub3A_540 = arith.constant 5 : i32
        %sub3A_541 = arith.subi %add3A_539, %sub3A_540 : i32
        %dma_start3A_542 = arith.constant 9 : i32
        %dma_start3A_543 = arith.constant 0 : i32
        %dma_start3A_544 = arith.constant 0 : i32
        %dma_start3A_545 = tpu.memref_slice %arg9[%dma_start3A_542, %dma_start3A_543, %dma_start3A_544] : memref<10x100x64xf32, #tpu.memory_space<vmem>> -> memref<1x100x64xf32, #tpu.memory_space<vmem>>
        %dma_start3A_546 = tpu.memref_squeeze %dma_start3A_545 : memref<1x100x64xf32, #tpu.memory_space<vmem>> -> memref<100x64xf32, #tpu.memory_space<vmem>>
        %dma_start3A_547 = arith.constant 0 : i32
        %dma_start3A_548 = tpu.memref_slice %arg8[%sub3A_541, %dma_start3A_547] : memref<100x100xi32, #tpu.memory_space<vmem>> -> memref<1x100xi32, #tpu.memory_space<vmem>>
        %dma_start3A_549 = tpu.memref_squeeze %dma_start3A_548 : memref<1x100xi32, #tpu.memory_space<vmem>> -> memref<100xi32, #tpu.memory_space<vmem>>
        %dma_start3A_550 = arith.constant 0 : i32
        %dma_start3A_551 = arith.constant 0 : i32
        %dma_start3A_552 = tpu.memref_slice %arg10[%dma_start3A_550, %dma_start3A_551] : memref<10240x64xf32, #tpu.memory_space<vmem_shared>> -> memref<10240x64xf32, #tpu.memory_space<vmem_shared>>
        tpu.enqueue_indirect_dma source(%dma_start3A_546 : memref<100x64xf32, #tpu.memory_space<vmem>>) target(%dma_start3A_552 : memref<10240x64xf32, #tpu.memory_space<vmem_shared>>) offsets(%dma_start3A_549 : memref<100xi32, #tpu.memory_space<vmem>>) semaphore(%arg30 : memref<!tpu.dma_semaphore, #tpu.memory_space<semaphore_mem>>) {add = true}
      } else {
      }
      %add3A_389 = arith.constant 5 : i32
      %add3A_390 = arith.addi %add3A_256, %add3A_389 : i32
      %ge3A_391 = arith.constant 10 : i32
      %ge3A_392 = arith.cmpi sge, %add3A_390, %ge3A_391 : i32
      %convert_element_type3A_393 = arith.extui %ge3A_392 : i1 to i32
      %cond3A_394 = arith.constant 0 : i32
      %cond3A_395 = arith.cmpi ne, %convert_element_type3A_393, %cond3A_394 : i32
      scf.if %cond3A_395 {
        %add3A_524 = arith.constant 5 : i32
        %add3A_525 = arith.addi %add3A_256, %add3A_524 : i32
        %sub3A = arith.constant 10 : i32
        %sub3A_526 = arith.subi %add3A_525, %sub3A : i32
        %dma_wait3A_527 = arith.constant 5 : i32
        %dma_wait3A_528 = arith.constant 0 : i32
        %dma_wait3A_529 = arith.constant 0 : i32
        %dma_wait3A_530 = tpu.memref_slice %arg9[%dma_wait3A_527, %dma_wait3A_528, %dma_wait3A_529] : memref<10x100x64xf32, #tpu.memory_space<vmem>> -> memref<1x100x64xf32, #tpu.memory_space<vmem>>
        %dma_wait3A_531 = tpu.memref_squeeze %dma_wait3A_530 : memref<1x100x64xf32, #tpu.memory_space<vmem>> -> memref<100x64xf32, #tpu.memory_space<vmem>>
        %dma_wait3A_532 = arith.constant 0 : i32
        %dma_wait3A_533 = tpu.memref_slice %arg8[%sub3A_526, %dma_wait3A_532] : memref<100x100xi32, #tpu.memory_space<vmem>> -> memref<1x100xi32, #tpu.memory_space<vmem>>
        %dma_wait3A_534 = tpu.memref_squeeze %dma_wait3A_533 : memref<1x100xi32, #tpu.memory_space<vmem>> -> memref<100xi32, #tpu.memory_space<vmem>>
        %dma_wait3A_535 = arith.constant 0 : i32
        %dma_wait3A_536 = arith.constant 0 : i32
        %dma_wait3A_537 = tpu.memref_slice %arg10[%dma_wait3A_535, %dma_wait3A_536] : memref<10240x64xf32, #tpu.memory_space<vmem_shared>> -> memref<10240x64xf32, #tpu.memory_space<vmem_shared>>
        tpu.wait_indirect_dma semaphore(%arg26 : memref<!tpu.dma_semaphore, #tpu.memory_space<semaphore_mem>>) src(%dma_wait3A_531 : memref<100x64xf32, #tpu.memory_space<vmem>>) dst(%dma_wait3A_537 : memref<10240x64xf32, #tpu.memory_space<vmem_shared>>)
      } else {
      }
      %add3A_396 = arith.constant 5 : i32
      %add3A_397 = arith.addi %add3A_256, %add3A_396 : i32
      %dma_start3A_398 = arith.constant 5 : i32
      %dma_start3A_399 = arith.constant 0 : i32
      %dma_start3A_400 = arith.constant 0 : i32
      %dma_start3A_401 = tpu.memref_slice %arg9[%dma_start3A_398, %dma_start3A_399, %dma_start3A_400] : memref<10x100x64xf32, #tpu.memory_space<vmem>> -> memref<1x100x64xf32, #tpu.memory_space<vmem>>
      %dma_start3A_402 = tpu.memref_squeeze %dma_start3A_401 : memref<1x100x64xf32, #tpu.memory_space<vmem>> -> memref<100x64xf32, #tpu.memory_space<vmem>>
      %dma_start3A_403 = arith.constant 0 : i32
      %dma_start3A_404 = tpu.memref_slice %arg7[%add3A_397, %dma_start3A_403] : memref<100x100xi32, #tpu.memory_space<vmem>> -> memref<1x100xi32, #tpu.memory_space<vmem>>
      %dma_start3A_405 = tpu.memref_squeeze %dma_start3A_404 : memref<1x100xi32, #tpu.memory_space<vmem>> -> memref<100xi32, #tpu.memory_space<vmem>>
      %dma_start3A_406 = arith.constant 0 : i32
      %dma_start3A_407 = arith.constant 0 : i32
      %dma_start3A_408 = tpu.memref_slice %arg2[%dma_start3A_406, %dma_start3A_407] : memref<10000x64xf32, #tpu.memory_space<hbm>> -> memref<10000x64xf32, #tpu.memory_space<hbm>>
      tpu.enqueue_indirect_dma source(%dma_start3A_408 : memref<10000x64xf32, #tpu.memory_space<hbm>>) target(%dma_start3A_402 : memref<100x64xf32, #tpu.memory_space<vmem>>) offsets(%dma_start3A_405 : memref<100xi32, #tpu.memory_space<vmem>>) semaphore(%arg16 : memref<!tpu.dma_semaphore, #tpu.memory_space<semaphore_mem>>)
      %add3A_409 = arith.constant 5 : i32
      %add3A_410 = arith.addi %add3A_256, %add3A_409 : i32
      %ge3A_411 = arith.constant 5 : i32
      %ge3A_412 = arith.cmpi sge, %add3A_410, %ge3A_411 : i32
      %convert_element_type3A_413 = arith.extui %ge3A_412 : i1 to i32
      %cond3A_414 = arith.constant 0 : i32
      %cond3A_415 = arith.cmpi ne, %convert_element_type3A_413, %cond3A_414 : i32
      scf.if %cond3A_415 {
        %add3A_524 = arith.constant 5 : i32
        %add3A_525 = arith.addi %add3A_256, %add3A_524 : i32
        %sub3A = arith.constant 5 : i32
        %sub3A_526 = arith.subi %add3A_525, %sub3A : i32
        %dma_wait3A_527 = arith.constant 0 : i32
        %dma_wait3A_528 = arith.constant 0 : i32
        %dma_wait3A_529 = arith.constant 0 : i32
        %dma_wait3A_530 = tpu.memref_slice %arg9[%dma_wait3A_527, %dma_wait3A_528, %dma_wait3A_529] : memref<10x100x64xf32, #tpu.memory_space<vmem>> -> memref<1x100x64xf32, #tpu.memory_space<vmem>>
        %dma_wait3A_531 = tpu.memref_squeeze %dma_wait3A_530 : memref<1x100x64xf32, #tpu.memory_space<vmem>> -> memref<100x64xf32, #tpu.memory_space<vmem>>
        %dma_wait3A_532 = arith.constant 0 : i32
        %dma_wait3A_533 = tpu.memref_slice %arg7[%sub3A_526, %dma_wait3A_532] : memref<100x100xi32, #tpu.memory_space<vmem>> -> memref<1x100xi32, #tpu.memory_space<vmem>>
        %dma_wait3A_534 = tpu.memref_squeeze %dma_wait3A_533 : memref<1x100xi32, #tpu.memory_space<vmem>> -> memref<100xi32, #tpu.memory_space<vmem>>
        %dma_wait3A_535 = arith.constant 0 : i32
        %dma_wait3A_536 = arith.constant 0 : i32
        %dma_wait3A_537 = tpu.memref_slice %arg2[%dma_wait3A_535, %dma_wait3A_536] : memref<10000x64xf32, #tpu.memory_space<hbm>> -> memref<10000x64xf32, #tpu.memory_space<hbm>>
        tpu.wait_indirect_dma semaphore(%arg11 : memref<!tpu.dma_semaphore, #tpu.memory_space<semaphore_mem>>) src(%dma_wait3A_537 : memref<10000x64xf32, #tpu.memory_space<hbm>>) dst(%dma_wait3A_531 : memref<100x64xf32, #tpu.memory_space<vmem>>)
        %add3A_538 = arith.constant 5 : i32
        %add3A_539 = arith.addi %add3A_256, %add3A_538 : i32
        %sub3A_540 = arith.constant 5 : i32
        %sub3A_541 = arith.subi %add3A_539, %sub3A_540 : i32
        %dma_start3A_542 = arith.constant 0 : i32
        %dma_start3A_543 = arith.constant 0 : i32
        %dma_start3A_544 = arith.constant 0 : i32
        %dma_start3A_545 = tpu.memref_slice %arg9[%dma_start3A_542, %dma_start3A_543, %dma_start3A_544] : memref<10x100x64xf32, #tpu.memory_space<vmem>> -> memref<1x100x64xf32, #tpu.memory_space<vmem>>
        %dma_start3A_546 = tpu.memref_squeeze %dma_start3A_545 : memref<1x100x64xf32, #tpu.memory_space<vmem>> -> memref<100x64xf32, #tpu.memory_space<vmem>>
        %dma_start3A_547 = arith.constant 0 : i32
        %dma_start3A_548 = tpu.memref_slice %arg8[%sub3A_541, %dma_start3A_547] : memref<100x100xi32, #tpu.memory_space<vmem>> -> memref<1x100xi32, #tpu.memory_space<vmem>>
        %dma_start3A_549 = tpu.memref_squeeze %dma_start3A_548 : memref<1x100xi32, #tpu.memory_space<vmem>> -> memref<100xi32, #tpu.memory_space<vmem>>
        %dma_start3A_550 = arith.constant 0 : i32
        %dma_start3A_551 = arith.constant 0 : i32
        %dma_start3A_552 = tpu.memref_slice %arg10[%dma_start3A_550, %dma_start3A_551] : memref<10240x64xf32, #tpu.memory_space<vmem_shared>> -> memref<10240x64xf32, #tpu.memory_space<vmem_shared>>
        tpu.enqueue_indirect_dma source(%dma_start3A_546 : memref<100x64xf32, #tpu.memory_space<vmem>>) target(%dma_start3A_552 : memref<10240x64xf32, #tpu.memory_space<vmem_shared>>) offsets(%dma_start3A_549 : memref<100xi32, #tpu.memory_space<vmem>>) semaphore(%arg21 : memref<!tpu.dma_semaphore, #tpu.memory_space<semaphore_mem>>) {add = true}
      } else {
      }
      %add3A_416 = arith.constant 6 : i32
      %add3A_417 = arith.addi %add3A_256, %add3A_416 : i32
      %ge3A_418 = arith.constant 10 : i32
      %ge3A_419 = arith.cmpi sge, %add3A_417, %ge3A_418 : i32
      %convert_element_type3A_420 = arith.extui %ge3A_419 : i1 to i32
      %cond3A_421 = arith.constant 0 : i32
      %cond3A_422 = arith.cmpi ne, %convert_element_type3A_420, %cond3A_421 : i32
      scf.if %cond3A_422 {
        %add3A_524 = arith.constant 6 : i32
        %add3A_525 = arith.addi %add3A_256, %add3A_524 : i32
        %sub3A = arith.constant 10 : i32
        %sub3A_526 = arith.subi %add3A_525, %sub3A : i32
        %dma_wait3A_527 = arith.constant 6 : i32
        %dma_wait3A_528 = arith.constant 0 : i32
        %dma_wait3A_529 = arith.constant 0 : i32
        %dma_wait3A_530 = tpu.memref_slice %arg9[%dma_wait3A_527, %dma_wait3A_528, %dma_wait3A_529] : memref<10x100x64xf32, #tpu.memory_space<vmem>> -> memref<1x100x64xf32, #tpu.memory_space<vmem>>
        %dma_wait3A_531 = tpu.memref_squeeze %dma_wait3A_530 : memref<1x100x64xf32, #tpu.memory_space<vmem>> -> memref<100x64xf32, #tpu.memory_space<vmem>>
        %dma_wait3A_532 = arith.constant 0 : i32
        %dma_wait3A_533 = tpu.memref_slice %arg8[%sub3A_526, %dma_wait3A_532] : memref<100x100xi32, #tpu.memory_space<vmem>> -> memref<1x100xi32, #tpu.memory_space<vmem>>
        %dma_wait3A_534 = tpu.memref_squeeze %dma_wait3A_533 : memref<1x100xi32, #tpu.memory_space<vmem>> -> memref<100xi32, #tpu.memory_space<vmem>>
        %dma_wait3A_535 = arith.constant 0 : i32
        %dma_wait3A_536 = arith.constant 0 : i32
        %dma_wait3A_537 = tpu.memref_slice %arg10[%dma_wait3A_535, %dma_wait3A_536] : memref<10240x64xf32, #tpu.memory_space<vmem_shared>> -> memref<10240x64xf32, #tpu.memory_space<vmem_shared>>
        tpu.wait_indirect_dma semaphore(%arg27 : memref<!tpu.dma_semaphore, #tpu.memory_space<semaphore_mem>>) src(%dma_wait3A_531 : memref<100x64xf32, #tpu.memory_space<vmem>>) dst(%dma_wait3A_537 : memref<10240x64xf32, #tpu.memory_space<vmem_shared>>)
      } else {
      }
      %add3A_423 = arith.constant 6 : i32
      %add3A_424 = arith.addi %add3A_256, %add3A_423 : i32
      %dma_start3A_425 = arith.constant 6 : i32
      %dma_start3A_426 = arith.constant 0 : i32
      %dma_start3A_427 = arith.constant 0 : i32
      %dma_start3A_428 = tpu.memref_slice %arg9[%dma_start3A_425, %dma_start3A_426, %dma_start3A_427] : memref<10x100x64xf32, #tpu.memory_space<vmem>> -> memref<1x100x64xf32, #tpu.memory_space<vmem>>
      %dma_start3A_429 = tpu.memref_squeeze %dma_start3A_428 : memref<1x100x64xf32, #tpu.memory_space<vmem>> -> memref<100x64xf32, #tpu.memory_space<vmem>>
      %dma_start3A_430 = arith.constant 0 : i32
      %dma_start3A_431 = tpu.memref_slice %arg7[%add3A_424, %dma_start3A_430] : memref<100x100xi32, #tpu.memory_space<vmem>> -> memref<1x100xi32, #tpu.memory_space<vmem>>
      %dma_start3A_432 = tpu.memref_squeeze %dma_start3A_431 : memref<1x100xi32, #tpu.memory_space<vmem>> -> memref<100xi32, #tpu.memory_space<vmem>>
      %dma_start3A_433 = arith.constant 0 : i32
      %dma_start3A_434 = arith.constant 0 : i32
      %dma_start3A_435 = tpu.memref_slice %arg2[%dma_start3A_433, %dma_start3A_434] : memref<10000x64xf32, #tpu.memory_space<hbm>> -> memref<10000x64xf32, #tpu.memory_space<hbm>>
      tpu.enqueue_indirect_dma source(%dma_start3A_435 : memref<10000x64xf32, #tpu.memory_space<hbm>>) target(%dma_start3A_429 : memref<100x64xf32, #tpu.memory_space<vmem>>) offsets(%dma_start3A_432 : memref<100xi32, #tpu.memory_space<vmem>>) semaphore(%arg17 : memref<!tpu.dma_semaphore, #tpu.memory_space<semaphore_mem>>)
      %add3A_436 = arith.constant 6 : i32
      %add3A_437 = arith.addi %add3A_256, %add3A_436 : i32
      %ge3A_438 = arith.constant 5 : i32
      %ge3A_439 = arith.cmpi sge, %add3A_437, %ge3A_438 : i32
      %convert_element_type3A_440 = arith.extui %ge3A_439 : i1 to i32
      %cond3A_441 = arith.constant 0 : i32
      %cond3A_442 = arith.cmpi ne, %convert_element_type3A_440, %cond3A_441 : i32
      scf.if %cond3A_442 {
        %add3A_524 = arith.constant 6 : i32
        %add3A_525 = arith.addi %add3A_256, %add3A_524 : i32
        %sub3A = arith.constant 5 : i32
        %sub3A_526 = arith.subi %add3A_525, %sub3A : i32
        %dma_wait3A_527 = arith.constant 1 : i32
        %dma_wait3A_528 = arith.constant 0 : i32
        %dma_wait3A_529 = arith.constant 0 : i32
        %dma_wait3A_530 = tpu.memref_slice %arg9[%dma_wait3A_527, %dma_wait3A_528, %dma_wait3A_529] : memref<10x100x64xf32, #tpu.memory_space<vmem>> -> memref<1x100x64xf32, #tpu.memory_space<vmem>>
        %dma_wait3A_531 = tpu.memref_squeeze %dma_wait3A_530 : memref<1x100x64xf32, #tpu.memory_space<vmem>> -> memref<100x64xf32, #tpu.memory_space<vmem>>
        %dma_wait3A_532 = arith.constant 0 : i32
        %dma_wait3A_533 = tpu.memref_slice %arg7[%sub3A_526, %dma_wait3A_532] : memref<100x100xi32, #tpu.memory_space<vmem>> -> memref<1x100xi32, #tpu.memory_space<vmem>>
        %dma_wait3A_534 = tpu.memref_squeeze %dma_wait3A_533 : memref<1x100xi32, #tpu.memory_space<vmem>> -> memref<100xi32, #tpu.memory_space<vmem>>
        %dma_wait3A_535 = arith.constant 0 : i32
        %dma_wait3A_536 = arith.constant 0 : i32
        %dma_wait3A_537 = tpu.memref_slice %arg2[%dma_wait3A_535, %dma_wait3A_536] : memref<10000x64xf32, #tpu.memory_space<hbm>> -> memref<10000x64xf32, #tpu.memory_space<hbm>>
        tpu.wait_indirect_dma semaphore(%arg12 : memref<!tpu.dma_semaphore, #tpu.memory_space<semaphore_mem>>) src(%dma_wait3A_537 : memref<10000x64xf32, #tpu.memory_space<hbm>>) dst(%dma_wait3A_531 : memref<100x64xf32, #tpu.memory_space<vmem>>)
        %add3A_538 = arith.constant 6 : i32
        %add3A_539 = arith.addi %add3A_256, %add3A_538 : i32
        %sub3A_540 = arith.constant 5 : i32
        %sub3A_541 = arith.subi %add3A_539, %sub3A_540 : i32
        %dma_start3A_542 = arith.constant 1 : i32
        %dma_start3A_543 = arith.constant 0 : i32
        %dma_start3A_544 = arith.constant 0 : i32
        %dma_start3A_545 = tpu.memref_slice %arg9[%dma_start3A_542, %dma_start3A_543, %dma_start3A_544] : memref<10x100x64xf32, #tpu.memory_space<vmem>> -> memref<1x100x64xf32, #tpu.memory_space<vmem>>
        %dma_start3A_546 = tpu.memref_squeeze %dma_start3A_545 : memref<1x100x64xf32, #tpu.memory_space<vmem>> -> memref<100x64xf32, #tpu.memory_space<vmem>>
        %dma_start3A_547 = arith.constant 0 : i32
        %dma_start3A_548 = tpu.memref_slice %arg8[%sub3A_541, %dma_start3A_547] : memref<100x100xi32, #tpu.memory_space<vmem>> -> memref<1x100xi32, #tpu.memory_space<vmem>>
        %dma_start3A_549 = tpu.memref_squeeze %dma_start3A_548 : memref<1x100xi32, #tpu.memory_space<vmem>> -> memref<100xi32, #tpu.memory_space<vmem>>
        %dma_start3A_550 = arith.constant 0 : i32
        %dma_start3A_551 = arith.constant 0 : i32
        %dma_start3A_552 = tpu.memref_slice %arg10[%dma_start3A_550, %dma_start3A_551] : memref<10240x64xf32, #tpu.memory_space<vmem_shared>> -> memref<10240x64xf32, #tpu.memory_space<vmem_shared>>
        tpu.enqueue_indirect_dma source(%dma_start3A_546 : memref<100x64xf32, #tpu.memory_space<vmem>>) target(%dma_start3A_552 : memref<10240x64xf32, #tpu.memory_space<vmem_shared>>) offsets(%dma_start3A_549 : memref<100xi32, #tpu.memory_space<vmem>>) semaphore(%arg22 : memref<!tpu.dma_semaphore, #tpu.memory_space<semaphore_mem>>) {add = true}
      } else {
      }
      %add3A_443 = arith.constant 7 : i32
      %add3A_444 = arith.addi %add3A_256, %add3A_443 : i32
      %ge3A_445 = arith.constant 10 : i32
      %ge3A_446 = arith.cmpi sge, %add3A_444, %ge3A_445 : i32
      %convert_element_type3A_447 = arith.extui %ge3A_446 : i1 to i32
      %cond3A_448 = arith.constant 0 : i32
      %cond3A_449 = arith.cmpi ne, %convert_element_type3A_447, %cond3A_448 : i32
      scf.if %cond3A_449 {
        %add3A_524 = arith.constant 7 : i32
        %add3A_525 = arith.addi %add3A_256, %add3A_524 : i32
        %sub3A = arith.constant 10 : i32
        %sub3A_526 = arith.subi %add3A_525, %sub3A : i32
        %dma_wait3A_527 = arith.constant 7 : i32
        %dma_wait3A_528 = arith.constant 0 : i32
        %dma_wait3A_529 = arith.constant 0 : i32
        %dma_wait3A_530 = tpu.memref_slice %arg9[%dma_wait3A_527, %dma_wait3A_528, %dma_wait3A_529] : memref<10x100x64xf32, #tpu.memory_space<vmem>> -> memref<1x100x64xf32, #tpu.memory_space<vmem>>
        %dma_wait3A_531 = tpu.memref_squeeze %dma_wait3A_530 : memref<1x100x64xf32, #tpu.memory_space<vmem>> -> memref<100x64xf32, #tpu.memory_space<vmem>>
        %dma_wait3A_532 = arith.constant 0 : i32
        %dma_wait3A_533 = tpu.memref_slice %arg8[%sub3A_526, %dma_wait3A_532] : memref<100x100xi32, #tpu.memory_space<vmem>> -> memref<1x100xi32, #tpu.memory_space<vmem>>
        %dma_wait3A_534 = tpu.memref_squeeze %dma_wait3A_533 : memref<1x100xi32, #tpu.memory_space<vmem>> -> memref<100xi32, #tpu.memory_space<vmem>>
        %dma_wait3A_535 = arith.constant 0 : i32
        %dma_wait3A_536 = arith.constant 0 : i32
        %dma_wait3A_537 = tpu.memref_slice %arg10[%dma_wait3A_535, %dma_wait3A_536] : memref<10240x64xf32, #tpu.memory_space<vmem_shared>> -> memref<10240x64xf32, #tpu.memory_space<vmem_shared>>
        tpu.wait_indirect_dma semaphore(%arg28 : memref<!tpu.dma_semaphore, #tpu.memory_space<semaphore_mem>>) src(%dma_wait3A_531 : memref<100x64xf32, #tpu.memory_space<vmem>>) dst(%dma_wait3A_537 : memref<10240x64xf32, #tpu.memory_space<vmem_shared>>)
      } else {
      }
      %add3A_450 = arith.constant 7 : i32
      %add3A_451 = arith.addi %add3A_256, %add3A_450 : i32
      %dma_start3A_452 = arith.constant 7 : i32
      %dma_start3A_453 = arith.constant 0 : i32
      %dma_start3A_454 = arith.constant 0 : i32
      %dma_start3A_455 = tpu.memref_slice %arg9[%dma_start3A_452, %dma_start3A_453, %dma_start3A_454] : memref<10x100x64xf32, #tpu.memory_space<vmem>> -> memref<1x100x64xf32, #tpu.memory_space<vmem>>
      %dma_start3A_456 = tpu.memref_squeeze %dma_start3A_455 : memref<1x100x64xf32, #tpu.memory_space<vmem>> -> memref<100x64xf32, #tpu.memory_space<vmem>>
      %dma_start3A_457 = arith.constant 0 : i32
      %dma_start3A_458 = tpu.memref_slice %arg7[%add3A_451, %dma_start3A_457] : memref<100x100xi32, #tpu.memory_space<vmem>> -> memref<1x100xi32, #tpu.memory_space<vmem>>
      %dma_start3A_459 = tpu.memref_squeeze %dma_start3A_458 : memref<1x100xi32, #tpu.memory_space<vmem>> -> memref<100xi32, #tpu.memory_space<vmem>>
      %dma_start3A_460 = arith.constant 0 : i32
      %dma_start3A_461 = arith.constant 0 : i32
      %dma_start3A_462 = tpu.memref_slice %arg2[%dma_start3A_460, %dma_start3A_461] : memref<10000x64xf32, #tpu.memory_space<hbm>> -> memref<10000x64xf32, #tpu.memory_space<hbm>>
      tpu.enqueue_indirect_dma source(%dma_start3A_462 : memref<10000x64xf32, #tpu.memory_space<hbm>>) target(%dma_start3A_456 : memref<100x64xf32, #tpu.memory_space<vmem>>) offsets(%dma_start3A_459 : memref<100xi32, #tpu.memory_space<vmem>>) semaphore(%arg18 : memref<!tpu.dma_semaphore, #tpu.memory_space<semaphore_mem>>)
      %add3A_463 = arith.constant 7 : i32
      %add3A_464 = arith.addi %add3A_256, %add3A_463 : i32
      %ge3A_465 = arith.constant 5 : i32
      %ge3A_466 = arith.cmpi sge, %add3A_464, %ge3A_465 : i32
      %convert_element_type3A_467 = arith.extui %ge3A_466 : i1 to i32
      %cond3A_468 = arith.constant 0 : i32
      %cond3A_469 = arith.cmpi ne, %convert_element_type3A_467, %cond3A_468 : i32
      scf.if %cond3A_469 {
        %add3A_524 = arith.constant 7 : i32
        %add3A_525 = arith.addi %add3A_256, %add3A_524 : i32
        %sub3A = arith.constant 5 : i32
        %sub3A_526 = arith.subi %add3A_525, %sub3A : i32
        %dma_wait3A_527 = arith.constant 2 : i32
        %dma_wait3A_528 = arith.constant 0 : i32
        %dma_wait3A_529 = arith.constant 0 : i32
        %dma_wait3A_530 = tpu.memref_slice %arg9[%dma_wait3A_527, %dma_wait3A_528, %dma_wait3A_529] : memref<10x100x64xf32, #tpu.memory_space<vmem>> -> memref<1x100x64xf32, #tpu.memory_space<vmem>>
        %dma_wait3A_531 = tpu.memref_squeeze %dma_wait3A_530 : memref<1x100x64xf32, #tpu.memory_space<vmem>> -> memref<100x64xf32, #tpu.memory_space<vmem>>
        %dma_wait3A_532 = arith.constant 0 : i32
        %dma_wait3A_533 = tpu.memref_slice %arg7[%sub3A_526, %dma_wait3A_532] : memref<100x100xi32, #tpu.memory_space<vmem>> -> memref<1x100xi32, #tpu.memory_space<vmem>>
        %dma_wait3A_534 = tpu.memref_squeeze %dma_wait3A_533 : memref<1x100xi32, #tpu.memory_space<vmem>> -> memref<100xi32, #tpu.memory_space<vmem>>
        %dma_wait3A_535 = arith.constant 0 : i32
        %dma_wait3A_536 = arith.constant 0 : i32
        %dma_wait3A_537 = tpu.memref_slice %arg2[%dma_wait3A_535, %dma_wait3A_536] : memref<10000x64xf32, #tpu.memory_space<hbm>> -> memref<10000x64xf32, #tpu.memory_space<hbm>>
        tpu.wait_indirect_dma semaphore(%arg13 : memref<!tpu.dma_semaphore, #tpu.memory_space<semaphore_mem>>) src(%dma_wait3A_537 : memref<10000x64xf32, #tpu.memory_space<hbm>>) dst(%dma_wait3A_531 : memref<100x64xf32, #tpu.memory_space<vmem>>)
        %add3A_538 = arith.constant 7 : i32
        %add3A_539 = arith.addi %add3A_256, %add3A_538 : i32
        %sub3A_540 = arith.constant 5 : i32
        %sub3A_541 = arith.subi %add3A_539, %sub3A_540 : i32
        %dma_start3A_542 = arith.constant 2 : i32
        %dma_start3A_543 = arith.constant 0 : i32
        %dma_start3A_544 = arith.constant 0 : i32
        %dma_start3A_545 = tpu.memref_slice %arg9[%dma_start3A_542, %dma_start3A_543, %dma_start3A_544] : memref<10x100x64xf32, #tpu.memory_space<vmem>> -> memref<1x100x64xf32, #tpu.memory_space<vmem>>
        %dma_start3A_546 = tpu.memref_squeeze %dma_start3A_545 : memref<1x100x64xf32, #tpu.memory_space<vmem>> -> memref<100x64xf32, #tpu.memory_space<vmem>>
        %dma_start3A_547 = arith.constant 0 : i32
        %dma_start3A_548 = tpu.memref_slice %arg8[%sub3A_541, %dma_start3A_547] : memref<100x100xi32, #tpu.memory_space<vmem>> -> memref<1x100xi32, #tpu.memory_space<vmem>>
        %dma_start3A_549 = tpu.memref_squeeze %dma_start3A_548 : memref<1x100xi32, #tpu.memory_space<vmem>> -> memref<100xi32, #tpu.memory_space<vmem>>
        %dma_start3A_550 = arith.constant 0 : i32
        %dma_start3A_551 = arith.constant 0 : i32
        %dma_start3A_552 = tpu.memref_slice %arg10[%dma_start3A_550, %dma_start3A_551] : memref<10240x64xf32, #tpu.memory_space<vmem_shared>> -> memref<10240x64xf32, #tpu.memory_space<vmem_shared>>
        tpu.enqueue_indirect_dma source(%dma_start3A_546 : memref<100x64xf32, #tpu.memory_space<vmem>>) target(%dma_start3A_552 : memref<10240x64xf32, #tpu.memory_space<vmem_shared>>) offsets(%dma_start3A_549 : memref<100xi32, #tpu.memory_space<vmem>>) semaphore(%arg23 : memref<!tpu.dma_semaphore, #tpu.memory_space<semaphore_mem>>) {add = true}
      } else {
      }
      %add3A_470 = arith.constant 8 : i32
      %add3A_471 = arith.addi %add3A_256, %add3A_470 : i32
      %ge3A_472 = arith.constant 10 : i32
      %ge3A_473 = arith.cmpi sge, %add3A_471, %ge3A_472 : i32
      %convert_element_type3A_474 = arith.extui %ge3A_473 : i1 to i32
      %cond3A_475 = arith.constant 0 : i32
      %cond3A_476 = arith.cmpi ne, %convert_element_type3A_474, %cond3A_475 : i32
      scf.if %cond3A_476 {
        %add3A_524 = arith.constant 8 : i32
        %add3A_525 = arith.addi %add3A_256, %add3A_524 : i32
        %sub3A = arith.constant 10 : i32
        %sub3A_526 = arith.subi %add3A_525, %sub3A : i32
        %dma_wait3A_527 = arith.constant 8 : i32
        %dma_wait3A_528 = arith.constant 0 : i32
        %dma_wait3A_529 = arith.constant 0 : i32
        %dma_wait3A_530 = tpu.memref_slice %arg9[%dma_wait3A_527, %dma_wait3A_528, %dma_wait3A_529] : memref<10x100x64xf32, #tpu.memory_space<vmem>> -> memref<1x100x64xf32, #tpu.memory_space<vmem>>
        %dma_wait3A_531 = tpu.memref_squeeze %dma_wait3A_530 : memref<1x100x64xf32, #tpu.memory_space<vmem>> -> memref<100x64xf32, #tpu.memory_space<vmem>>
        %dma_wait3A_532 = arith.constant 0 : i32
        %dma_wait3A_533 = tpu.memref_slice %arg8[%sub3A_526, %dma_wait3A_532] : memref<100x100xi32, #tpu.memory_space<vmem>> -> memref<1x100xi32, #tpu.memory_space<vmem>>
        %dma_wait3A_534 = tpu.memref_squeeze %dma_wait3A_533 : memref<1x100xi32, #tpu.memory_space<vmem>> -> memref<100xi32, #tpu.memory_space<vmem>>
        %dma_wait3A_535 = arith.constant 0 : i32
        %dma_wait3A_536 = arith.constant 0 : i32
        %dma_wait3A_537 = tpu.memref_slice %arg10[%dma_wait3A_535, %dma_wait3A_536] : memref<10240x64xf32, #tpu.memory_space<vmem_shared>> -> memref<10240x64xf32, #tpu.memory_space<vmem_shared>>
        tpu.wait_indirect_dma semaphore(%arg29 : memref<!tpu.dma_semaphore, #tpu.memory_space<semaphore_mem>>) src(%dma_wait3A_531 : memref<100x64xf32, #tpu.memory_space<vmem>>) dst(%dma_wait3A_537 : memref<10240x64xf32, #tpu.memory_space<vmem_shared>>)
      } else {
      }
      %add3A_477 = arith.constant 8 : i32
      %add3A_478 = arith.addi %add3A_256, %add3A_477 : i32
      %dma_start3A_479 = arith.constant 8 : i32
      %dma_start3A_480 = arith.constant 0 : i32
      %dma_start3A_481 = arith.constant 0 : i32
      %dma_start3A_482 = tpu.memref_slice %arg9[%dma_start3A_479, %dma_start3A_480, %dma_start3A_481] : memref<10x100x64xf32, #tpu.memory_space<vmem>> -> memref<1x100x64xf32, #tpu.memory_space<vmem>>
      %dma_start3A_483 = tpu.memref_squeeze %dma_start3A_482 : memref<1x100x64xf32, #tpu.memory_space<vmem>> -> memref<100x64xf32, #tpu.memory_space<vmem>>
      %dma_start3A_484 = arith.constant 0 : i32
      %dma_start3A_485 = tpu.memref_slice %arg7[%add3A_478, %dma_start3A_484] : memref<100x100xi32, #tpu.memory_space<vmem>> -> memref<1x100xi32, #tpu.memory_space<vmem>>
      %dma_start3A_486 = tpu.memref_squeeze %dma_start3A_485 : memref<1x100xi32, #tpu.memory_space<vmem>> -> memref<100xi32, #tpu.memory_space<vmem>>
      %dma_start3A_487 = arith.constant 0 : i32
      %dma_start3A_488 = arith.constant 0 : i32
      %dma_start3A_489 = tpu.memref_slice %arg2[%dma_start3A_487, %dma_start3A_488] : memref<10000x64xf32, #tpu.memory_space<hbm>> -> memref<10000x64xf32, #tpu.memory_space<hbm>>
      tpu.enqueue_indirect_dma source(%dma_start3A_489 : memref<10000x64xf32, #tpu.memory_space<hbm>>) target(%dma_start3A_483 : memref<100x64xf32, #tpu.memory_space<vmem>>) offsets(%dma_start3A_486 : memref<100xi32, #tpu.memory_space<vmem>>) semaphore(%arg19 : memref<!tpu.dma_semaphore, #tpu.memory_space<semaphore_mem>>)
      %add3A_490 = arith.constant 8 : i32
      %add3A_491 = arith.addi %add3A_256, %add3A_490 : i32
      %ge3A_492 = arith.constant 5 : i32
      %ge3A_493 = arith.cmpi sge, %add3A_491, %ge3A_492 : i32
      %convert_element_type3A_494 = arith.extui %ge3A_493 : i1 to i32
      %cond3A_495 = arith.constant 0 : i32
      %cond3A_496 = arith.cmpi ne, %convert_element_type3A_494, %cond3A_495 : i32
      scf.if %cond3A_496 {
        %add3A_524 = arith.constant 8 : i32
        %add3A_525 = arith.addi %add3A_256, %add3A_524 : i32
        %sub3A = arith.constant 5 : i32
        %sub3A_526 = arith.subi %add3A_525, %sub3A : i32
        %dma_wait3A_527 = arith.constant 3 : i32
        %dma_wait3A_528 = arith.constant 0 : i32
        %dma_wait3A_529 = arith.constant 0 : i32
        %dma_wait3A_530 = tpu.memref_slice %arg9[%dma_wait3A_527, %dma_wait3A_528, %dma_wait3A_529] : memref<10x100x64xf32, #tpu.memory_space<vmem>> -> memref<1x100x64xf32, #tpu.memory_space<vmem>>
        %dma_wait3A_531 = tpu.memref_squeeze %dma_wait3A_530 : memref<1x100x64xf32, #tpu.memory_space<vmem>> -> memref<100x64xf32, #tpu.memory_space<vmem>>
        %dma_wait3A_532 = arith.constant 0 : i32
        %dma_wait3A_533 = tpu.memref_slice %arg7[%sub3A_526, %dma_wait3A_532] : memref<100x100xi32, #tpu.memory_space<vmem>> -> memref<1x100xi32, #tpu.memory_space<vmem>>
        %dma_wait3A_534 = tpu.memref_squeeze %dma_wait3A_533 : memref<1x100xi32, #tpu.memory_space<vmem>> -> memref<100xi32, #tpu.memory_space<vmem>>
        %dma_wait3A_535 = arith.constant 0 : i32
        %dma_wait3A_536 = arith.constant 0 : i32
        %dma_wait3A_537 = tpu.memref_slice %arg2[%dma_wait3A_535, %dma_wait3A_536] : memref<10000x64xf32, #tpu.memory_space<hbm>> -> memref<10000x64xf32, #tpu.memory_space<hbm>>
        tpu.wait_indirect_dma semaphore(%arg14 : memref<!tpu.dma_semaphore, #tpu.memory_space<semaphore_mem>>) src(%dma_wait3A_537 : memref<10000x64xf32, #tpu.memory_space<hbm>>) dst(%dma_wait3A_531 : memref<100x64xf32, #tpu.memory_space<vmem>>)
        %add3A_538 = arith.constant 8 : i32
        %add3A_539 = arith.addi %add3A_256, %add3A_538 : i32
        %sub3A_540 = arith.constant 5 : i32
        %sub3A_541 = arith.subi %add3A_539, %sub3A_540 : i32
        %dma_start3A_542 = arith.constant 3 : i32
        %dma_start3A_543 = arith.constant 0 : i32
        %dma_start3A_544 = arith.constant 0 : i32
        %dma_start3A_545 = tpu.memref_slice %arg9[%dma_start3A_542, %dma_start3A_543, %dma_start3A_544] : memref<10x100x64xf32, #tpu.memory_space<vmem>> -> memref<1x100x64xf32, #tpu.memory_space<vmem>>
        %dma_start3A_546 = tpu.memref_squeeze %dma_start3A_545 : memref<1x100x64xf32, #tpu.memory_space<vmem>> -> memref<100x64xf32, #tpu.memory_space<vmem>>
        %dma_start3A_547 = arith.constant 0 : i32
        %dma_start3A_548 = tpu.memref_slice %arg8[%sub3A_541, %dma_start3A_547] : memref<100x100xi32, #tpu.memory_space<vmem>> -> memref<1x100xi32, #tpu.memory_space<vmem>>
        %dma_start3A_549 = tpu.memref_squeeze %dma_start3A_548 : memref<1x100xi32, #tpu.memory_space<vmem>> -> memref<100xi32, #tpu.memory_space<vmem>>
        %dma_start3A_550 = arith.constant 0 : i32
        %dma_start3A_551 = arith.constant 0 : i32
        %dma_start3A_552 = tpu.memref_slice %arg10[%dma_start3A_550, %dma_start3A_551] : memref<10240x64xf32, #tpu.memory_space<vmem_shared>> -> memref<10240x64xf32, #tpu.memory_space<vmem_shared>>
        tpu.enqueue_indirect_dma source(%dma_start3A_546 : memref<100x64xf32, #tpu.memory_space<vmem>>) target(%dma_start3A_552 : memref<10240x64xf32, #tpu.memory_space<vmem_shared>>) offsets(%dma_start3A_549 : memref<100xi32, #tpu.memory_space<vmem>>) semaphore(%arg24 : memref<!tpu.dma_semaphore, #tpu.memory_space<semaphore_mem>>) {add = true}
      } else {
      }
      %add3A_497 = arith.constant 9 : i32
      %add3A_498 = arith.addi %add3A_256, %add3A_497 : i32
      %ge3A_499 = arith.constant 10 : i32
      %ge3A_500 = arith.cmpi sge, %add3A_498, %ge3A_499 : i32
      %convert_element_type3A_501 = arith.extui %ge3A_500 : i1 to i32
      %cond3A_502 = arith.constant 0 : i32
      %cond3A_503 = arith.cmpi ne, %convert_element_type3A_501, %cond3A_502 : i32
      scf.if %cond3A_503 {
        %add3A_524 = arith.constant 9 : i32
        %add3A_525 = arith.addi %add3A_256, %add3A_524 : i32
        %sub3A = arith.constant 10 : i32
        %sub3A_526 = arith.subi %add3A_525, %sub3A : i32
        %dma_wait3A_527 = arith.constant 9 : i32
        %dma_wait3A_528 = arith.constant 0 : i32
        %dma_wait3A_529 = arith.constant 0 : i32
        %dma_wait3A_530 = tpu.memref_slice %arg9[%dma_wait3A_527, %dma_wait3A_528, %dma_wait3A_529] : memref<10x100x64xf32, #tpu.memory_space<vmem>> -> memref<1x100x64xf32, #tpu.memory_space<vmem>>
        %dma_wait3A_531 = tpu.memref_squeeze %dma_wait3A_530 : memref<1x100x64xf32, #tpu.memory_space<vmem>> -> memref<100x64xf32, #tpu.memory_space<vmem>>
        %dma_wait3A_532 = arith.constant 0 : i32
        %dma_wait3A_533 = tpu.memref_slice %arg8[%sub3A_526, %dma_wait3A_532] : memref<100x100xi32, #tpu.memory_space<vmem>> -> memref<1x100xi32, #tpu.memory_space<vmem>>
        %dma_wait3A_534 = tpu.memref_squeeze %dma_wait3A_533 : memref<1x100xi32, #tpu.memory_space<vmem>> -> memref<100xi32, #tpu.memory_space<vmem>>
        %dma_wait3A_535 = arith.constant 0 : i32
        %dma_wait3A_536 = arith.constant 0 : i32
        %dma_wait3A_537 = tpu.memref_slice %arg10[%dma_wait3A_535, %dma_wait3A_536] : memref<10240x64xf32, #tpu.memory_space<vmem_shared>> -> memref<10240x64xf32, #tpu.memory_space<vmem_shared>>
        tpu.wait_indirect_dma semaphore(%arg30 : memref<!tpu.dma_semaphore, #tpu.memory_space<semaphore_mem>>) src(%dma_wait3A_531 : memref<100x64xf32, #tpu.memory_space<vmem>>) dst(%dma_wait3A_537 : memref<10240x64xf32, #tpu.memory_space<vmem_shared>>)
      } else {
      }
      %add3A_504 = arith.constant 9 : i32
      %add3A_505 = arith.addi %add3A_256, %add3A_504 : i32
      %dma_start3A_506 = arith.constant 9 : i32
      %dma_start3A_507 = arith.constant 0 : i32
      %dma_start3A_508 = arith.constant 0 : i32
      %dma_start3A_509 = tpu.memref_slice %arg9[%dma_start3A_506, %dma_start3A_507, %dma_start3A_508] : memref<10x100x64xf32, #tpu.memory_space<vmem>> -> memref<1x100x64xf32, #tpu.memory_space<vmem>>
      %dma_start3A_510 = tpu.memref_squeeze %dma_start3A_509 : memref<1x100x64xf32, #tpu.memory_space<vmem>> -> memref<100x64xf32, #tpu.memory_space<vmem>>
      %dma_start3A_511 = arith.constant 0 : i32
      %dma_start3A_512 = tpu.memref_slice %arg7[%add3A_505, %dma_start3A_511] : memref<100x100xi32, #tpu.memory_space<vmem>> -> memref<1x100xi32, #tpu.memory_space<vmem>>
      %dma_start3A_513 = tpu.memref_squeeze %dma_start3A_512 : memref<1x100xi32, #tpu.memory_space<vmem>> -> memref<100xi32, #tpu.memory_space<vmem>>
      %dma_start3A_514 = arith.constant 0 : i32
      %dma_start3A_515 = arith.constant 0 : i32
      %dma_start3A_516 = tpu.memref_slice %arg2[%dma_start3A_514, %dma_start3A_515] : memref<10000x64xf32, #tpu.memory_space<hbm>> -> memref<10000x64xf32, #tpu.memory_space<hbm>>
      tpu.enqueue_indirect_dma source(%dma_start3A_516 : memref<10000x64xf32, #tpu.memory_space<hbm>>) target(%dma_start3A_510 : memref<100x64xf32, #tpu.memory_space<vmem>>) offsets(%dma_start3A_513 : memref<100xi32, #tpu.memory_space<vmem>>) semaphore(%arg20 : memref<!tpu.dma_semaphore, #tpu.memory_space<semaphore_mem>>)
      %add3A_517 = arith.constant 9 : i32
      %add3A_518 = arith.addi %add3A_256, %add3A_517 : i32
      %ge3A_519 = arith.constant 5 : i32
      %ge3A_520 = arith.cmpi sge, %add3A_518, %ge3A_519 : i32
      %convert_element_type3A_521 = arith.extui %ge3A_520 : i1 to i32
      %cond3A_522 = arith.constant 0 : i32
      %cond3A_523 = arith.cmpi ne, %convert_element_type3A_521, %cond3A_522 : i32
      scf.if %cond3A_523 {
        %add3A_524 = arith.constant 9 : i32
        %add3A_525 = arith.addi %add3A_256, %add3A_524 : i32
        %sub3A = arith.constant 5 : i32
        %sub3A_526 = arith.subi %add3A_525, %sub3A : i32
        %dma_wait3A_527 = arith.constant 4 : i32
        %dma_wait3A_528 = arith.constant 0 : i32
        %dma_wait3A_529 = arith.constant 0 : i32
        %dma_wait3A_530 = tpu.memref_slice %arg9[%dma_wait3A_527, %dma_wait3A_528, %dma_wait3A_529] : memref<10x100x64xf32, #tpu.memory_space<vmem>> -> memref<1x100x64xf32, #tpu.memory_space<vmem>>
        %dma_wait3A_531 = tpu.memref_squeeze %dma_wait3A_530 : memref<1x100x64xf32, #tpu.memory_space<vmem>> -> memref<100x64xf32, #tpu.memory_space<vmem>>
        %dma_wait3A_532 = arith.constant 0 : i32
        %dma_wait3A_533 = tpu.memref_slice %arg7[%sub3A_526, %dma_wait3A_532] : memref<100x100xi32, #tpu.memory_space<vmem>> -> memref<1x100xi32, #tpu.memory_space<vmem>>
        %dma_wait3A_534 = tpu.memref_squeeze %dma_wait3A_533 : memref<1x100xi32, #tpu.memory_space<vmem>> -> memref<100xi32, #tpu.memory_space<vmem>>
        %dma_wait3A_535 = arith.constant 0 : i32
        %dma_wait3A_536 = arith.constant 0 : i32
        %dma_wait3A_537 = tpu.memref_slice %arg2[%dma_wait3A_535, %dma_wait3A_536] : memref<10000x64xf32, #tpu.memory_space<hbm>> -> memref<10000x64xf32, #tpu.memory_space<hbm>>
        tpu.wait_indirect_dma semaphore(%arg15 : memref<!tpu.dma_semaphore, #tpu.memory_space<semaphore_mem>>) src(%dma_wait3A_537 : memref<10000x64xf32, #tpu.memory_space<hbm>>) dst(%dma_wait3A_531 : memref<100x64xf32, #tpu.memory_space<vmem>>)
        %add3A_538 = arith.constant 9 : i32
        %add3A_539 = arith.addi %add3A_256, %add3A_538 : i32
        %sub3A_540 = arith.constant 5 : i32
        %sub3A_541 = arith.subi %add3A_539, %sub3A_540 : i32
        %dma_start3A_542 = arith.constant 4 : i32
        %dma_start3A_543 = arith.constant 0 : i32
        %dma_start3A_544 = arith.constant 0 : i32
        %dma_start3A_545 = tpu.memref_slice %arg9[%dma_start3A_542, %dma_start3A_543, %dma_start3A_544] : memref<10x100x64xf32, #tpu.memory_space<vmem>> -> memref<1x100x64xf32, #tpu.memory_space<vmem>>
        %dma_start3A_546 = tpu.memref_squeeze %dma_start3A_545 : memref<1x100x64xf32, #tpu.memory_space<vmem>> -> memref<100x64xf32, #tpu.memory_space<vmem>>
        %dma_start3A_547 = arith.constant 0 : i32
        %dma_start3A_548 = tpu.memref_slice %arg8[%sub3A_541, %dma_start3A_547] : memref<100x100xi32, #tpu.memory_space<vmem>> -> memref<1x100xi32, #tpu.memory_space<vmem>>
        %dma_start3A_549 = tpu.memref_squeeze %dma_start3A_548 : memref<1x100xi32, #tpu.memory_space<vmem>> -> memref<100xi32, #tpu.memory_space<vmem>>
        %dma_start3A_550 = arith.constant 0 : i32
        %dma_start3A_551 = arith.constant 0 : i32
        %dma_start3A_552 = tpu.memref_slice %arg10[%dma_start3A_550, %dma_start3A_551] : memref<10240x64xf32, #tpu.memory_space<vmem_shared>> -> memref<10240x64xf32, #tpu.memory_space<vmem_shared>>
        tpu.enqueue_indirect_dma source(%dma_start3A_546 : memref<100x64xf32, #tpu.memory_space<vmem>>) target(%dma_start3A_552 : memref<10240x64xf32, #tpu.memory_space<vmem_shared>>) offsets(%dma_start3A_549 : memref<100xi32, #tpu.memory_space<vmem>>) semaphore(%arg25 : memref<!tpu.dma_semaphore, #tpu.memory_space<semaphore_mem>>) {add = true}
      } else {
      }
    }
    %scan3A_8 = arith.constant 10 : i32
    %dma_wait3A = arith.constant 95 : i32
    %dma_wait3A_9 = arith.constant 5 : i32
    %dma_wait3A_10 = arith.constant 0 : i32
    %dma_wait3A_11 = arith.constant 0 : i32
    %dma_wait3A_12 = tpu.memref_slice %arg9[%dma_wait3A_9, %dma_wait3A_10, %dma_wait3A_11] : memref<10x100x64xf32, #tpu.memory_space<vmem>> -> memref<1x100x64xf32, #tpu.memory_space<vmem>>
    %dma_wait3A_13 = tpu.memref_squeeze %dma_wait3A_12 : memref<1x100x64xf32, #tpu.memory_space<vmem>> -> memref<100x64xf32, #tpu.memory_space<vmem>>
    %dma_wait3A_14 = arith.constant 0 : i32
    %dma_wait3A_15 = tpu.memref_slice %arg7[%dma_wait3A, %dma_wait3A_14] : memref<100x100xi32, #tpu.memory_space<vmem>> -> memref<1x100xi32, #tpu.memory_space<vmem>>
    %dma_wait3A_16 = tpu.memref_squeeze %dma_wait3A_15 : memref<1x100xi32, #tpu.memory_space<vmem>> -> memref<100xi32, #tpu.memory_space<vmem>>
    %dma_wait3A_17 = arith.constant 0 : i32
    %dma_wait3A_18 = arith.constant 0 : i32
    %dma_wait3A_19 = tpu.memref_slice %arg2[%dma_wait3A_17, %dma_wait3A_18] : memref<10000x64xf32, #tpu.memory_space<hbm>> -> memref<10000x64xf32, #tpu.memory_space<hbm>>
    tpu.wait_indirect_dma semaphore(%arg16 : memref<!tpu.dma_semaphore, #tpu.memory_space<semaphore_mem>>) src(%dma_wait3A_19 : memref<10000x64xf32, #tpu.memory_space<hbm>>) dst(%dma_wait3A_13 : memref<100x64xf32, #tpu.memory_space<vmem>>)
    %dma_start3A = arith.constant 5 : i32
    %dma_start3A_20 = arith.constant 95 : i32
    %dma_start3A_21 = arith.constant 0 : i32
    %dma_start3A_22 = arith.constant 0 : i32
    %dma_start3A_23 = tpu.memref_slice %arg9[%dma_start3A, %dma_start3A_21, %dma_start3A_22] : memref<10x100x64xf32, #tpu.memory_space<vmem>> -> memref<1x100x64xf32, #tpu.memory_space<vmem>>
    %dma_start3A_24 = tpu.memref_squeeze %dma_start3A_23 : memref<1x100x64xf32, #tpu.memory_space<vmem>> -> memref<100x64xf32, #tpu.memory_space<vmem>>
    %dma_start3A_25 = arith.constant 0 : i32
    %dma_start3A_26 = tpu.memref_slice %arg8[%dma_start3A_20, %dma_start3A_25] : memref<100x100xi32, #tpu.memory_space<vmem>> -> memref<1x100xi32, #tpu.memory_space<vmem>>
    %dma_start3A_27 = tpu.memref_squeeze %dma_start3A_26 : memref<1x100xi32, #tpu.memory_space<vmem>> -> memref<100xi32, #tpu.memory_space<vmem>>
    %dma_start3A_28 = arith.constant 0 : i32
    %dma_start3A_29 = arith.constant 0 : i32
    %dma_start3A_30 = tpu.memref_slice %arg10[%dma_start3A_28, %dma_start3A_29] : memref<10240x64xf32, #tpu.memory_space<vmem_shared>> -> memref<10240x64xf32, #tpu.memory_space<vmem_shared>>
    tpu.enqueue_indirect_dma source(%dma_start3A_24 : memref<100x64xf32, #tpu.memory_space<vmem>>) target(%dma_start3A_30 : memref<10240x64xf32, #tpu.memory_space<vmem_shared>>) offsets(%dma_start3A_27 : memref<100xi32, #tpu.memory_space<vmem>>) semaphore(%arg26 : memref<!tpu.dma_semaphore, #tpu.memory_space<semaphore_mem>>) {add = true}
    %dma_wait3A_31 = arith.constant 96 : i32
    %dma_wait3A_32 = arith.constant 6 : i32
    %dma_wait3A_33 = arith.constant 0 : i32
    %dma_wait3A_34 = arith.constant 0 : i32
    %dma_wait3A_35 = tpu.memref_slice %arg9[%dma_wait3A_32, %dma_wait3A_33, %dma_wait3A_34] : memref<10x100x64xf32, #tpu.memory_space<vmem>> -> memref<1x100x64xf32, #tpu.memory_space<vmem>>
    %dma_wait3A_36 = tpu.memref_squeeze %dma_wait3A_35 : memref<1x100x64xf32, #tpu.memory_space<vmem>> -> memref<100x64xf32, #tpu.memory_space<vmem>>
    %dma_wait3A_37 = arith.constant 0 : i32
    %dma_wait3A_38 = tpu.memref_slice %arg7[%dma_wait3A_31, %dma_wait3A_37] : memref<100x100xi32, #tpu.memory_space<vmem>> -> memref<1x100xi32, #tpu.memory_space<vmem>>
    %dma_wait3A_39 = tpu.memref_squeeze %dma_wait3A_38 : memref<1x100xi32, #tpu.memory_space<vmem>> -> memref<100xi32, #tpu.memory_space<vmem>>
    %dma_wait3A_40 = arith.constant 0 : i32
    %dma_wait3A_41 = arith.constant 0 : i32
    %dma_wait3A_42 = tpu.memref_slice %arg2[%dma_wait3A_40, %dma_wait3A_41] : memref<10000x64xf32, #tpu.memory_space<hbm>> -> memref<10000x64xf32, #tpu.memory_space<hbm>>
    tpu.wait_indirect_dma semaphore(%arg17 : memref<!tpu.dma_semaphore, #tpu.memory_space<semaphore_mem>>) src(%dma_wait3A_42 : memref<10000x64xf32, #tpu.memory_space<hbm>>) dst(%dma_wait3A_36 : memref<100x64xf32, #tpu.memory_space<vmem>>)
    %dma_start3A_43 = arith.constant 6 : i32
    %dma_start3A_44 = arith.constant 96 : i32
    %dma_start3A_45 = arith.constant 0 : i32
    %dma_start3A_46 = arith.constant 0 : i32
    %dma_start3A_47 = tpu.memref_slice %arg9[%dma_start3A_43, %dma_start3A_45, %dma_start3A_46] : memref<10x100x64xf32, #tpu.memory_space<vmem>> -> memref<1x100x64xf32, #tpu.memory_space<vmem>>
    %dma_start3A_48 = tpu.memref_squeeze %dma_start3A_47 : memref<1x100x64xf32, #tpu.memory_space<vmem>> -> memref<100x64xf32, #tpu.memory_space<vmem>>
    %dma_start3A_49 = arith.constant 0 : i32
    %dma_start3A_50 = tpu.memref_slice %arg8[%dma_start3A_44, %dma_start3A_49] : memref<100x100xi32, #tpu.memory_space<vmem>> -> memref<1x100xi32, #tpu.memory_space<vmem>>
    %dma_start3A_51 = tpu.memref_squeeze %dma_start3A_50 : memref<1x100xi32, #tpu.memory_space<vmem>> -> memref<100xi32, #tpu.memory_space<vmem>>
    %dma_start3A_52 = arith.constant 0 : i32
    %dma_start3A_53 = arith.constant 0 : i32
    %dma_start3A_54 = tpu.memref_slice %arg10[%dma_start3A_52, %dma_start3A_53] : memref<10240x64xf32, #tpu.memory_space<vmem_shared>> -> memref<10240x64xf32, #tpu.memory_space<vmem_shared>>
    tpu.enqueue_indirect_dma source(%dma_start3A_48 : memref<100x64xf32, #tpu.memory_space<vmem>>) target(%dma_start3A_54 : memref<10240x64xf32, #tpu.memory_space<vmem_shared>>) offsets(%dma_start3A_51 : memref<100xi32, #tpu.memory_space<vmem>>) semaphore(%arg27 : memref<!tpu.dma_semaphore, #tpu.memory_space<semaphore_mem>>) {add = true}
    %dma_wait3A_55 = arith.constant 97 : i32
    %dma_wait3A_56 = arith.constant 7 : i32
    %dma_wait3A_57 = arith.constant 0 : i32
    %dma_wait3A_58 = arith.constant 0 : i32
    %dma_wait3A_59 = tpu.memref_slice %arg9[%dma_wait3A_56, %dma_wait3A_57, %dma_wait3A_58] : memref<10x100x64xf32, #tpu.memory_space<vmem>> -> memref<1x100x64xf32, #tpu.memory_space<vmem>>
    %dma_wait3A_60 = tpu.memref_squeeze %dma_wait3A_59 : memref<1x100x64xf32, #tpu.memory_space<vmem>> -> memref<100x64xf32, #tpu.memory_space<vmem>>
    %dma_wait3A_61 = arith.constant 0 : i32
    %dma_wait3A_62 = tpu.memref_slice %arg7[%dma_wait3A_55, %dma_wait3A_61] : memref<100x100xi32, #tpu.memory_space<vmem>> -> memref<1x100xi32, #tpu.memory_space<vmem>>
    %dma_wait3A_63 = tpu.memref_squeeze %dma_wait3A_62 : memref<1x100xi32, #tpu.memory_space<vmem>> -> memref<100xi32, #tpu.memory_space<vmem>>
    %dma_wait3A_64 = arith.constant 0 : i32
    %dma_wait3A_65 = arith.constant 0 : i32
    %dma_wait3A_66 = tpu.memref_slice %arg2[%dma_wait3A_64, %dma_wait3A_65] : memref<10000x64xf32, #tpu.memory_space<hbm>> -> memref<10000x64xf32, #tpu.memory_space<hbm>>
    tpu.wait_indirect_dma semaphore(%arg18 : memref<!tpu.dma_semaphore, #tpu.memory_space<semaphore_mem>>) src(%dma_wait3A_66 : memref<10000x64xf32, #tpu.memory_space<hbm>>) dst(%dma_wait3A_60 : memref<100x64xf32, #tpu.memory_space<vmem>>)
    %dma_start3A_67 = arith.constant 7 : i32
    %dma_start3A_68 = arith.constant 97 : i32
    %dma_start3A_69 = arith.constant 0 : i32
    %dma_start3A_70 = arith.constant 0 : i32
    %dma_start3A_71 = tpu.memref_slice %arg9[%dma_start3A_67, %dma_start3A_69, %dma_start3A_70] : memref<10x100x64xf32, #tpu.memory_space<vmem>> -> memref<1x100x64xf32, #tpu.memory_space<vmem>>
    %dma_start3A_72 = tpu.memref_squeeze %dma_start3A_71 : memref<1x100x64xf32, #tpu.memory_space<vmem>> -> memref<100x64xf32, #tpu.memory_space<vmem>>
    %dma_start3A_73 = arith.constant 0 : i32
    %dma_start3A_74 = tpu.memref_slice %arg8[%dma_start3A_68, %dma_start3A_73] : memref<100x100xi32, #tpu.memory_space<vmem>> -> memref<1x100xi32, #tpu.memory_space<vmem>>
    %dma_start3A_75 = tpu.memref_squeeze %dma_start3A_74 : memref<1x100xi32, #tpu.memory_space<vmem>> -> memref<100xi32, #tpu.memory_space<vmem>>
    %dma_start3A_76 = arith.constant 0 : i32
    %dma_start3A_77 = arith.constant 0 : i32
    %dma_start3A_78 = tpu.memref_slice %arg10[%dma_start3A_76, %dma_start3A_77] : memref<10240x64xf32, #tpu.memory_space<vmem_shared>> -> memref<10240x64xf32, #tpu.memory_space<vmem_shared>>
    tpu.enqueue_indirect_dma source(%dma_start3A_72 : memref<100x64xf32, #tpu.memory_space<vmem>>) target(%dma_start3A_78 : memref<10240x64xf32, #tpu.memory_space<vmem_shared>>) offsets(%dma_start3A_75 : memref<100xi32, #tpu.memory_space<vmem>>) semaphore(%arg28 : memref<!tpu.dma_semaphore, #tpu.memory_space<semaphore_mem>>) {add = true}
    %dma_wait3A_79 = arith.constant 98 : i32
    %dma_wait3A_80 = arith.constant 8 : i32
    %dma_wait3A_81 = arith.constant 0 : i32
    %dma_wait3A_82 = arith.constant 0 : i32
    %dma_wait3A_83 = tpu.memref_slice %arg9[%dma_wait3A_80, %dma_wait3A_81, %dma_wait3A_82] : memref<10x100x64xf32, #tpu.memory_space<vmem>> -> memref<1x100x64xf32, #tpu.memory_space<vmem>>
    %dma_wait3A_84 = tpu.memref_squeeze %dma_wait3A_83 : memref<1x100x64xf32, #tpu.memory_space<vmem>> -> memref<100x64xf32, #tpu.memory_space<vmem>>
    %dma_wait3A_85 = arith.constant 0 : i32
    %dma_wait3A_86 = tpu.memref_slice %arg7[%dma_wait3A_79, %dma_wait3A_85] : memref<100x100xi32, #tpu.memory_space<vmem>> -> memref<1x100xi32, #tpu.memory_space<vmem>>
    %dma_wait3A_87 = tpu.memref_squeeze %dma_wait3A_86 : memref<1x100xi32, #tpu.memory_space<vmem>> -> memref<100xi32, #tpu.memory_space<vmem>>
    %dma_wait3A_88 = arith.constant 0 : i32
    %dma_wait3A_89 = arith.constant 0 : i32
    %dma_wait3A_90 = tpu.memref_slice %arg2[%dma_wait3A_88, %dma_wait3A_89] : memref<10000x64xf32, #tpu.memory_space<hbm>> -> memref<10000x64xf32, #tpu.memory_space<hbm>>
    tpu.wait_indirect_dma semaphore(%arg19 : memref<!tpu.dma_semaphore, #tpu.memory_space<semaphore_mem>>) src(%dma_wait3A_90 : memref<10000x64xf32, #tpu.memory_space<hbm>>) dst(%dma_wait3A_84 : memref<100x64xf32, #tpu.memory_space<vmem>>)
    %dma_start3A_91 = arith.constant 8 : i32
    %dma_start3A_92 = arith.constant 98 : i32
    %dma_start3A_93 = arith.constant 0 : i32
    %dma_start3A_94 = arith.constant 0 : i32
    %dma_start3A_95 = tpu.memref_slice %arg9[%dma_start3A_91, %dma_start3A_93, %dma_start3A_94] : memref<10x100x64xf32, #tpu.memory_space<vmem>> -> memref<1x100x64xf32, #tpu.memory_space<vmem>>
    %dma_start3A_96 = tpu.memref_squeeze %dma_start3A_95 : memref<1x100x64xf32, #tpu.memory_space<vmem>> -> memref<100x64xf32, #tpu.memory_space<vmem>>
    %dma_start3A_97 = arith.constant 0 : i32
    %dma_start3A_98 = tpu.memref_slice %arg8[%dma_start3A_92, %dma_start3A_97] : memref<100x100xi32, #tpu.memory_space<vmem>> -> memref<1x100xi32, #tpu.memory_space<vmem>>
    %dma_start3A_99 = tpu.memref_squeeze %dma_start3A_98 : memref<1x100xi32, #tpu.memory_space<vmem>> -> memref<100xi32, #tpu.memory_space<vmem>>
    %dma_start3A_100 = arith.constant 0 : i32
    %dma_start3A_101 = arith.constant 0 : i32
    %dma_start3A_102 = tpu.memref_slice %arg10[%dma_start3A_100, %dma_start3A_101] : memref<10240x64xf32, #tpu.memory_space<vmem_shared>> -> memref<10240x64xf32, #tpu.memory_space<vmem_shared>>
    tpu.enqueue_indirect_dma source(%dma_start3A_96 : memref<100x64xf32, #tpu.memory_space<vmem>>) target(%dma_start3A_102 : memref<10240x64xf32, #tpu.memory_space<vmem_shared>>) offsets(%dma_start3A_99 : memref<100xi32, #tpu.memory_space<vmem>>) semaphore(%arg29 : memref<!tpu.dma_semaphore, #tpu.memory_space<semaphore_mem>>) {add = true}
    %dma_wait3A_103 = arith.constant 99 : i32
    %dma_wait3A_104 = arith.constant 9 : i32
    %dma_wait3A_105 = arith.constant 0 : i32
    %dma_wait3A_106 = arith.constant 0 : i32
    %dma_wait3A_107 = tpu.memref_slice %arg9[%dma_wait3A_104, %dma_wait3A_105, %dma_wait3A_106] : memref<10x100x64xf32, #tpu.memory_space<vmem>> -> memref<1x100x64xf32, #tpu.memory_space<vmem>>
    %dma_wait3A_108 = tpu.memref_squeeze %dma_wait3A_107 : memref<1x100x64xf32, #tpu.memory_space<vmem>> -> memref<100x64xf32, #tpu.memory_space<vmem>>
    %dma_wait3A_109 = arith.constant 0 : i32
    %dma_wait3A_110 = tpu.memref_slice %arg7[%dma_wait3A_103, %dma_wait3A_109] : memref<100x100xi32, #tpu.memory_space<vmem>> -> memref<1x100xi32, #tpu.memory_space<vmem>>
    %dma_wait3A_111 = tpu.memref_squeeze %dma_wait3A_110 : memref<1x100xi32, #tpu.memory_space<vmem>> -> memref<100xi32, #tpu.memory_space<vmem>>
    %dma_wait3A_112 = arith.constant 0 : i32
    %dma_wait3A_113 = arith.constant 0 : i32
    %dma_wait3A_114 = tpu.memref_slice %arg2[%dma_wait3A_112, %dma_wait3A_113] : memref<10000x64xf32, #tpu.memory_space<hbm>> -> memref<10000x64xf32, #tpu.memory_space<hbm>>
    tpu.wait_indirect_dma semaphore(%arg20 : memref<!tpu.dma_semaphore, #tpu.memory_space<semaphore_mem>>) src(%dma_wait3A_114 : memref<10000x64xf32, #tpu.memory_space<hbm>>) dst(%dma_wait3A_108 : memref<100x64xf32, #tpu.memory_space<vmem>>)
    %dma_start3A_115 = arith.constant 9 : i32
    %dma_start3A_116 = arith.constant 99 : i32
    %dma_start3A_117 = arith.constant 0 : i32
    %dma_start3A_118 = arith.constant 0 : i32
    %dma_start3A_119 = tpu.memref_slice %arg9[%dma_start3A_115, %dma_start3A_117, %dma_start3A_118] : memref<10x100x64xf32, #tpu.memory_space<vmem>> -> memref<1x100x64xf32, #tpu.memory_space<vmem>>
    %dma_start3A_120 = tpu.memref_squeeze %dma_start3A_119 : memref<1x100x64xf32, #tpu.memory_space<vmem>> -> memref<100x64xf32, #tpu.memory_space<vmem>>
    %dma_start3A_121 = arith.constant 0 : i32
    %dma_start3A_122 = tpu.memref_slice %arg8[%dma_start3A_116, %dma_start3A_121] : memref<100x100xi32, #tpu.memory_space<vmem>> -> memref<1x100xi32, #tpu.memory_space<vmem>>
    %dma_start3A_123 = tpu.memref_squeeze %dma_start3A_122 : memref<1x100xi32, #tpu.memory_space<vmem>> -> memref<100xi32, #tpu.memory_space<vmem>>
    %dma_start3A_124 = arith.constant 0 : i32
    %dma_start3A_125 = arith.constant 0 : i32
    %dma_start3A_126 = tpu.memref_slice %arg10[%dma_start3A_124, %dma_start3A_125] : memref<10240x64xf32, #tpu.memory_space<vmem_shared>> -> memref<10240x64xf32, #tpu.memory_space<vmem_shared>>
    tpu.enqueue_indirect_dma source(%dma_start3A_120 : memref<100x64xf32, #tpu.memory_space<vmem>>) target(%dma_start3A_126 : memref<10240x64xf32, #tpu.memory_space<vmem_shared>>) offsets(%dma_start3A_123 : memref<100xi32, #tpu.memory_space<vmem>>) semaphore(%arg30 : memref<!tpu.dma_semaphore, #tpu.memory_space<semaphore_mem>>) {add = true}
    %dma_wait3A_127 = arith.constant 0 : i32
    %dma_wait3A_128 = arith.constant 90 : i32
    %dma_wait3A_129 = arith.constant 0 : i32
    %dma_wait3A_130 = arith.constant 0 : i32
    %dma_wait3A_131 = tpu.memref_slice %arg9[%dma_wait3A_127, %dma_wait3A_129, %dma_wait3A_130] : memref<10x100x64xf32, #tpu.memory_space<vmem>> -> memref<1x100x64xf32, #tpu.memory_space<vmem>>
    %dma_wait3A_132 = tpu.memref_squeeze %dma_wait3A_131 : memref<1x100x64xf32, #tpu.memory_space<vmem>> -> memref<100x64xf32, #tpu.memory_space<vmem>>
    %dma_wait3A_133 = arith.constant 0 : i32
    %dma_wait3A_134 = tpu.memref_slice %arg8[%dma_wait3A_128, %dma_wait3A_133] : memref<100x100xi32, #tpu.memory_space<vmem>> -> memref<1x100xi32, #tpu.memory_space<vmem>>
    %dma_wait3A_135 = tpu.memref_squeeze %dma_wait3A_134 : memref<1x100xi32, #tpu.memory_space<vmem>> -> memref<100xi32, #tpu.memory_space<vmem>>
    %dma_wait3A_136 = arith.constant 0 : i32
    %dma_wait3A_137 = arith.constant 0 : i32
    %dma_wait3A_138 = tpu.memref_slice %arg10[%dma_wait3A_136, %dma_wait3A_137] : memref<10240x64xf32, #tpu.memory_space<vmem_shared>> -> memref<10240x64xf32, #tpu.memory_space<vmem_shared>>
    tpu.wait_indirect_dma semaphore(%arg21 : memref<!tpu.dma_semaphore, #tpu.memory_space<semaphore_mem>>) src(%dma_wait3A_132 : memref<100x64xf32, #tpu.memory_space<vmem>>) dst(%dma_wait3A_138 : memref<10240x64xf32, #tpu.memory_space<vmem_shared>>)
    %dma_wait3A_139 = arith.constant 1 : i32
    %dma_wait3A_140 = arith.constant 91 : i32
    %dma_wait3A_141 = arith.constant 0 : i32
    %dma_wait3A_142 = arith.constant 0 : i32
    %dma_wait3A_143 = tpu.memref_slice %arg9[%dma_wait3A_139, %dma_wait3A_141, %dma_wait3A_142] : memref<10x100x64xf32, #tpu.memory_space<vmem>> -> memref<1x100x64xf32, #tpu.memory_space<vmem>>
    %dma_wait3A_144 = tpu.memref_squeeze %dma_wait3A_143 : memref<1x100x64xf32, #tpu.memory_space<vmem>> -> memref<100x64xf32, #tpu.memory_space<vmem>>
    %dma_wait3A_145 = arith.constant 0 : i32
    %dma_wait3A_146 = tpu.memref_slice %arg8[%dma_wait3A_140, %dma_wait3A_145] : memref<100x100xi32, #tpu.memory_space<vmem>> -> memref<1x100xi32, #tpu.memory_space<vmem>>
    %dma_wait3A_147 = tpu.memref_squeeze %dma_wait3A_146 : memref<1x100xi32, #tpu.memory_space<vmem>> -> memref<100xi32, #tpu.memory_space<vmem>>
    %dma_wait3A_148 = arith.constant 0 : i32
    %dma_wait3A_149 = arith.constant 0 : i32
    %dma_wait3A_150 = tpu.memref_slice %arg10[%dma_wait3A_148, %dma_wait3A_149] : memref<10240x64xf32, #tpu.memory_space<vmem_shared>> -> memref<10240x64xf32, #tpu.memory_space<vmem_shared>>
    tpu.wait_indirect_dma semaphore(%arg22 : memref<!tpu.dma_semaphore, #tpu.memory_space<semaphore_mem>>) src(%dma_wait3A_144 : memref<100x64xf32, #tpu.memory_space<vmem>>) dst(%dma_wait3A_150 : memref<10240x64xf32, #tpu.memory_space<vmem_shared>>)
    %dma_wait3A_151 = arith.constant 2 : i32
    %dma_wait3A_152 = arith.constant 92 : i32
    %dma_wait3A_153 = arith.constant 0 : i32
    %dma_wait3A_154 = arith.constant 0 : i32
    %dma_wait3A_155 = tpu.memref_slice %arg9[%dma_wait3A_151, %dma_wait3A_153, %dma_wait3A_154] : memref<10x100x64xf32, #tpu.memory_space<vmem>> -> memref<1x100x64xf32, #tpu.memory_space<vmem>>
    %dma_wait3A_156 = tpu.memref_squeeze %dma_wait3A_155 : memref<1x100x64xf32, #tpu.memory_space<vmem>> -> memref<100x64xf32, #tpu.memory_space<vmem>>
    %dma_wait3A_157 = arith.constant 0 : i32
    %dma_wait3A_158 = tpu.memref_slice %arg8[%dma_wait3A_152, %dma_wait3A_157] : memref<100x100xi32, #tpu.memory_space<vmem>> -> memref<1x100xi32, #tpu.memory_space<vmem>>
    %dma_wait3A_159 = tpu.memref_squeeze %dma_wait3A_158 : memref<1x100xi32, #tpu.memory_space<vmem>> -> memref<100xi32, #tpu.memory_space<vmem>>
    %dma_wait3A_160 = arith.constant 0 : i32
    %dma_wait3A_161 = arith.constant 0 : i32
    %dma_wait3A_162 = tpu.memref_slice %arg10[%dma_wait3A_160, %dma_wait3A_161] : memref<10240x64xf32, #tpu.memory_space<vmem_shared>> -> memref<10240x64xf32, #tpu.memory_space<vmem_shared>>
    tpu.wait_indirect_dma semaphore(%arg23 : memref<!tpu.dma_semaphore, #tpu.memory_space<semaphore_mem>>) src(%dma_wait3A_156 : memref<100x64xf32, #tpu.memory_space<vmem>>) dst(%dma_wait3A_162 : memref<10240x64xf32, #tpu.memory_space<vmem_shared>>)
    %dma_wait3A_163 = arith.constant 3 : i32
    %dma_wait3A_164 = arith.constant 93 : i32
    %dma_wait3A_165 = arith.constant 0 : i32
    %dma_wait3A_166 = arith.constant 0 : i32
    %dma_wait3A_167 = tpu.memref_slice %arg9[%dma_wait3A_163, %dma_wait3A_165, %dma_wait3A_166] : memref<10x100x64xf32, #tpu.memory_space<vmem>> -> memref<1x100x64xf32, #tpu.memory_space<vmem>>
    %dma_wait3A_168 = tpu.memref_squeeze %dma_wait3A_167 : memref<1x100x64xf32, #tpu.memory_space<vmem>> -> memref<100x64xf32, #tpu.memory_space<vmem>>
    %dma_wait3A_169 = arith.constant 0 : i32
    %dma_wait3A_170 = tpu.memref_slice %arg8[%dma_wait3A_164, %dma_wait3A_169] : memref<100x100xi32, #tpu.memory_space<vmem>> -> memref<1x100xi32, #tpu.memory_space<vmem>>
    %dma_wait3A_171 = tpu.memref_squeeze %dma_wait3A_170 : memref<1x100xi32, #tpu.memory_space<vmem>> -> memref<100xi32, #tpu.memory_space<vmem>>
    %dma_wait3A_172 = arith.constant 0 : i32
    %dma_wait3A_173 = arith.constant 0 : i32
    %dma_wait3A_174 = tpu.memref_slice %arg10[%dma_wait3A_172, %dma_wait3A_173] : memref<10240x64xf32, #tpu.memory_space<vmem_shared>> -> memref<10240x64xf32, #tpu.memory_space<vmem_shared>>
    tpu.wait_indirect_dma semaphore(%arg24 : memref<!tpu.dma_semaphore, #tpu.memory_space<semaphore_mem>>) src(%dma_wait3A_168 : memref<100x64xf32, #tpu.memory_space<vmem>>) dst(%dma_wait3A_174 : memref<10240x64xf32, #tpu.memory_space<vmem_shared>>)
    %dma_wait3A_175 = arith.constant 4 : i32
    %dma_wait3A_176 = arith.constant 94 : i32
    %dma_wait3A_177 = arith.constant 0 : i32
    %dma_wait3A_178 = arith.constant 0 : i32
    %dma_wait3A_179 = tpu.memref_slice %arg9[%dma_wait3A_175, %dma_wait3A_177, %dma_wait3A_178] : memref<10x100x64xf32, #tpu.memory_space<vmem>> -> memref<1x100x64xf32, #tpu.memory_space<vmem>>
    %dma_wait3A_180 = tpu.memref_squeeze %dma_wait3A_179 : memref<1x100x64xf32, #tpu.memory_space<vmem>> -> memref<100x64xf32, #tpu.memory_space<vmem>>
    %dma_wait3A_181 = arith.constant 0 : i32
    %dma_wait3A_182 = tpu.memref_slice %arg8[%dma_wait3A_176, %dma_wait3A_181] : memref<100x100xi32, #tpu.memory_space<vmem>> -> memref<1x100xi32, #tpu.memory_space<vmem>>
    %dma_wait3A_183 = tpu.memref_squeeze %dma_wait3A_182 : memref<1x100xi32, #tpu.memory_space<vmem>> -> memref<100xi32, #tpu.memory_space<vmem>>
    %dma_wait3A_184 = arith.constant 0 : i32
    %dma_wait3A_185 = arith.constant 0 : i32
    %dma_wait3A_186 = tpu.memref_slice %arg10[%dma_wait3A_184, %dma_wait3A_185] : memref<10240x64xf32, #tpu.memory_space<vmem_shared>> -> memref<10240x64xf32, #tpu.memory_space<vmem_shared>>
    tpu.wait_indirect_dma semaphore(%arg25 : memref<!tpu.dma_semaphore, #tpu.memory_space<semaphore_mem>>) src(%dma_wait3A_180 : memref<100x64xf32, #tpu.memory_space<vmem>>) dst(%dma_wait3A_186 : memref<10240x64xf32, #tpu.memory_space<vmem_shared>>)
    %dma_wait3A_187 = arith.constant 5 : i32
    %dma_wait3A_188 = arith.constant 95 : i32
    %dma_wait3A_189 = arith.constant 0 : i32
    %dma_wait3A_190 = arith.constant 0 : i32
    %dma_wait3A_191 = tpu.memref_slice %arg9[%dma_wait3A_187, %dma_wait3A_189, %dma_wait3A_190] : memref<10x100x64xf32, #tpu.memory_space<vmem>> -> memref<1x100x64xf32, #tpu.memory_space<vmem>>
    %dma_wait3A_192 = tpu.memref_squeeze %dma_wait3A_191 : memref<1x100x64xf32, #tpu.memory_space<vmem>> -> memref<100x64xf32, #tpu.memory_space<vmem>>
    %dma_wait3A_193 = arith.constant 0 : i32
    %dma_wait3A_194 = tpu.memref_slice %arg8[%dma_wait3A_188, %dma_wait3A_193] : memref<100x100xi32, #tpu.memory_space<vmem>> -> memref<1x100xi32, #tpu.memory_space<vmem>>
    %dma_wait3A_195 = tpu.memref_squeeze %dma_wait3A_194 : memref<1x100xi32, #tpu.memory_space<vmem>> -> memref<100xi32, #tpu.memory_space<vmem>>
    %dma_wait3A_196 = arith.constant 0 : i32
    %dma_wait3A_197 = arith.constant 0 : i32
    %dma_wait3A_198 = tpu.memref_slice %arg10[%dma_wait3A_196, %dma_wait3A_197] : memref<10240x64xf32, #tpu.memory_space<vmem_shared>> -> memref<10240x64xf32, #tpu.memory_space<vmem_shared>>
    tpu.wait_indirect_dma semaphore(%arg26 : memref<!tpu.dma_semaphore, #tpu.memory_space<semaphore_mem>>) src(%dma_wait3A_192 : memref<100x64xf32, #tpu.memory_space<vmem>>) dst(%dma_wait3A_198 : memref<10240x64xf32, #tpu.memory_space<vmem_shared>>)
    %dma_wait3A_199 = arith.constant 6 : i32
    %dma_wait3A_200 = arith.constant 96 : i32
    %dma_wait3A_201 = arith.constant 0 : i32
    %dma_wait3A_202 = arith.constant 0 : i32
    %dma_wait3A_203 = tpu.memref_slice %arg9[%dma_wait3A_199, %dma_wait3A_201, %dma_wait3A_202] : memref<10x100x64xf32, #tpu.memory_space<vmem>> -> memref<1x100x64xf32, #tpu.memory_space<vmem>>
    %dma_wait3A_204 = tpu.memref_squeeze %dma_wait3A_203 : memref<1x100x64xf32, #tpu.memory_space<vmem>> -> memref<100x64xf32, #tpu.memory_space<vmem>>
    %dma_wait3A_205 = arith.constant 0 : i32
    %dma_wait3A_206 = tpu.memref_slice %arg8[%dma_wait3A_200, %dma_wait3A_205] : memref<100x100xi32, #tpu.memory_space<vmem>> -> memref<1x100xi32, #tpu.memory_space<vmem>>
    %dma_wait3A_207 = tpu.memref_squeeze %dma_wait3A_206 : memref<1x100xi32, #tpu.memory_space<vmem>> -> memref<100xi32, #tpu.memory_space<vmem>>
    %dma_wait3A_208 = arith.constant 0 : i32
    %dma_wait3A_209 = arith.constant 0 : i32
    %dma_wait3A_210 = tpu.memref_slice %arg10[%dma_wait3A_208, %dma_wait3A_209] : memref<10240x64xf32, #tpu.memory_space<vmem_shared>> -> memref<10240x64xf32, #tpu.memory_space<vmem_shared>>
    tpu.wait_indirect_dma semaphore(%arg27 : memref<!tpu.dma_semaphore, #tpu.memory_space<semaphore_mem>>) src(%dma_wait3A_204 : memref<100x64xf32, #tpu.memory_space<vmem>>) dst(%dma_wait3A_210 : memref<10240x64xf32, #tpu.memory_space<vmem_shared>>)
    %dma_wait3A_211 = arith.constant 7 : i32
    %dma_wait3A_212 = arith.constant 97 : i32
    %dma_wait3A_213 = arith.constant 0 : i32
    %dma_wait3A_214 = arith.constant 0 : i32
    %dma_wait3A_215 = tpu.memref_slice %arg9[%dma_wait3A_211, %dma_wait3A_213, %dma_wait3A_214] : memref<10x100x64xf32, #tpu.memory_space<vmem>> -> memref<1x100x64xf32, #tpu.memory_space<vmem>>
    %dma_wait3A_216 = tpu.memref_squeeze %dma_wait3A_215 : memref<1x100x64xf32, #tpu.memory_space<vmem>> -> memref<100x64xf32, #tpu.memory_space<vmem>>
    %dma_wait3A_217 = arith.constant 0 : i32
    %dma_wait3A_218 = tpu.memref_slice %arg8[%dma_wait3A_212, %dma_wait3A_217] : memref<100x100xi32, #tpu.memory_space<vmem>> -> memref<1x100xi32, #tpu.memory_space<vmem>>
    %dma_wait3A_219 = tpu.memref_squeeze %dma_wait3A_218 : memref<1x100xi32, #tpu.memory_space<vmem>> -> memref<100xi32, #tpu.memory_space<vmem>>
    %dma_wait3A_220 = arith.constant 0 : i32
    %dma_wait3A_221 = arith.constant 0 : i32
    %dma_wait3A_222 = tpu.memref_slice %arg10[%dma_wait3A_220, %dma_wait3A_221] : memref<10240x64xf32, #tpu.memory_space<vmem_shared>> -> memref<10240x64xf32, #tpu.memory_space<vmem_shared>>
    tpu.wait_indirect_dma semaphore(%arg28 : memref<!tpu.dma_semaphore, #tpu.memory_space<semaphore_mem>>) src(%dma_wait3A_216 : memref<100x64xf32, #tpu.memory_space<vmem>>) dst(%dma_wait3A_222 : memref<10240x64xf32, #tpu.memory_space<vmem_shared>>)
    %dma_wait3A_223 = arith.constant 8 : i32
    %dma_wait3A_224 = arith.constant 98 : i32
    %dma_wait3A_225 = arith.constant 0 : i32
    %dma_wait3A_226 = arith.constant 0 : i32
    %dma_wait3A_227 = tpu.memref_slice %arg9[%dma_wait3A_223, %dma_wait3A_225, %dma_wait3A_226] : memref<10x100x64xf32, #tpu.memory_space<vmem>> -> memref<1x100x64xf32, #tpu.memory_space<vmem>>
    %dma_wait3A_228 = tpu.memref_squeeze %dma_wait3A_227 : memref<1x100x64xf32, #tpu.memory_space<vmem>> -> memref<100x64xf32, #tpu.memory_space<vmem>>
    %dma_wait3A_229 = arith.constant 0 : i32
    %dma_wait3A_230 = tpu.memref_slice %arg8[%dma_wait3A_224, %dma_wait3A_229] : memref<100x100xi32, #tpu.memory_space<vmem>> -> memref<1x100xi32, #tpu.memory_space<vmem>>
    %dma_wait3A_231 = tpu.memref_squeeze %dma_wait3A_230 : memref<1x100xi32, #tpu.memory_space<vmem>> -> memref<100xi32, #tpu.memory_space<vmem>>
    %dma_wait3A_232 = arith.constant 0 : i32
    %dma_wait3A_233 = arith.constant 0 : i32
    %dma_wait3A_234 = tpu.memref_slice %arg10[%dma_wait3A_232, %dma_wait3A_233] : memref<10240x64xf32, #tpu.memory_space<vmem_shared>> -> memref<10240x64xf32, #tpu.memory_space<vmem_shared>>
    tpu.wait_indirect_dma semaphore(%arg29 : memref<!tpu.dma_semaphore, #tpu.memory_space<semaphore_mem>>) src(%dma_wait3A_228 : memref<100x64xf32, #tpu.memory_space<vmem>>) dst(%dma_wait3A_234 : memref<10240x64xf32, #tpu.memory_space<vmem_shared>>)
    %dma_wait3A_235 = arith.constant 9 : i32
    %dma_wait3A_236 = arith.constant 99 : i32
    %dma_wait3A_237 = arith.constant 0 : i32
    %dma_wait3A_238 = arith.constant 0 : i32
    %dma_wait3A_239 = tpu.memref_slice %arg9[%dma_wait3A_235, %dma_wait3A_237, %dma_wait3A_238] : memref<10x100x64xf32, #tpu.memory_space<vmem>> -> memref<1x100x64xf32, #tpu.memory_space<vmem>>
    %dma_wait3A_240 = tpu.memref_squeeze %dma_wait3A_239 : memref<1x100x64xf32, #tpu.memory_space<vmem>> -> memref<100x64xf32, #tpu.memory_space<vmem>>
    %dma_wait3A_241 = arith.constant 0 : i32
    %dma_wait3A_242 = tpu.memref_slice %arg8[%dma_wait3A_236, %dma_wait3A_241] : memref<100x100xi32, #tpu.memory_space<vmem>> -> memref<1x100xi32, #tpu.memory_space<vmem>>
    %dma_wait3A_243 = tpu.memref_squeeze %dma_wait3A_242 : memref<1x100xi32, #tpu.memory_space<vmem>> -> memref<100xi32, #tpu.memory_space<vmem>>
    %dma_wait3A_244 = arith.constant 0 : i32
    %dma_wait3A_245 = arith.constant 0 : i32
    %dma_wait3A_246 = tpu.memref_slice %arg10[%dma_wait3A_244, %dma_wait3A_245] : memref<10240x64xf32, #tpu.memory_space<vmem_shared>> -> memref<10240x64xf32, #tpu.memory_space<vmem_shared>>
    tpu.wait_indirect_dma semaphore(%arg30 : memref<!tpu.dma_semaphore, #tpu.memory_space<semaphore_mem>>) src(%dma_wait3A_240 : memref<100x64xf32, #tpu.memory_space<vmem>>) dst(%dma_wait3A_246 : memref<10240x64xf32, #tpu.memory_space<vmem_shared>>)
    %barrier3A_247 = arith.constant 0 : index
    tpu.barrier barrier_id(%barrier3A_247)
    %mul3A_248 = arith.constant 640 : i32
    %mul3A_249 = arith.muli %arg1, %mul3A_248 : i32
    %mul3A_250 = arith.constant 640 : i32
    %mul3A_251 = arith.muli %arg1, %mul3A_250 : i32
    "tpu.region"() ({
      %run_scoped3A = tpu.sem_alloc : memref<!tpu.dma_semaphore, #tpu.memory_space<semaphore_mem>>
      %dma_start3A_252 = arith.constant 0 : i32
      %dma_start3A_253 = tpu.memref_slice %arg6[%arg0, %mul3A_251, %dma_start3A_252] : memref<2x10240x64xf32, #tpu.memory_space<hbm>> -> memref<1x640x64xf32, #tpu.memory_space<hbm>>
      %dma_start3A_254 = tpu.memref_squeeze %dma_start3A_253 : memref<1x640x64xf32, #tpu.memory_space<hbm>> -> memref<640x64xf32, #tpu.memory_space<hbm>>
      %dma_start3A_255 = arith.constant 0 : i32
      %dma_start3A_256 = tpu.memref_slice %arg10[%mul3A_249, %dma_start3A_255] : memref<10240x64xf32, #tpu.memory_space<vmem_shared>> -> memref<640x64xf32, #tpu.memory_space<vmem_shared>>
      tpu.enqueue_dma source(%dma_start3A_256 : memref<640x64xf32, #tpu.memory_space<vmem_shared>>) target(%dma_start3A_254 : memref<640x64xf32, #tpu.memory_space<hbm>>) target_semaphore(%run_scoped3A : memref<!tpu.dma_semaphore, #tpu.memory_space<semaphore_mem>>)
      %dma_wait3A_257 = arith.constant 0 : i32
      %dma_wait3A_258 = tpu.memref_slice %arg6[%arg0, %mul3A_251, %dma_wait3A_257] : memref<2x10240x64xf32, #tpu.memory_space<hbm>> -> memref<1x640x64xf32, #tpu.memory_space<hbm>>
      %dma_wait3A_259 = tpu.memref_squeeze %dma_wait3A_258 : memref<1x640x64xf32, #tpu.memory_space<hbm>> -> memref<640x64xf32, #tpu.memory_space<hbm>>
      %dma_wait3A_260 = arith.constant 0 : i32
      %dma_wait3A_261 = tpu.memref_slice %arg10[%mul3A_249, %dma_wait3A_260] : memref<10240x64xf32, #tpu.memory_space<vmem_shared>> -> memref<640x64xf32, #tpu.memory_space<vmem_shared>>
      tpu.wait_dma2 semaphore(%run_scoped3A : memref<!tpu.dma_semaphore, #tpu.memory_space<semaphore_mem>>) src(%dma_wait3A_261 : memref<640x64xf32, #tpu.memory_space<vmem_shared>>) dst(%dma_wait3A_259 : memref<640x64xf32, #tpu.memory_space<hbm>>)
      tpu.yield
    }) : () -> ()
    return
  }
}

#map = affine_map<(d0, d1) -> (0, 0)>
#map1 = affine_map<(d0, d1) -> (0, 0, 0)>
module attributes {stable_mosaic.version = 14 : i64} {
  func.func @k(%arg0: i32, %arg1: i32, %arg2: memref<10000x64xf32, #tpu.memory_space<hbm>>, %arg3: memref<32x100x100xi32, #tpu.memory_space<hbm>>, %arg4: memref<32x100x100xi32, #tpu.memory_space<hbm>>, %arg5: memref<10240x64xf32, #tpu.memory_space<hbm>>, %arg6: memref<2x10240x64xf32, #tpu.memory_space<hbm>>, %arg7: memref<100x100xi32, #tpu.memory_space<vmem>>, %arg8: memref<100x100xi32, #tpu.memory_space<vmem>>, %arg9: memref<10x100x64xf32, #tpu.memory_space<vmem>>, %arg10: memref<10240x64xf32, #tpu.memory_space<vmem_shared>>, %arg11: memref<!tpu.dma_semaphore, #tpu.memory_space<semaphore_mem>>, %arg12: memref<!tpu.dma_semaphore, #tpu.memory_space<semaphore_mem>>, %arg13: memref<!tpu.dma_semaphore, #tpu.memory_space<semaphore_mem>>, %arg14: memref<!tpu.dma_semaphore, #tpu.memory_space<semaphore_mem>>, %arg15: memref<!tpu.dma_semaphore, #tpu.memory_space<semaphore_mem>>, %arg16: memref<!tpu.dma_semaphore, #tpu.memory_space<semaphore_mem>>, %arg17: memref<!tpu.dma_semaphore, #tpu.memory_space<semaphore_mem>>, %arg18: memref<!tpu.dma_semaphore, #tpu.memory_space<semaphore_mem>>, %arg19: memref<!tpu.dma_semaphore, #tpu.memory_space<semaphore_mem>>, %arg20: memref<!tpu.dma_semaphore, #tpu.memory_space<semaphore_mem>>, %arg21: memref<!tpu.dma_semaphore, #tpu.memory_space<semaphore_mem>>, %arg22: memref<!tpu.dma_semaphore, #tpu.memory_space<semaphore_mem>>, %arg23: memref<!tpu.dma_semaphore, #tpu.memory_space<semaphore_mem>>, %arg24: memref<!tpu.dma_semaphore, #tpu.memory_space<semaphore_mem>>, %arg25: memref<!tpu.dma_semaphore, #tpu.memory_space<semaphore_mem>>, %arg26: memref<!tpu.dma_semaphore, #tpu.memory_space<semaphore_mem>>, %arg27: memref<!tpu.dma_semaphore, #tpu.memory_space<semaphore_mem>>, %arg28: memref<!tpu.dma_semaphore, #tpu.memory_space<semaphore_mem>>, %arg29: memref<!tpu.dma_semaphore, #tpu.memory_space<semaphore_mem>>, %arg30: memref<!tpu.dma_semaphore, #tpu.memory_space<semaphore_mem>>) attributes {dimension_semantics = [#tpu.dimension_semantics<core_parallel>, #tpu.dimension_semantics<subcore_parallel>], iteration_bounds = array<i64: 2, 16>, scalar_prefetch = 0 : i64, scratch_operands = 24 : i64, tpu.core_type = #tpu.core_type<sc_vector_subcore>, window_params = [{transform_indices = #map}, {transform_indices = #map1}, {transform_indices = #map1}, {transform_indices = #map}, {transform_indices = #map1}]} {
    %mul3A = arith.constant 16 : i32
    %mul3A_0 = arith.muli %arg0, %mul3A : i32
    %add3A = arith.addi %mul3A_0, %arg1 : i32
    "tpu.region"() ({
      %run_scoped3A = tpu.sem_alloc : memref<!tpu.dma_semaphore, #tpu.memory_space<semaphore_mem>>
      %dma_start3A_252 = arith.constant 0 : i32
      %dma_start3A_253 = arith.constant 0 : i32
      %dma_start3A_254 = tpu.memref_slice %arg3[%add3A, %dma_start3A_252, %dma_start3A_253] : memref<32x100x100xi32, #tpu.memory_space<hbm>> -> memref<1x100x100xi32, #tpu.memory_space<hbm>>
      %dma_start3A_255 = tpu.memref_squeeze %dma_start3A_254 : memref<1x100x100xi32, #tpu.memory_space<hbm>> -> memref<100x100xi32, #tpu.memory_space<hbm>>
      %dma_start3A_256 = arith.constant 0 : i32
      %dma_start3A_257 = arith.constant 0 : i32
      %dma_start3A_258 = tpu.memref_slice %arg3[%add3A, %dma_start3A_256, %dma_start3A_257] : memref<32x100x100xi32, #tpu.memory_space<hbm>> -> memref<1x100x100xi32, #tpu.memory_space<hbm>>
      %dma_start3A_259 = tpu.memref_squeeze %dma_start3A_258 : memref<1x100x100xi32, #tpu.memory_space<hbm>> -> memref<100x100xi32, #tpu.memory_space<hbm>>
      tpu.enqueue_dma source(%dma_start3A_259 : memref<100x100xi32, #tpu.memory_space<hbm>>) target(%arg7 : memref<100x100xi32, #tpu.memory_space<vmem>>) target_semaphore(%run_scoped3A : memref<!tpu.dma_semaphore, #tpu.memory_space<semaphore_mem>>)
      %dma_wait3A_260 = arith.constant 0 : i32
      %dma_wait3A_261 = arith.constant 0 : i32
      %dma_wait3A_262 = tpu.memref_slice %arg3[%add3A, %dma_wait3A_260, %dma_wait3A_261] : memref<32x100x100xi32, #tpu.memory_space<hbm>> -> memref<1x100x100xi32, #tpu.memory_space<hbm>>
      %dma_wait3A_263 = tpu.memref_squeeze %dma_wait3A_262 : memref<1x100x100xi32, #tpu.memory_space<hbm>> -> memref<100x100xi32, #tpu.memory_space<hbm>>
      %dma_wait3A_264 = arith.constant 0 : i32
      %dma_wait3A_265 = arith.constant 0 : i32
      %dma_wait3A_266 = tpu.memref_slice %arg3[%add3A, %dma_wait3A_264, %dma_wait3A_265] : memref<32x100x100xi32, #tpu.memory_space<hbm>> -> memref<1x100x100xi32, #tpu.memory_space<hbm>>
      %dma_wait3A_267 = tpu.memref_squeeze %dma_wait3A_266 : memref<1x100x100xi32, #tpu.memory_space<hbm>> -> memref<100x100xi32, #tpu.memory_space<hbm>>
      tpu.wait_dma2 semaphore(%run_scoped3A : memref<!tpu.dma_semaphore, #tpu.memory_space<semaphore_mem>>) src(%dma_wait3A_267 : memref<100x100xi32, #tpu.memory_space<hbm>>) dst(%arg7 : memref<100x100xi32, #tpu.memory_space<vmem>>)
      tpu.yield
    }) : () -> ()
    "tpu.region"() ({
      %run_scoped3A = tpu.sem_alloc : memref<!tpu.dma_semaphore, #tpu.memory_space<semaphore_mem>>
      %dma_start3A_252 = arith.constant 0 : i32
      %dma_start3A_253 = arith.constant 0 : i32
      %dma_start3A_254 = tpu.memref_slice %arg4[%add3A, %dma_start3A_252, %dma_start3A_253] : memref<32x100x100xi32, #tpu.memory_space<hbm>> -> memref<1x100x100xi32, #tpu.memory_space<hbm>>
      %dma_start3A_255 = tpu.memref_squeeze %dma_start3A_254 : memref<1x100x100xi32, #tpu.memory_space<hbm>> -> memref<100x100xi32, #tpu.memory_space<hbm>>
      %dma_start3A_256 = arith.constant 0 : i32
      %dma_start3A_257 = arith.constant 0 : i32
      %dma_start3A_258 = tpu.memref_slice %arg4[%add3A, %dma_start3A_256, %dma_start3A_257] : memref<32x100x100xi32, #tpu.memory_space<hbm>> -> memref<1x100x100xi32, #tpu.memory_space<hbm>>
      %dma_start3A_259 = tpu.memref_squeeze %dma_start3A_258 : memref<1x100x100xi32, #tpu.memory_space<hbm>> -> memref<100x100xi32, #tpu.memory_space<hbm>>
      tpu.enqueue_dma source(%dma_start3A_259 : memref<100x100xi32, #tpu.memory_space<hbm>>) target(%arg8 : memref<100x100xi32, #tpu.memory_space<vmem>>) target_semaphore(%run_scoped3A : memref<!tpu.dma_semaphore, #tpu.memory_space<semaphore_mem>>)
      %dma_wait3A_260 = arith.constant 0 : i32
      %dma_wait3A_261 = arith.constant 0 : i32
      %dma_wait3A_262 = tpu.memref_slice %arg4[%add3A, %dma_wait3A_260, %dma_wait3A_261] : memref<32x100x100xi32, #tpu.memory_space<hbm>> -> memref<1x100x100xi32, #tpu.memory_space<hbm>>
      %dma_wait3A_263 = tpu.memref_squeeze %dma_wait3A_262 : memref<1x100x100xi32, #tpu.memory_space<hbm>> -> memref<100x100xi32, #tpu.memory_space<hbm>>
      %dma_wait3A_264 = arith.constant 0 : i32
      %dma_wait3A_265 = arith.constant 0 : i32
      %dma_wait3A_266 = tpu.memref_slice %arg4[%add3A, %dma_wait3A_264, %dma_wait3A_265] : memref<32x100x100xi32, #tpu.memory_space<hbm>> -> memref<1x100x100xi32, #tpu.memory_space<hbm>>
      %dma_wait3A_267 = tpu.memref_squeeze %dma_wait3A_266 : memref<1x100x100xi32, #tpu.memory_space<hbm>> -> memref<100x100xi32, #tpu.memory_space<hbm>>
      tpu.wait_dma2 semaphore(%run_scoped3A : memref<!tpu.dma_semaphore, #tpu.memory_space<semaphore_mem>>) src(%dma_wait3A_267 : memref<100x100xi32, #tpu.memory_space<hbm>>) dst(%arg8 : memref<100x100xi32, #tpu.memory_space<vmem>>)
      tpu.yield
    }) : () -> ()
    %mul3A_1 = arith.constant 640 : i32
    %mul3A_2 = arith.muli %arg1, %mul3A_1 : i32
    %mul3A_3 = arith.constant 640 : i32
    %mul3A_4 = arith.muli %arg1, %mul3A_3 : i32
    "tpu.region"() ({
      %run_scoped3A = tpu.sem_alloc : memref<!tpu.dma_semaphore, #tpu.memory_space<semaphore_mem>>
      %dma_start3A_252 = arith.constant 0 : i32
      %dma_start3A_253 = tpu.memref_slice %arg10[%mul3A_4, %dma_start3A_252] : memref<10240x64xf32, #tpu.memory_space<vmem_shared>> -> memref<640x64xf32, #tpu.memory_space<vmem_shared>>
      %dma_start3A_254 = arith.constant 0 : i32
      %dma_start3A_255 = tpu.memref_slice %arg5[%mul3A_2, %dma_start3A_254] : memref<10240x64xf32, #tpu.memory_space<hbm>> -> memref<640x64xf32, #tpu.memory_space<hbm>>
      tpu.enqueue_dma source(%dma_start3A_255 : memref<640x64xf32, #tpu.memory_space<hbm>>) target(%dma_start3A_253 : memref<640x64xf32, #tpu.memory_space<vmem_shared>>) target_semaphore(%run_scoped3A : memref<!tpu.dma_semaphore, #tpu.memory_space<semaphore_mem>>)
      %dma_wait3A_256 = arith.constant 0 : i32
      %dma_wait3A_257 = tpu.memref_slice %arg10[%mul3A_4, %dma_wait3A_256] : memref<10240x64xf32, #tpu.memory_space<vmem_shared>> -> memref<640x64xf32, #tpu.memory_space<vmem_shared>>
      %dma_wait3A_258 = arith.constant 0 : i32
      %dma_wait3A_259 = tpu.memref_slice %arg5[%mul3A_2, %dma_wait3A_258] : memref<10240x64xf32, #tpu.memory_space<hbm>> -> memref<640x64xf32, #tpu.memory_space<hbm>>
      tpu.wait_dma2 semaphore(%run_scoped3A : memref<!tpu.dma_semaphore, #tpu.memory_space<semaphore_mem>>) src(%dma_wait3A_259 : memref<640x64xf32, #tpu.memory_space<hbm>>) dst(%dma_wait3A_257 : memref<640x64xf32, #tpu.memory_space<vmem_shared>>)
      tpu.yield
    }) : () -> ()
    %barrier3A = arith.constant 0 : index
    tpu.barrier barrier_id(%barrier3A)
    %scan3A = arith.constant 0 : i32
    %scan3A_5 = arith.constant 10 : i32
    %scan3A_6 = arith.addi %scan3A, %scan3A_5 : i32
    %scan3A_7 = arith.constant 1 : i32
    scf.for %scan3A_252 = %scan3A to %scan3A_6 step %scan3A_7  : i32 {
      %mul3A_253 = arith.constant 10 : i32
      %mul3A_254 = arith.muli %scan3A_252, %mul3A_253 : i32
      %add3A_255 = arith.constant 0 : i32
      %add3A_256 = arith.addi %add3A_255, %mul3A_254 : i32
      %add3A_257 = arith.constant 0 : i32
      %add3A_258 = arith.addi %add3A_256, %add3A_257 : i32
      %ge3A = arith.constant 10 : i32
      %ge3A_259 = arith.cmpi sge, %add3A_258, %ge3A : i32
      %convert_element_type3A = arith.extui %ge3A_259 : i1 to i32
      %cond3A = arith.constant 0 : i32
      %cond3A_260 = arith.cmpi ne, %convert_element_type3A, %cond3A : i32
      scf.if %cond3A_260 {
        %add3A_524 = arith.constant 0 : i32
        %add3A_525 = arith.addi %add3A_256, %add3A_524 : i32
        %sub3A = arith.constant 10 : i32
        %sub3A_526 = arith.subi %add3A_525, %sub3A : i32
        %dma_wait3A_527 = arith.constant 0 : i32
        %dma_wait3A_528 = arith.constant 0 : i32
        %dma_wait3A_529 = arith.constant 0 : i32
        %dma_wait3A_530 = tpu.memref_slice %arg9[%dma_wait3A_527, %dma_wait3A_528, %dma_wait3A_529] : memref<10x100x64xf32, #tpu.memory_space<vmem>> -> memref<1x100x64xf32, #tpu.memory_space<vmem>>
        %dma_wait3A_531 = tpu.memref_squeeze %dma_wait3A_530 : memref<1x100x64xf32, #tpu.memory_space<vmem>> -> memref<100x64xf32, #tpu.memory_space<vmem>>
        %dma_wait3A_532 = arith.constant 0 : i32
        %dma_wait3A_533 = tpu.memref_slice %arg8[%sub3A_526, %dma_wait3A_532] : memref<100x100xi32, #tpu.memory_space<vmem>> -> memref<1x100xi32, #tpu.memory_space<vmem>>
        %dma_wait3A_534 = tpu.memref_squeeze %dma_wait3A_533 : memref<1x100xi32, #tpu.memory_space<vmem>> -> memref<100xi32, #tpu.memory_space<vmem>>
        %dma_wait3A_535 = arith.constant 0 : i32
        %dma_wait3A_536 = arith.constant 0 : i32
        %dma_wait3A_537 = tpu.memref_slice %arg10[%dma_wait3A_535, %dma_wait3A_536] : memref<10240x64xf32, #tpu.memory_space<vmem_shared>> -> memref<10240x64xf32, #tpu.memory_space<vmem_shared>>
        tpu.wait_indirect_dma semaphore(%arg21 : memref<!tpu.dma_semaphore, #tpu.memory_space<semaphore_mem>>) src(%dma_wait3A_531 : memref<100x64xf32, #tpu.memory_space<vmem>>) dst(%dma_wait3A_537 : memref<10240x64xf32, #tpu.memory_space<vmem_shared>>)
      } else {
      }
      %add3A_261 = arith.constant 0 : i32
      %add3A_262 = arith.addi %add3A_256, %add3A_261 : i32
      %dma_start3A_263 = arith.constant 0 : i32
      %dma_start3A_264 = arith.constant 0 : i32
      %dma_start3A_265 = arith.constant 0 : i32
      %dma_start3A_266 = tpu.memref_slice %arg9[%dma_start3A_263, %dma_start3A_264, %dma_start3A_265] : memref<10x100x64xf32, #tpu.memory_space<vmem>> -> memref<1x100x64xf32, #tpu.memory_space<vmem>>
      %dma_start3A_267 = tpu.memref_squeeze %dma_start3A_266 : memref<1x100x64xf32, #tpu.memory_space<vmem>> -> memref<100x64xf32, #tpu.memory_space<vmem>>
      %dma_start3A_268 = arith.constant 0 : i32
      %dma_start3A_269 = tpu.memref_slice %arg7[%add3A_262, %dma_start3A_268] : memref<100x100xi32, #tpu.memory_space<vmem>> -> memref<1x100xi32, #tpu.memory_space<vmem>>
      %dma_start3A_270 = tpu.memref_squeeze %dma_start3A_269 : memref<1x100xi32, #tpu.memory_space<vmem>> -> memref<100xi32, #tpu.memory_space<vmem>>
      %dma_start3A_271 = arith.constant 0 : i32
      %dma_start3A_272 = arith.constant 0 : i32
      %dma_start3A_273 = tpu.memref_slice %arg2[%dma_start3A_271, %dma_start3A_272] : memref<10000x64xf32, #tpu.memory_space<hbm>> -> memref<10000x64xf32, #tpu.memory_space<hbm>>
      tpu.enqueue_indirect_dma source(%dma_start3A_273 : memref<10000x64xf32, #tpu.memory_space<hbm>>) target(%dma_start3A_267 : memref<100x64xf32, #tpu.memory_space<vmem>>) offsets(%dma_start3A_270 : memref<100xi32, #tpu.memory_space<vmem>>) semaphore(%arg11 : memref<!tpu.dma_semaphore, #tpu.memory_space<semaphore_mem>>)
      %add3A_274 = arith.constant 0 : i32
      %add3A_275 = arith.addi %add3A_256, %add3A_274 : i32
      %ge3A_276 = arith.constant 5 : i32
      %ge3A_277 = arith.cmpi sge, %add3A_275, %ge3A_276 : i32
      %convert_element_type3A_278 = arith.extui %ge3A_277 : i1 to i32
      %cond3A_279 = arith.constant 0 : i32
      %cond3A_280 = arith.cmpi ne, %convert_element_type3A_278, %cond3A_279 : i32
      scf.if %cond3A_280 {
        %add3A_524 = arith.constant 0 : i32
        %add3A_525 = arith.addi %add3A_256, %add3A_524 : i32
        %sub3A = arith.constant 5 : i32
        %sub3A_526 = arith.subi %add3A_525, %sub3A : i32
        %dma_wait3A_527 = arith.constant 5 : i32
        %dma_wait3A_528 = arith.constant 0 : i32
        %dma_wait3A_529 = arith.constant 0 : i32
        %dma_wait3A_530 = tpu.memref_slice %arg9[%dma_wait3A_527, %dma_wait3A_528, %dma_wait3A_529] : memref<10x100x64xf32, #tpu.memory_space<vmem>> -> memref<1x100x64xf32, #tpu.memory_space<vmem>>
        %dma_wait3A_531 = tpu.memref_squeeze %dma_wait3A_530 : memref<1x100x64xf32, #tpu.memory_space<vmem>> -> memref<100x64xf32, #tpu.memory_space<vmem>>
        %dma_wait3A_532 = arith.constant 0 : i32
        %dma_wait3A_533 = tpu.memref_slice %arg7[%sub3A_526, %dma_wait3A_532] : memref<100x100xi32, #tpu.memory_space<vmem>> -> memref<1x100xi32, #tpu.memory_space<vmem>>
        %dma_wait3A_534 = tpu.memref_squeeze %dma_wait3A_533 : memref<1x100xi32, #tpu.memory_space<vmem>> -> memref<100xi32, #tpu.memory_space<vmem>>
        %dma_wait3A_535 = arith.constant 0 : i32
        %dma_wait3A_536 = arith.constant 0 : i32
        %dma_wait3A_537 = tpu.memref_slice %arg2[%dma_wait3A_535, %dma_wait3A_536] : memref<10000x64xf32, #tpu.memory_space<hbm>> -> memref<10000x64xf32, #tpu.memory_space<hbm>>
        tpu.wait_indirect_dma semaphore(%arg16 : memref<!tpu.dma_semaphore, #tpu.memory_space<semaphore_mem>>) src(%dma_wait3A_537 : memref<10000x64xf32, #tpu.memory_space<hbm>>) dst(%dma_wait3A_531 : memref<100x64xf32, #tpu.memory_space<vmem>>)
        %add3A_538 = arith.constant 0 : i32
        %add3A_539 = arith.addi %add3A_256, %add3A_538 : i32
        %sub3A_540 = arith.constant 5 : i32
        %sub3A_541 = arith.subi %add3A_539, %sub3A_540 : i32
        %dma_start3A_542 = arith.constant 5 : i32
        %dma_start3A_543 = arith.constant 0 : i32
        %dma_start3A_544 = arith.constant 0 : i32
        %dma_start3A_545 = tpu.memref_slice %arg9[%dma_start3A_542, %dma_start3A_543, %dma_start3A_544] : memref<10x100x64xf32, #tpu.memory_space<vmem>> -> memref<1x100x64xf32, #tpu.memory_space<vmem>>
        %dma_start3A_546 = tpu.memref_squeeze %dma_start3A_545 : memref<1x100x64xf32, #tpu.memory_space<vmem>> -> memref<100x64xf32, #tpu.memory_space<vmem>>
        %dma_start3A_547 = arith.constant 0 : i32
        %dma_start3A_548 = tpu.memref_slice %arg8[%sub3A_541, %dma_start3A_547] : memref<100x100xi32, #tpu.memory_space<vmem>> -> memref<1x100xi32, #tpu.memory_space<vmem>>
        %dma_start3A_549 = tpu.memref_squeeze %dma_start3A_548 : memref<1x100xi32, #tpu.memory_space<vmem>> -> memref<100xi32, #tpu.memory_space<vmem>>
        %dma_start3A_550 = arith.constant 0 : i32
        %dma_start3A_551 = arith.constant 0 : i32
        %dma_start3A_552 = tpu.memref_slice %arg10[%dma_start3A_550, %dma_start3A_551] : memref<10240x64xf32, #tpu.memory_space<vmem_shared>> -> memref<10240x64xf32, #tpu.memory_space<vmem_shared>>
        tpu.enqueue_indirect_dma source(%dma_start3A_546 : memref<100x64xf32, #tpu.memory_space<vmem>>) target(%dma_start3A_552 : memref<10240x64xf32, #tpu.memory_space<vmem_shared>>) offsets(%dma_start3A_549 : memref<100xi32, #tpu.memory_space<vmem>>) semaphore(%arg26 : memref<!tpu.dma_semaphore, #tpu.memory_space<semaphore_mem>>) {add = true}
      } else {
      }
      %add3A_281 = arith.constant 1 : i32
      %add3A_282 = arith.addi %add3A_256, %add3A_281 : i32
      %ge3A_283 = arith.constant 10 : i32
      %ge3A_284 = arith.cmpi sge, %add3A_282, %ge3A_283 : i32
      %convert_element_type3A_285 = arith.extui %ge3A_284 : i1 to i32
      %cond3A_286 = arith.constant 0 : i32
      %cond3A_287 = arith.cmpi ne, %convert_element_type3A_285, %cond3A_286 : i32
      scf.if %cond3A_287 {
        %add3A_524 = arith.constant 1 : i32
        %add3A_525 = arith.addi %add3A_256, %add3A_524 : i32
        %sub3A = arith.constant 10 : i32
        %sub3A_526 = arith.subi %add3A_525, %sub3A : i32
        %dma_wait3A_527 = arith.constant 1 : i32
        %dma_wait3A_528 = arith.constant 0 : i32
        %dma_wait3A_529 = arith.constant 0 : i32
        %dma_wait3A_530 = tpu.memref_slice %arg9[%dma_wait3A_527, %dma_wait3A_528, %dma_wait3A_529] : memref<10x100x64xf32, #tpu.memory_space<vmem>> -> memref<1x100x64xf32, #tpu.memory_space<vmem>>
        %dma_wait3A_531 = tpu.memref_squeeze %dma_wait3A_530 : memref<1x100x64xf32, #tpu.memory_space<vmem>> -> memref<100x64xf32, #tpu.memory_space<vmem>>
        %dma_wait3A_532 = arith.constant 0 : i32
        %dma_wait3A_533 = tpu.memref_slice %arg8[%sub3A_526, %dma_wait3A_532] : memref<100x100xi32, #tpu.memory_space<vmem>> -> memref<1x100xi32, #tpu.memory_space<vmem>>
        %dma_wait3A_534 = tpu.memref_squeeze %dma_wait3A_533 : memref<1x100xi32, #tpu.memory_space<vmem>> -> memref<100xi32, #tpu.memory_space<vmem>>
        %dma_wait3A_535 = arith.constant 0 : i32
        %dma_wait3A_536 = arith.constant 0 : i32
        %dma_wait3A_537 = tpu.memref_slice %arg10[%dma_wait3A_535, %dma_wait3A_536] : memref<10240x64xf32, #tpu.memory_space<vmem_shared>> -> memref<10240x64xf32, #tpu.memory_space<vmem_shared>>
        tpu.wait_indirect_dma semaphore(%arg22 : memref<!tpu.dma_semaphore, #tpu.memory_space<semaphore_mem>>) src(%dma_wait3A_531 : memref<100x64xf32, #tpu.memory_space<vmem>>) dst(%dma_wait3A_537 : memref<10240x64xf32, #tpu.memory_space<vmem_shared>>)
      } else {
      }
      %add3A_288 = arith.constant 1 : i32
      %add3A_289 = arith.addi %add3A_256, %add3A_288 : i32
      %dma_start3A_290 = arith.constant 1 : i32
      %dma_start3A_291 = arith.constant 0 : i32
      %dma_start3A_292 = arith.constant 0 : i32
      %dma_start3A_293 = tpu.memref_slice %arg9[%dma_start3A_290, %dma_start3A_291, %dma_start3A_292] : memref<10x100x64xf32, #tpu.memory_space<vmem>> -> memref<1x100x64xf32, #tpu.memory_space<vmem>>
      %dma_start3A_294 = tpu.memref_squeeze %dma_start3A_293 : memref<1x100x64xf32, #tpu.memory_space<vmem>> -> memref<100x64xf32, #tpu.memory_space<vmem>>
      %dma_start3A_295 = arith.constant 0 : i32
      %dma_start3A_296 = tpu.memref_slice %arg7[%add3A_289, %dma_start3A_295] : memref<100x100xi32, #tpu.memory_space<vmem>> -> memref<1x100xi32, #tpu.memory_space<vmem>>
      %dma_start3A_297 = tpu.memref_squeeze %dma_start3A_296 : memref<1x100xi32, #tpu.memory_space<vmem>> -> memref<100xi32, #tpu.memory_space<vmem>>
      %dma_start3A_298 = arith.constant 0 : i32
      %dma_start3A_299 = arith.constant 0 : i32
      %dma_start3A_300 = tpu.memref_slice %arg2[%dma_start3A_298, %dma_start3A_299] : memref<10000x64xf32, #tpu.memory_space<hbm>> -> memref<10000x64xf32, #tpu.memory_space<hbm>>
      tpu.enqueue_indirect_dma source(%dma_start3A_300 : memref<10000x64xf32, #tpu.memory_space<hbm>>) target(%dma_start3A_294 : memref<100x64xf32, #tpu.memory_space<vmem>>) offsets(%dma_start3A_297 : memref<100xi32, #tpu.memory_space<vmem>>) semaphore(%arg12 : memref<!tpu.dma_semaphore, #tpu.memory_space<semaphore_mem>>)
      %add3A_301 = arith.constant 1 : i32
      %add3A_302 = arith.addi %add3A_256, %add3A_301 : i32
      %ge3A_303 = arith.constant 5 : i32
      %ge3A_304 = arith.cmpi sge, %add3A_302, %ge3A_303 : i32
      %convert_element_type3A_305 = arith.extui %ge3A_304 : i1 to i32
      %cond3A_306 = arith.constant 0 : i32
      %cond3A_307 = arith.cmpi ne, %convert_element_type3A_305, %cond3A_306 : i32
      scf.if %cond3A_307 {
        %add3A_524 = arith.constant 1 : i32
        %add3A_525 = arith.addi %add3A_256, %add3A_524 : i32
        %sub3A = arith.constant 5 : i32
        %sub3A_526 = arith.subi %add3A_525, %sub3A : i32
        %dma_wait3A_527 = arith.constant 6 : i32
        %dma_wait3A_528 = arith.constant 0 : i32
        %dma_wait3A_529 = arith.constant 0 : i32
        %dma_wait3A_530 = tpu.memref_slice %arg9[%dma_wait3A_527, %dma_wait3A_528, %dma_wait3A_529] : memref<10x100x64xf32, #tpu.memory_space<vmem>> -> memref<1x100x64xf32, #tpu.memory_space<vmem>>
        %dma_wait3A_531 = tpu.memref_squeeze %dma_wait3A_530 : memref<1x100x64xf32, #tpu.memory_space<vmem>> -> memref<100x64xf32, #tpu.memory_space<vmem>>
        %dma_wait3A_532 = arith.constant 0 : i32
        %dma_wait3A_533 = tpu.memref_slice %arg7[%sub3A_526, %dma_wait3A_532] : memref<100x100xi32, #tpu.memory_space<vmem>> -> memref<1x100xi32, #tpu.memory_space<vmem>>
        %dma_wait3A_534 = tpu.memref_squeeze %dma_wait3A_533 : memref<1x100xi32, #tpu.memory_space<vmem>> -> memref<100xi32, #tpu.memory_space<vmem>>
        %dma_wait3A_535 = arith.constant 0 : i32
        %dma_wait3A_536 = arith.constant 0 : i32
        %dma_wait3A_537 = tpu.memref_slice %arg2[%dma_wait3A_535, %dma_wait3A_536] : memref<10000x64xf32, #tpu.memory_space<hbm>> -> memref<10000x64xf32, #tpu.memory_space<hbm>>
        tpu.wait_indirect_dma semaphore(%arg17 : memref<!tpu.dma_semaphore, #tpu.memory_space<semaphore_mem>>) src(%dma_wait3A_537 : memref<10000x64xf32, #tpu.memory_space<hbm>>) dst(%dma_wait3A_531 : memref<100x64xf32, #tpu.memory_space<vmem>>)
        %add3A_538 = arith.constant 1 : i32
        %add3A_539 = arith.addi %add3A_256, %add3A_538 : i32
        %sub3A_540 = arith.constant 5 : i32
        %sub3A_541 = arith.subi %add3A_539, %sub3A_540 : i32
        %dma_start3A_542 = arith.constant 6 : i32
        %dma_start3A_543 = arith.constant 0 : i32
        %dma_start3A_544 = arith.constant 0 : i32
        %dma_start3A_545 = tpu.memref_slice %arg9[%dma_start3A_542, %dma_start3A_543, %dma_start3A_544] : memref<10x100x64xf32, #tpu.memory_space<vmem>> -> memref<1x100x64xf32, #tpu.memory_space<vmem>>
        %dma_start3A_546 = tpu.memref_squeeze %dma_start3A_545 : memref<1x100x64xf32, #tpu.memory_space<vmem>> -> memref<100x64xf32, #tpu.memory_space<vmem>>
        %dma_start3A_547 = arith.constant 0 : i32
        %dma_start3A_548 = tpu.memref_slice %arg8[%sub3A_541, %dma_start3A_547] : memref<100x100xi32, #tpu.memory_space<vmem>> -> memref<1x100xi32, #tpu.memory_space<vmem>>
        %dma_start3A_549 = tpu.memref_squeeze %dma_start3A_548 : memref<1x100xi32, #tpu.memory_space<vmem>> -> memref<100xi32, #tpu.memory_space<vmem>>
        %dma_start3A_550 = arith.constant 0 : i32
        %dma_start3A_551 = arith.constant 0 : i32
        %dma_start3A_552 = tpu.memref_slice %arg10[%dma_start3A_550, %dma_start3A_551] : memref<10240x64xf32, #tpu.memory_space<vmem_shared>> -> memref<10240x64xf32, #tpu.memory_space<vmem_shared>>
        tpu.enqueue_indirect_dma source(%dma_start3A_546 : memref<100x64xf32, #tpu.memory_space<vmem>>) target(%dma_start3A_552 : memref<10240x64xf32, #tpu.memory_space<vmem_shared>>) offsets(%dma_start3A_549 : memref<100xi32, #tpu.memory_space<vmem>>) semaphore(%arg27 : memref<!tpu.dma_semaphore, #tpu.memory_space<semaphore_mem>>) {add = true}
      } else {
      }
      %add3A_308 = arith.constant 2 : i32
      %add3A_309 = arith.addi %add3A_256, %add3A_308 : i32
      %ge3A_310 = arith.constant 10 : i32
      %ge3A_311 = arith.cmpi sge, %add3A_309, %ge3A_310 : i32
      %convert_element_type3A_312 = arith.extui %ge3A_311 : i1 to i32
      %cond3A_313 = arith.constant 0 : i32
      %cond3A_314 = arith.cmpi ne, %convert_element_type3A_312, %cond3A_313 : i32
      scf.if %cond3A_314 {
        %add3A_524 = arith.constant 2 : i32
        %add3A_525 = arith.addi %add3A_256, %add3A_524 : i32
        %sub3A = arith.constant 10 : i32
        %sub3A_526 = arith.subi %add3A_525, %sub3A : i32
        %dma_wait3A_527 = arith.constant 2 : i32
        %dma_wait3A_528 = arith.constant 0 : i32
        %dma_wait3A_529 = arith.constant 0 : i32
        %dma_wait3A_530 = tpu.memref_slice %arg9[%dma_wait3A_527, %dma_wait3A_528, %dma_wait3A_529] : memref<10x100x64xf32, #tpu.memory_space<vmem>> -> memref<1x100x64xf32, #tpu.memory_space<vmem>>
        %dma_wait3A_531 = tpu.memref_squeeze %dma_wait3A_530 : memref<1x100x64xf32, #tpu.memory_space<vmem>> -> memref<100x64xf32, #tpu.memory_space<vmem>>
        %dma_wait3A_532 = arith.constant 0 : i32
        %dma_wait3A_533 = tpu.memref_slice %arg8[%sub3A_526, %dma_wait3A_532] : memref<100x100xi32, #tpu.memory_space<vmem>> -> memref<1x100xi32, #tpu.memory_space<vmem>>
        %dma_wait3A_534 = tpu.memref_squeeze %dma_wait3A_533 : memref<1x100xi32, #tpu.memory_space<vmem>> -> memref<100xi32, #tpu.memory_space<vmem>>
        %dma_wait3A_535 = arith.constant 0 : i32
        %dma_wait3A_536 = arith.constant 0 : i32
        %dma_wait3A_537 = tpu.memref_slice %arg10[%dma_wait3A_535, %dma_wait3A_536] : memref<10240x64xf32, #tpu.memory_space<vmem_shared>> -> memref<10240x64xf32, #tpu.memory_space<vmem_shared>>
        tpu.wait_indirect_dma semaphore(%arg23 : memref<!tpu.dma_semaphore, #tpu.memory_space<semaphore_mem>>) src(%dma_wait3A_531 : memref<100x64xf32, #tpu.memory_space<vmem>>) dst(%dma_wait3A_537 : memref<10240x64xf32, #tpu.memory_space<vmem_shared>>)
      } else {
      }
      %add3A_315 = arith.constant 2 : i32
      %add3A_316 = arith.addi %add3A_256, %add3A_315 : i32
      %dma_start3A_317 = arith.constant 2 : i32
      %dma_start3A_318 = arith.constant 0 : i32
      %dma_start3A_319 = arith.constant 0 : i32
      %dma_start3A_320 = tpu.memref_slice %arg9[%dma_start3A_317, %dma_start3A_318, %dma_start3A_319] : memref<10x100x64xf32, #tpu.memory_space<vmem>> -> memref<1x100x64xf32, #tpu.memory_space<vmem>>
      %dma_start3A_321 = tpu.memref_squeeze %dma_start3A_320 : memref<1x100x64xf32, #tpu.memory_space<vmem>> -> memref<100x64xf32, #tpu.memory_space<vmem>>
      %dma_start3A_322 = arith.constant 0 : i32
      %dma_start3A_323 = tpu.memref_slice %arg7[%add3A_316, %dma_start3A_322] : memref<100x100xi32, #tpu.memory_space<vmem>> -> memref<1x100xi32, #tpu.memory_space<vmem>>
      %dma_start3A_324 = tpu.memref_squeeze %dma_start3A_323 : memref<1x100xi32, #tpu.memory_space<vmem>> -> memref<100xi32, #tpu.memory_space<vmem>>
      %dma_start3A_325 = arith.constant 0 : i32
      %dma_start3A_326 = arith.constant 0 : i32
      %dma_start3A_327 = tpu.memref_slice %arg2[%dma_start3A_325, %dma_start3A_326] : memref<10000x64xf32, #tpu.memory_space<hbm>> -> memref<10000x64xf32, #tpu.memory_space<hbm>>
      tpu.enqueue_indirect_dma source(%dma_start3A_327 : memref<10000x64xf32, #tpu.memory_space<hbm>>) target(%dma_start3A_321 : memref<100x64xf32, #tpu.memory_space<vmem>>) offsets(%dma_start3A_324 : memref<100xi32, #tpu.memory_space<vmem>>) semaphore(%arg13 : memref<!tpu.dma_semaphore, #tpu.memory_space<semaphore_mem>>)
      %add3A_328 = arith.constant 2 : i32
      %add3A_329 = arith.addi %add3A_256, %add3A_328 : i32
      %ge3A_330 = arith.constant 5 : i32
      %ge3A_331 = arith.cmpi sge, %add3A_329, %ge3A_330 : i32
      %convert_element_type3A_332 = arith.extui %ge3A_331 : i1 to i32
      %cond3A_333 = arith.constant 0 : i32
      %cond3A_334 = arith.cmpi ne, %convert_element_type3A_332, %cond3A_333 : i32
      scf.if %cond3A_334 {
        %add3A_524 = arith.constant 2 : i32
        %add3A_525 = arith.addi %add3A_256, %add3A_524 : i32
        %sub3A = arith.constant 5 : i32
        %sub3A_526 = arith.subi %add3A_525, %sub3A : i32
        %dma_wait3A_527 = arith.constant 7 : i32
        %dma_wait3A_528 = arith.constant 0 : i32
        %dma_wait3A_529 = arith.constant 0 : i32
        %dma_wait3A_530 = tpu.memref_slice %arg9[%dma_wait3A_527, %dma_wait3A_528, %dma_wait3A_529] : memref<10x100x64xf32, #tpu.memory_space<vmem>> -> memref<1x100x64xf32, #tpu.memory_space<vmem>>
        %dma_wait3A_531 = tpu.memref_squeeze %dma_wait3A_530 : memref<1x100x64xf32, #tpu.memory_space<vmem>> -> memref<100x64xf32, #tpu.memory_space<vmem>>
        %dma_wait3A_532 = arith.constant 0 : i32
        %dma_wait3A_533 = tpu.memref_slice %arg7[%sub3A_526, %dma_wait3A_532] : memref<100x100xi32, #tpu.memory_space<vmem>> -> memref<1x100xi32, #tpu.memory_space<vmem>>
        %dma_wait3A_534 = tpu.memref_squeeze %dma_wait3A_533 : memref<1x100xi32, #tpu.memory_space<vmem>> -> memref<100xi32, #tpu.memory_space<vmem>>
        %dma_wait3A_535 = arith.constant 0 : i32
        %dma_wait3A_536 = arith.constant 0 : i32
        %dma_wait3A_537 = tpu.memref_slice %arg2[%dma_wait3A_535, %dma_wait3A_536] : memref<10000x64xf32, #tpu.memory_space<hbm>> -> memref<10000x64xf32, #tpu.memory_space<hbm>>
        tpu.wait_indirect_dma semaphore(%arg18 : memref<!tpu.dma_semaphore, #tpu.memory_space<semaphore_mem>>) src(%dma_wait3A_537 : memref<10000x64xf32, #tpu.memory_space<hbm>>) dst(%dma_wait3A_531 : memref<100x64xf32, #tpu.memory_space<vmem>>)
        %add3A_538 = arith.constant 2 : i32
        %add3A_539 = arith.addi %add3A_256, %add3A_538 : i32
        %sub3A_540 = arith.constant 5 : i32
        %sub3A_541 = arith.subi %add3A_539, %sub3A_540 : i32
        %dma_start3A_542 = arith.constant 7 : i32
        %dma_start3A_543 = arith.constant 0 : i32
        %dma_start3A_544 = arith.constant 0 : i32
        %dma_start3A_545 = tpu.memref_slice %arg9[%dma_start3A_542, %dma_start3A_543, %dma_start3A_544] : memref<10x100x64xf32, #tpu.memory_space<vmem>> -> memref<1x100x64xf32, #tpu.memory_space<vmem>>
        %dma_start3A_546 = tpu.memref_squeeze %dma_start3A_545 : memref<1x100x64xf32, #tpu.memory_space<vmem>> -> memref<100x64xf32, #tpu.memory_space<vmem>>
        %dma_start3A_547 = arith.constant 0 : i32
        %dma_start3A_548 = tpu.memref_slice %arg8[%sub3A_541, %dma_start3A_547] : memref<100x100xi32, #tpu.memory_space<vmem>> -> memref<1x100xi32, #tpu.memory_space<vmem>>
        %dma_start3A_549 = tpu.memref_squeeze %dma_start3A_548 : memref<1x100xi32, #tpu.memory_space<vmem>> -> memref<100xi32, #tpu.memory_space<vmem>>
        %dma_start3A_550 = arith.constant 0 : i32
        %dma_start3A_551 = arith.constant 0 : i32
        %dma_start3A_552 = tpu.memref_slice %arg10[%dma_start3A_550, %dma_start3A_551] : memref<10240x64xf32, #tpu.memory_space<vmem_shared>> -> memref<10240x64xf32, #tpu.memory_space<vmem_shared>>
        tpu.enqueue_indirect_dma source(%dma_start3A_546 : memref<100x64xf32, #tpu.memory_space<vmem>>) target(%dma_start3A_552 : memref<10240x64xf32, #tpu.memory_space<vmem_shared>>) offsets(%dma_start3A_549 : memref<100xi32, #tpu.memory_space<vmem>>) semaphore(%arg28 : memref<!tpu.dma_semaphore, #tpu.memory_space<semaphore_mem>>) {add = true}
      } else {
      }
      %add3A_335 = arith.constant 3 : i32
      %add3A_336 = arith.addi %add3A_256, %add3A_335 : i32
      %ge3A_337 = arith.constant 10 : i32
      %ge3A_338 = arith.cmpi sge, %add3A_336, %ge3A_337 : i32
      %convert_element_type3A_339 = arith.extui %ge3A_338 : i1 to i32
      %cond3A_340 = arith.constant 0 : i32
      %cond3A_341 = arith.cmpi ne, %convert_element_type3A_339, %cond3A_340 : i32
      scf.if %cond3A_341 {
        %add3A_524 = arith.constant 3 : i32
        %add3A_525 = arith.addi %add3A_256, %add3A_524 : i32
        %sub3A = arith.constant 10 : i32
        %sub3A_526 = arith.subi %add3A_525, %sub3A : i32
        %dma_wait3A_527 = arith.constant 3 : i32
        %dma_wait3A_528 = arith.constant 0 : i32
        %dma_wait3A_529 = arith.constant 0 : i32
        %dma_wait3A_530 = tpu.memref_slice %arg9[%dma_wait3A_527, %dma_wait3A_528, %dma_wait3A_529] : memref<10x100x64xf32, #tpu.memory_space<vmem>> -> memref<1x100x64xf32, #tpu.memory_space<vmem>>
        %dma_wait3A_531 = tpu.memref_squeeze %dma_wait3A_530 : memref<1x100x64xf32, #tpu.memory_space<vmem>> -> memref<100x64xf32, #tpu.memory_space<vmem>>
        %dma_wait3A_532 = arith.constant 0 : i32
        %dma_wait3A_533 = tpu.memref_slice %arg8[%sub3A_526, %dma_wait3A_532] : memref<100x100xi32, #tpu.memory_space<vmem>> -> memref<1x100xi32, #tpu.memory_space<vmem>>
        %dma_wait3A_534 = tpu.memref_squeeze %dma_wait3A_533 : memref<1x100xi32, #tpu.memory_space<vmem>> -> memref<100xi32, #tpu.memory_space<vmem>>
        %dma_wait3A_535 = arith.constant 0 : i32
        %dma_wait3A_536 = arith.constant 0 : i32
        %dma_wait3A_537 = tpu.memref_slice %arg10[%dma_wait3A_535, %dma_wait3A_536] : memref<10240x64xf32, #tpu.memory_space<vmem_shared>> -> memref<10240x64xf32, #tpu.memory_space<vmem_shared>>
        tpu.wait_indirect_dma semaphore(%arg24 : memref<!tpu.dma_semaphore, #tpu.memory_space<semaphore_mem>>) src(%dma_wait3A_531 : memref<100x64xf32, #tpu.memory_space<vmem>>) dst(%dma_wait3A_537 : memref<10240x64xf32, #tpu.memory_space<vmem_shared>>)
      } else {
      }
      %add3A_342 = arith.constant 3 : i32
      %add3A_343 = arith.addi %add3A_256, %add3A_342 : i32
      %dma_start3A_344 = arith.constant 3 : i32
      %dma_start3A_345 = arith.constant 0 : i32
      %dma_start3A_346 = arith.constant 0 : i32
      %dma_start3A_347 = tpu.memref_slice %arg9[%dma_start3A_344, %dma_start3A_345, %dma_start3A_346] : memref<10x100x64xf32, #tpu.memory_space<vmem>> -> memref<1x100x64xf32, #tpu.memory_space<vmem>>
      %dma_start3A_348 = tpu.memref_squeeze %dma_start3A_347 : memref<1x100x64xf32, #tpu.memory_space<vmem>> -> memref<100x64xf32, #tpu.memory_space<vmem>>
      %dma_start3A_349 = arith.constant 0 : i32
      %dma_start3A_350 = tpu.memref_slice %arg7[%add3A_343, %dma_start3A_349] : memref<100x100xi32, #tpu.memory_space<vmem>> -> memref<1x100xi32, #tpu.memory_space<vmem>>
      %dma_start3A_351 = tpu.memref_squeeze %dma_start3A_350 : memref<1x100xi32, #tpu.memory_space<vmem>> -> memref<100xi32, #tpu.memory_space<vmem>>
      %dma_start3A_352 = arith.constant 0 : i32
      %dma_start3A_353 = arith.constant 0 : i32
      %dma_start3A_354 = tpu.memref_slice %arg2[%dma_start3A_352, %dma_start3A_353] : memref<10000x64xf32, #tpu.memory_space<hbm>> -> memref<10000x64xf32, #tpu.memory_space<hbm>>
      tpu.enqueue_indirect_dma source(%dma_start3A_354 : memref<10000x64xf32, #tpu.memory_space<hbm>>) target(%dma_start3A_348 : memref<100x64xf32, #tpu.memory_space<vmem>>) offsets(%dma_start3A_351 : memref<100xi32, #tpu.memory_space<vmem>>) semaphore(%arg14 : memref<!tpu.dma_semaphore, #tpu.memory_space<semaphore_mem>>)
      %add3A_355 = arith.constant 3 : i32
      %add3A_356 = arith.addi %add3A_256, %add3A_355 : i32
      %ge3A_357 = arith.constant 5 : i32
      %ge3A_358 = arith.cmpi sge, %add3A_356, %ge3A_357 : i32
      %convert_element_type3A_359 = arith.extui %ge3A_358 : i1 to i32
      %cond3A_360 = arith.constant 0 : i32
      %cond3A_361 = arith.cmpi ne, %convert_element_type3A_359, %cond3A_360 : i32
      scf.if %cond3A_361 {
        %add3A_524 = arith.constant 3 : i32
        %add3A_525 = arith.addi %add3A_256, %add3A_524 : i32
        %sub3A = arith.constant 5 : i32
        %sub3A_526 = arith.subi %add3A_525, %sub3A : i32
        %dma_wait3A_527 = arith.constant 8 : i32
        %dma_wait3A_528 = arith.constant 0 : i32
        %dma_wait3A_529 = arith.constant 0 : i32
        %dma_wait3A_530 = tpu.memref_slice %arg9[%dma_wait3A_527, %dma_wait3A_528, %dma_wait3A_529] : memref<10x100x64xf32, #tpu.memory_space<vmem>> -> memref<1x100x64xf32, #tpu.memory_space<vmem>>
        %dma_wait3A_531 = tpu.memref_squeeze %dma_wait3A_530 : memref<1x100x64xf32, #tpu.memory_space<vmem>> -> memref<100x64xf32, #tpu.memory_space<vmem>>
        %dma_wait3A_532 = arith.constant 0 : i32
        %dma_wait3A_533 = tpu.memref_slice %arg7[%sub3A_526, %dma_wait3A_532] : memref<100x100xi32, #tpu.memory_space<vmem>> -> memref<1x100xi32, #tpu.memory_space<vmem>>
        %dma_wait3A_534 = tpu.memref_squeeze %dma_wait3A_533 : memref<1x100xi32, #tpu.memory_space<vmem>> -> memref<100xi32, #tpu.memory_space<vmem>>
        %dma_wait3A_535 = arith.constant 0 : i32
        %dma_wait3A_536 = arith.constant 0 : i32
        %dma_wait3A_537 = tpu.memref_slice %arg2[%dma_wait3A_535, %dma_wait3A_536] : memref<10000x64xf32, #tpu.memory_space<hbm>> -> memref<10000x64xf32, #tpu.memory_space<hbm>>
        tpu.wait_indirect_dma semaphore(%arg19 : memref<!tpu.dma_semaphore, #tpu.memory_space<semaphore_mem>>) src(%dma_wait3A_537 : memref<10000x64xf32, #tpu.memory_space<hbm>>) dst(%dma_wait3A_531 : memref<100x64xf32, #tpu.memory_space<vmem>>)
        %add3A_538 = arith.constant 3 : i32
        %add3A_539 = arith.addi %add3A_256, %add3A_538 : i32
        %sub3A_540 = arith.constant 5 : i32
        %sub3A_541 = arith.subi %add3A_539, %sub3A_540 : i32
        %dma_start3A_542 = arith.constant 8 : i32
        %dma_start3A_543 = arith.constant 0 : i32
        %dma_start3A_544 = arith.constant 0 : i32
        %dma_start3A_545 = tpu.memref_slice %arg9[%dma_start3A_542, %dma_start3A_543, %dma_start3A_544] : memref<10x100x64xf32, #tpu.memory_space<vmem>> -> memref<1x100x64xf32, #tpu.memory_space<vmem>>
        %dma_start3A_546 = tpu.memref_squeeze %dma_start3A_545 : memref<1x100x64xf32, #tpu.memory_space<vmem>> -> memref<100x64xf32, #tpu.memory_space<vmem>>
        %dma_start3A_547 = arith.constant 0 : i32
        %dma_start3A_548 = tpu.memref_slice %arg8[%sub3A_541, %dma_start3A_547] : memref<100x100xi32, #tpu.memory_space<vmem>> -> memref<1x100xi32, #tpu.memory_space<vmem>>
        %dma_start3A_549 = tpu.memref_squeeze %dma_start3A_548 : memref<1x100xi32, #tpu.memory_space<vmem>> -> memref<100xi32, #tpu.memory_space<vmem>>
        %dma_start3A_550 = arith.constant 0 : i32
        %dma_start3A_551 = arith.constant 0 : i32
        %dma_start3A_552 = tpu.memref_slice %arg10[%dma_start3A_550, %dma_start3A_551] : memref<10240x64xf32, #tpu.memory_space<vmem_shared>> -> memref<10240x64xf32, #tpu.memory_space<vmem_shared>>
        tpu.enqueue_indirect_dma source(%dma_start3A_546 : memref<100x64xf32, #tpu.memory_space<vmem>>) target(%dma_start3A_552 : memref<10240x64xf32, #tpu.memory_space<vmem_shared>>) offsets(%dma_start3A_549 : memref<100xi32, #tpu.memory_space<vmem>>) semaphore(%arg29 : memref<!tpu.dma_semaphore, #tpu.memory_space<semaphore_mem>>) {add = true}
      } else {
      }
      %add3A_362 = arith.constant 4 : i32
      %add3A_363 = arith.addi %add3A_256, %add3A_362 : i32
      %ge3A_364 = arith.constant 10 : i32
      %ge3A_365 = arith.cmpi sge, %add3A_363, %ge3A_364 : i32
      %convert_element_type3A_366 = arith.extui %ge3A_365 : i1 to i32
      %cond3A_367 = arith.constant 0 : i32
      %cond3A_368 = arith.cmpi ne, %convert_element_type3A_366, %cond3A_367 : i32
      scf.if %cond3A_368 {
        %add3A_524 = arith.constant 4 : i32
        %add3A_525 = arith.addi %add3A_256, %add3A_524 : i32
        %sub3A = arith.constant 10 : i32
        %sub3A_526 = arith.subi %add3A_525, %sub3A : i32
        %dma_wait3A_527 = arith.constant 4 : i32
        %dma_wait3A_528 = arith.constant 0 : i32
        %dma_wait3A_529 = arith.constant 0 : i32
        %dma_wait3A_530 = tpu.memref_slice %arg9[%dma_wait3A_527, %dma_wait3A_528, %dma_wait3A_529] : memref<10x100x64xf32, #tpu.memory_space<vmem>> -> memref<1x100x64xf32, #tpu.memory_space<vmem>>
        %dma_wait3A_531 = tpu.memref_squeeze %dma_wait3A_530 : memref<1x100x64xf32, #tpu.memory_space<vmem>> -> memref<100x64xf32, #tpu.memory_space<vmem>>
        %dma_wait3A_532 = arith.constant 0 : i32
        %dma_wait3A_533 = tpu.memref_slice %arg8[%sub3A_526, %dma_wait3A_532] : memref<100x100xi32, #tpu.memory_space<vmem>> -> memref<1x100xi32, #tpu.memory_space<vmem>>
        %dma_wait3A_534 = tpu.memref_squeeze %dma_wait3A_533 : memref<1x100xi32, #tpu.memory_space<vmem>> -> memref<100xi32, #tpu.memory_space<vmem>>
        %dma_wait3A_535 = arith.constant 0 : i32
        %dma_wait3A_536 = arith.constant 0 : i32
        %dma_wait3A_537 = tpu.memref_slice %arg10[%dma_wait3A_535, %dma_wait3A_536] : memref<10240x64xf32, #tpu.memory_space<vmem_shared>> -> memref<10240x64xf32, #tpu.memory_space<vmem_shared>>
        tpu.wait_indirect_dma semaphore(%arg25 : memref<!tpu.dma_semaphore, #tpu.memory_space<semaphore_mem>>) src(%dma_wait3A_531 : memref<100x64xf32, #tpu.memory_space<vmem>>) dst(%dma_wait3A_537 : memref<10240x64xf32, #tpu.memory_space<vmem_shared>>)
      } else {
      }
      %add3A_369 = arith.constant 4 : i32
      %add3A_370 = arith.addi %add3A_256, %add3A_369 : i32
      %dma_start3A_371 = arith.constant 4 : i32
      %dma_start3A_372 = arith.constant 0 : i32
      %dma_start3A_373 = arith.constant 0 : i32
      %dma_start3A_374 = tpu.memref_slice %arg9[%dma_start3A_371, %dma_start3A_372, %dma_start3A_373] : memref<10x100x64xf32, #tpu.memory_space<vmem>> -> memref<1x100x64xf32, #tpu.memory_space<vmem>>
      %dma_start3A_375 = tpu.memref_squeeze %dma_start3A_374 : memref<1x100x64xf32, #tpu.memory_space<vmem>> -> memref<100x64xf32, #tpu.memory_space<vmem>>
      %dma_start3A_376 = arith.constant 0 : i32
      %dma_start3A_377 = tpu.memref_slice %arg7[%add3A_370, %dma_start3A_376] : memref<100x100xi32, #tpu.memory_space<vmem>> -> memref<1x100xi32, #tpu.memory_space<vmem>>
      %dma_start3A_378 = tpu.memref_squeeze %dma_start3A_377 : memref<1x100xi32, #tpu.memory_space<vmem>> -> memref<100xi32, #tpu.memory_space<vmem>>
      %dma_start3A_379 = arith.constant 0 : i32
      %dma_start3A_380 = arith.constant 0 : i32
      %dma_start3A_381 = tpu.memref_slice %arg2[%dma_start3A_379, %dma_start3A_380] : memref<10000x64xf32, #tpu.memory_space<hbm>> -> memref<10000x64xf32, #tpu.memory_space<hbm>>
      tpu.enqueue_indirect_dma source(%dma_start3A_381 : memref<10000x64xf32, #tpu.memory_space<hbm>>) target(%dma_start3A_375 : memref<100x64xf32, #tpu.memory_space<vmem>>) offsets(%dma_start3A_378 : memref<100xi32, #tpu.memory_space<vmem>>) semaphore(%arg15 : memref<!tpu.dma_semaphore, #tpu.memory_space<semaphore_mem>>)
      %add3A_382 = arith.constant 4 : i32
      %add3A_383 = arith.addi %add3A_256, %add3A_382 : i32
      %ge3A_384 = arith.constant 5 : i32
      %ge3A_385 = arith.cmpi sge, %add3A_383, %ge3A_384 : i32
      %convert_element_type3A_386 = arith.extui %ge3A_385 : i1 to i32
      %cond3A_387 = arith.constant 0 : i32
      %cond3A_388 = arith.cmpi ne, %convert_element_type3A_386, %cond3A_387 : i32
      scf.if %cond3A_388 {
        %add3A_524 = arith.constant 4 : i32
        %add3A_525 = arith.addi %add3A_256, %add3A_524 : i32
        %sub3A = arith.constant 5 : i32
        %sub3A_526 = arith.subi %add3A_525, %sub3A : i32
        %dma_wait3A_527 = arith.constant 9 : i32
        %dma_wait3A_528 = arith.constant 0 : i32
        %dma_wait3A_529 = arith.constant 0 : i32
        %dma_wait3A_530 = tpu.memref_slice %arg9[%dma_wait3A_527, %dma_wait3A_528, %dma_wait3A_529] : memref<10x100x64xf32, #tpu.memory_space<vmem>> -> memref<1x100x64xf32, #tpu.memory_space<vmem>>
        %dma_wait3A_531 = tpu.memref_squeeze %dma_wait3A_530 : memref<1x100x64xf32, #tpu.memory_space<vmem>> -> memref<100x64xf32, #tpu.memory_space<vmem>>
        %dma_wait3A_532 = arith.constant 0 : i32
        %dma_wait3A_533 = tpu.memref_slice %arg7[%sub3A_526, %dma_wait3A_532] : memref<100x100xi32, #tpu.memory_space<vmem>> -> memref<1x100xi32, #tpu.memory_space<vmem>>
        %dma_wait3A_534 = tpu.memref_squeeze %dma_wait3A_533 : memref<1x100xi32, #tpu.memory_space<vmem>> -> memref<100xi32, #tpu.memory_space<vmem>>
        %dma_wait3A_535 = arith.constant 0 : i32
        %dma_wait3A_536 = arith.constant 0 : i32
        %dma_wait3A_537 = tpu.memref_slice %arg2[%dma_wait3A_535, %dma_wait3A_536] : memref<10000x64xf32, #tpu.memory_space<hbm>> -> memref<10000x64xf32, #tpu.memory_space<hbm>>
        tpu.wait_indirect_dma semaphore(%arg20 : memref<!tpu.dma_semaphore, #tpu.memory_space<semaphore_mem>>) src(%dma_wait3A_537 : memref<10000x64xf32, #tpu.memory_space<hbm>>) dst(%dma_wait3A_531 : memref<100x64xf32, #tpu.memory_space<vmem>>)
        %add3A_538 = arith.constant 4 : i32
        %add3A_539 = arith.addi %add3A_256, %add3A_538 : i32
        %sub3A_540 = arith.constant 5 : i32
        %sub3A_541 = arith.subi %add3A_539, %sub3A_540 : i32
        %dma_start3A_542 = arith.constant 9 : i32
        %dma_start3A_543 = arith.constant 0 : i32
        %dma_start3A_544 = arith.constant 0 : i32
        %dma_start3A_545 = tpu.memref_slice %arg9[%dma_start3A_542, %dma_start3A_543, %dma_start3A_544] : memref<10x100x64xf32, #tpu.memory_space<vmem>> -> memref<1x100x64xf32, #tpu.memory_space<vmem>>
        %dma_start3A_546 = tpu.memref_squeeze %dma_start3A_545 : memref<1x100x64xf32, #tpu.memory_space<vmem>> -> memref<100x64xf32, #tpu.memory_space<vmem>>
        %dma_start3A_547 = arith.constant 0 : i32
        %dma_start3A_548 = tpu.memref_slice %arg8[%sub3A_541, %dma_start3A_547] : memref<100x100xi32, #tpu.memory_space<vmem>> -> memref<1x100xi32, #tpu.memory_space<vmem>>
        %dma_start3A_549 = tpu.memref_squeeze %dma_start3A_548 : memref<1x100xi32, #tpu.memory_space<vmem>> -> memref<100xi32, #tpu.memory_space<vmem>>
        %dma_start3A_550 = arith.constant 0 : i32
        %dma_start3A_551 = arith.constant 0 : i32
        %dma_start3A_552 = tpu.memref_slice %arg10[%dma_start3A_550, %dma_start3A_551] : memref<10240x64xf32, #tpu.memory_space<vmem_shared>> -> memref<10240x64xf32, #tpu.memory_space<vmem_shared>>
        tpu.enqueue_indirect_dma source(%dma_start3A_546 : memref<100x64xf32, #tpu.memory_space<vmem>>) target(%dma_start3A_552 : memref<10240x64xf32, #tpu.memory_space<vmem_shared>>) offsets(%dma_start3A_549 : memref<100xi32, #tpu.memory_space<vmem>>) semaphore(%arg30 : memref<!tpu.dma_semaphore, #tpu.memory_space<semaphore_mem>>) {add = true}
      } else {
      }
      %add3A_389 = arith.constant 5 : i32
      %add3A_390 = arith.addi %add3A_256, %add3A_389 : i32
      %ge3A_391 = arith.constant 10 : i32
      %ge3A_392 = arith.cmpi sge, %add3A_390, %ge3A_391 : i32
      %convert_element_type3A_393 = arith.extui %ge3A_392 : i1 to i32
      %cond3A_394 = arith.constant 0 : i32
      %cond3A_395 = arith.cmpi ne, %convert_element_type3A_393, %cond3A_394 : i32
      scf.if %cond3A_395 {
        %add3A_524 = arith.constant 5 : i32
        %add3A_525 = arith.addi %add3A_256, %add3A_524 : i32
        %sub3A = arith.constant 10 : i32
        %sub3A_526 = arith.subi %add3A_525, %sub3A : i32
        %dma_wait3A_527 = arith.constant 5 : i32
        %dma_wait3A_528 = arith.constant 0 : i32
        %dma_wait3A_529 = arith.constant 0 : i32
        %dma_wait3A_530 = tpu.memref_slice %arg9[%dma_wait3A_527, %dma_wait3A_528, %dma_wait3A_529] : memref<10x100x64xf32, #tpu.memory_space<vmem>> -> memref<1x100x64xf32, #tpu.memory_space<vmem>>
        %dma_wait3A_531 = tpu.memref_squeeze %dma_wait3A_530 : memref<1x100x64xf32, #tpu.memory_space<vmem>> -> memref<100x64xf32, #tpu.memory_space<vmem>>
        %dma_wait3A_532 = arith.constant 0 : i32
        %dma_wait3A_533 = tpu.memref_slice %arg8[%sub3A_526, %dma_wait3A_532] : memref<100x100xi32, #tpu.memory_space<vmem>> -> memref<1x100xi32, #tpu.memory_space<vmem>>
        %dma_wait3A_534 = tpu.memref_squeeze %dma_wait3A_533 : memref<1x100xi32, #tpu.memory_space<vmem>> -> memref<100xi32, #tpu.memory_space<vmem>>
        %dma_wait3A_535 = arith.constant 0 : i32
        %dma_wait3A_536 = arith.constant 0 : i32
        %dma_wait3A_537 = tpu.memref_slice %arg10[%dma_wait3A_535, %dma_wait3A_536] : memref<10240x64xf32, #tpu.memory_space<vmem_shared>> -> memref<10240x64xf32, #tpu.memory_space<vmem_shared>>
        tpu.wait_indirect_dma semaphore(%arg26 : memref<!tpu.dma_semaphore, #tpu.memory_space<semaphore_mem>>) src(%dma_wait3A_531 : memref<100x64xf32, #tpu.memory_space<vmem>>) dst(%dma_wait3A_537 : memref<10240x64xf32, #tpu.memory_space<vmem_shared>>)
      } else {
      }
      %add3A_396 = arith.constant 5 : i32
      %add3A_397 = arith.addi %add3A_256, %add3A_396 : i32
      %dma_start3A_398 = arith.constant 5 : i32
      %dma_start3A_399 = arith.constant 0 : i32
      %dma_start3A_400 = arith.constant 0 : i32
      %dma_start3A_401 = tpu.memref_slice %arg9[%dma_start3A_398, %dma_start3A_399, %dma_start3A_400] : memref<10x100x64xf32, #tpu.memory_space<vmem>> -> memref<1x100x64xf32, #tpu.memory_space<vmem>>
      %dma_start3A_402 = tpu.memref_squeeze %dma_start3A_401 : memref<1x100x64xf32, #tpu.memory_space<vmem>> -> memref<100x64xf32, #tpu.memory_space<vmem>>
      %dma_start3A_403 = arith.constant 0 : i32
      %dma_start3A_404 = tpu.memref_slice %arg7[%add3A_397, %dma_start3A_403] : memref<100x100xi32, #tpu.memory_space<vmem>> -> memref<1x100xi32, #tpu.memory_space<vmem>>
      %dma_start3A_405 = tpu.memref_squeeze %dma_start3A_404 : memref<1x100xi32, #tpu.memory_space<vmem>> -> memref<100xi32, #tpu.memory_space<vmem>>
      %dma_start3A_406 = arith.constant 0 : i32
      %dma_start3A_407 = arith.constant 0 : i32
      %dma_start3A_408 = tpu.memref_slice %arg2[%dma_start3A_406, %dma_start3A_407] : memref<10000x64xf32, #tpu.memory_space<hbm>> -> memref<10000x64xf32, #tpu.memory_space<hbm>>
      tpu.enqueue_indirect_dma source(%dma_start3A_408 : memref<10000x64xf32, #tpu.memory_space<hbm>>) target(%dma_start3A_402 : memref<100x64xf32, #tpu.memory_space<vmem>>) offsets(%dma_start3A_405 : memref<100xi32, #tpu.memory_space<vmem>>) semaphore(%arg16 : memref<!tpu.dma_semaphore, #tpu.memory_space<semaphore_mem>>)
      %add3A_409 = arith.constant 5 : i32
      %add3A_410 = arith.addi %add3A_256, %add3A_409 : i32
      %ge3A_411 = arith.constant 5 : i32
      %ge3A_412 = arith.cmpi sge, %add3A_410, %ge3A_411 : i32
      %convert_element_type3A_413 = arith.extui %ge3A_412 : i1 to i32
      %cond3A_414 = arith.constant 0 : i32
      %cond3A_415 = arith.cmpi ne, %convert_element_type3A_413, %cond3A_414 : i32
      scf.if %cond3A_415 {
        %add3A_524 = arith.constant 5 : i32
        %add3A_525 = arith.addi %add3A_256, %add3A_524 : i32
        %sub3A = arith.constant 5 : i32
        %sub3A_526 = arith.subi %add3A_525, %sub3A : i32
        %dma_wait3A_527 = arith.constant 0 : i32
        %dma_wait3A_528 = arith.constant 0 : i32
        %dma_wait3A_529 = arith.constant 0 : i32
        %dma_wait3A_530 = tpu.memref_slice %arg9[%dma_wait3A_527, %dma_wait3A_528, %dma_wait3A_529] : memref<10x100x64xf32, #tpu.memory_space<vmem>> -> memref<1x100x64xf32, #tpu.memory_space<vmem>>
        %dma_wait3A_531 = tpu.memref_squeeze %dma_wait3A_530 : memref<1x100x64xf32, #tpu.memory_space<vmem>> -> memref<100x64xf32, #tpu.memory_space<vmem>>
        %dma_wait3A_532 = arith.constant 0 : i32
        %dma_wait3A_533 = tpu.memref_slice %arg7[%sub3A_526, %dma_wait3A_532] : memref<100x100xi32, #tpu.memory_space<vmem>> -> memref<1x100xi32, #tpu.memory_space<vmem>>
        %dma_wait3A_534 = tpu.memref_squeeze %dma_wait3A_533 : memref<1x100xi32, #tpu.memory_space<vmem>> -> memref<100xi32, #tpu.memory_space<vmem>>
        %dma_wait3A_535 = arith.constant 0 : i32
        %dma_wait3A_536 = arith.constant 0 : i32
        %dma_wait3A_537 = tpu.memref_slice %arg2[%dma_wait3A_535, %dma_wait3A_536] : memref<10000x64xf32, #tpu.memory_space<hbm>> -> memref<10000x64xf32, #tpu.memory_space<hbm>>
        tpu.wait_indirect_dma semaphore(%arg11 : memref<!tpu.dma_semaphore, #tpu.memory_space<semaphore_mem>>) src(%dma_wait3A_537 : memref<10000x64xf32, #tpu.memory_space<hbm>>) dst(%dma_wait3A_531 : memref<100x64xf32, #tpu.memory_space<vmem>>)
        %add3A_538 = arith.constant 5 : i32
        %add3A_539 = arith.addi %add3A_256, %add3A_538 : i32
        %sub3A_540 = arith.constant 5 : i32
        %sub3A_541 = arith.subi %add3A_539, %sub3A_540 : i32
        %dma_start3A_542 = arith.constant 0 : i32
        %dma_start3A_543 = arith.constant 0 : i32
        %dma_start3A_544 = arith.constant 0 : i32
        %dma_start3A_545 = tpu.memref_slice %arg9[%dma_start3A_542, %dma_start3A_543, %dma_start3A_544] : memref<10x100x64xf32, #tpu.memory_space<vmem>> -> memref<1x100x64xf32, #tpu.memory_space<vmem>>
        %dma_start3A_546 = tpu.memref_squeeze %dma_start3A_545 : memref<1x100x64xf32, #tpu.memory_space<vmem>> -> memref<100x64xf32, #tpu.memory_space<vmem>>
        %dma_start3A_547 = arith.constant 0 : i32
        %dma_start3A_548 = tpu.memref_slice %arg8[%sub3A_541, %dma_start3A_547] : memref<100x100xi32, #tpu.memory_space<vmem>> -> memref<1x100xi32, #tpu.memory_space<vmem>>
        %dma_start3A_549 = tpu.memref_squeeze %dma_start3A_548 : memref<1x100xi32, #tpu.memory_space<vmem>> -> memref<100xi32, #tpu.memory_space<vmem>>
        %dma_start3A_550 = arith.constant 0 : i32
        %dma_start3A_551 = arith.constant 0 : i32
        %dma_start3A_552 = tpu.memref_slice %arg10[%dma_start3A_550, %dma_start3A_551] : memref<10240x64xf32, #tpu.memory_space<vmem_shared>> -> memref<10240x64xf32, #tpu.memory_space<vmem_shared>>
        tpu.enqueue_indirect_dma source(%dma_start3A_546 : memref<100x64xf32, #tpu.memory_space<vmem>>) target(%dma_start3A_552 : memref<10240x64xf32, #tpu.memory_space<vmem_shared>>) offsets(%dma_start3A_549 : memref<100xi32, #tpu.memory_space<vmem>>) semaphore(%arg21 : memref<!tpu.dma_semaphore, #tpu.memory_space<semaphore_mem>>) {add = true}
      } else {
      }
      %add3A_416 = arith.constant 6 : i32
      %add3A_417 = arith.addi %add3A_256, %add3A_416 : i32
      %ge3A_418 = arith.constant 10 : i32
      %ge3A_419 = arith.cmpi sge, %add3A_417, %ge3A_418 : i32
      %convert_element_type3A_420 = arith.extui %ge3A_419 : i1 to i32
      %cond3A_421 = arith.constant 0 : i32
      %cond3A_422 = arith.cmpi ne, %convert_element_type3A_420, %cond3A_421 : i32
      scf.if %cond3A_422 {
        %add3A_524 = arith.constant 6 : i32
        %add3A_525 = arith.addi %add3A_256, %add3A_524 : i32
        %sub3A = arith.constant 10 : i32
        %sub3A_526 = arith.subi %add3A_525, %sub3A : i32
        %dma_wait3A_527 = arith.constant 6 : i32
        %dma_wait3A_528 = arith.constant 0 : i32
        %dma_wait3A_529 = arith.constant 0 : i32
        %dma_wait3A_530 = tpu.memref_slice %arg9[%dma_wait3A_527, %dma_wait3A_528, %dma_wait3A_529] : memref<10x100x64xf32, #tpu.memory_space<vmem>> -> memref<1x100x64xf32, #tpu.memory_space<vmem>>
        %dma_wait3A_531 = tpu.memref_squeeze %dma_wait3A_530 : memref<1x100x64xf32, #tpu.memory_space<vmem>> -> memref<100x64xf32, #tpu.memory_space<vmem>>
        %dma_wait3A_532 = arith.constant 0 : i32
        %dma_wait3A_533 = tpu.memref_slice %arg8[%sub3A_526, %dma_wait3A_532] : memref<100x100xi32, #tpu.memory_space<vmem>> -> memref<1x100xi32, #tpu.memory_space<vmem>>
        %dma_wait3A_534 = tpu.memref_squeeze %dma_wait3A_533 : memref<1x100xi32, #tpu.memory_space<vmem>> -> memref<100xi32, #tpu.memory_space<vmem>>
        %dma_wait3A_535 = arith.constant 0 : i32
        %dma_wait3A_536 = arith.constant 0 : i32
        %dma_wait3A_537 = tpu.memref_slice %arg10[%dma_wait3A_535, %dma_wait3A_536] : memref<10240x64xf32, #tpu.memory_space<vmem_shared>> -> memref<10240x64xf32, #tpu.memory_space<vmem_shared>>
        tpu.wait_indirect_dma semaphore(%arg27 : memref<!tpu.dma_semaphore, #tpu.memory_space<semaphore_mem>>) src(%dma_wait3A_531 : memref<100x64xf32, #tpu.memory_space<vmem>>) dst(%dma_wait3A_537 : memref<10240x64xf32, #tpu.memory_space<vmem_shared>>)
      } else {
      }
      %add3A_423 = arith.constant 6 : i32
      %add3A_424 = arith.addi %add3A_256, %add3A_423 : i32
      %dma_start3A_425 = arith.constant 6 : i32
      %dma_start3A_426 = arith.constant 0 : i32
      %dma_start3A_427 = arith.constant 0 : i32
      %dma_start3A_428 = tpu.memref_slice %arg9[%dma_start3A_425, %dma_start3A_426, %dma_start3A_427] : memref<10x100x64xf32, #tpu.memory_space<vmem>> -> memref<1x100x64xf32, #tpu.memory_space<vmem>>
      %dma_start3A_429 = tpu.memref_squeeze %dma_start3A_428 : memref<1x100x64xf32, #tpu.memory_space<vmem>> -> memref<100x64xf32, #tpu.memory_space<vmem>>
      %dma_start3A_430 = arith.constant 0 : i32
      %dma_start3A_431 = tpu.memref_slice %arg7[%add3A_424, %dma_start3A_430] : memref<100x100xi32, #tpu.memory_space<vmem>> -> memref<1x100xi32, #tpu.memory_space<vmem>>
      %dma_start3A_432 = tpu.memref_squeeze %dma_start3A_431 : memref<1x100xi32, #tpu.memory_space<vmem>> -> memref<100xi32, #tpu.memory_space<vmem>>
      %dma_start3A_433 = arith.constant 0 : i32
      %dma_start3A_434 = arith.constant 0 : i32
      %dma_start3A_435 = tpu.memref_slice %arg2[%dma_start3A_433, %dma_start3A_434] : memref<10000x64xf32, #tpu.memory_space<hbm>> -> memref<10000x64xf32, #tpu.memory_space<hbm>>
      tpu.enqueue_indirect_dma source(%dma_start3A_435 : memref<10000x64xf32, #tpu.memory_space<hbm>>) target(%dma_start3A_429 : memref<100x64xf32, #tpu.memory_space<vmem>>) offsets(%dma_start3A_432 : memref<100xi32, #tpu.memory_space<vmem>>) semaphore(%arg17 : memref<!tpu.dma_semaphore, #tpu.memory_space<semaphore_mem>>)
      %add3A_436 = arith.constant 6 : i32
      %add3A_437 = arith.addi %add3A_256, %add3A_436 : i32
      %ge3A_438 = arith.constant 5 : i32
      %ge3A_439 = arith.cmpi sge, %add3A_437, %ge3A_438 : i32
      %convert_element_type3A_440 = arith.extui %ge3A_439 : i1 to i32
      %cond3A_441 = arith.constant 0 : i32
      %cond3A_442 = arith.cmpi ne, %convert_element_type3A_440, %cond3A_441 : i32
      scf.if %cond3A_442 {
        %add3A_524 = arith.constant 6 : i32
        %add3A_525 = arith.addi %add3A_256, %add3A_524 : i32
        %sub3A = arith.constant 5 : i32
        %sub3A_526 = arith.subi %add3A_525, %sub3A : i32
        %dma_wait3A_527 = arith.constant 1 : i32
        %dma_wait3A_528 = arith.constant 0 : i32
        %dma_wait3A_529 = arith.constant 0 : i32
        %dma_wait3A_530 = tpu.memref_slice %arg9[%dma_wait3A_527, %dma_wait3A_528, %dma_wait3A_529] : memref<10x100x64xf32, #tpu.memory_space<vmem>> -> memref<1x100x64xf32, #tpu.memory_space<vmem>>
        %dma_wait3A_531 = tpu.memref_squeeze %dma_wait3A_530 : memref<1x100x64xf32, #tpu.memory_space<vmem>> -> memref<100x64xf32, #tpu.memory_space<vmem>>
        %dma_wait3A_532 = arith.constant 0 : i32
        %dma_wait3A_533 = tpu.memref_slice %arg7[%sub3A_526, %dma_wait3A_532] : memref<100x100xi32, #tpu.memory_space<vmem>> -> memref<1x100xi32, #tpu.memory_space<vmem>>
        %dma_wait3A_534 = tpu.memref_squeeze %dma_wait3A_533 : memref<1x100xi32, #tpu.memory_space<vmem>> -> memref<100xi32, #tpu.memory_space<vmem>>
        %dma_wait3A_535 = arith.constant 0 : i32
        %dma_wait3A_536 = arith.constant 0 : i32
        %dma_wait3A_537 = tpu.memref_slice %arg2[%dma_wait3A_535, %dma_wait3A_536] : memref<10000x64xf32, #tpu.memory_space<hbm>> -> memref<10000x64xf32, #tpu.memory_space<hbm>>
        tpu.wait_indirect_dma semaphore(%arg12 : memref<!tpu.dma_semaphore, #tpu.memory_space<semaphore_mem>>) src(%dma_wait3A_537 : memref<10000x64xf32, #tpu.memory_space<hbm>>) dst(%dma_wait3A_531 : memref<100x64xf32, #tpu.memory_space<vmem>>)
        %add3A_538 = arith.constant 6 : i32
        %add3A_539 = arith.addi %add3A_256, %add3A_538 : i32
        %sub3A_540 = arith.constant 5 : i32
        %sub3A_541 = arith.subi %add3A_539, %sub3A_540 : i32
        %dma_start3A_542 = arith.constant 1 : i32
        %dma_start3A_543 = arith.constant 0 : i32
        %dma_start3A_544 = arith.constant 0 : i32
        %dma_start3A_545 = tpu.memref_slice %arg9[%dma_start3A_542, %dma_start3A_543, %dma_start3A_544] : memref<10x100x64xf32, #tpu.memory_space<vmem>> -> memref<1x100x64xf32, #tpu.memory_space<vmem>>
        %dma_start3A_546 = tpu.memref_squeeze %dma_start3A_545 : memref<1x100x64xf32, #tpu.memory_space<vmem>> -> memref<100x64xf32, #tpu.memory_space<vmem>>
        %dma_start3A_547 = arith.constant 0 : i32
        %dma_start3A_548 = tpu.memref_slice %arg8[%sub3A_541, %dma_start3A_547] : memref<100x100xi32, #tpu.memory_space<vmem>> -> memref<1x100xi32, #tpu.memory_space<vmem>>
        %dma_start3A_549 = tpu.memref_squeeze %dma_start3A_548 : memref<1x100xi32, #tpu.memory_space<vmem>> -> memref<100xi32, #tpu.memory_space<vmem>>
        %dma_start3A_550 = arith.constant 0 : i32
        %dma_start3A_551 = arith.constant 0 : i32
        %dma_start3A_552 = tpu.memref_slice %arg10[%dma_start3A_550, %dma_start3A_551] : memref<10240x64xf32, #tpu.memory_space<vmem_shared>> -> memref<10240x64xf32, #tpu.memory_space<vmem_shared>>
        tpu.enqueue_indirect_dma source(%dma_start3A_546 : memref<100x64xf32, #tpu.memory_space<vmem>>) target(%dma_start3A_552 : memref<10240x64xf32, #tpu.memory_space<vmem_shared>>) offsets(%dma_start3A_549 : memref<100xi32, #tpu.memory_space<vmem>>) semaphore(%arg22 : memref<!tpu.dma_semaphore, #tpu.memory_space<semaphore_mem>>) {add = true}
      } else {
      }
      %add3A_443 = arith.constant 7 : i32
      %add3A_444 = arith.addi %add3A_256, %add3A_443 : i32
      %ge3A_445 = arith.constant 10 : i32
      %ge3A_446 = arith.cmpi sge, %add3A_444, %ge3A_445 : i32
      %convert_element_type3A_447 = arith.extui %ge3A_446 : i1 to i32
      %cond3A_448 = arith.constant 0 : i32
      %cond3A_449 = arith.cmpi ne, %convert_element_type3A_447, %cond3A_448 : i32
      scf.if %cond3A_449 {
        %add3A_524 = arith.constant 7 : i32
        %add3A_525 = arith.addi %add3A_256, %add3A_524 : i32
        %sub3A = arith.constant 10 : i32
        %sub3A_526 = arith.subi %add3A_525, %sub3A : i32
        %dma_wait3A_527 = arith.constant 7 : i32
        %dma_wait3A_528 = arith.constant 0 : i32
        %dma_wait3A_529 = arith.constant 0 : i32
        %dma_wait3A_530 = tpu.memref_slice %arg9[%dma_wait3A_527, %dma_wait3A_528, %dma_wait3A_529] : memref<10x100x64xf32, #tpu.memory_space<vmem>> -> memref<1x100x64xf32, #tpu.memory_space<vmem>>
        %dma_wait3A_531 = tpu.memref_squeeze %dma_wait3A_530 : memref<1x100x64xf32, #tpu.memory_space<vmem>> -> memref<100x64xf32, #tpu.memory_space<vmem>>
        %dma_wait3A_532 = arith.constant 0 : i32
        %dma_wait3A_533 = tpu.memref_slice %arg8[%sub3A_526, %dma_wait3A_532] : memref<100x100xi32, #tpu.memory_space<vmem>> -> memref<1x100xi32, #tpu.memory_space<vmem>>
        %dma_wait3A_534 = tpu.memref_squeeze %dma_wait3A_533 : memref<1x100xi32, #tpu.memory_space<vmem>> -> memref<100xi32, #tpu.memory_space<vmem>>
        %dma_wait3A_535 = arith.constant 0 : i32
        %dma_wait3A_536 = arith.constant 0 : i32
        %dma_wait3A_537 = tpu.memref_slice %arg10[%dma_wait3A_535, %dma_wait3A_536] : memref<10240x64xf32, #tpu.memory_space<vmem_shared>> -> memref<10240x64xf32, #tpu.memory_space<vmem_shared>>
        tpu.wait_indirect_dma semaphore(%arg28 : memref<!tpu.dma_semaphore, #tpu.memory_space<semaphore_mem>>) src(%dma_wait3A_531 : memref<100x64xf32, #tpu.memory_space<vmem>>) dst(%dma_wait3A_537 : memref<10240x64xf32, #tpu.memory_space<vmem_shared>>)
      } else {
      }
      %add3A_450 = arith.constant 7 : i32
      %add3A_451 = arith.addi %add3A_256, %add3A_450 : i32
      %dma_start3A_452 = arith.constant 7 : i32
      %dma_start3A_453 = arith.constant 0 : i32
      %dma_start3A_454 = arith.constant 0 : i32
      %dma_start3A_455 = tpu.memref_slice %arg9[%dma_start3A_452, %dma_start3A_453, %dma_start3A_454] : memref<10x100x64xf32, #tpu.memory_space<vmem>> -> memref<1x100x64xf32, #tpu.memory_space<vmem>>
      %dma_start3A_456 = tpu.memref_squeeze %dma_start3A_455 : memref<1x100x64xf32, #tpu.memory_space<vmem>> -> memref<100x64xf32, #tpu.memory_space<vmem>>
      %dma_start3A_457 = arith.constant 0 : i32
      %dma_start3A_458 = tpu.memref_slice %arg7[%add3A_451, %dma_start3A_457] : memref<100x100xi32, #tpu.memory_space<vmem>> -> memref<1x100xi32, #tpu.memory_space<vmem>>
      %dma_start3A_459 = tpu.memref_squeeze %dma_start3A_458 : memref<1x100xi32, #tpu.memory_space<vmem>> -> memref<100xi32, #tpu.memory_space<vmem>>
      %dma_start3A_460 = arith.constant 0 : i32
      %dma_start3A_461 = arith.constant 0 : i32
      %dma_start3A_462 = tpu.memref_slice %arg2[%dma_start3A_460, %dma_start3A_461] : memref<10000x64xf32, #tpu.memory_space<hbm>> -> memref<10000x64xf32, #tpu.memory_space<hbm>>
      tpu.enqueue_indirect_dma source(%dma_start3A_462 : memref<10000x64xf32, #tpu.memory_space<hbm>>) target(%dma_start3A_456 : memref<100x64xf32, #tpu.memory_space<vmem>>) offsets(%dma_start3A_459 : memref<100xi32, #tpu.memory_space<vmem>>) semaphore(%arg18 : memref<!tpu.dma_semaphore, #tpu.memory_space<semaphore_mem>>)
      %add3A_463 = arith.constant 7 : i32
      %add3A_464 = arith.addi %add3A_256, %add3A_463 : i32
      %ge3A_465 = arith.constant 5 : i32
      %ge3A_466 = arith.cmpi sge, %add3A_464, %ge3A_465 : i32
      %convert_element_type3A_467 = arith.extui %ge3A_466 : i1 to i32
      %cond3A_468 = arith.constant 0 : i32
      %cond3A_469 = arith.cmpi ne, %convert_element_type3A_467, %cond3A_468 : i32
      scf.if %cond3A_469 {
        %add3A_524 = arith.constant 7 : i32
        %add3A_525 = arith.addi %add3A_256, %add3A_524 : i32
        %sub3A = arith.constant 5 : i32
        %sub3A_526 = arith.subi %add3A_525, %sub3A : i32
        %dma_wait3A_527 = arith.constant 2 : i32
        %dma_wait3A_528 = arith.constant 0 : i32
        %dma_wait3A_529 = arith.constant 0 : i32
        %dma_wait3A_530 = tpu.memref_slice %arg9[%dma_wait3A_527, %dma_wait3A_528, %dma_wait3A_529] : memref<10x100x64xf32, #tpu.memory_space<vmem>> -> memref<1x100x64xf32, #tpu.memory_space<vmem>>
        %dma_wait3A_531 = tpu.memref_squeeze %dma_wait3A_530 : memref<1x100x64xf32, #tpu.memory_space<vmem>> -> memref<100x64xf32, #tpu.memory_space<vmem>>
        %dma_wait3A_532 = arith.constant 0 : i32
        %dma_wait3A_533 = tpu.memref_slice %arg7[%sub3A_526, %dma_wait3A_532] : memref<100x100xi32, #tpu.memory_space<vmem>> -> memref<1x100xi32, #tpu.memory_space<vmem>>
        %dma_wait3A_534 = tpu.memref_squeeze %dma_wait3A_533 : memref<1x100xi32, #tpu.memory_space<vmem>> -> memref<100xi32, #tpu.memory_space<vmem>>
        %dma_wait3A_535 = arith.constant 0 : i32
        %dma_wait3A_536 = arith.constant 0 : i32
        %dma_wait3A_537 = tpu.memref_slice %arg2[%dma_wait3A_535, %dma_wait3A_536] : memref<10000x64xf32, #tpu.memory_space<hbm>> -> memref<10000x64xf32, #tpu.memory_space<hbm>>
        tpu.wait_indirect_dma semaphore(%arg13 : memref<!tpu.dma_semaphore, #tpu.memory_space<semaphore_mem>>) src(%dma_wait3A_537 : memref<10000x64xf32, #tpu.memory_space<hbm>>) dst(%dma_wait3A_531 : memref<100x64xf32, #tpu.memory_space<vmem>>)
        %add3A_538 = arith.constant 7 : i32
        %add3A_539 = arith.addi %add3A_256, %add3A_538 : i32
        %sub3A_540 = arith.constant 5 : i32
        %sub3A_541 = arith.subi %add3A_539, %sub3A_540 : i32
        %dma_start3A_542 = arith.constant 2 : i32
        %dma_start3A_543 = arith.constant 0 : i32
        %dma_start3A_544 = arith.constant 0 : i32
        %dma_start3A_545 = tpu.memref_slice %arg9[%dma_start3A_542, %dma_start3A_543, %dma_start3A_544] : memref<10x100x64xf32, #tpu.memory_space<vmem>> -> memref<1x100x64xf32, #tpu.memory_space<vmem>>
        %dma_start3A_546 = tpu.memref_squeeze %dma_start3A_545 : memref<1x100x64xf32, #tpu.memory_space<vmem>> -> memref<100x64xf32, #tpu.memory_space<vmem>>
        %dma_start3A_547 = arith.constant 0 : i32
        %dma_start3A_548 = tpu.memref_slice %arg8[%sub3A_541, %dma_start3A_547] : memref<100x100xi32, #tpu.memory_space<vmem>> -> memref<1x100xi32, #tpu.memory_space<vmem>>
        %dma_start3A_549 = tpu.memref_squeeze %dma_start3A_548 : memref<1x100xi32, #tpu.memory_space<vmem>> -> memref<100xi32, #tpu.memory_space<vmem>>
        %dma_start3A_550 = arith.constant 0 : i32
        %dma_start3A_551 = arith.constant 0 : i32
        %dma_start3A_552 = tpu.memref_slice %arg10[%dma_start3A_550, %dma_start3A_551] : memref<10240x64xf32, #tpu.memory_space<vmem_shared>> -> memref<10240x64xf32, #tpu.memory_space<vmem_shared>>
        tpu.enqueue_indirect_dma source(%dma_start3A_546 : memref<100x64xf32, #tpu.memory_space<vmem>>) target(%dma_start3A_552 : memref<10240x64xf32, #tpu.memory_space<vmem_shared>>) offsets(%dma_start3A_549 : memref<100xi32, #tpu.memory_space<vmem>>) semaphore(%arg23 : memref<!tpu.dma_semaphore, #tpu.memory_space<semaphore_mem>>) {add = true}
      } else {
      }
      %add3A_470 = arith.constant 8 : i32
      %add3A_471 = arith.addi %add3A_256, %add3A_470 : i32
      %ge3A_472 = arith.constant 10 : i32
      %ge3A_473 = arith.cmpi sge, %add3A_471, %ge3A_472 : i32
      %convert_element_type3A_474 = arith.extui %ge3A_473 : i1 to i32
      %cond3A_475 = arith.constant 0 : i32
      %cond3A_476 = arith.cmpi ne, %convert_element_type3A_474, %cond3A_475 : i32
      scf.if %cond3A_476 {
        %add3A_524 = arith.constant 8 : i32
        %add3A_525 = arith.addi %add3A_256, %add3A_524 : i32
        %sub3A = arith.constant 10 : i32
        %sub3A_526 = arith.subi %add3A_525, %sub3A : i32
        %dma_wait3A_527 = arith.constant 8 : i32
        %dma_wait3A_528 = arith.constant 0 : i32
        %dma_wait3A_529 = arith.constant 0 : i32
        %dma_wait3A_530 = tpu.memref_slice %arg9[%dma_wait3A_527, %dma_wait3A_528, %dma_wait3A_529] : memref<10x100x64xf32, #tpu.memory_space<vmem>> -> memref<1x100x64xf32, #tpu.memory_space<vmem>>
        %dma_wait3A_531 = tpu.memref_squeeze %dma_wait3A_530 : memref<1x100x64xf32, #tpu.memory_space<vmem>> -> memref<100x64xf32, #tpu.memory_space<vmem>>
        %dma_wait3A_532 = arith.constant 0 : i32
        %dma_wait3A_533 = tpu.memref_slice %arg8[%sub3A_526, %dma_wait3A_532] : memref<100x100xi32, #tpu.memory_space<vmem>> -> memref<1x100xi32, #tpu.memory_space<vmem>>
        %dma_wait3A_534 = tpu.memref_squeeze %dma_wait3A_533 : memref<1x100xi32, #tpu.memory_space<vmem>> -> memref<100xi32, #tpu.memory_space<vmem>>
        %dma_wait3A_535 = arith.constant 0 : i32
        %dma_wait3A_536 = arith.constant 0 : i32
        %dma_wait3A_537 = tpu.memref_slice %arg10[%dma_wait3A_535, %dma_wait3A_536] : memref<10240x64xf32, #tpu.memory_space<vmem_shared>> -> memref<10240x64xf32, #tpu.memory_space<vmem_shared>>
        tpu.wait_indirect_dma semaphore(%arg29 : memref<!tpu.dma_semaphore, #tpu.memory_space<semaphore_mem>>) src(%dma_wait3A_531 : memref<100x64xf32, #tpu.memory_space<vmem>>) dst(%dma_wait3A_537 : memref<10240x64xf32, #tpu.memory_space<vmem_shared>>)
      } else {
      }
      %add3A_477 = arith.constant 8 : i32
      %add3A_478 = arith.addi %add3A_256, %add3A_477 : i32
      %dma_start3A_479 = arith.constant 8 : i32
      %dma_start3A_480 = arith.constant 0 : i32
      %dma_start3A_481 = arith.constant 0 : i32
      %dma_start3A_482 = tpu.memref_slice %arg9[%dma_start3A_479, %dma_start3A_480, %dma_start3A_481] : memref<10x100x64xf32, #tpu.memory_space<vmem>> -> memref<1x100x64xf32, #tpu.memory_space<vmem>>
      %dma_start3A_483 = tpu.memref_squeeze %dma_start3A_482 : memref<1x100x64xf32, #tpu.memory_space<vmem>> -> memref<100x64xf32, #tpu.memory_space<vmem>>
      %dma_start3A_484 = arith.constant 0 : i32
      %dma_start3A_485 = tpu.memref_slice %arg7[%add3A_478, %dma_start3A_484] : memref<100x100xi32, #tpu.memory_space<vmem>> -> memref<1x100xi32, #tpu.memory_space<vmem>>
      %dma_start3A_486 = tpu.memref_squeeze %dma_start3A_485 : memref<1x100xi32, #tpu.memory_space<vmem>> -> memref<100xi32, #tpu.memory_space<vmem>>
      %dma_start3A_487 = arith.constant 0 : i32
      %dma_start3A_488 = arith.constant 0 : i32
      %dma_start3A_489 = tpu.memref_slice %arg2[%dma_start3A_487, %dma_start3A_488] : memref<10000x64xf32, #tpu.memory_space<hbm>> -> memref<10000x64xf32, #tpu.memory_space<hbm>>
      tpu.enqueue_indirect_dma source(%dma_start3A_489 : memref<10000x64xf32, #tpu.memory_space<hbm>>) target(%dma_start3A_483 : memref<100x64xf32, #tpu.memory_space<vmem>>) offsets(%dma_start3A_486 : memref<100xi32, #tpu.memory_space<vmem>>) semaphore(%arg19 : memref<!tpu.dma_semaphore, #tpu.memory_space<semaphore_mem>>)
      %add3A_490 = arith.constant 8 : i32
      %add3A_491 = arith.addi %add3A_256, %add3A_490 : i32
      %ge3A_492 = arith.constant 5 : i32
      %ge3A_493 = arith.cmpi sge, %add3A_491, %ge3A_492 : i32
      %convert_element_type3A_494 = arith.extui %ge3A_493 : i1 to i32
      %cond3A_495 = arith.constant 0 : i32
      %cond3A_496 = arith.cmpi ne, %convert_element_type3A_494, %cond3A_495 : i32
      scf.if %cond3A_496 {
        %add3A_524 = arith.constant 8 : i32
        %add3A_525 = arith.addi %add3A_256, %add3A_524 : i32
        %sub3A = arith.constant 5 : i32
        %sub3A_526 = arith.subi %add3A_525, %sub3A : i32
        %dma_wait3A_527 = arith.constant 3 : i32
        %dma_wait3A_528 = arith.constant 0 : i32
        %dma_wait3A_529 = arith.constant 0 : i32
        %dma_wait3A_530 = tpu.memref_slice %arg9[%dma_wait3A_527, %dma_wait3A_528, %dma_wait3A_529] : memref<10x100x64xf32, #tpu.memory_space<vmem>> -> memref<1x100x64xf32, #tpu.memory_space<vmem>>
        %dma_wait3A_531 = tpu.memref_squeeze %dma_wait3A_530 : memref<1x100x64xf32, #tpu.memory_space<vmem>> -> memref<100x64xf32, #tpu.memory_space<vmem>>
        %dma_wait3A_532 = arith.constant 0 : i32
        %dma_wait3A_533 = tpu.memref_slice %arg7[%sub3A_526, %dma_wait3A_532] : memref<100x100xi32, #tpu.memory_space<vmem>> -> memref<1x100xi32, #tpu.memory_space<vmem>>
        %dma_wait3A_534 = tpu.memref_squeeze %dma_wait3A_533 : memref<1x100xi32, #tpu.memory_space<vmem>> -> memref<100xi32, #tpu.memory_space<vmem>>
        %dma_wait3A_535 = arith.constant 0 : i32
        %dma_wait3A_536 = arith.constant 0 : i32
        %dma_wait3A_537 = tpu.memref_slice %arg2[%dma_wait3A_535, %dma_wait3A_536] : memref<10000x64xf32, #tpu.memory_space<hbm>> -> memref<10000x64xf32, #tpu.memory_space<hbm>>
        tpu.wait_indirect_dma semaphore(%arg14 : memref<!tpu.dma_semaphore, #tpu.memory_space<semaphore_mem>>) src(%dma_wait3A_537 : memref<10000x64xf32, #tpu.memory_space<hbm>>) dst(%dma_wait3A_531 : memref<100x64xf32, #tpu.memory_space<vmem>>)
        %add3A_538 = arith.constant 8 : i32
        %add3A_539 = arith.addi %add3A_256, %add3A_538 : i32
        %sub3A_540 = arith.constant 5 : i32
        %sub3A_541 = arith.subi %add3A_539, %sub3A_540 : i32
        %dma_start3A_542 = arith.constant 3 : i32
        %dma_start3A_543 = arith.constant 0 : i32
        %dma_start3A_544 = arith.constant 0 : i32
        %dma_start3A_545 = tpu.memref_slice %arg9[%dma_start3A_542, %dma_start3A_543, %dma_start3A_544] : memref<10x100x64xf32, #tpu.memory_space<vmem>> -> memref<1x100x64xf32, #tpu.memory_space<vmem>>
        %dma_start3A_546 = tpu.memref_squeeze %dma_start3A_545 : memref<1x100x64xf32, #tpu.memory_space<vmem>> -> memref<100x64xf32, #tpu.memory_space<vmem>>
        %dma_start3A_547 = arith.constant 0 : i32
        %dma_start3A_548 = tpu.memref_slice %arg8[%sub3A_541, %dma_start3A_547] : memref<100x100xi32, #tpu.memory_space<vmem>> -> memref<1x100xi32, #tpu.memory_space<vmem>>
        %dma_start3A_549 = tpu.memref_squeeze %dma_start3A_548 : memref<1x100xi32, #tpu.memory_space<vmem>> -> memref<100xi32, #tpu.memory_space<vmem>>
        %dma_start3A_550 = arith.constant 0 : i32
        %dma_start3A_551 = arith.constant 0 : i32
        %dma_start3A_552 = tpu.memref_slice %arg10[%dma_start3A_550, %dma_start3A_551] : memref<10240x64xf32, #tpu.memory_space<vmem_shared>> -> memref<10240x64xf32, #tpu.memory_space<vmem_shared>>
        tpu.enqueue_indirect_dma source(%dma_start3A_546 : memref<100x64xf32, #tpu.memory_space<vmem>>) target(%dma_start3A_552 : memref<10240x64xf32, #tpu.memory_space<vmem_shared>>) offsets(%dma_start3A_549 : memref<100xi32, #tpu.memory_space<vmem>>) semaphore(%arg24 : memref<!tpu.dma_semaphore, #tpu.memory_space<semaphore_mem>>) {add = true}
      } else {
      }
      %add3A_497 = arith.constant 9 : i32
      %add3A_498 = arith.addi %add3A_256, %add3A_497 : i32
      %ge3A_499 = arith.constant 10 : i32
      %ge3A_500 = arith.cmpi sge, %add3A_498, %ge3A_499 : i32
      %convert_element_type3A_501 = arith.extui %ge3A_500 : i1 to i32
      %cond3A_502 = arith.constant 0 : i32
      %cond3A_503 = arith.cmpi ne, %convert_element_type3A_501, %cond3A_502 : i32
      scf.if %cond3A_503 {
        %add3A_524 = arith.constant 9 : i32
        %add3A_525 = arith.addi %add3A_256, %add3A_524 : i32
        %sub3A = arith.constant 10 : i32
        %sub3A_526 = arith.subi %add3A_525, %sub3A : i32
        %dma_wait3A_527 = arith.constant 9 : i32
        %dma_wait3A_528 = arith.constant 0 : i32
        %dma_wait3A_529 = arith.constant 0 : i32
        %dma_wait3A_530 = tpu.memref_slice %arg9[%dma_wait3A_527, %dma_wait3A_528, %dma_wait3A_529] : memref<10x100x64xf32, #tpu.memory_space<vmem>> -> memref<1x100x64xf32, #tpu.memory_space<vmem>>
        %dma_wait3A_531 = tpu.memref_squeeze %dma_wait3A_530 : memref<1x100x64xf32, #tpu.memory_space<vmem>> -> memref<100x64xf32, #tpu.memory_space<vmem>>
        %dma_wait3A_532 = arith.constant 0 : i32
        %dma_wait3A_533 = tpu.memref_slice %arg8[%sub3A_526, %dma_wait3A_532] : memref<100x100xi32, #tpu.memory_space<vmem>> -> memref<1x100xi32, #tpu.memory_space<vmem>>
        %dma_wait3A_534 = tpu.memref_squeeze %dma_wait3A_533 : memref<1x100xi32, #tpu.memory_space<vmem>> -> memref<100xi32, #tpu.memory_space<vmem>>
        %dma_wait3A_535 = arith.constant 0 : i32
        %dma_wait3A_536 = arith.constant 0 : i32
        %dma_wait3A_537 = tpu.memref_slice %arg10[%dma_wait3A_535, %dma_wait3A_536] : memref<10240x64xf32, #tpu.memory_space<vmem_shared>> -> memref<10240x64xf32, #tpu.memory_space<vmem_shared>>
        tpu.wait_indirect_dma semaphore(%arg30 : memref<!tpu.dma_semaphore, #tpu.memory_space<semaphore_mem>>) src(%dma_wait3A_531 : memref<100x64xf32, #tpu.memory_space<vmem>>) dst(%dma_wait3A_537 : memref<10240x64xf32, #tpu.memory_space<vmem_shared>>)
      } else {
      }
      %add3A_504 = arith.constant 9 : i32
      %add3A_505 = arith.addi %add3A_256, %add3A_504 : i32
      %dma_start3A_506 = arith.constant 9 : i32
      %dma_start3A_507 = arith.constant 0 : i32
      %dma_start3A_508 = arith.constant 0 : i32
      %dma_start3A_509 = tpu.memref_slice %arg9[%dma_start3A_506, %dma_start3A_507, %dma_start3A_508] : memref<10x100x64xf32, #tpu.memory_space<vmem>> -> memref<1x100x64xf32, #tpu.memory_space<vmem>>
      %dma_start3A_510 = tpu.memref_squeeze %dma_start3A_509 : memref<1x100x64xf32, #tpu.memory_space<vmem>> -> memref<100x64xf32, #tpu.memory_space<vmem>>
      %dma_start3A_511 = arith.constant 0 : i32
      %dma_start3A_512 = tpu.memref_slice %arg7[%add3A_505, %dma_start3A_511] : memref<100x100xi32, #tpu.memory_space<vmem>> -> memref<1x100xi32, #tpu.memory_space<vmem>>
      %dma_start3A_513 = tpu.memref_squeeze %dma_start3A_512 : memref<1x100xi32, #tpu.memory_space<vmem>> -> memref<100xi32, #tpu.memory_space<vmem>>
      %dma_start3A_514 = arith.constant 0 : i32
      %dma_start3A_515 = arith.constant 0 : i32
      %dma_start3A_516 = tpu.memref_slice %arg2[%dma_start3A_514, %dma_start3A_515] : memref<10000x64xf32, #tpu.memory_space<hbm>> -> memref<10000x64xf32, #tpu.memory_space<hbm>>
      tpu.enqueue_indirect_dma source(%dma_start3A_516 : memref<10000x64xf32, #tpu.memory_space<hbm>>) target(%dma_start3A_510 : memref<100x64xf32, #tpu.memory_space<vmem>>) offsets(%dma_start3A_513 : memref<100xi32, #tpu.memory_space<vmem>>) semaphore(%arg20 : memref<!tpu.dma_semaphore, #tpu.memory_space<semaphore_mem>>)
      %add3A_517 = arith.constant 9 : i32
      %add3A_518 = arith.addi %add3A_256, %add3A_517 : i32
      %ge3A_519 = arith.constant 5 : i32
      %ge3A_520 = arith.cmpi sge, %add3A_518, %ge3A_519 : i32
      %convert_element_type3A_521 = arith.extui %ge3A_520 : i1 to i32
      %cond3A_522 = arith.constant 0 : i32
      %cond3A_523 = arith.cmpi ne, %convert_element_type3A_521, %cond3A_522 : i32
      scf.if %cond3A_523 {
        %add3A_524 = arith.constant 9 : i32
        %add3A_525 = arith.addi %add3A_256, %add3A_524 : i32
        %sub3A = arith.constant 5 : i32
        %sub3A_526 = arith.subi %add3A_525, %sub3A : i32
        %dma_wait3A_527 = arith.constant 4 : i32
        %dma_wait3A_528 = arith.constant 0 : i32
        %dma_wait3A_529 = arith.constant 0 : i32
        %dma_wait3A_530 = tpu.memref_slice %arg9[%dma_wait3A_527, %dma_wait3A_528, %dma_wait3A_529] : memref<10x100x64xf32, #tpu.memory_space<vmem>> -> memref<1x100x64xf32, #tpu.memory_space<vmem>>
        %dma_wait3A_531 = tpu.memref_squeeze %dma_wait3A_530 : memref<1x100x64xf32, #tpu.memory_space<vmem>> -> memref<100x64xf32, #tpu.memory_space<vmem>>
        %dma_wait3A_532 = arith.constant 0 : i32
        %dma_wait3A_533 = tpu.memref_slice %arg7[%sub3A_526, %dma_wait3A_532] : memref<100x100xi32, #tpu.memory_space<vmem>> -> memref<1x100xi32, #tpu.memory_space<vmem>>
        %dma_wait3A_534 = tpu.memref_squeeze %dma_wait3A_533 : memref<1x100xi32, #tpu.memory_space<vmem>> -> memref<100xi32, #tpu.memory_space<vmem>>
        %dma_wait3A_535 = arith.constant 0 : i32
        %dma_wait3A_536 = arith.constant 0 : i32
        %dma_wait3A_537 = tpu.memref_slice %arg2[%dma_wait3A_535, %dma_wait3A_536] : memref<10000x64xf32, #tpu.memory_space<hbm>> -> memref<10000x64xf32, #tpu.memory_space<hbm>>
        tpu.wait_indirect_dma semaphore(%arg15 : memref<!tpu.dma_semaphore, #tpu.memory_space<semaphore_mem>>) src(%dma_wait3A_537 : memref<10000x64xf32, #tpu.memory_space<hbm>>) dst(%dma_wait3A_531 : memref<100x64xf32, #tpu.memory_space<vmem>>)
        %add3A_538 = arith.constant 9 : i32
        %add3A_539 = arith.addi %add3A_256, %add3A_538 : i32
        %sub3A_540 = arith.constant 5 : i32
        %sub3A_541 = arith.subi %add3A_539, %sub3A_540 : i32
        %dma_start3A_542 = arith.constant 4 : i32
        %dma_start3A_543 = arith.constant 0 : i32
        %dma_start3A_544 = arith.constant 0 : i32
        %dma_start3A_545 = tpu.memref_slice %arg9[%dma_start3A_542, %dma_start3A_543, %dma_start3A_544] : memref<10x100x64xf32, #tpu.memory_space<vmem>> -> memref<1x100x64xf32, #tpu.memory_space<vmem>>
        %dma_start3A_546 = tpu.memref_squeeze %dma_start3A_545 : memref<1x100x64xf32, #tpu.memory_space<vmem>> -> memref<100x64xf32, #tpu.memory_space<vmem>>
        %dma_start3A_547 = arith.constant 0 : i32
        %dma_start3A_548 = tpu.memref_slice %arg8[%sub3A_541, %dma_start3A_547] : memref<100x100xi32, #tpu.memory_space<vmem>> -> memref<1x100xi32, #tpu.memory_space<vmem>>
        %dma_start3A_549 = tpu.memref_squeeze %dma_start3A_548 : memref<1x100xi32, #tpu.memory_space<vmem>> -> memref<100xi32, #tpu.memory_space<vmem>>
        %dma_start3A_550 = arith.constant 0 : i32
        %dma_start3A_551 = arith.constant 0 : i32
        %dma_start3A_552 = tpu.memref_slice %arg10[%dma_start3A_550, %dma_start3A_551] : memref<10240x64xf32, #tpu.memory_space<vmem_shared>> -> memref<10240x64xf32, #tpu.memory_space<vmem_shared>>
        tpu.enqueue_indirect_dma source(%dma_start3A_546 : memref<100x64xf32, #tpu.memory_space<vmem>>) target(%dma_start3A_552 : memref<10240x64xf32, #tpu.memory_space<vmem_shared>>) offsets(%dma_start3A_549 : memref<100xi32, #tpu.memory_space<vmem>>) semaphore(%arg25 : memref<!tpu.dma_semaphore, #tpu.memory_space<semaphore_mem>>) {add = true}
      } else {
      }
    }
    %scan3A_8 = arith.constant 10 : i32
    %dma_wait3A = arith.constant 95 : i32
    %dma_wait3A_9 = arith.constant 5 : i32
    %dma_wait3A_10 = arith.constant 0 : i32
    %dma_wait3A_11 = arith.constant 0 : i32
    %dma_wait3A_12 = tpu.memref_slice %arg9[%dma_wait3A_9, %dma_wait3A_10, %dma_wait3A_11] : memref<10x100x64xf32, #tpu.memory_space<vmem>> -> memref<1x100x64xf32, #tpu.memory_space<vmem>>
    %dma_wait3A_13 = tpu.memref_squeeze %dma_wait3A_12 : memref<1x100x64xf32, #tpu.memory_space<vmem>> -> memref<100x64xf32, #tpu.memory_space<vmem>>
    %dma_wait3A_14 = arith.constant 0 : i32
    %dma_wait3A_15 = tpu.memref_slice %arg7[%dma_wait3A, %dma_wait3A_14] : memref<100x100xi32, #tpu.memory_space<vmem>> -> memref<1x100xi32, #tpu.memory_space<vmem>>
    %dma_wait3A_16 = tpu.memref_squeeze %dma_wait3A_15 : memref<1x100xi32, #tpu.memory_space<vmem>> -> memref<100xi32, #tpu.memory_space<vmem>>
    %dma_wait3A_17 = arith.constant 0 : i32
    %dma_wait3A_18 = arith.constant 0 : i32
    %dma_wait3A_19 = tpu.memref_slice %arg2[%dma_wait3A_17, %dma_wait3A_18] : memref<10000x64xf32, #tpu.memory_space<hbm>> -> memref<10000x64xf32, #tpu.memory_space<hbm>>
    tpu.wait_indirect_dma semaphore(%arg16 : memref<!tpu.dma_semaphore, #tpu.memory_space<semaphore_mem>>) src(%dma_wait3A_19 : memref<10000x64xf32, #tpu.memory_space<hbm>>) dst(%dma_wait3A_13 : memref<100x64xf32, #tpu.memory_space<vmem>>)
    %dma_start3A = arith.constant 5 : i32
    %dma_start3A_20 = arith.constant 95 : i32
    %dma_start3A_21 = arith.constant 0 : i32
    %dma_start3A_22 = arith.constant 0 : i32
    %dma_start3A_23 = tpu.memref_slice %arg9[%dma_start3A, %dma_start3A_21, %dma_start3A_22] : memref<10x100x64xf32, #tpu.memory_space<vmem>> -> memref<1x100x64xf32, #tpu.memory_space<vmem>>
    %dma_start3A_24 = tpu.memref_squeeze %dma_start3A_23 : memref<1x100x64xf32, #tpu.memory_space<vmem>> -> memref<100x64xf32, #tpu.memory_space<vmem>>
    %dma_start3A_25 = arith.constant 0 : i32
    %dma_start3A_26 = tpu.memref_slice %arg8[%dma_start3A_20, %dma_start3A_25] : memref<100x100xi32, #tpu.memory_space<vmem>> -> memref<1x100xi32, #tpu.memory_space<vmem>>
    %dma_start3A_27 = tpu.memref_squeeze %dma_start3A_26 : memref<1x100xi32, #tpu.memory_space<vmem>> -> memref<100xi32, #tpu.memory_space<vmem>>
    %dma_start3A_28 = arith.constant 0 : i32
    %dma_start3A_29 = arith.constant 0 : i32
    %dma_start3A_30 = tpu.memref_slice %arg10[%dma_start3A_28, %dma_start3A_29] : memref<10240x64xf32, #tpu.memory_space<vmem_shared>> -> memref<10240x64xf32, #tpu.memory_space<vmem_shared>>
    tpu.enqueue_indirect_dma source(%dma_start3A_24 : memref<100x64xf32, #tpu.memory_space<vmem>>) target(%dma_start3A_30 : memref<10240x64xf32, #tpu.memory_space<vmem_shared>>) offsets(%dma_start3A_27 : memref<100xi32, #tpu.memory_space<vmem>>) semaphore(%arg26 : memref<!tpu.dma_semaphore, #tpu.memory_space<semaphore_mem>>) {add = true}
    %dma_wait3A_31 = arith.constant 96 : i32
    %dma_wait3A_32 = arith.constant 6 : i32
    %dma_wait3A_33 = arith.constant 0 : i32
    %dma_wait3A_34 = arith.constant 0 : i32
    %dma_wait3A_35 = tpu.memref_slice %arg9[%dma_wait3A_32, %dma_wait3A_33, %dma_wait3A_34] : memref<10x100x64xf32, #tpu.memory_space<vmem>> -> memref<1x100x64xf32, #tpu.memory_space<vmem>>
    %dma_wait3A_36 = tpu.memref_squeeze %dma_wait3A_35 : memref<1x100x64xf32, #tpu.memory_space<vmem>> -> memref<100x64xf32, #tpu.memory_space<vmem>>
    %dma_wait3A_37 = arith.constant 0 : i32
    %dma_wait3A_38 = tpu.memref_slice %arg7[%dma_wait3A_31, %dma_wait3A_37] : memref<100x100xi32, #tpu.memory_space<vmem>> -> memref<1x100xi32, #tpu.memory_space<vmem>>
    %dma_wait3A_39 = tpu.memref_squeeze %dma_wait3A_38 : memref<1x100xi32, #tpu.memory_space<vmem>> -> memref<100xi32, #tpu.memory_space<vmem>>
    %dma_wait3A_40 = arith.constant 0 : i32
    %dma_wait3A_41 = arith.constant 0 : i32
    %dma_wait3A_42 = tpu.memref_slice %arg2[%dma_wait3A_40, %dma_wait3A_41] : memref<10000x64xf32, #tpu.memory_space<hbm>> -> memref<10000x64xf32, #tpu.memory_space<hbm>>
    tpu.wait_indirect_dma semaphore(%arg17 : memref<!tpu.dma_semaphore, #tpu.memory_space<semaphore_mem>>) src(%dma_wait3A_42 : memref<10000x64xf32, #tpu.memory_space<hbm>>) dst(%dma_wait3A_36 : memref<100x64xf32, #tpu.memory_space<vmem>>)
    %dma_start3A_43 = arith.constant 6 : i32
    %dma_start3A_44 = arith.constant 96 : i32
    %dma_start3A_45 = arith.constant 0 : i32
    %dma_start3A_46 = arith.constant 0 : i32
    %dma_start3A_47 = tpu.memref_slice %arg9[%dma_start3A_43, %dma_start3A_45, %dma_start3A_46] : memref<10x100x64xf32, #tpu.memory_space<vmem>> -> memref<1x100x64xf32, #tpu.memory_space<vmem>>
    %dma_start3A_48 = tpu.memref_squeeze %dma_start3A_47 : memref<1x100x64xf32, #tpu.memory_space<vmem>> -> memref<100x64xf32, #tpu.memory_space<vmem>>
    %dma_start3A_49 = arith.constant 0 : i32
    %dma_start3A_50 = tpu.memref_slice %arg8[%dma_start3A_44, %dma_start3A_49] : memref<100x100xi32, #tpu.memory_space<vmem>> -> memref<1x100xi32, #tpu.memory_space<vmem>>
    %dma_start3A_51 = tpu.memref_squeeze %dma_start3A_50 : memref<1x100xi32, #tpu.memory_space<vmem>> -> memref<100xi32, #tpu.memory_space<vmem>>
    %dma_start3A_52 = arith.constant 0 : i32
    %dma_start3A_53 = arith.constant 0 : i32
    %dma_start3A_54 = tpu.memref_slice %arg10[%dma_start3A_52, %dma_start3A_53] : memref<10240x64xf32, #tpu.memory_space<vmem_shared>> -> memref<10240x64xf32, #tpu.memory_space<vmem_shared>>
    tpu.enqueue_indirect_dma source(%dma_start3A_48 : memref<100x64xf32, #tpu.memory_space<vmem>>) target(%dma_start3A_54 : memref<10240x64xf32, #tpu.memory_space<vmem_shared>>) offsets(%dma_start3A_51 : memref<100xi32, #tpu.memory_space<vmem>>) semaphore(%arg27 : memref<!tpu.dma_semaphore, #tpu.memory_space<semaphore_mem>>) {add = true}
    %dma_wait3A_55 = arith.constant 97 : i32
    %dma_wait3A_56 = arith.constant 7 : i32
    %dma_wait3A_57 = arith.constant 0 : i32
    %dma_wait3A_58 = arith.constant 0 : i32
    %dma_wait3A_59 = tpu.memref_slice %arg9[%dma_wait3A_56, %dma_wait3A_57, %dma_wait3A_58] : memref<10x100x64xf32, #tpu.memory_space<vmem>> -> memref<1x100x64xf32, #tpu.memory_space<vmem>>
    %dma_wait3A_60 = tpu.memref_squeeze %dma_wait3A_59 : memref<1x100x64xf32, #tpu.memory_space<vmem>> -> memref<100x64xf32, #tpu.memory_space<vmem>>
    %dma_wait3A_61 = arith.constant 0 : i32
    %dma_wait3A_62 = tpu.memref_slice %arg7[%dma_wait3A_55, %dma_wait3A_61] : memref<100x100xi32, #tpu.memory_space<vmem>> -> memref<1x100xi32, #tpu.memory_space<vmem>>
    %dma_wait3A_63 = tpu.memref_squeeze %dma_wait3A_62 : memref<1x100xi32, #tpu.memory_space<vmem>> -> memref<100xi32, #tpu.memory_space<vmem>>
    %dma_wait3A_64 = arith.constant 0 : i32
    %dma_wait3A_65 = arith.constant 0 : i32
    %dma_wait3A_66 = tpu.memref_slice %arg2[%dma_wait3A_64, %dma_wait3A_65] : memref<10000x64xf32, #tpu.memory_space<hbm>> -> memref<10000x64xf32, #tpu.memory_space<hbm>>
    tpu.wait_indirect_dma semaphore(%arg18 : memref<!tpu.dma_semaphore, #tpu.memory_space<semaphore_mem>>) src(%dma_wait3A_66 : memref<10000x64xf32, #tpu.memory_space<hbm>>) dst(%dma_wait3A_60 : memref<100x64xf32, #tpu.memory_space<vmem>>)
    %dma_start3A_67 = arith.constant 7 : i32
    %dma_start3A_68 = arith.constant 97 : i32
    %dma_start3A_69 = arith.constant 0 : i32
    %dma_start3A_70 = arith.constant 0 : i32
    %dma_start3A_71 = tpu.memref_slice %arg9[%dma_start3A_67, %dma_start3A_69, %dma_start3A_70] : memref<10x100x64xf32, #tpu.memory_space<vmem>> -> memref<1x100x64xf32, #tpu.memory_space<vmem>>
    %dma_start3A_72 = tpu.memref_squeeze %dma_start3A_71 : memref<1x100x64xf32, #tpu.memory_space<vmem>> -> memref<100x64xf32, #tpu.memory_space<vmem>>
    %dma_start3A_73 = arith.constant 0 : i32
    %dma_start3A_74 = tpu.memref_slice %arg8[%dma_start3A_68, %dma_start3A_73] : memref<100x100xi32, #tpu.memory_space<vmem>> -> memref<1x100xi32, #tpu.memory_space<vmem>>
    %dma_start3A_75 = tpu.memref_squeeze %dma_start3A_74 : memref<1x100xi32, #tpu.memory_space<vmem>> -> memref<100xi32, #tpu.memory_space<vmem>>
    %dma_start3A_76 = arith.constant 0 : i32
    %dma_start3A_77 = arith.constant 0 : i32
    %dma_start3A_78 = tpu.memref_slice %arg10[%dma_start3A_76, %dma_start3A_77] : memref<10240x64xf32, #tpu.memory_space<vmem_shared>> -> memref<10240x64xf32, #tpu.memory_space<vmem_shared>>
    tpu.enqueue_indirect_dma source(%dma_start3A_72 : memref<100x64xf32, #tpu.memory_space<vmem>>) target(%dma_start3A_78 : memref<10240x64xf32, #tpu.memory_space<vmem_shared>>) offsets(%dma_start3A_75 : memref<100xi32, #tpu.memory_space<vmem>>) semaphore(%arg28 : memref<!tpu.dma_semaphore, #tpu.memory_space<semaphore_mem>>) {add = true}
    %dma_wait3A_79 = arith.constant 98 : i32
    %dma_wait3A_80 = arith.constant 8 : i32
    %dma_wait3A_81 = arith.constant 0 : i32
    %dma_wait3A_82 = arith.constant 0 : i32
    %dma_wait3A_83 = tpu.memref_slice %arg9[%dma_wait3A_80, %dma_wait3A_81, %dma_wait3A_82] : memref<10x100x64xf32, #tpu.memory_space<vmem>> -> memref<1x100x64xf32, #tpu.memory_space<vmem>>
    %dma_wait3A_84 = tpu.memref_squeeze %dma_wait3A_83 : memref<1x100x64xf32, #tpu.memory_space<vmem>> -> memref<100x64xf32, #tpu.memory_space<vmem>>
    %dma_wait3A_85 = arith.constant 0 : i32
    %dma_wait3A_86 = tpu.memref_slice %arg7[%dma_wait3A_79, %dma_wait3A_85] : memref<100x100xi32, #tpu.memory_space<vmem>> -> memref<1x100xi32, #tpu.memory_space<vmem>>
    %dma_wait3A_87 = tpu.memref_squeeze %dma_wait3A_86 : memref<1x100xi32, #tpu.memory_space<vmem>> -> memref<100xi32, #tpu.memory_space<vmem>>
    %dma_wait3A_88 = arith.constant 0 : i32
    %dma_wait3A_89 = arith.constant 0 : i32
    %dma_wait3A_90 = tpu.memref_slice %arg2[%dma_wait3A_88, %dma_wait3A_89] : memref<10000x64xf32, #tpu.memory_space<hbm>> -> memref<10000x64xf32, #tpu.memory_space<hbm>>
    tpu.wait_indirect_dma semaphore(%arg19 : memref<!tpu.dma_semaphore, #tpu.memory_space<semaphore_mem>>) src(%dma_wait3A_90 : memref<10000x64xf32, #tpu.memory_space<hbm>>) dst(%dma_wait3A_84 : memref<100x64xf32, #tpu.memory_space<vmem>>)
    %dma_start3A_91 = arith.constant 8 : i32
    %dma_start3A_92 = arith.constant 98 : i32
    %dma_start3A_93 = arith.constant 0 : i32
    %dma_start3A_94 = arith.constant 0 : i32
    %dma_start3A_95 = tpu.memref_slice %arg9[%dma_start3A_91, %dma_start3A_93, %dma_start3A_94] : memref<10x100x64xf32, #tpu.memory_space<vmem>> -> memref<1x100x64xf32, #tpu.memory_space<vmem>>
    %dma_start3A_96 = tpu.memref_squeeze %dma_start3A_95 : memref<1x100x64xf32, #tpu.memory_space<vmem>> -> memref<100x64xf32, #tpu.memory_space<vmem>>
    %dma_start3A_97 = arith.constant 0 : i32
    %dma_start3A_98 = tpu.memref_slice %arg8[%dma_start3A_92, %dma_start3A_97] : memref<100x100xi32, #tpu.memory_space<vmem>> -> memref<1x100xi32, #tpu.memory_space<vmem>>
    %dma_start3A_99 = tpu.memref_squeeze %dma_start3A_98 : memref<1x100xi32, #tpu.memory_space<vmem>> -> memref<100xi32, #tpu.memory_space<vmem>>
    %dma_start3A_100 = arith.constant 0 : i32
    %dma_start3A_101 = arith.constant 0 : i32
    %dma_start3A_102 = tpu.memref_slice %arg10[%dma_start3A_100, %dma_start3A_101] : memref<10240x64xf32, #tpu.memory_space<vmem_shared>> -> memref<10240x64xf32, #tpu.memory_space<vmem_shared>>
    tpu.enqueue_indirect_dma source(%dma_start3A_96 : memref<100x64xf32, #tpu.memory_space<vmem>>) target(%dma_start3A_102 : memref<10240x64xf32, #tpu.memory_space<vmem_shared>>) offsets(%dma_start3A_99 : memref<100xi32, #tpu.memory_space<vmem>>) semaphore(%arg29 : memref<!tpu.dma_semaphore, #tpu.memory_space<semaphore_mem>>) {add = true}
    %dma_wait3A_103 = arith.constant 99 : i32
    %dma_wait3A_104 = arith.constant 9 : i32
    %dma_wait3A_105 = arith.constant 0 : i32
    %dma_wait3A_106 = arith.constant 0 : i32
    %dma_wait3A_107 = tpu.memref_slice %arg9[%dma_wait3A_104, %dma_wait3A_105, %dma_wait3A_106] : memref<10x100x64xf32, #tpu.memory_space<vmem>> -> memref<1x100x64xf32, #tpu.memory_space<vmem>>
    %dma_wait3A_108 = tpu.memref_squeeze %dma_wait3A_107 : memref<1x100x64xf32, #tpu.memory_space<vmem>> -> memref<100x64xf32, #tpu.memory_space<vmem>>
    %dma_wait3A_109 = arith.constant 0 : i32
    %dma_wait3A_110 = tpu.memref_slice %arg7[%dma_wait3A_103, %dma_wait3A_109] : memref<100x100xi32, #tpu.memory_space<vmem>> -> memref<1x100xi32, #tpu.memory_space<vmem>>
    %dma_wait3A_111 = tpu.memref_squeeze %dma_wait3A_110 : memref<1x100xi32, #tpu.memory_space<vmem>> -> memref<100xi32, #tpu.memory_space<vmem>>
    %dma_wait3A_112 = arith.constant 0 : i32
    %dma_wait3A_113 = arith.constant 0 : i32
    %dma_wait3A_114 = tpu.memref_slice %arg2[%dma_wait3A_112, %dma_wait3A_113] : memref<10000x64xf32, #tpu.memory_space<hbm>> -> memref<10000x64xf32, #tpu.memory_space<hbm>>
    tpu.wait_indirect_dma semaphore(%arg20 : memref<!tpu.dma_semaphore, #tpu.memory_space<semaphore_mem>>) src(%dma_wait3A_114 : memref<10000x64xf32, #tpu.memory_space<hbm>>) dst(%dma_wait3A_108 : memref<100x64xf32, #tpu.memory_space<vmem>>)
    %dma_start3A_115 = arith.constant 9 : i32
    %dma_start3A_116 = arith.constant 99 : i32
    %dma_start3A_117 = arith.constant 0 : i32
    %dma_start3A_118 = arith.constant 0 : i32
    %dma_start3A_119 = tpu.memref_slice %arg9[%dma_start3A_115, %dma_start3A_117, %dma_start3A_118] : memref<10x100x64xf32, #tpu.memory_space<vmem>> -> memref<1x100x64xf32, #tpu.memory_space<vmem>>
    %dma_start3A_120 = tpu.memref_squeeze %dma_start3A_119 : memref<1x100x64xf32, #tpu.memory_space<vmem>> -> memref<100x64xf32, #tpu.memory_space<vmem>>
    %dma_start3A_121 = arith.constant 0 : i32
    %dma_start3A_122 = tpu.memref_slice %arg8[%dma_start3A_116, %dma_start3A_121] : memref<100x100xi32, #tpu.memory_space<vmem>> -> memref<1x100xi32, #tpu.memory_space<vmem>>
    %dma_start3A_123 = tpu.memref_squeeze %dma_start3A_122 : memref<1x100xi32, #tpu.memory_space<vmem>> -> memref<100xi32, #tpu.memory_space<vmem>>
    %dma_start3A_124 = arith.constant 0 : i32
    %dma_start3A_125 = arith.constant 0 : i32
    %dma_start3A_126 = tpu.memref_slice %arg10[%dma_start3A_124, %dma_start3A_125] : memref<10240x64xf32, #tpu.memory_space<vmem_shared>> -> memref<10240x64xf32, #tpu.memory_space<vmem_shared>>
    tpu.enqueue_indirect_dma source(%dma_start3A_120 : memref<100x64xf32, #tpu.memory_space<vmem>>) target(%dma_start3A_126 : memref<10240x64xf32, #tpu.memory_space<vmem_shared>>) offsets(%dma_start3A_123 : memref<100xi32, #tpu.memory_space<vmem>>) semaphore(%arg30 : memref<!tpu.dma_semaphore, #tpu.memory_space<semaphore_mem>>) {add = true}
    %dma_wait3A_127 = arith.constant 0 : i32
    %dma_wait3A_128 = arith.constant 90 : i32
    %dma_wait3A_129 = arith.constant 0 : i32
    %dma_wait3A_130 = arith.constant 0 : i32
    %dma_wait3A_131 = tpu.memref_slice %arg9[%dma_wait3A_127, %dma_wait3A_129, %dma_wait3A_130] : memref<10x100x64xf32, #tpu.memory_space<vmem>> -> memref<1x100x64xf32, #tpu.memory_space<vmem>>
    %dma_wait3A_132 = tpu.memref_squeeze %dma_wait3A_131 : memref<1x100x64xf32, #tpu.memory_space<vmem>> -> memref<100x64xf32, #tpu.memory_space<vmem>>
    %dma_wait3A_133 = arith.constant 0 : i32
    %dma_wait3A_134 = tpu.memref_slice %arg8[%dma_wait3A_128, %dma_wait3A_133] : memref<100x100xi32, #tpu.memory_space<vmem>> -> memref<1x100xi32, #tpu.memory_space<vmem>>
    %dma_wait3A_135 = tpu.memref_squeeze %dma_wait3A_134 : memref<1x100xi32, #tpu.memory_space<vmem>> -> memref<100xi32, #tpu.memory_space<vmem>>
    %dma_wait3A_136 = arith.constant 0 : i32
    %dma_wait3A_137 = arith.constant 0 : i32
    %dma_wait3A_138 = tpu.memref_slice %arg10[%dma_wait3A_136, %dma_wait3A_137] : memref<10240x64xf32, #tpu.memory_space<vmem_shared>> -> memref<10240x64xf32, #tpu.memory_space<vmem_shared>>
    tpu.wait_indirect_dma semaphore(%arg21 : memref<!tpu.dma_semaphore, #tpu.memory_space<semaphore_mem>>) src(%dma_wait3A_132 : memref<100x64xf32, #tpu.memory_space<vmem>>) dst(%dma_wait3A_138 : memref<10240x64xf32, #tpu.memory_space<vmem_shared>>)
    %dma_wait3A_139 = arith.constant 1 : i32
    %dma_wait3A_140 = arith.constant 91 : i32
    %dma_wait3A_141 = arith.constant 0 : i32
    %dma_wait3A_142 = arith.constant 0 : i32
    %dma_wait3A_143 = tpu.memref_slice %arg9[%dma_wait3A_139, %dma_wait3A_141, %dma_wait3A_142] : memref<10x100x64xf32, #tpu.memory_space<vmem>> -> memref<1x100x64xf32, #tpu.memory_space<vmem>>
    %dma_wait3A_144 = tpu.memref_squeeze %dma_wait3A_143 : memref<1x100x64xf32, #tpu.memory_space<vmem>> -> memref<100x64xf32, #tpu.memory_space<vmem>>
    %dma_wait3A_145 = arith.constant 0 : i32
    %dma_wait3A_146 = tpu.memref_slice %arg8[%dma_wait3A_140, %dma_wait3A_145] : memref<100x100xi32, #tpu.memory_space<vmem>> -> memref<1x100xi32, #tpu.memory_space<vmem>>
    %dma_wait3A_147 = tpu.memref_squeeze %dma_wait3A_146 : memref<1x100xi32, #tpu.memory_space<vmem>> -> memref<100xi32, #tpu.memory_space<vmem>>
    %dma_wait3A_148 = arith.constant 0 : i32
    %dma_wait3A_149 = arith.constant 0 : i32
    %dma_wait3A_150 = tpu.memref_slice %arg10[%dma_wait3A_148, %dma_wait3A_149] : memref<10240x64xf32, #tpu.memory_space<vmem_shared>> -> memref<10240x64xf32, #tpu.memory_space<vmem_shared>>
    tpu.wait_indirect_dma semaphore(%arg22 : memref<!tpu.dma_semaphore, #tpu.memory_space<semaphore_mem>>) src(%dma_wait3A_144 : memref<100x64xf32, #tpu.memory_space<vmem>>) dst(%dma_wait3A_150 : memref<10240x64xf32, #tpu.memory_space<vmem_shared>>)
    %dma_wait3A_151 = arith.constant 2 : i32
    %dma_wait3A_152 = arith.constant 92 : i32
    %dma_wait3A_153 = arith.constant 0 : i32
    %dma_wait3A_154 = arith.constant 0 : i32
    %dma_wait3A_155 = tpu.memref_slice %arg9[%dma_wait3A_151, %dma_wait3A_153, %dma_wait3A_154] : memref<10x100x64xf32, #tpu.memory_space<vmem>> -> memref<1x100x64xf32, #tpu.memory_space<vmem>>
    %dma_wait3A_156 = tpu.memref_squeeze %dma_wait3A_155 : memref<1x100x64xf32, #tpu.memory_space<vmem>> -> memref<100x64xf32, #tpu.memory_space<vmem>>
    %dma_wait3A_157 = arith.constant 0 : i32
    %dma_wait3A_158 = tpu.memref_slice %arg8[%dma_wait3A_152, %dma_wait3A_157] : memref<100x100xi32, #tpu.memory_space<vmem>> -> memref<1x100xi32, #tpu.memory_space<vmem>>
    %dma_wait3A_159 = tpu.memref_squeeze %dma_wait3A_158 : memref<1x100xi32, #tpu.memory_space<vmem>> -> memref<100xi32, #tpu.memory_space<vmem>>
    %dma_wait3A_160 = arith.constant 0 : i32
    %dma_wait3A_161 = arith.constant 0 : i32
    %dma_wait3A_162 = tpu.memref_slice %arg10[%dma_wait3A_160, %dma_wait3A_161] : memref<10240x64xf32, #tpu.memory_space<vmem_shared>> -> memref<10240x64xf32, #tpu.memory_space<vmem_shared>>
    tpu.wait_indirect_dma semaphore(%arg23 : memref<!tpu.dma_semaphore, #tpu.memory_space<semaphore_mem>>) src(%dma_wait3A_156 : memref<100x64xf32, #tpu.memory_space<vmem>>) dst(%dma_wait3A_162 : memref<10240x64xf32, #tpu.memory_space<vmem_shared>>)
    %dma_wait3A_163 = arith.constant 3 : i32
    %dma_wait3A_164 = arith.constant 93 : i32
    %dma_wait3A_165 = arith.constant 0 : i32
    %dma_wait3A_166 = arith.constant 0 : i32
    %dma_wait3A_167 = tpu.memref_slice %arg9[%dma_wait3A_163, %dma_wait3A_165, %dma_wait3A_166] : memref<10x100x64xf32, #tpu.memory_space<vmem>> -> memref<1x100x64xf32, #tpu.memory_space<vmem>>
    %dma_wait3A_168 = tpu.memref_squeeze %dma_wait3A_167 : memref<1x100x64xf32, #tpu.memory_space<vmem>> -> memref<100x64xf32, #tpu.memory_space<vmem>>
    %dma_wait3A_169 = arith.constant 0 : i32
    %dma_wait3A_170 = tpu.memref_slice %arg8[%dma_wait3A_164, %dma_wait3A_169] : memref<100x100xi32, #tpu.memory_space<vmem>> -> memref<1x100xi32, #tpu.memory_space<vmem>>
    %dma_wait3A_171 = tpu.memref_squeeze %dma_wait3A_170 : memref<1x100xi32, #tpu.memory_space<vmem>> -> memref<100xi32, #tpu.memory_space<vmem>>
    %dma_wait3A_172 = arith.constant 0 : i32
    %dma_wait3A_173 = arith.constant 0 : i32
    %dma_wait3A_174 = tpu.memref_slice %arg10[%dma_wait3A_172, %dma_wait3A_173] : memref<10240x64xf32, #tpu.memory_space<vmem_shared>> -> memref<10240x64xf32, #tpu.memory_space<vmem_shared>>
    tpu.wait_indirect_dma semaphore(%arg24 : memref<!tpu.dma_semaphore, #tpu.memory_space<semaphore_mem>>) src(%dma_wait3A_168 : memref<100x64xf32, #tpu.memory_space<vmem>>) dst(%dma_wait3A_174 : memref<10240x64xf32, #tpu.memory_space<vmem_shared>>)
    %dma_wait3A_175 = arith.constant 4 : i32
    %dma_wait3A_176 = arith.constant 94 : i32
    %dma_wait3A_177 = arith.constant 0 : i32
    %dma_wait3A_178 = arith.constant 0 : i32
    %dma_wait3A_179 = tpu.memref_slice %arg9[%dma_wait3A_175, %dma_wait3A_177, %dma_wait3A_178] : memref<10x100x64xf32, #tpu.memory_space<vmem>> -> memref<1x100x64xf32, #tpu.memory_space<vmem>>
    %dma_wait3A_180 = tpu.memref_squeeze %dma_wait3A_179 : memref<1x100x64xf32, #tpu.memory_space<vmem>> -> memref<100x64xf32, #tpu.memory_space<vmem>>
    %dma_wait3A_181 = arith.constant 0 : i32
    %dma_wait3A_182 = tpu.memref_slice %arg8[%dma_wait3A_176, %dma_wait3A_181] : memref<100x100xi32, #tpu.memory_space<vmem>> -> memref<1x100xi32, #tpu.memory_space<vmem>>
    %dma_wait3A_183 = tpu.memref_squeeze %dma_wait3A_182 : memref<1x100xi32, #tpu.memory_space<vmem>> -> memref<100xi32, #tpu.memory_space<vmem>>
    %dma_wait3A_184 = arith.constant 0 : i32
    %dma_wait3A_185 = arith.constant 0 : i32
    %dma_wait3A_186 = tpu.memref_slice %arg10[%dma_wait3A_184, %dma_wait3A_185] : memref<10240x64xf32, #tpu.memory_space<vmem_shared>> -> memref<10240x64xf32, #tpu.memory_space<vmem_shared>>
    tpu.wait_indirect_dma semaphore(%arg25 : memref<!tpu.dma_semaphore, #tpu.memory_space<semaphore_mem>>) src(%dma_wait3A_180 : memref<100x64xf32, #tpu.memory_space<vmem>>) dst(%dma_wait3A_186 : memref<10240x64xf32, #tpu.memory_space<vmem_shared>>)
    %dma_wait3A_187 = arith.constant 5 : i32
    %dma_wait3A_188 = arith.constant 95 : i32
    %dma_wait3A_189 = arith.constant 0 : i32
    %dma_wait3A_190 = arith.constant 0 : i32
    %dma_wait3A_191 = tpu.memref_slice %arg9[%dma_wait3A_187, %dma_wait3A_189, %dma_wait3A_190] : memref<10x100x64xf32, #tpu.memory_space<vmem>> -> memref<1x100x64xf32, #tpu.memory_space<vmem>>
    %dma_wait3A_192 = tpu.memref_squeeze %dma_wait3A_191 : memref<1x100x64xf32, #tpu.memory_space<vmem>> -> memref<100x64xf32, #tpu.memory_space<vmem>>
    %dma_wait3A_193 = arith.constant 0 : i32
    %dma_wait3A_194 = tpu.memref_slice %arg8[%dma_wait3A_188, %dma_wait3A_193] : memref<100x100xi32, #tpu.memory_space<vmem>> -> memref<1x100xi32, #tpu.memory_space<vmem>>
    %dma_wait3A_195 = tpu.memref_squeeze %dma_wait3A_194 : memref<1x100xi32, #tpu.memory_space<vmem>> -> memref<100xi32, #tpu.memory_space<vmem>>
    %dma_wait3A_196 = arith.constant 0 : i32
    %dma_wait3A_197 = arith.constant 0 : i32
    %dma_wait3A_198 = tpu.memref_slice %arg10[%dma_wait3A_196, %dma_wait3A_197] : memref<10240x64xf32, #tpu.memory_space<vmem_shared>> -> memref<10240x64xf32, #tpu.memory_space<vmem_shared>>
    tpu.wait_indirect_dma semaphore(%arg26 : memref<!tpu.dma_semaphore, #tpu.memory_space<semaphore_mem>>) src(%dma_wait3A_192 : memref<100x64xf32, #tpu.memory_space<vmem>>) dst(%dma_wait3A_198 : memref<10240x64xf32, #tpu.memory_space<vmem_shared>>)
    %dma_wait3A_199 = arith.constant 6 : i32
    %dma_wait3A_200 = arith.constant 96 : i32
    %dma_wait3A_201 = arith.constant 0 : i32
    %dma_wait3A_202 = arith.constant 0 : i32
    %dma_wait3A_203 = tpu.memref_slice %arg9[%dma_wait3A_199, %dma_wait3A_201, %dma_wait3A_202] : memref<10x100x64xf32, #tpu.memory_space<vmem>> -> memref<1x100x64xf32, #tpu.memory_space<vmem>>
    %dma_wait3A_204 = tpu.memref_squeeze %dma_wait3A_203 : memref<1x100x64xf32, #tpu.memory_space<vmem>> -> memref<100x64xf32, #tpu.memory_space<vmem>>
    %dma_wait3A_205 = arith.constant 0 : i32
    %dma_wait3A_206 = tpu.memref_slice %arg8[%dma_wait3A_200, %dma_wait3A_205] : memref<100x100xi32, #tpu.memory_space<vmem>> -> memref<1x100xi32, #tpu.memory_space<vmem>>
    %dma_wait3A_207 = tpu.memref_squeeze %dma_wait3A_206 : memref<1x100xi32, #tpu.memory_space<vmem>> -> memref<100xi32, #tpu.memory_space<vmem>>
    %dma_wait3A_208 = arith.constant 0 : i32
    %dma_wait3A_209 = arith.constant 0 : i32
    %dma_wait3A_210 = tpu.memref_slice %arg10[%dma_wait3A_208, %dma_wait3A_209] : memref<10240x64xf32, #tpu.memory_space<vmem_shared>> -> memref<10240x64xf32, #tpu.memory_space<vmem_shared>>
    tpu.wait_indirect_dma semaphore(%arg27 : memref<!tpu.dma_semaphore, #tpu.memory_space<semaphore_mem>>) src(%dma_wait3A_204 : memref<100x64xf32, #tpu.memory_space<vmem>>) dst(%dma_wait3A_210 : memref<10240x64xf32, #tpu.memory_space<vmem_shared>>)
    %dma_wait3A_211 = arith.constant 7 : i32
    %dma_wait3A_212 = arith.constant 97 : i32
    %dma_wait3A_213 = arith.constant 0 : i32
    %dma_wait3A_214 = arith.constant 0 : i32
    %dma_wait3A_215 = tpu.memref_slice %arg9[%dma_wait3A_211, %dma_wait3A_213, %dma_wait3A_214] : memref<10x100x64xf32, #tpu.memory_space<vmem>> -> memref<1x100x64xf32, #tpu.memory_space<vmem>>
    %dma_wait3A_216 = tpu.memref_squeeze %dma_wait3A_215 : memref<1x100x64xf32, #tpu.memory_space<vmem>> -> memref<100x64xf32, #tpu.memory_space<vmem>>
    %dma_wait3A_217 = arith.constant 0 : i32
    %dma_wait3A_218 = tpu.memref_slice %arg8[%dma_wait3A_212, %dma_wait3A_217] : memref<100x100xi32, #tpu.memory_space<vmem>> -> memref<1x100xi32, #tpu.memory_space<vmem>>
    %dma_wait3A_219 = tpu.memref_squeeze %dma_wait3A_218 : memref<1x100xi32, #tpu.memory_space<vmem>> -> memref<100xi32, #tpu.memory_space<vmem>>
    %dma_wait3A_220 = arith.constant 0 : i32
    %dma_wait3A_221 = arith.constant 0 : i32
    %dma_wait3A_222 = tpu.memref_slice %arg10[%dma_wait3A_220, %dma_wait3A_221] : memref<10240x64xf32, #tpu.memory_space<vmem_shared>> -> memref<10240x64xf32, #tpu.memory_space<vmem_shared>>
    tpu.wait_indirect_dma semaphore(%arg28 : memref<!tpu.dma_semaphore, #tpu.memory_space<semaphore_mem>>) src(%dma_wait3A_216 : memref<100x64xf32, #tpu.memory_space<vmem>>) dst(%dma_wait3A_222 : memref<10240x64xf32, #tpu.memory_space<vmem_shared>>)
    %dma_wait3A_223 = arith.constant 8 : i32
    %dma_wait3A_224 = arith.constant 98 : i32
    %dma_wait3A_225 = arith.constant 0 : i32
    %dma_wait3A_226 = arith.constant 0 : i32
    %dma_wait3A_227 = tpu.memref_slice %arg9[%dma_wait3A_223, %dma_wait3A_225, %dma_wait3A_226] : memref<10x100x64xf32, #tpu.memory_space<vmem>> -> memref<1x100x64xf32, #tpu.memory_space<vmem>>
    %dma_wait3A_228 = tpu.memref_squeeze %dma_wait3A_227 : memref<1x100x64xf32, #tpu.memory_space<vmem>> -> memref<100x64xf32, #tpu.memory_space<vmem>>
    %dma_wait3A_229 = arith.constant 0 : i32
    %dma_wait3A_230 = tpu.memref_slice %arg8[%dma_wait3A_224, %dma_wait3A_229] : memref<100x100xi32, #tpu.memory_space<vmem>> -> memref<1x100xi32, #tpu.memory_space<vmem>>
    %dma_wait3A_231 = tpu.memref_squeeze %dma_wait3A_230 : memref<1x100xi32, #tpu.memory_space<vmem>> -> memref<100xi32, #tpu.memory_space<vmem>>
    %dma_wait3A_232 = arith.constant 0 : i32
    %dma_wait3A_233 = arith.constant 0 : i32
    %dma_wait3A_234 = tpu.memref_slice %arg10[%dma_wait3A_232, %dma_wait3A_233] : memref<10240x64xf32, #tpu.memory_space<vmem_shared>> -> memref<10240x64xf32, #tpu.memory_space<vmem_shared>>
    tpu.wait_indirect_dma semaphore(%arg29 : memref<!tpu.dma_semaphore, #tpu.memory_space<semaphore_mem>>) src(%dma_wait3A_228 : memref<100x64xf32, #tpu.memory_space<vmem>>) dst(%dma_wait3A_234 : memref<10240x64xf32, #tpu.memory_space<vmem_shared>>)
    %dma_wait3A_235 = arith.constant 9 : i32
    %dma_wait3A_236 = arith.constant 99 : i32
    %dma_wait3A_237 = arith.constant 0 : i32
    %dma_wait3A_238 = arith.constant 0 : i32
    %dma_wait3A_239 = tpu.memref_slice %arg9[%dma_wait3A_235, %dma_wait3A_237, %dma_wait3A_238] : memref<10x100x64xf32, #tpu.memory_space<vmem>> -> memref<1x100x64xf32, #tpu.memory_space<vmem>>
    %dma_wait3A_240 = tpu.memref_squeeze %dma_wait3A_239 : memref<1x100x64xf32, #tpu.memory_space<vmem>> -> memref<100x64xf32, #tpu.memory_space<vmem>>
    %dma_wait3A_241 = arith.constant 0 : i32
    %dma_wait3A_242 = tpu.memref_slice %arg8[%dma_wait3A_236, %dma_wait3A_241] : memref<100x100xi32, #tpu.memory_space<vmem>> -> memref<1x100xi32, #tpu.memory_space<vmem>>
    %dma_wait3A_243 = tpu.memref_squeeze %dma_wait3A_242 : memref<1x100xi32, #tpu.memory_space<vmem>> -> memref<100xi32, #tpu.memory_space<vmem>>
    %dma_wait3A_244 = arith.constant 0 : i32
    %dma_wait3A_245 = arith.constant 0 : i32
    %dma_wait3A_246 = tpu.memref_slice %arg10[%dma_wait3A_244, %dma_wait3A_245] : memref<10240x64xf32, #tpu.memory_space<vmem_shared>> -> memref<10240x64xf32, #tpu.memory_space<vmem_shared>>
    tpu.wait_indirect_dma semaphore(%arg30 : memref<!tpu.dma_semaphore, #tpu.memory_space<semaphore_mem>>) src(%dma_wait3A_240 : memref<100x64xf32, #tpu.memory_space<vmem>>) dst(%dma_wait3A_246 : memref<10240x64xf32, #tpu.memory_space<vmem_shared>>)
    %barrier3A_247 = arith.constant 0 : index
    tpu.barrier barrier_id(%barrier3A_247)
    %mul3A_248 = arith.constant 640 : i32
    %mul3A_249 = arith.muli %arg1, %mul3A_248 : i32
    %mul3A_250 = arith.constant 640 : i32
    %mul3A_251 = arith.muli %arg1, %mul3A_250 : i32
    "tpu.region"() ({
      %run_scoped3A = tpu.sem_alloc : memref<!tpu.dma_semaphore, #tpu.memory_space<semaphore_mem>>
      %dma_start3A_252 = arith.constant 0 : i32
      %dma_start3A_253 = tpu.memref_slice %arg6[%arg0, %mul3A_251, %dma_start3A_252] : memref<2x10240x64xf32, #tpu.memory_space<hbm>> -> memref<1x640x64xf32, #tpu.memory_space<hbm>>
      %dma_start3A_254 = tpu.memref_squeeze %dma_start3A_253 : memref<1x640x64xf32, #tpu.memory_space<hbm>> -> memref<640x64xf32, #tpu.memory_space<hbm>>
      %dma_start3A_255 = arith.constant 0 : i32
      %dma_start3A_256 = tpu.memref_slice %arg10[%mul3A_249, %dma_start3A_255] : memref<10240x64xf32, #tpu.memory_space<vmem_shared>> -> memref<640x64xf32, #tpu.memory_space<vmem_shared>>
      tpu.enqueue_dma source(%dma_start3A_256 : memref<640x64xf32, #tpu.memory_space<vmem_shared>>) target(%dma_start3A_254 : memref<640x64xf32, #tpu.memory_space<hbm>>) target_semaphore(%run_scoped3A : memref<!tpu.dma_semaphore, #tpu.memory_space<semaphore_mem>>)
      %dma_wait3A_257 = arith.constant 0 : i32
      %dma_wait3A_258 = tpu.memref_slice %arg6[%arg0, %mul3A_251, %dma_wait3A_257] : memref<2x10240x64xf32, #tpu.memory_space<hbm>> -> memref<1x640x64xf32, #tpu.memory_space<hbm>>
      %dma_wait3A_259 = tpu.memref_squeeze %dma_wait3A_258 : memref<1x640x64xf32, #tpu.memory_space<hbm>> -> memref<640x64xf32, #tpu.memory_space<hbm>>
      %dma_wait3A_260 = arith.constant 0 : i32
      %dma_wait3A_261 = tpu.memref_slice %arg10[%mul3A_249, %dma_wait3A_260] : memref<10240x64xf32, #tpu.memory_space<vmem_shared>> -> memref<640x64xf32, #tpu.memory_space<vmem_shared>>
      tpu.wait_dma2 semaphore(%run_scoped3A : memref<!tpu.dma_semaphore, #tpu.memory_space<semaphore_mem>>) src(%dma_wait3A_261 : memref<640x64xf32, #tpu.memory_space<vmem_shared>>) dst(%dma_wait3A_259 : memref<640x64xf32, #tpu.memory_space<hbm>>)
      tpu.yield
    }) : () -> ()
    return
  }
}

module attributes {stable_mosaic.version = 14 : i64} {
  func.func @body(%arg0: i32, %arg1: memref<2x2000x16xf32, #tpu.memory_space<vmem>>, %arg2: memref<2000x128xf32, #tpu.memory_space<vmem>>, %arg3: memref<128x64xf32, #tpu.memory_space<vmem>>, %arg4: memref<2000x64xf32, #tpu.memory_space<vmem>>, %arg5: memref<2000x64xf32, #tpu.memory_space<vmem>>) attributes {dimension_semantics = [#tpu.dimension_semantics<arbitrary>], iteration_bounds = array<i64: 5>, scalar_prefetch = 0 : i64, scratch_operands = 0 : i64, tpu.core_type = #tpu.core_type<tc>, window_params = [{transform_indices = @transform_0, window_bounds = array<i64: 2, 2000, 16>}, {transform_indices = @transform_1, window_bounds = array<i64: 2000, 128>}, {pipeline_mode = #tpu.pipeline_mode<synchronous>, transform_indices = @transform_2, window_bounds = array<i64: 128, 64>}, {transform_indices = @transform_3, window_bounds = array<i64: 2000, 64>}, {transform_indices = @transform_4, window_bounds = array<i64: 2000, 64>}]} {
    %get3A = arith.constant 0 : index
    %get3A_0 = arith.constant 0 : index
    %get3A_1 = arith.constant 0 : index
    %get3A_2 = vector.load %arg1[%get3A, %get3A_0, %get3A_1] : memref<2x2000x16xf32, #tpu.memory_space<vmem>>, vector<1x2000x1xf32>
    %get3A_3 = vector.shape_cast %get3A_2 : vector<1x2000x1xf32> to vector<2000x1xf32>
    %get3A_4 = arith.constant 1 : index
    %get3A_5 = arith.constant 0 : index
    %get3A_6 = arith.constant 0 : index
    %get3A_7 = vector.load %arg1[%get3A_4, %get3A_5, %get3A_6] : memref<2x2000x16xf32, #tpu.memory_space<vmem>>, vector<1x2000x1xf32>
    %get3A_8 = vector.shape_cast %get3A_7 : vector<1x2000x1xf32> to vector<2000x1xf32>
    %add3A = arith.addf %get3A_3, %get3A_8 : vector<2000x1xf32>
    %add3A_9 = arith.constant 1.000000e+00 : f32
    %add3A_10 = vector.broadcast %add3A_9 : f32 to vector<2000x1xf32>
    %add3A_11 = arith.addf %add3A, %add3A_10 : vector<2000x1xf32>
    %sqrt3A = math.sqrt %add3A_11 : vector<2000x1xf32>
    %div3A = arith.constant 1.000000e+00 : f32
    %div3A_12 = vector.broadcast %div3A : f32 to vector<2000x1xf32>
    %div3A_13 = arith.divf %div3A_12, %sqrt3A : vector<2000x1xf32>
    %broadcast_in_dim3A = vector.shape_cast %div3A_13 : vector<2000x1xf32> to vector<2000x1xf32>
    %broadcast_in_dim3A_14 = vector.broadcast %broadcast_in_dim3A : vector<2000x1xf32> to vector<2000x64xf32>
    %swap3A = arith.constant 0 : index
    %swap3A_15 = arith.constant 0 : index
    %swap3A_16 = vector.load %arg4[%swap3A, %swap3A_15] : memref<2000x64xf32, #tpu.memory_space<vmem>>, vector<2000x64xf32>
    tpu.vector_store %arg4[%swap3A, %swap3A_15], %broadcast_in_dim3A_14 {strides = array<i32>} : memref<2000x64xf32, #tpu.memory_space<vmem>>, vector<2000x64xf32>,
    %get3A_17 = arith.constant 0 : index
    %get3A_18 = arith.constant 0 : index
    %get3A_19 = vector.load %arg2[%get3A_17, %get3A_18] : memref<2000x128xf32, #tpu.memory_space<vmem>>, vector<2000x128xf32>
    %get3A_20 = arith.constant 0 : index
    %get3A_21 = arith.constant 0 : index
    %get3A_22 = vector.load %arg3[%get3A_20, %get3A_21] : memref<128x64xf32, #tpu.memory_space<vmem>>, vector<128x64xf32>
    %dot_general3A = arith.constant dense<0.000000e+00> : vector<2000x64xf32>
    %dot_general3A_23 = tpu.matmul %get3A_19, %get3A_22, %dot_general3A {dimension_numbers = #tpu.dot_dimension_numbers<[1], [0], [0], [1], [0, 0, 1, 1], [], []>, transpose_lhs_hint = false} : vector<2000x128xf32>, vector<128x64xf32>, vector<2000x64xf32> -> vector<2000x64xf32>
    %mul3A = vector.broadcast %div3A_13 : vector<2000x1xf32> to vector<2000x64xf32>
    %mul3A_24 = arith.mulf %dot_general3A_23, %mul3A : vector<2000x64xf32>
    %swap3A_25 = arith.constant 0 : index
    %swap3A_26 = arith.constant 0 : index
    %swap3A_27 = vector.load %arg5[%swap3A_25, %swap3A_26] : memref<2000x64xf32, #tpu.memory_space<vmem>>, vector<2000x64xf32>
    tpu.vector_store %arg5[%swap3A_25, %swap3A_26], %mul3A_24 {strides = array<i32>} : memref<2000x64xf32, #tpu.memory_space<vmem>>, vector<2000x64xf32>,
    return
  }
  func.func @transform_0(%arg0: i32) -> (i32, i32, i32) {
    %c0_i32 = arith.constant 0 : i32
    %c0_i32_0 = arith.constant 0 : i32
    %c0_i32_1 = arith.constant 0 : i32
    return %c0_i32, %arg0, %c0_i32_0 : i32, i32, i32
  }
  func.func @transform_1(%arg0: i32) -> (i32, i32) {
    %c0_i32 = arith.constant 0 : i32
    %c0_i32_0 = arith.constant 0 : i32
    return %arg0, %c0_i32 : i32, i32
  }
  func.func @transform_2(%arg0: i32) -> (i32, i32) {
    %c0_i32 = arith.constant 0 : i32
    %c0_i32_0 = arith.constant 0 : i32
    %c0_i32_1 = arith.constant 0 : i32
    return %c0_i32, %c0_i32_0 : i32, i32
  }
  func.func @transform_3(%arg0: i32) -> (i32, i32) {
    %c0_i32 = arith.constant 0 : i32
    %c0_i32_0 = arith.constant 0 : i32
    return %arg0, %c0_i32 : i32, i32
  }
  func.func @transform_4(%arg0: i32) -> (i32, i32) {
    %c0_i32 = arith.constant 0 : i32
    %c0_i32_0 = arith.constant 0 : i32
    return %arg0, %c0_i32 : i32, i32
  }
}

module attributes {stable_mosaic.version = 14 : i64} {
  func.func @body(%arg0: i32, %arg1: memref<2x2000x64xf32, #tpu.memory_space<vmem>>, %arg2: memref<2000x64xf32, #tpu.memory_space<vmem>>, %arg3: memref<2000x64xf32, #tpu.memory_space<vmem>>, %arg4: memref<1x64xf32, #tpu.memory_space<vmem>>, %arg5: memref<64x64xf32, #tpu.memory_space<vmem>>, %arg6: memref<2000x64xf32, #tpu.memory_space<vmem>>) attributes {dimension_semantics = [#tpu.dimension_semantics<arbitrary>], iteration_bounds = array<i64: 5>, scalar_prefetch = 0 : i64, scratch_operands = 0 : i64, tpu.core_type = #tpu.core_type<tc>, window_params = [{transform_indices = @transform_0, window_bounds = array<i64: 2, 2000, 64>}, {transform_indices = @transform_1, window_bounds = array<i64: 2000, 64>}, {transform_indices = @transform_2, window_bounds = array<i64: 2000, 64>}, {pipeline_mode = #tpu.pipeline_mode<synchronous>, transform_indices = @transform_3, window_bounds = array<i64: 1, 64>}, {pipeline_mode = #tpu.pipeline_mode<synchronous>, transform_indices = @transform_4, window_bounds = array<i64: 64, 64>}, {transform_indices = @transform_5, window_bounds = array<i64: 2000, 64>}]} {
    %get3A = arith.constant 0 : index
    %get3A_0 = arith.constant 0 : index
    %get3A_1 = vector.load %arg3[%get3A, %get3A_0] : memref<2000x64xf32, #tpu.memory_space<vmem>>, vector<2000x64xf32>
    %get3A_2 = arith.constant 0 : index
    %get3A_3 = arith.constant 0 : index
    %get3A_4 = arith.constant 0 : index
    %get3A_5 = vector.load %arg1[%get3A_2, %get3A_3, %get3A_4] : memref<2x2000x64xf32, #tpu.memory_space<vmem>>, vector<1x2000x64xf32>
    %get3A_6 = vector.shape_cast %get3A_5 : vector<1x2000x64xf32> to vector<2000x64xf32>
    %get3A_7 = arith.constant 1 : index
    %get3A_8 = arith.constant 0 : index
    %get3A_9 = arith.constant 0 : index
    %get3A_10 = vector.load %arg1[%get3A_7, %get3A_8, %get3A_9] : memref<2x2000x64xf32, #tpu.memory_space<vmem>>, vector<1x2000x64xf32>
    %get3A_11 = vector.shape_cast %get3A_10 : vector<1x2000x64xf32> to vector<2000x64xf32>
    %add3A = arith.addf %get3A_6, %get3A_11 : vector<2000x64xf32>
    %get3A_12 = arith.constant 0 : index
    %get3A_13 = arith.constant 0 : index
    %get3A_14 = vector.load %arg2[%get3A_12, %get3A_13] : memref<2000x64xf32, #tpu.memory_space<vmem>>, vector<2000x64xf32>
    %add3A_15 = arith.addf %add3A, %get3A_14 : vector<2000x64xf32>
    %mul3A = arith.mulf %get3A_1, %add3A_15 : vector<2000x64xf32>
    %get3A_16 = arith.constant 0 : index
    %get3A_17 = arith.constant 0 : index
    %get3A_18 = vector.load %arg4[%get3A_16, %get3A_17] : memref<1x64xf32, #tpu.memory_space<vmem>>, vector<1x64xf32>
    %add3A_19 = vector.broadcast %get3A_18 : vector<1x64xf32> to vector<2000x64xf32>
    %add3A_20 = arith.addf %mul3A, %add3A_19 : vector<2000x64xf32>
    %max3A = arith.constant 0.000000e+00 : f32
    %max3A_21 = vector.broadcast %max3A : f32 to vector<2000x64xf32>
    %max3A_22 = arith.maximumf %add3A_20, %max3A_21 : vector<2000x64xf32>
    %get3A_23 = arith.constant 0 : index
    %get3A_24 = arith.constant 0 : index
    %get3A_25 = vector.load %arg3[%get3A_23, %get3A_24] : memref<2000x64xf32, #tpu.memory_space<vmem>>, vector<2000x64xf32>
    %get3A_26 = arith.constant 0 : index
    %get3A_27 = arith.constant 0 : index
    %get3A_28 = vector.load %arg5[%get3A_26, %get3A_27] : memref<64x64xf32, #tpu.memory_space<vmem>>, vector<64x64xf32>
    %dot_general3A = arith.constant dense<0.000000e+00> : vector<2000x64xf32>
    %dot_general3A_29 = tpu.matmul %max3A_22, %get3A_28, %dot_general3A {dimension_numbers = #tpu.dot_dimension_numbers<[1], [0], [0], [1], [0, 0, 1, 1], [], []>, transpose_lhs_hint = false} : vector<2000x64xf32>, vector<64x64xf32>, vector<2000x64xf32> -> vector<2000x64xf32>
    %mul3A_30 = arith.mulf %get3A_25, %dot_general3A_29 : vector<2000x64xf32>
    %swap3A = arith.constant 0 : index
    %swap3A_31 = arith.constant 0 : index
    %swap3A_32 = vector.load %arg6[%swap3A, %swap3A_31] : memref<2000x64xf32, #tpu.memory_space<vmem>>, vector<2000x64xf32>
    tpu.vector_store %arg6[%swap3A, %swap3A_31], %mul3A_30 {strides = array<i32>} : memref<2000x64xf32, #tpu.memory_space<vmem>>, vector<2000x64xf32>,
    return
  }
  func.func @transform_0(%arg0: i32) -> (i32, i32, i32) {
    %c0_i32 = arith.constant 0 : i32
    %c0_i32_0 = arith.constant 0 : i32
    %c0_i32_1 = arith.constant 0 : i32
    return %c0_i32, %arg0, %c0_i32_0 : i32, i32, i32
  }
  func.func @transform_1(%arg0: i32) -> (i32, i32) {
    %c0_i32 = arith.constant 0 : i32
    %c0_i32_0 = arith.constant 0 : i32
    return %arg0, %c0_i32 : i32, i32
  }
  func.func @transform_2(%arg0: i32) -> (i32, i32) {
    %c0_i32 = arith.constant 0 : i32
    %c0_i32_0 = arith.constant 0 : i32
    return %arg0, %c0_i32 : i32, i32
  }
  func.func @transform_3(%arg0: i32) -> (i32, i32) {
    %c0_i32 = arith.constant 0 : i32
    %c0_i32_0 = arith.constant 0 : i32
    %c0_i32_1 = arith.constant 0 : i32
    return %c0_i32, %c0_i32_0 : i32, i32
  }
  func.func @transform_4(%arg0: i32) -> (i32, i32) {
    %c0_i32 = arith.constant 0 : i32
    %c0_i32_0 = arith.constant 0 : i32
    %c0_i32_1 = arith.constant 0 : i32
    return %c0_i32, %c0_i32_0 : i32, i32
  }
  func.func @transform_5(%arg0: i32) -> (i32, i32) {
    %c0_i32 = arith.constant 0 : i32
    %c0_i32_0 = arith.constant 0 : i32
    return %arg0, %c0_i32 : i32, i32
  }
}

module attributes {stable_mosaic.version = 14 : i64} {
  func.func @body(%arg0: i32, %arg1: memref<2x2000x64xf32, #tpu.memory_space<vmem>>, %arg2: memref<2000x64xf32, #tpu.memory_space<vmem>>, %arg3: memref<2000x64xf32, #tpu.memory_space<vmem>>, %arg4: memref<1x64xf32, #tpu.memory_space<vmem>>, %arg5: memref<2000x1xi32, #tpu.memory_space<vmem>>, %arg6: memref<64x128xf32, #tpu.memory_space<vmem>>, %arg7: memref<1x128xf32, #tpu.memory_space<vmem>>, %arg8: memref<128x1xf32, #tpu.memory_space<vmem>>, %arg9: memref<1x1xf32, #tpu.memory_space<vmem>>, %arg10: memref<64x1xf32, #tpu.memory_space<vmem>>, %arg11: memref<64x64xf32, #tpu.memory_space<vmem>>, %arg12: memref<64x1xf32, #tpu.memory_space<vmem>>) attributes {dimension_semantics = [#tpu.dimension_semantics<arbitrary>], iteration_bounds = array<i64: 5>, scalar_prefetch = 0 : i64, scratch_operands = 2 : i64, tpu.core_type = #tpu.core_type<tc>, window_params = [{transform_indices = @transform_0, window_bounds = array<i64: 2, 2000, 64>}, {transform_indices = @transform_1, window_bounds = array<i64: 2000, 64>}, {transform_indices = @transform_2, window_bounds = array<i64: 2000, 64>}, {pipeline_mode = #tpu.pipeline_mode<synchronous>, transform_indices = @transform_3, window_bounds = array<i64: 1, 64>}, {transform_indices = @transform_4, window_bounds = array<i64: 2000, 1>}, {pipeline_mode = #tpu.pipeline_mode<synchronous>, transform_indices = @transform_5, window_bounds = array<i64: 64, 128>}, {pipeline_mode = #tpu.pipeline_mode<synchronous>, transform_indices = @transform_6, window_bounds = array<i64: 1, 128>}, {pipeline_mode = #tpu.pipeline_mode<synchronous>, transform_indices = @transform_7, window_bounds = array<i64: 128, 1>}, {pipeline_mode = #tpu.pipeline_mode<synchronous>, transform_indices = @transform_8, window_bounds = array<i64: 1, 1>}, {pipeline_mode = #tpu.pipeline_mode<synchronous>, transform_indices = @transform_9, window_bounds = array<i64: 64, 1>}]} {
    %eq3A = arith.constant 0 : i32
    %eq3A_0 = arith.cmpi eq, %arg0, %eq3A : i32
    %convert_element_type3A = arith.extui %eq3A_0 : i1 to i32
    %cond3A = arith.constant 0 : i32
    %cond3A_1 = arith.cmpi ne, %convert_element_type3A, %cond3A : i32
    scf.if %cond3A_1 {
      %broadcast_in_dim3A_54 = arith.constant 0.000000e+00 : f32
      %broadcast_in_dim3A_55 = vector.broadcast %broadcast_in_dim3A_54 : f32 to vector<64x64xf32>
      %swap3A_56 = arith.constant 0 : index
      %swap3A_57 = arith.constant 0 : index
      %swap3A_58 = vector.load %arg11[%swap3A_56, %swap3A_57] : memref<64x64xf32, #tpu.memory_space<vmem>>, vector<64x64xf32>
      tpu.vector_store %arg11[%swap3A_56, %swap3A_57], %broadcast_in_dim3A_55 {strides = array<i32>} : memref<64x64xf32, #tpu.memory_space<vmem>>, vector<64x64xf32>,
      %broadcast_in_dim3A_59 = arith.constant 0.000000e+00 : f32
      %broadcast_in_dim3A_60 = vector.broadcast %broadcast_in_dim3A_59 : f32 to vector<64x1xf32>
      %swap3A_61 = arith.constant 0 : index
      %swap3A_62 = arith.constant 0 : index
      %swap3A_63 = vector.load %arg12[%swap3A_61, %swap3A_62] : memref<64x1xf32, #tpu.memory_space<vmem>>, vector<64x1xf32>
      tpu.vector_store %arg12[%swap3A_61, %swap3A_62], %broadcast_in_dim3A_60 {strides = array<i32>} : memref<64x1xf32, #tpu.memory_space<vmem>>, vector<64x1xf32>,
    } else {
    }
    %get3A = arith.constant 0 : index
    %get3A_2 = arith.constant 0 : index
    %get3A_3 = vector.load %arg3[%get3A, %get3A_2] : memref<2000x64xf32, #tpu.memory_space<vmem>>, vector<2000x64xf32>
    %get3A_4 = arith.constant 0 : index
    %get3A_5 = arith.constant 0 : index
    %get3A_6 = arith.constant 0 : index
    %get3A_7 = vector.load %arg1[%get3A_4, %get3A_5, %get3A_6] : memref<2x2000x64xf32, #tpu.memory_space<vmem>>, vector<1x2000x64xf32>
    %get3A_8 = vector.shape_cast %get3A_7 : vector<1x2000x64xf32> to vector<2000x64xf32>
    %get3A_9 = arith.constant 1 : index
    %get3A_10 = arith.constant 0 : index
    %get3A_11 = arith.constant 0 : index
    %get3A_12 = vector.load %arg1[%get3A_9, %get3A_10, %get3A_11] : memref<2x2000x64xf32, #tpu.memory_space<vmem>>, vector<1x2000x64xf32>
    %get3A_13 = vector.shape_cast %get3A_12 : vector<1x2000x64xf32> to vector<2000x64xf32>
    %add3A = arith.addf %get3A_8, %get3A_13 : vector<2000x64xf32>
    %get3A_14 = arith.constant 0 : index
    %get3A_15 = arith.constant 0 : index
    %get3A_16 = vector.load %arg2[%get3A_14, %get3A_15] : memref<2000x64xf32, #tpu.memory_space<vmem>>, vector<2000x64xf32>
    %add3A_17 = arith.addf %add3A, %get3A_16 : vector<2000x64xf32>
    %mul3A = arith.mulf %get3A_3, %add3A_17 : vector<2000x64xf32>
    %get3A_18 = arith.constant 0 : index
    %get3A_19 = arith.constant 0 : index
    %get3A_20 = vector.load %arg4[%get3A_18, %get3A_19] : memref<1x64xf32, #tpu.memory_space<vmem>>, vector<1x64xf32>
    %add3A_21 = vector.broadcast %get3A_20 : vector<1x64xf32> to vector<2000x64xf32>
    %add3A_22 = arith.addf %mul3A, %add3A_21 : vector<2000x64xf32>
    %max3A = arith.constant 0.000000e+00 : f32
    %max3A_23 = vector.broadcast %max3A : f32 to vector<2000x64xf32>
    %max3A_24 = arith.maximumf %add3A_22, %max3A_23 : vector<2000x64xf32>
    %iota3A = tpu.iota {dimensions = array<i32: 1>} : vector<2000x64xi32>
    %get3A_25 = arith.constant 0 : index
    %get3A_26 = arith.constant 0 : index
    %get3A_27 = vector.load %arg5[%get3A_25, %get3A_26] : memref<2000x1xi32, #tpu.memory_space<vmem>>, vector<2000x1xi32>
    %eq3A_28 = vector.broadcast %get3A_27 : vector<2000x1xi32> to vector<2000x64xi32>
    %eq3A_29 = arith.cmpi eq, %eq3A_28, %iota3A : vector<2000x64xi32>
    %convert_element_type3A_30 = arith.extui %eq3A_29 : vector<2000x64xi1> to vector<2000x64xi32>
    %convert_element_type3A_31 = arith.sitofp %convert_element_type3A_30 : vector<2000x64xi32> to vector<2000x64xf32>
    %get3A_32 = arith.constant 0 : index
    %get3A_33 = arith.constant 0 : index
    %get3A_34 = vector.load %arg11[%get3A_32, %get3A_33] : memref<64x64xf32, #tpu.memory_space<vmem>>, vector<64x64xf32>
    %dot_general3A = arith.constant dense<0.000000e+00> : vector<64x64xf32>
    %dot_general3A_35 = tpu.matmul %convert_element_type3A_31, %max3A_24, %dot_general3A {dimension_numbers = #tpu.dot_dimension_numbers<[0], [0], [1], [1], [0, 1, 1, 1], [], []>, precision = #tpu.contract_precision<fp32>, transpose_lhs_hint = false} : vector<2000x64xf32>, vector<2000x64xf32>, vector<64x64xf32> -> vector<64x64xf32>
    %add3A_36 = arith.addf %get3A_34, %dot_general3A_35 : vector<64x64xf32>
    %swap3A = arith.constant 0 : index
    %swap3A_37 = arith.constant 0 : index
    %swap3A_38 = vector.load %arg11[%swap3A, %swap3A_37] : memref<64x64xf32, #tpu.memory_space<vmem>>, vector<64x64xf32>
    tpu.vector_store %arg11[%swap3A, %swap3A_37], %add3A_36 {strides = array<i32>} : memref<64x64xf32, #tpu.memory_space<vmem>>, vector<64x64xf32>,
    %get3A_39 = arith.constant 0 : index
    %get3A_40 = arith.constant 0 : index
    %get3A_41 = vector.load %arg12[%get3A_39, %get3A_40] : memref<64x1xf32, #tpu.memory_space<vmem>>, vector<64x1xf32>
    %broadcast_in_dim3A = arith.constant 1.000000e+00 : f32
    %broadcast_in_dim3A_42 = vector.broadcast %broadcast_in_dim3A : f32 to vector<2000x1xf32>
    %dot_general3A_43 = arith.constant dense<0.000000e+00> : vector<64x1xf32>
    %dot_general3A_44 = tpu.matmul %convert_element_type3A_31, %broadcast_in_dim3A_42, %dot_general3A_43 {dimension_numbers = #tpu.dot_dimension_numbers<[0], [0], [1], [1], [0, 1, 1, 1], [], []>, transpose_lhs_hint = false} : vector<2000x64xf32>, vector<2000x1xf32>, vector<64x1xf32> -> vector<64x1xf32>
    %add3A_45 = arith.addf %get3A_41, %dot_general3A_44 : vector<64x1xf32>
    %swap3A_46 = arith.constant 0 : index
    %swap3A_47 = arith.constant 0 : index
    %swap3A_48 = vector.load %arg12[%swap3A_46, %swap3A_47] : memref<64x1xf32, #tpu.memory_space<vmem>>, vector<64x1xf32>
    tpu.vector_store %arg12[%swap3A_46, %swap3A_47], %add3A_45 {strides = array<i32>} : memref<64x1xf32, #tpu.memory_space<vmem>>, vector<64x1xf32>,
    %eq3A_49 = arith.constant 4 : i32
    %eq3A_50 = arith.cmpi eq, %arg0, %eq3A_49 : i32
    %convert_element_type3A_51 = arith.extui %eq3A_50 : i1 to i32
    %cond3A_52 = arith.constant 0 : i32
    %cond3A_53 = arith.cmpi ne, %convert_element_type3A_51, %cond3A_52 : i32
    scf.if %cond3A_53 {
      %get3A_54 = arith.constant 0 : index
      %get3A_55 = arith.constant 0 : index
      %get3A_56 = vector.load %arg11[%get3A_54, %get3A_55] : memref<64x64xf32, #tpu.memory_space<vmem>>, vector<64x64xf32>
      %get3A_57 = arith.constant 0 : index
      %get3A_58 = arith.constant 0 : index
      %get3A_59 = vector.load %arg12[%get3A_57, %get3A_58] : memref<64x1xf32, #tpu.memory_space<vmem>>, vector<64x1xf32>
      %max3A_60 = arith.constant 1.000000e+00 : f32
      %max3A_61 = vector.broadcast %max3A_60 : f32 to vector<64x1xf32>
      %max3A_62 = arith.maximumf %get3A_59, %max3A_61 : vector<64x1xf32>
      %div3A = vector.broadcast %max3A_62 : vector<64x1xf32> to vector<64x64xf32>
      %div3A_63 = arith.divf %get3A_56, %div3A : vector<64x64xf32>
      %get3A_64 = arith.constant 0 : index
      %get3A_65 = arith.constant 0 : index
      %get3A_66 = vector.load %arg6[%get3A_64, %get3A_65] : memref<64x128xf32, #tpu.memory_space<vmem>>, vector<64x128xf32>
      %dot_general3A_67 = arith.constant dense<0.000000e+00> : vector<64x128xf32>
      %dot_general3A_68 = tpu.matmul %div3A_63, %get3A_66, %dot_general3A_67 {dimension_numbers = #tpu.dot_dimension_numbers<[1], [0], [0], [1], [0, 0, 1, 1], [], []>, transpose_lhs_hint = false} : vector<64x64xf32>, vector<64x128xf32>, vector<64x128xf32> -> vector<64x128xf32>
      %get3A_69 = arith.constant 0 : index
      %get3A_70 = arith.constant 0 : index
      %get3A_71 = vector.load %arg7[%get3A_69, %get3A_70] : memref<1x128xf32, #tpu.memory_space<vmem>>, vector<1x128xf32>
      %add3A_72 = vector.broadcast %get3A_71 : vector<1x128xf32> to vector<64x128xf32>
      %add3A_73 = arith.addf %dot_general3A_68, %add3A_72 : vector<64x128xf32>
      %max3A_74 = arith.constant 0.000000e+00 : f32
      %max3A_75 = vector.broadcast %max3A_74 : f32 to vector<64x128xf32>
      %max3A_76 = arith.maximumf %add3A_73, %max3A_75 : vector<64x128xf32>
      %get3A_77 = arith.constant 0 : index
      %get3A_78 = arith.constant 0 : index
      %get3A_79 = vector.load %arg8[%get3A_77, %get3A_78] : memref<128x1xf32, #tpu.memory_space<vmem>>, vector<128x1xf32>
      %dot_general3A_80 = arith.constant dense<0.000000e+00> : vector<64x1xf32>
      %dot_general3A_81 = tpu.matmul %max3A_76, %get3A_79, %dot_general3A_80 {dimension_numbers = #tpu.dot_dimension_numbers<[1], [0], [0], [1], [0, 0, 1, 1], [], []>, transpose_lhs_hint = false} : vector<64x128xf32>, vector<128x1xf32>, vector<64x1xf32> -> vector<64x1xf32>
      %get3A_82 = arith.constant 0 : index
      %get3A_83 = arith.constant 0 : index
      %get3A_84 = vector.load %arg9[%get3A_82, %get3A_83] : memref<1x1xf32, #tpu.memory_space<vmem>>, vector<1x1xf32>
      %add3A_85 = vector.broadcast %get3A_84 : vector<1x1xf32> to vector<64x1xf32>
      %add3A_86 = arith.addf %dot_general3A_81, %add3A_85 : vector<64x1xf32>
      %swap3A_87 = arith.constant 0 : index
      %swap3A_88 = arith.constant 0 : index
      %swap3A_89 = vector.load %arg10[%swap3A_87, %swap3A_88] : memref<64x1xf32, #tpu.memory_space<vmem>>, vector<64x1xf32>
      tpu.vector_store %arg10[%swap3A_87, %swap3A_88], %add3A_86 {strides = array<i32>} : memref<64x1xf32, #tpu.memory_space<vmem>>, vector<64x1xf32>,
    } else {
    }
    return
  }
  func.func @transform_0(%arg0: i32) -> (i32, i32, i32) {
    %c0_i32 = arith.constant 0 : i32
    %c0_i32_0 = arith.constant 0 : i32
    %c0_i32_1 = arith.constant 0 : i32
    return %c0_i32, %arg0, %c0_i32_0 : i32, i32, i32
  }
  func.func @transform_1(%arg0: i32) -> (i32, i32) {
    %c0_i32 = arith.constant 0 : i32
    %c0_i32_0 = arith.constant 0 : i32
    return %arg0, %c0_i32 : i32, i32
  }
  func.func @transform_2(%arg0: i32) -> (i32, i32) {
    %c0_i32 = arith.constant 0 : i32
    %c0_i32_0 = arith.constant 0 : i32
    return %arg0, %c0_i32 : i32, i32
  }
  func.func @transform_3(%arg0: i32) -> (i32, i32) {
    %c0_i32 = arith.constant 0 : i32
    %c0_i32_0 = arith.constant 0 : i32
    %c0_i32_1 = arith.constant 0 : i32
    return %c0_i32, %c0_i32_0 : i32, i32
  }
  func.func @transform_4(%arg0: i32) -> (i32, i32) {
    %c0_i32 = arith.constant 0 : i32
    %c0_i32_0 = arith.constant 0 : i32
    return %arg0, %c0_i32 : i32, i32
  }
  func.func @transform_5(%arg0: i32) -> (i32, i32) {
    %c0_i32 = arith.constant 0 : i32
    %c0_i32_0 = arith.constant 0 : i32
    %c0_i32_1 = arith.constant 0 : i32
    return %c0_i32, %c0_i32_0 : i32, i32
  }
  func.func @transform_6(%arg0: i32) -> (i32, i32) {
    %c0_i32 = arith.constant 0 : i32
    %c0_i32_0 = arith.constant 0 : i32
    %c0_i32_1 = arith.constant 0 : i32
    return %c0_i32, %c0_i32_0 : i32, i32
  }
  func.func @transform_7(%arg0: i32) -> (i32, i32) {
    %c0_i32 = arith.constant 0 : i32
    %c0_i32_0 = arith.constant 0 : i32
    %c0_i32_1 = arith.constant 0 : i32
    return %c0_i32, %c0_i32_0 : i32, i32
  }
  func.func @transform_8(%arg0: i32) -> (i32, i32) {
    %c0_i32 = arith.constant 0 : i32
    %c0_i32_0 = arith.constant 0 : i32
    %c0_i32_1 = arith.constant 0 : i32
    return %c0_i32, %c0_i32_0 : i32, i32
  }
  func.func @transform_9(%arg0: i32) -> (i32, i32) {
    %c0_i32 = arith.constant 0 : i32
    %c0_i32_0 = arith.constant 0 : i32
    %c0_i32_1 = arith.constant 0 : i32
    return %c0_i32, %c0_i32_0 : i32, i32
  }
}

</mosaic_0001>

<sc_bundles>
// kernel: kernel.11.cloned.1.call-start
scs
__scs_entry_jumppad:
0x0: {  	(pc) =	sbr.rel $0x88, $3  }
0x1: {  	(tag) =	ssettag $0x0;
	lr =	simm.s32 $0x1  }
0x2: {  	[smem:$0x3F96] =	sst lr;
	_ =	strace $0xD0000000  }
0x3: {  	_ = 	snop  }
0x4: {  	_ = 	snop  }
0x5: {  	_ = 	snop  }
0x6: {  	_ = 	snop  }
0x7: {  	_ = 	snop  }
__scs_overlays_trampoline_lowered:
0x8: {  	[smem:$0x3FA5] =	sst s0  }
0x9: {  	[smem:$0x3FA6] =	sst s1  }
0xa: {  	[smem:$0x3FA7] =	sst s2  }
0xb: {  	[smem:$0x3FA8] =	sst s3  }
0xc: {  	[smem:$0x3FA9] =	sst s4  }
0xd: {  	[smem:$0x3FAA] =	sst s5  }
0xe: {  	[smem:$0x3FAB] =	sst s6  }
0xf: {  	[smem:$0x3FAC] =	sst s7  }
0x10: {  	[smem:$0x3FAD] =	sst s8  }
0x11: {  	[smem:$0x3FAE] =	sst s9;
	s0 =	simm.s32 @!p0 $0x0  }
0x12: {  	s1 =	sld [smem:$0x3F94];
	s0 =	simm.s32 @p0 $0x1  }
0x13: {  	[smem:$0x3FAF] =	sst s0;
	s0 =	simm.s32 @!p1 $0x0  }
0x14: {  	s2 =	sld [smem:$0x3F93];
	s0 =	simm.s32 @p1 $0x1  }
0x15: {  	[smem:$0x3FB0] =	sst s0;
	s0 =	simm.s32 @!p2 $0x0  }
0x16: {  	s3 =	sld [smem:$0x3FDB];
	s0 =	simm.s32 @p2 $0x1  }
0x17: {  	s4 =	simm.s32 $0x1BF5;
	[smem:$0x3FB2] =	sst s0  }
0x18: {  	s0 =	sld [smem:$0x3F95];
	_ =	swait.ge [sflag:s4], $0x0  }
0x19: {  	s7 =	sld [smem:$0x3F96]  }
0x1a: {  	s8 =	sadd.s32 $0xFFFFE003, lr  }
0x1b: {  	s9 =	sadd.s32 $0xFFFFFEF7, lr;
	s5 =	simm.s32 $0xFFFFFFFF;
	p2 =	slt.u32 s8, $0xFFFFF086  }
0x1c: {  	p1 =	slt.u32 s9, $0xF7A;
	s5 =	simm.s32 @!p2 $0x0  }
0x1d: {  	s5 =	simm.s32 @p1 $0x1;
	p0 =	seq.s32 s7, s2  }
0x1e: {  	s7 =	smul.u32 @!p0 $0xF7A, s2;
	p2 =	seq.s32 @!p0 s5, $0x0  }
0x1f: {  	s9 =	smul.u32 $0xF7A, s1;
	s8 =	simm.s32 @!p0 $0x1BF5;
	p2 =	por !p2, p0  }
0x20: {  	[sflag:s8] =	ssyncset.s32 @!p0 $0xFFFFF086;
	s6 =	sadd.s32 @!p0 s3, s7;
	s7 =	simm.s32 @!p0 $0x108  }
0x21: {  	s3 =	sadd.s32 s3, s9;
	s6 =	sadd.s32 @!p0 $0x88, s6;
	s7 =	simm.s32 @p2 $0x1082  }
0x22: {  	[simem:s7], [sflag:s8] =	dma.local @!p0 [hbm:s6], $0xF7A  }
0x23: {  	s9 =	sor.u32 $0xD0000000, s2;
	s6 =	simm.s32 $0x108;
	_ =	swait.ge @!p0 [sflag:s8], $0x0  }
0x24: {  	s3 =	sadd.s32 $0x88, s3;
	s6 =	simm.s32 @!p1 $0x1082;
	[sflag:s4] =	ssyncset.s32 $0xFFFFF086  }
0x25: {  	[simem:s6], [sflag:s4] =	dma.local [hbm:s3], $0xF7A  }
0x26: {  	[smem:$0x3F96] =	sst s1;
	(tag) =	ssettag s2;
	_ =	strace s9  }
0x27: {  	s1 =	sld [smem:$0x3FA6]  }
0x28: {  	s2 =	sld [smem:$0x3FA7]  }
0x29: {  	s4 =	sld [smem:$0x3FA9]  }
0x2a: {  	p0 =	seq.s32 s5, $0x0;
	s5 =	sld [smem:$0x3FAA]  }
0x2b: {  	s6 =	sld [smem:$0x3FAB]  }
0x2c: {  	s7 =	sld [smem:$0x3FAC]  }
0x2d: {  	s3 =	simm.s32 $0x108;
	s8 =	sld [smem:$0x3FAD]  }
0x2e: {  	s3 =	simm.s32 @!p0 $0x1082;
	s9 =	sld [smem:$0x3FAE]  }
0x2f: {  	lr =	sadd.s32 s0, s3;
	s0 =	sld [smem:$0x3FA5]  }
0x30: {  	s3 =	sld [smem:$0x3FA8]  }
0x31: {  	[smem:$0x3FB1] =	sst s10  }
0x32: {  	s10 =	sld [smem:$0x3FAF];
	_ =	sdelay $0x3  }
0x33: {  	p0 =	seq.s32 s10, $0x1;
	s10 =	sld [smem:$0x3FB1];
	_ =	sdelay $0x3  }
0x34: {  	[smem:$0x3FB1] =	sst s10  }
0x35: {  	s10 =	sld [smem:$0x3FB0];
	_ =	sdelay $0x3  }
0x36: {  	p1 =	seq.s32 s10, $0x1;
	s10 =	sld [smem:$0x3FB1];
	_ =	sdelay $0x3  }
0x37: {  	[smem:$0x3FB1] =	sst s10  }
0x38: {  	s10 =	sld [smem:$0x3FB2]  }
0x39: {  	_ = 	snop;
	(pc) =	sbr.ind lr, $3  }
0x3a: {  	_ = 	snop  }
0x3b: {  	_ = 	snop  }
0x3c: {  	p2 =	seq.s32 s10, $0x1;
	s10 =	sld [smem:$0x3FB1]  }
0x3d: {  	_ =	shalt  }
0x3e: {  	_ =	shalt  }
0x3f: {  	_ =	shalt  }
0x40: {  	_ =	shalt  }
0x41: {  	_ =	shalt  }
0x42: {  	_ =	shalt  }
0x43: {  	_ =	shalt  }
0x44: {  	_ =	shalt  }
0x45: {  	_ =	shalt  }
0x46: {  	_ =	shalt  }
0x47: {  	_ =	shalt  }
0x48: {  	_ =	shalt  }
0x49: {  	_ =	shalt  }
0x4a: {  	_ =	shalt  }
0x4b: {  	_ =	shalt  }
0x4c: {  	_ =	shalt  }
0x4d: {  	_ =	shalt  }
0x4e: {  	_ =	shalt  }
0x4f: {  	_ =	shalt  }
0x50: {  	_ =	shalt  }
0x51: {  	_ =	shalt  }
0x52: {  	_ =	shalt  }
0x53: {  	_ =	shalt  }
0x54: {  	_ =	shalt  }
0x55: {  	_ =	shalt  }
0x56: {  	_ =	shalt  }
0x57: {  	_ =	shalt  }
0x58: {  	_ =	shalt  }
0x59: {  	_ =	shalt  }
0x5a: {  	_ =	shalt  }
0x5b: {  	_ =	shalt  }
0x5c: {  	_ =	shalt  }
0x5d: {  	_ =	shalt  }
0x5e: {  	_ =	shalt  }
0x5f: {  	_ =	shalt  }
0x60: {  	_ =	shalt  }
0x61: {  	_ =	shalt  }
0x62: {  	_ =	shalt  }
0x63: {  	_ =	shalt  }
0x64: {  	_ =	shalt  }
0x65: {  	_ =	shalt  }
0x66: {  	_ =	shalt  }
0x67: {  	_ =	shalt  }
0x68: {  	_ =	shalt  }
0x69: {  	_ =	shalt  }
0x6a: {  	_ =	shalt  }
0x6b: {  	_ =	shalt  }
0x6c: {  	_ =	shalt  }
0x6d: {  	_ =	shalt  }
0x6e: {  	_ =	shalt  }
0x6f: {  	_ =	shalt  }
0x70: {  	_ =	shalt  }
0x71: {  	_ =	shalt  }
0x72: {  	_ =	shalt  }
0x73: {  	_ =	shalt  }
0x74: {  	_ =	shalt  }
0x75: {  	_ =	shalt  }
0x76: {  	_ =	shalt  }
0x77: {  	_ =	shalt  }
0x78: {  	_ =	shalt  }
0x79: {  	_ =	shalt  }
0x7a: {  	_ =	shalt  }
0x7b: {  	_ =	shalt  }
0x7c: {  	_ =	shalt  }
0x7d: {  	_ =	shalt  }
0x7e: {  	_ =	shalt  }
0x7f: {  	_ =	shalt  }
0x80: {  	_ =	shalt  }
0x81: {  	_ =	shalt  }
0x82: {  	_ =	shalt  }
0x83: {  	_ =	shalt  }
0x84: {  	_ =	shalt  }
0x85: {  	_ =	shalt  }
0x86: {  	_ =	shalt  }
0x87: {  	_ =	shalt  }
.Lfunc_end0:
.L_simem_size_0:
called_computation.1_lowered:
.L_overlay_start_0:
0x88: {  	s2 =	sld [smem:$0x3FD9]  }
0x89: {  	s3 =	sld [smem:$0x3FFE];
	_ =	sdelay $0x1  }
0x8a: {  	s1 =	srdreg.scid  }
0x8b: {  	s0 =	sand.u32 $0x1, s1  }
0x8c: {  	s16 =	sshll.u32 s0, $0xA;
	s2 =	sadd.s32 s3, s2  }
0x8d: {  	s2 =	sadd.s32 s2, s16  }
0x8e: {  	[smem:$0x3FBD] =	sst s2  }
0x8f: {  	_ = 	snop  }
0x90: {  	(tm) =	ssettm $0x1  }
0x91: {  	s17 =	sld [smem:$0x3FFB];
	_ =	sdelay $0x3  }
0x92: {  	_ =	strace s17  }
0x93: {  	s2 =	sld [smem:$0x3FFC];
	_ =	sdelay $0x3  }
0x94: {  	_ =	strace s2  }
0x95: {  	s2 =	sld [smem:$0x3FFD];
	_ =	sdelay $0x3  }
0x96: {  	_ =	strace s2  }
0x97: {  	_ =	strace $0x8FFFFFFF  }
0x98: {  	s18 =	sld [smem:$0x3FDB];
	_ =	sdelay $0x1  }
0x99: {  	s19 =	simm.s32 $_scs_section_size  }
0x9a: {  	s4 =	simm.s32 $_size__tile_overlayer_lowered;
	s5 =	simm.s32 $_tile_overlayer_lowered  }
0x9b: {  	s22 =	simm.s32 $0x1BFF;
	s21 =	sshll.u32 s5, $0x1;
	s2 =	sadd.s32 s19, s18  }
0x9c: {  	s6 =	simm.s32 $0x0;
	s20 =	sshll.u32 s4, $0x1;
	s4 =	sadd.s32 s21, s2  }
0x9d: {  	[timem:s6], [sflag:s22] =	dma.local [hbm:s4], s20  }
0x9e: {  	_ =	swait.ge [sflag:s22], s20  }
0x9f: {  	s3 =	ssub.s32 $0x0, s20;
	[sflag:s22] =	ssyncset.done $0x0  }
0xa0: {  	[sflag:s22] =	ssyncadd.s32 s3;
	_ =	sdelay $0x1  }
0xa1: {  	s23 =	simm.s32 $0x1B8B  }
0xa2: {  	_ =	swait.ge [sflag:s23], $0x1  }
0xa3: {  	[sflag:s23] =	ssyncset.done $0x0  }
0xa4: {  	s25 =	simm.s32 $0x1B8E;
	s24 =	sld [smem:$0x3FFE];
	[sflag:s23] =	ssyncadd.s32 $0xFFFFFFFF  }
0xa5: {  	s26 =	simm.s32 $execute0_lowered;
	[smem:$0x3FD2] =	sst s25  }
0xa6: {  	s4 =	sshll.u32 s26, $0x1;
	_ =	strace $0x80000049;
	[dreg:$0x1] =	wrdreg $0xFFFFFFFF  }
0xa7: {  	s28 =	simm.s32 $_size_execute0_lowered;
	s2 =	sadd.s32 s2, s4;
	[dreg:$0x0] =	wrdreg $0x0  }
0xa8: {  	s4 =	sshll.u32 s28, $0x1;
	[dreg:$0x2] =	wrdreg s2  }
0xa9: {  	[dreg:$0x3] =	wrdreg s4  }
0xaa: {  	[dreg:$0x4] =	wrdreg $0xC0  }
0xab: {  	_ =	task [dreg:s6], $0x5FFFF  }
0xac: {  	[dreg:$0x1] =	wrdreg $0xFFFFFFFF  }
0xad: {  	[dreg:$0x0] =	wrdreg $0x60  }
0xae: {  	[dreg:$0x2] =	wrdreg s24  }
0xaf: {  	[dreg:$0x3] =	wrdreg $0x14B400  }
0xb0: {  	[dreg:$0x4] =	wrdreg $0x9  }
0xb1: {  	_ =	task.clear_ibuf [dreg:s6], $0x5FFFF;
	_ =	strace $0x90000049  }
0xb2: {  	s29 =	simm.s32 $0x9;
	_ =	strace $0x8000004B  }
0xb3: {  	_ =	swait.ge [sflag:s29], $0x1  }
0xb4: {  	[sflag:s29] =	ssyncadd.s32 $0xFFFFFFFF  }
0xb5: {  	_ =	strace $0x9000004B  }
0xb6: {  	_ =	sfence  }
0xb7: {  	s30 =	sld [smem:$0x0];
	_ =	sdelay $0x2  }
0xb8: {  	s31 =	sshll.u32 s1, $0xD;
	s1 =	sshrl.u32 s1, $0x2  }
0xb9: {  	s3 =	sand.u32 $0x4000, s31;
	s1 =	sadd.s32 s1, s30  }
0xba: {  	s0 =	sor.u32 s3, s0;
	s1 =	sshll.u32 s1, $0x11  }
0xbb: {  	s0 =	sor.u32 s1, s0  }
0xbc: {  	s0 =	sadd.s32 $0x8F2B, s0  }
0xbd: {  	[sflag:s0] =	ssyncadd.remote.s32 $0x1  }
0xbe: {  	_ =	sfence.sel $0xFFFF  }
0xbf: {  	[dreg:$0x0] =	wrdreg $0xFFFFFFFF;
	(pc) =	sbr.abs _section_cstart, $3  }
0xc0: {  	[dreg:$0x1] =	wrdreg $0xFFFFFFFF  }
0xc1: {  	_ =	task.clear_ibuf [dreg:s6], $0x2FFFF;
	_ =	strace $0x9FFFFFFF  }
0xc2: {  	(tm) =	ssettm $0x7FFFFFFF  }
0xc3: {  	_ =	shalt  }
tec
execute0_lowered:
.L_overlay_start_1:
0x0: {  	(tag) =	ssettag $0x1  }
0x1: {  	s0 =	srdreg.scid;
	s3 =	rddreg [dreg:$0x0]  }
0x2: {  	s9 =	stileid.u32;
	s2 =	rddreg [dreg:$0x1];
	s4 =	simm.s32 $0x0  }
0x3: {  	s12 =	simm.s32 $0x15;
	s14 =	simm.s32 $0x64;
	s24 =	simm.s32 $0x5140  }
0x4: {  	s17 =	simm.s32 $0x8340;
	s19 =	simm.s32 $0xB540;
	s22 =	simm.s32 $0xCE40  }
0x5: {  	s21 =	simm.s32 $0x1;
	s20 =	simm.s32 $0x10040;
	s23 =	simm.s32 $0x3  }
0x6: {  	s15 =	simm.s32 $0x13240;
	s29 =	simm.s32 $0x7;
	s11 =	simm.s32 $0x9  }
0x7: {  	s28 =	simm.s32 $0xB;
	s10 =	simm.s32 $0x0;
	s0 =	sand.u32 $0x1, s0  }
0x8: {  	s5 =	smul.u32 $0xA000, s9;
	[smem:$0x7FF] =	sst s4;
	s4 =	sadd.s32 $0x25000, s3  }
0x9: {  	s31 =	sshll.u32 s9, $0x6;
	s1 =	sshll.u32 s0, $0x4;
	s6 =	smul.u32 $0xA0000, s0  }
0xa: {  	_ =	strace $0x8000004A;
	s0 =	ssub.s32 $0x2, s0;
	s16 =	sor.u32 $0x1C15, s31  }
0xb: {  	s1 =	sor.u32 s9, s1;
	s7 =	sshrl.u32 s5, $0x3;
	s8 =	sshrl.u32 s0, $0x1  }
0xc: {  	s26 =	sadd.s32 s5, s2;
	[dreg:$0x8] =	wrdreg s16;
	s1 =	smul.u32 $0x514, s1  }
0xd: {  	s6 =	sadd.s32 s5, s6;
	s7 =	sadd.s32 s7, s3;
	s0 =	ssub.s32 s0, s8  }
0xe: {  	s18 =	sshrl.u32 s26, $0x3;
	s5 =	simm.s32 $0xD;
	s8 =	simm.s32 $0x10  }
0xf: {  	s6 =	sshrl.u32 s6, $0x3;
	s30 =	sadd.s32 $0x38A00, s7;
	[dreg:$0x9] =	wrdreg s18  }
0x10: {  	s0 =	smax.u32 s0, $0x1;
	s1 =	sadd.s32 s1, s3;
	[dreg:$0x5] =	wrdreg s30  }
.Ltmp0:
0x11: {  	[dreg:$0x7] =	wrdreg s0;
	s25 =	sadd.s32 $0x1AC00, s1;
	(pc) =	sbr.rel .LBB2_1-.Ltmp0, $4  }
0x12: {  	s3 =	sadd.s32 s6, s3;
	s1 =	sadd.s32 $0x1800, s1;
	[dreg:$0x3] =	wrdreg s25  }
0x13: {  	s7 =	simm.s32 $0xF;
	s3 =	sadd.s32 $0x4CA00, s3;
	[dreg:$0x4] =	wrdreg s1  }
0x14: {  	s0 =	simm.s32 $0xA;
	s6 =	simm.s32 $0xE;
	[dreg:$0x6] =	wrdreg s3  }
0x15: {  	s25 =	simm.s32 $0x5;
	s1 =	simm.s32 $0x8;
	s3 =	simm.s32 $0xC  }
.LBB2_6:
0x16: {  	s9 =	simm.s32 $0x6  }
0x17: {  	_ =	swait.ge [sflag:s9], $0x1900  }
0x18: {  	[sflag:s9] =	ssyncset.done $0x0  }
0x19: {  	s16 =	simm.s32 $0x4F38;
	[sflag:s9] =	ssyncadd.s32 $0xFFFFE700  }
0x1a: {  	[spmem:s2] =	stream.indirect.scatter.add.f32 [tilespmem:s22], [sflag:$0x10], $0x40, s16, s14, $0xb8;
	[tilespmem:$0x1EB40] =	vst v63  }
0x1b: {  	_ =	swait.ge [sflag:s29], $0x1900  }
0x1c: {  	[sflag:s29] =	ssyncset.done $0x0  }
0x1d: {  	s18 =	simm.s32 $0x4FA0;
	s10 =	simm.s32 $0xE740;
	[sflag:s29] =	ssyncadd.s32 $0xFFFFE700  }
0x1e: {  	[spmem:s2] =	stream.indirect.scatter.add.f32 [tilespmem:s10], [sflag:$0x11], $0x40, s18, s14, $0xb8;
	[tilespmem:$0x1EB40] =	vst v63  }
0x1f: {  	_ =	swait.ge [sflag:s1], $0x1900  }
0x20: {  	[sflag:s1] =	ssyncset.done $0x0  }
0x21: {  	s26 =	simm.s32 $0x5008;
	[sflag:s1] =	ssyncadd.s32 $0xFFFFE700  }
0x22: {  	[spmem:s2] =	stream.indirect.scatter.add.f32 [tilespmem:s20], [sflag:$0x12], $0x40, s26, s14, $0xb8;
	[tilespmem:$0x1EB40] =	vst v63  }
0x23: {  	_ =	swait.ge [sflag:s11], $0x1900  }
0x24: {  	[sflag:s11] =	ssyncset.done $0x0  }
0x25: {  	s30 =	simm.s32 $0x5070;
	s31 =	simm.s32 $0x11940;
	[sflag:s11] =	ssyncadd.s32 $0xFFFFE700  }
0x26: {  	[spmem:s2] =	stream.indirect.scatter.add.f32 [tilespmem:s31], [sflag:$0x13], $0x40, s30, s14, $0xb8;
	[tilespmem:$0x1EB40] =	vst v63  }
0x27: {  	_ =	swait.ge [sflag:s0], $0x1900  }
0x28: {  	[sflag:s0] =	ssyncset.done $0x0  }
0x29: {  	s10 =	simm.s32 $0x50D8;
	[sflag:s0] =	ssyncadd.s32 $0xFFFFE700  }
0x2a: {  	[spmem:s2] =	stream.indirect.scatter.add.f32 [tilespmem:s15], [sflag:$0x14], $0x40, s10, s14, $0xb8;
	[tilespmem:$0x1EB40] =	vst v63  }
0x2b: {  	_ =	swait.ge [sflag:s28], $0x1900  }
0x2c: {  	[sflag:s28] =	ssyncset.done $0x0  }
0x2d: {  	[sflag:s28] =	ssyncadd.s32 $0xFFFFE700  }
0x2e: {  	_ =	swait.ge [sflag:s3], $0x1900  }
0x2f: {  	[sflag:s3] =	ssyncset.done $0x0  }
0x30: {  	[sflag:s3] =	ssyncadd.s32 $0xFFFFE700  }
0x31: {  	_ =	swait.ge [sflag:s5], $0x1900  }
0x32: {  	[sflag:s5] =	ssyncset.done $0x0  }
0x33: {  	[sflag:s5] =	ssyncadd.s32 $0xFFFFE700  }
0x34: {  	_ =	swait.ge [sflag:s6], $0x1900  }
0x35: {  	[sflag:s6] =	ssyncset.done $0x0  }
0x36: {  	[sflag:s6] =	ssyncadd.s32 $0xFFFFE700  }
0x37: {  	_ =	swait.ge [sflag:s7], $0x1900  }
0x38: {  	[sflag:s7] =	ssyncset.done $0x0  }
0x39: {  	[sflag:s7] =	ssyncadd.s32 $0xFFFFE700  }
0x3a: {  	_ =	swait.ge [sflag:s8], $0x1900  }
0x3b: {  	[sflag:s8] =	ssyncset.done $0x0  }
0x3c: {  	s12 =	simm.s32 $0x11;
	[sflag:s8] =	ssyncadd.s32 $0xFFFFE700  }
0x3d: {  	_ =	swait.ge [sflag:s12], $0x1900  }
0x3e: {  	[sflag:s12] =	ssyncset.done $0x0  }
0x3f: {  	s13 =	simm.s32 $0x12;
	[sflag:s12] =	ssyncadd.s32 $0xFFFFE700  }
0x40: {  	_ =	swait.ge [sflag:s13], $0x1900  }
0x41: {  	[sflag:s13] =	ssyncset.done $0x0  }
0x42: {  	s16 =	simm.s32 $0x13;
	[sflag:s13] =	ssyncadd.s32 $0xFFFFE700  }
0x43: {  	_ =	swait.ge [sflag:s16], $0x1900  }
0x44: {  	[sflag:s16] =	ssyncset.done $0x0  }
0x45: {  	s18 =	simm.s32 $0x14;
	[sflag:s16] =	ssyncadd.s32 $0xFFFFE700  }
0x46: {  	_ =	swait.ge [sflag:s18], $0x1900  }
0x47: {  	[sflag:s18] =	ssyncset.done $0x0  }
0x48: {  	[sflag:s18] =	ssyncadd.s32 $0xFFFFE700  }
0x49: {  	[bflag:$0x0] =	sbarrier.arrive $0xFFFF  }
0x4a: {  	s26 =	rddreg [dreg:$0x6]  }
0x4b: {  	s16 =	rddreg [dreg:$0x8]  }
0x4c: {  	s12 =	simm.s32 $0x15;
	s18 =	rddreg [dreg:$0x9]  }
0x4d: {  	[hbm:s26], [sflag:s16] =	dma.local [spmem:s18], $0x1400  }
0x4e: {  	_ =	swait.ge [sflag:s12], $0x1400  }
0x4f: {  	s30 =	rddreg [dreg:$0xa]  }
0x50: {  	s31 =	rddreg [dreg:$0x7];
	s10 =	sadd.s32 $0x1, s30  }
0x51: {  	p0 =	sne.s32 s10, s31  }
.Ltmp1:
0x52: {  	_ = 	snop;
	(pc) =	sbr.rel @!p0 .LBB2_7-.Ltmp1, $3  }
0x53: {  	_ =	sdelay $0x1  }
0x54: {  	[sflag:s12] =	ssyncset.done $0x0  }
0x55: {  	[sflag:s12] =	ssyncadd.s32 $0xFFFFEC00  }
.LBB2_1:
0x56: {  	[dreg:$0xa] =	wrdreg s10  }
0x57: {  	s9 =	simm.s32 $0x0;
	s26 =	rddreg [dreg:$0x3]  }
0x58: {  	[tilespmem:s9], [sflag:$0x15] =	stream.linear.gather [hbm4b:s26+s9], $0x28A0, $0x38;
	[tilespmem:$0x1EB40] =	vst v63  }
0x59: {  	_ =	swait.ge [sflag:s12], $0x28A0  }
0x5a: {  	[sflag:s12] =	ssyncset.done $0x0  }
0x5b: {  	s13 =	simm.s32 $0x28A0;
	s30 =	rddreg [dreg:$0x4];
	[sflag:s12] =	ssyncadd.s32 $0xFFFFD760  }
0x5c: {  	[tilespmem:s13], [sflag:$0x15] =	stream.linear.gather [hbm4b:s30+s9], $0x28A0, $0x38;
	[tilespmem:$0x1EB40] =	vst v63  }
0x5d: {  	_ =	swait.ge [sflag:s12], $0x28A0  }
0x5e: {  	[sflag:s12] =	ssyncset.done $0x0  }
0x5f: {  	s31 =	rddreg [dreg:$0x5];
	[sflag:s12] =	ssyncadd.s32 $0xFFFFD760  }
0x60: {  	[spmem:s18], [sflag:s16] =	dma.local [hbm:s31], $0x1400  }
.Ltmp2:
0x61: {  	_ =	swait.ge [sflag:s12], $0x1400;
	(pc) =	sbr.rel .LBB2_2-.Ltmp2, $4  }
0x62: {  	[sflag:s12] =	ssyncset.done $0x0  }
0x63: {  	[sflag:s12] =	ssyncadd.s32 $0xFFFFEC00  }
0x64: {  	[bflag:$0x0] =	sbarrier.arrive $0xFFFF  }
0x65: {  	s18 =	simm.s32 $0x0;
	s12 =	simm.s32 $0x0  }
.LBB2_4:
0x66: {  	_ =	swait.ge [sflag:s28], $0x1900  }
0x67: {  	[sflag:s28] =	ssyncset.done $0x0  }
0x68: {  	s9 =	sshra.s32 s12, $0x2;
	s10 =	simm.s32 $0x6;
	[sflag:s28] =	ssyncadd.s32 $0xFFFFE700  }
0x69: {  	[tilespmem:s24], [sflag:$0x1] =	stream.indirect.gather [hbm4b:s4+s14], $0x40, s9, s14, $0xb8;
	[tilespmem:$0x1EB40] =	vst v63  }
0x6a: {  	_ =	swait.ge [sflag:s10], $0x1900  }
0x6b: {  	[sflag:s10] =	ssyncset.done $0x0  }
0x6c: {  	s16 =	sadd.s32 $0x2698, s9;
	[sflag:s10] =	ssyncadd.s32 $0xFFFFE700  }
0x6d: {  	[spmem:s2] =	stream.indirect.scatter.add.f32 [tilespmem:s22], [sflag:$0x10], $0x40, s16, s14, $0xb8;
	[tilespmem:$0x1EB40] =	vst v63  }
0x6e: {  	_ =	swait.ge [sflag:s3], $0x1900  }
0x6f: {  	[sflag:s3] =	ssyncset.done $0x0  }
0x70: {  	s13 =	simm.s32 $0x6A40;
	s26 =	sadd.s32 $0x68, s9;
	[sflag:s3] =	ssyncadd.s32 $0xFFFFE700  }
0x71: {  	[tilespmem:s13], [sflag:$0x2] =	stream.indirect.gather [hbm4b:s4+s14], $0x40, s26, s14, $0xb8;
	[tilespmem:$0x1EB40] =	vst v63  }
0x72: {  	_ =	swait.ge [sflag:s29], $0x1900  }
0x73: {  	[sflag:s29] =	ssyncset.done $0x0  }
0x74: {  	s16 =	sadd.s32 $0x2700, s9;
	s26 =	simm.s32 $0xE740;
	[sflag:s29] =	ssyncadd.s32 $0xFFFFE700  }
0x75: {  	[spmem:s2] =	stream.indirect.scatter.add.f32 [tilespmem:s26], [sflag:$0x11], $0x40, s16, s14, $0xb8;
	[tilespmem:$0x1EB40] =	vst v63  }
0x76: {  	_ =	swait.ge [sflag:s5], $0x1900  }
0x77: {  	[sflag:s5] =	ssyncset.done $0x0  }
0x78: {  	s16 =	sadd.s32 $0xD0, s9;
	[sflag:s5] =	ssyncadd.s32 $0xFFFFE700  }
0x79: {  	[tilespmem:s17], [sflag:$0x3] =	stream.indirect.gather [hbm4b:s4+s14], $0x40, s16, s14, $0xb8;
	[tilespmem:$0x1EB40] =	vst v63  }
0x7a: {  	_ =	swait.ge [sflag:s1], $0x1900  }
0x7b: {  	[sflag:s1] =	ssyncset.done $0x0  }
0x7c: {  	s26 =	sadd.s32 $0x2768, s9;
	[sflag:s1] =	ssyncadd.s32 $0xFFFFE700  }
0x7d: {  	[spmem:s2] =	stream.indirect.scatter.add.f32 [tilespmem:s20], [sflag:$0x12], $0x40, s26, s14, $0xb8;
	[tilespmem:$0x1EB40] =	vst v63  }
0x7e: {  	_ =	swait.ge [sflag:s6], $0x1900  }
0x7f: {  	[sflag:s6] =	ssyncset.done $0x0  }
0x80: {  	s13 =	sadd.s32 $0x138, s9;
	s16 =	simm.s32 $0x9C40;
	[sflag:s6] =	ssyncadd.s32 $0xFFFFE700  }
0x81: {  	[tilespmem:s16], [sflag:$0x4] =	stream.indirect.gather [hbm4b:s4+s14], $0x40, s13, s14, $0xb8;
	[tilespmem:$0x1EB40] =	vst v63  }
0x82: {  	_ =	swait.ge [sflag:s11], $0x1900  }
0x83: {  	[sflag:s11] =	ssyncset.done $0x0  }
0x84: {  	s17 =	sadd.s32 $0x27D0, s9;
	s20 =	simm.s32 $0x11940;
	[sflag:s11] =	ssyncadd.s32 $0xFFFFE700  }
0x85: {  	[spmem:s2] =	stream.indirect.scatter.add.f32 [tilespmem:s20], [sflag:$0x13], $0x40, s17, s14, $0xb8;
	[tilespmem:$0x1EB40] =	vst v63  }
0x86: {  	_ =	swait.ge [sflag:s7], $0x1900  }
0x87: {  	[sflag:s7] =	ssyncset.done $0x0  }
0x88: {  	s26 =	sadd.s32 $0x1A0, s9;
	[sflag:s7] =	ssyncadd.s32 $0xFFFFE700  }
0x89: {  	[tilespmem:s19], [sflag:$0x5] =	stream.indirect.gather [hbm4b:s4+s14], $0x40, s26, s14, $0xb8;
	[tilespmem:$0x1EB40] =	vst v63  }
0x8a: {  	s30 =	sadd.s32 $0xD0, s18;
	_ =	swait.ge [sflag:s0], $0x1900  }
0x8b: {  	s31 =	smov.u32 s12;
	s10 =	sadd.s32 $0x1A0, s18;
	[sflag:s0] =	ssyncset.done $0x0  }
0x8c: {  	s9 =	sadd.s32 $0x2838, s9;
	s16 =	sadd.s32 $0x68, s18;
	[sflag:s0] =	ssyncadd.s32 $0xFFFFE700  }
0x8d: {  	[spmem:s2] =	stream.indirect.scatter.add.f32 [tilespmem:s15], [sflag:$0x14], $0x40, s9, s14, $0xb8;
	[tilespmem:$0x1EB40] =	vst v63  }
0x8e: {  	s13 =	smov.u32 s18;
	s17 =	simm.s32 $0x13240;
	_ =	swait.ge [sflag:s8], $0x1900  }
0x8f: {  	s26 =	simm.s32 $0xB540;
	s19 =	simm.s32 $0x8340;
	[sflag:s8] =	ssyncset.done $0x0  }
0x90: {  	s9 =	sadd.s32 $0x138, s18;
	s15 =	simm.s32 $0x10040;
	[sflag:s8] =	ssyncadd.s32 $0xFFFFE700  }
.LBB2_5:
0x91: {  	s31 =	sshra.s32 s31, $0x2  }
0x92: {  	s20 =	sadd.s32 $0x208, s31  }
0x93: {  	[tilespmem:s22], [sflag:$0x6] =	stream.indirect.gather [hbm4b:s4+s14], $0x40, s20, s14, $0xb8;
	[tilespmem:$0x1EB40] =	vst v63  }
0x94: {  	_ =	swait.ge [sflag:s21], $0x1900  }
0x95: {  	[sflag:s21] =	ssyncset.done $0x0  }
0x96: {  	p0 =	seq.s32 s12, $0x0;
	s13 =	sadd.s32 $0x28A0, s13;
	[sflag:s21] =	ssyncadd.s32 $0xFFFFE700  }
0x97: {  	[spmem:s2] =	stream.indirect.scatter.add.f32 [tilespmem:s24], [sflag:$0xB], $0x40, s13, s14, $0xb8;
	[tilespmem:$0x1EB40] =	vst v63  }
0x98: {  	s20 =	simm.s32 @p0 $0x64;
	s22 =	simm.s32 @p0 $0xE740;
	s13 =	sadd.s32 @p0 $0x270, s31  }
0x99: {  	[tilespmem:s22], [sflag:$0x7] =	stream.indirect.gather @p0 [hbm4b:s4+s20], $0x40, s13, s20, $0xb8;
	[tilespmem:$0x1EB40] =	vst v63  }
0x9a: {  	s13 =	simm.s32 @p0 $0x2  }
0x9b: {  	_ =	swait.ge @p0 [sflag:s13], $0x1900  }
0x9c: {  	[sflag:s13] =	ssyncset.done @p0 $0x0  }
0x9d: {  	s22 =	simm.s32 @p0 $0x6A40;
	[sflag:s13] =	ssyncadd.s32 @p0 $0xFFFFE700;
	s13 =	sadd.s32 @p0 $0x28A0, s16  }
0x9e: {  	[spmem:s2] =	stream.indirect.scatter.add.f32 @p0 [tilespmem:s22], [sflag:$0xC], $0x40, s13, s20, $0xb8;
	[tilespmem:$0x1EB40] =	vst v63  }
0x9f: {  	s13 =	simm.s32 @!p0 $0x11  }
0xa0: {  	_ =	swait.ge @!p0 [sflag:s13], $0x1900  }
0xa1: {  	s24 =	simm.s32 @!p0 $0xE740;
	[sflag:s13] =	ssyncset.done @!p0 $0x0  }
0xa2: {  	s22 =	simm.s32 @!p0 $0x64;
	[sflag:s13] =	ssyncadd.s32 @!p0 $0xFFFFE700;
	s13 =	sadd.s32 @!p0 $0x270, s31  }
0xa3: {  	[tilespmem:s24], [sflag:$0x7] =	stream.indirect.gather @!p0 [hbm4b:s4+s22], $0x40, s13, s22, $0xb8;
	[tilespmem:$0x1EB40] =	vst v63  }
0xa4: {  	s13 =	simm.s32 @!p0 $0x2  }
0xa5: {  	_ =	swait.ge @!p0 [sflag:s13], $0x1900  }
0xa6: {  	[sflag:s13] =	ssyncset.done @!p0 $0x0  }
0xa7: {  	[sflag:s13] =	ssyncadd.s32 @!p0 $0xFFFFE700;
	s13 =	sadd.s32 @!p0 $0x28A0, s16;
	s16 =	simm.s32 @!p0 $0x6A40  }
0xa8: {  	[spmem:s2] =	stream.indirect.scatter.add.f32 @!p0 [tilespmem:s16], [sflag:$0xC], $0x40, s13, s22, $0xb8;
	[tilespmem:$0x1EB40] =	vst v63  }
0xa9: {  	s13 =	simm.s32 @!p0 $0x12  }
0xaa: {  	_ =	swait.ge @!p0 [sflag:s13], $0x1900  }
0xab: {  	[sflag:s13] =	ssyncset.done @!p0 $0x0  }
0xac: {  	s16 =	sadd.s32 $0x2D8, s31;
	[sflag:s13] =	ssyncadd.s32 @!p0 $0xFFFFE700  }
0xad: {  	[tilespmem:s15], [sflag:$0x8] =	stream.indirect.gather [hbm4b:s4+s14], $0x40, s16, s14, $0xb8;
	[tilespmem:$0x1EB40] =	vst v63  }
0xae: {  	_ =	swait.ge [sflag:s23], $0x1900  }
0xaf: {  	[sflag:s23] =	ssyncset.done $0x0  }
0xb0: {  	s16 =	sadd.s32 $0x28A0, s30;
	[sflag:s23] =	ssyncadd.s32 $0xFFFFE700  }
0xb1: {  	[spmem:s2] =	stream.indirect.scatter.add.f32 [tilespmem:s19], [sflag:$0xD], $0x40, s16, s14, $0xb8;
	[tilespmem:$0x1EB40] =	vst v63  }
0xb2: {  	s13 =	sadd.s32 @p0 $0x340, s31;
	s16 =	simm.s32 @p0 $0x11940  }
0xb3: {  	[tilespmem:s16], [sflag:$0x9] =	stream.indirect.gather @p0 [hbm4b:s4+s20], $0x40, s13, s20, $0xb8;
	[tilespmem:$0x1EB40] =	vst v63  }
0xb4: {  	s13 =	simm.s32 @p0 $0x4  }
0xb5: {  	_ =	swait.ge @p0 [sflag:s13], $0x1900  }
0xb6: {  	[sflag:s13] =	ssyncset.done @p0 $0x0  }
0xb7: {  	s16 =	simm.s32 @p0 $0x9C40;
	[sflag:s13] =	ssyncadd.s32 @p0 $0xFFFFE700;
	s13 =	sadd.s32 @p0 $0x28A0, s9  }
0xb8: {  	[spmem:s2] =	stream.indirect.scatter.add.f32 @p0 [tilespmem:s16], [sflag:$0xE], $0x40, s13, s20, $0xb8;
	[tilespmem:$0x1EB40] =	vst v63  }
0xb9: {  	s13 =	simm.s32 @!p0 $0x13  }
0xba: {  	_ =	swait.ge @!p0 [sflag:s13], $0x1900  }
0xbb: {  	[sflag:s13] =	ssyncset.done @!p0 $0x0  }
0xbc: {  	s16 =	simm.s32 @!p0 $0x11940;
	[sflag:s13] =	ssyncadd.s32 @!p0 $0xFFFFE700;
	s13 =	sadd.s32 @!p0 $0x340, s31  }
0xbd: {  	[tilespmem:s16], [sflag:$0x9] =	stream.indirect.gather @!p0 [hbm4b:s4+s22], $0x40, s13, s22, $0xb8;
	[tilespmem:$0x1EB40] =	vst v63  }
0xbe: {  	s13 =	simm.s32 @!p0 $0x4  }
0xbf: {  	_ =	swait.ge @!p0 [sflag:s13], $0x1900  }
0xc0: {  	[sflag:s13] =	ssyncset.done @!p0 $0x0  }
0xc1: {  	s9 =	sadd.s32 @!p0 $0x28A0, s9;
	[sflag:s13] =	ssyncadd.s32 @!p0 $0xFFFFE700;
	s13 =	simm.s32 @!p0 $0x9C40  }
0xc2: {  	[spmem:s2] =	stream.indirect.scatter.add.f32 @!p0 [tilespmem:s13], [sflag:$0xE], $0x40, s9, s22, $0xb8;
	[tilespmem:$0x1EB40] =	vst v63  }
0xc3: {  	s9 =	simm.s32 @!p0 $0x14  }
0xc4: {  	_ =	swait.ge @!p0 [sflag:s9], $0x1900  }
0xc5: {  	s12 =	sadd.s32 $0x1040, s12;
	[sflag:s9] =	ssyncset.done @!p0 $0x0  }
0xc6: {  	s30 =	sadd.s32 $0x3A8, s31;
	[sflag:s9] =	ssyncadd.s32 @!p0 $0xFFFFE700;
	p0 =	sne.s32 s12, $0xA280  }
0xc7: {  	[tilespmem:s17], [sflag:$0xA] =	stream.indirect.gather [hbm4b:s4+s14], $0x40, s30, s14, $0xb8;
	[tilespmem:$0x1EB40] =	vst v63  }
.Ltmp3:
0xc8: {  	s18 =	sadd.s32 $0x410, s18;
	s24 =	simm.s32 $0x5140;
	(pc) =	sbr.rel @!p0 .LBB2_6-.Ltmp3, $4  }
0xc9: {  	s15 =	simm.s32 $0x13240;
	s19 =	simm.s32 $0xB540;
	_ =	swait.ge [sflag:s25], $0x1900  }
0xca: {  	s20 =	simm.s32 $0x10040;
	s31 =	sadd.s32 $0x28A0, s10;
	[sflag:s25] =	ssyncset.done $0x0  }
0xcb: {  	s22 =	simm.s32 $0xCE40;
	s17 =	simm.s32 $0x8340;
	[sflag:s25] =	ssyncadd.s32 $0xFFFFE700  }
0xcc: {  	[spmem:s2] =	stream.indirect.scatter.add.f32 [tilespmem:s26], [sflag:$0xF], $0x40, s31, s14, $0xb8;
	[tilespmem:$0x1EB40] =	vst v63  }
.LBB2_2:
0xcd: {  	p0 =	sne.s32 s12, $0x0  }
.Ltmp4:
0xce: {  	_ = 	snop;
	(pc) =	sbr.rel @p0 .LBB2_4-.Ltmp4, $1  }
0xcf: {  	_ =	sdelay $0x3  }
0xd0: {  	s31 =	simm.s32 $0x0  }
0xd1: {  	[tilespmem:s24], [sflag:$0x1] =	stream.indirect.gather [hbm4b:s4+s14], $0x40, s31, s14, $0xb8;
	[tilespmem:$0x1EB40] =	vst v63  }
0xd2: {  	s16 =	simm.s32 $0x68;
	s9 =	simm.s32 $0x6A40  }
0xd3: {  	[tilespmem:s9], [sflag:$0x2] =	stream.indirect.gather [hbm4b:s4+s14], $0x40, s16, s14, $0xb8;
	[tilespmem:$0x1EB40] =	vst v63  }
0xd4: {  	s19 =	simm.s32 $0x8340;
	s30 =	simm.s32 $0xD0  }
0xd5: {  	[tilespmem:s19], [sflag:$0x3] =	stream.indirect.gather [hbm4b:s4+s14], $0x40, s30, s14, $0xb8;
	[tilespmem:$0x1EB40] =	vst v63  }
.Ltmp5:
0xd6: {  	s26 =	simm.s32 $0xB540;
	(pc) =	sbr.rel .LBB2_5-.Ltmp5, $4  }
0xd7: {  	s10 =	simm.s32 $0x9C40;
	s13 =	simm.s32 $0x0;
	s9 =	simm.s32 $0x138  }
0xd8: {  	[tilespmem:s10], [sflag:$0x4] =	stream.indirect.gather [hbm4b:s4+s14], $0x40, s9, s14, $0xb8;
	[tilespmem:$0x1EB40] =	vst v63  }
0xd9: {  	s17 =	simm.s32 $0x13240;
	s15 =	simm.s32 $0x10040;
	s10 =	simm.s32 $0x1A0  }
0xda: {  	[tilespmem:s26], [sflag:$0x5] =	stream.indirect.gather [hbm4b:s4+s14], $0x40, s10, s14, $0xb8;
	[tilespmem:$0x1EB40] =	vst v63  }
.LBB2_7:
0xdb: {  	_ =	sfence.sel $0x180000  }
0xdc: {  	[bflag:$0x0] =	sbarrier.arrive $0xFFFF  }
0xdd: {  	_ =	strace $0x9000004A  }
0xde: {  	s0 =	stileid.u32;
	[bflag:$0x2] =	sbarrier.arrive $0xFFFF  }
0xdf: {  	p0 =	sne.s32 s0, $0x0;
	s0 =	rddreg [dreg:$0x2]  }
0xe0: {  	s0 =	sadd.s32 @!p0 $0x100000, s0  }
0xe1: {  	[sflag:s0] =	ssyncadd.tile.s32 @!p0 $0x1;
	_ =	shalt  }
.Lfunc_end2:
_tile_overlayer_lowered:
.L_overlay_start_2:
0xe2: {  	(tag) =	ssettag $0x2  }
0xe3: {  	s0 =	rddreg [dreg:$0x0];
	s2 =	stileid.u32  }
0xe4: {  	s1 =	rddreg [dreg:$0x1];
	p0 =	sne.s32 s2, $0x0  }
0xe5: {  	s3 =	rddreg [dreg:$0x2];
	[bflag:$0x3] =	sbarrier.arrive $0xFFFF;
	s2 =	simm.s32 @!p0 $0x1C15  }
0xe6: {  	[timem:s3], [sflag:s2] =	dma.local @!p0 [hbm:s0], s1  }
0xe7: {  	s0 =	simm.s32 @!p0 $0x15  }
0xe8: {  	_ =	swait.ge @!p0 [sflag:s0], s1  }
0xe9: {  	s1 =	ssub.s32 @!p0 $0x0, s1;
	[sflag:s0] =	ssyncset.done @!p0 $0x0  }
0xea: {  	[sflag:s0] =	ssyncadd.s32 @!p0 s1  }
0xeb: {  	[bflag:$0x3] =	sbarrier.arrive $0xFFFF  }
0xec: {  	_ =	shalt  }

// kernel: kernel.14.cloned.1.call-start
scs
__scs_entry_jumppad:
0x0: {  	(pc) =	sbr.rel $0x88, $3  }
0x1: {  	(tag) =	ssettag $0x0;
	lr =	simm.s32 $0x1  }
0x2: {  	[smem:$0x3F96] =	sst lr;
	_ =	strace $0xD0000000  }
0x3: {  	_ = 	snop  }
0x4: {  	_ = 	snop  }
0x5: {  	_ = 	snop  }
0x6: {  	_ = 	snop  }
0x7: {  	_ = 	snop  }
__scs_overlays_trampoline_lowered:
0x8: {  	[smem:$0x3FA5] =	sst s0  }
0x9: {  	[smem:$0x3FA6] =	sst s1  }
0xa: {  	[smem:$0x3FA7] =	sst s2  }
0xb: {  	[smem:$0x3FA8] =	sst s3  }
0xc: {  	[smem:$0x3FA9] =	sst s4  }
0xd: {  	[smem:$0x3FAA] =	sst s5  }
0xe: {  	[smem:$0x3FAB] =	sst s6  }
0xf: {  	[smem:$0x3FAC] =	sst s7  }
0x10: {  	[smem:$0x3FAD] =	sst s8  }
0x11: {  	[smem:$0x3FAE] =	sst s9;
	s0 =	simm.s32 @!p0 $0x0  }
0x12: {  	s1 =	sld [smem:$0x3F94];
	s0 =	simm.s32 @p0 $0x1  }
0x13: {  	[smem:$0x3FAF] =	sst s0;
	s0 =	simm.s32 @!p1 $0x0  }
0x14: {  	s2 =	sld [smem:$0x3F93];
	s0 =	simm.s32 @p1 $0x1  }
0x15: {  	[smem:$0x3FB0] =	sst s0;
	s0 =	simm.s32 @!p2 $0x0  }
0x16: {  	s3 =	sld [smem:$0x3FDB];
	s0 =	simm.s32 @p2 $0x1  }
0x17: {  	s4 =	simm.s32 $0x1BF5;
	[smem:$0x3FB2] =	sst s0  }
0x18: {  	s0 =	sld [smem:$0x3F95];
	_ =	swait.ge [sflag:s4], $0x0  }
0x19: {  	s7 =	sld [smem:$0x3F96]  }
0x1a: {  	s8 =	sadd.s32 $0xFFFFE003, lr  }
0x1b: {  	s9 =	sadd.s32 $0xFFFFFEF7, lr;
	s5 =	simm.s32 $0xFFFFFFFF;
	p2 =	slt.u32 s8, $0xFFFFF086  }
0x1c: {  	p1 =	slt.u32 s9, $0xF7A;
	s5 =	simm.s32 @!p2 $0x0  }
0x1d: {  	s5 =	simm.s32 @p1 $0x1;
	p0 =	seq.s32 s7, s2  }
0x1e: {  	s7 =	smul.u32 @!p0 $0xF7A, s2;
	p2 =	seq.s32 @!p0 s5, $0x0  }
0x1f: {  	s9 =	smul.u32 $0xF7A, s1;
	s8 =	simm.s32 @!p0 $0x1BF5;
	p2 =	por !p2, p0  }
0x20: {  	[sflag:s8] =	ssyncset.s32 @!p0 $0xFFFFF086;
	s6 =	sadd.s32 @!p0 s3, s7;
	s7 =	simm.s32 @!p0 $0x108  }
0x21: {  	s3 =	sadd.s32 s3, s9;
	s6 =	sadd.s32 @!p0 $0x88, s6;
	s7 =	simm.s32 @p2 $0x1082  }
0x22: {  	[simem:s7], [sflag:s8] =	dma.local @!p0 [hbm:s6], $0xF7A  }
0x23: {  	s9 =	sor.u32 $0xD0000000, s2;
	s6 =	simm.s32 $0x108;
	_ =	swait.ge @!p0 [sflag:s8], $0x0  }
0x24: {  	s3 =	sadd.s32 $0x88, s3;
	s6 =	simm.s32 @!p1 $0x1082;
	[sflag:s4] =	ssyncset.s32 $0xFFFFF086  }
0x25: {  	[simem:s6], [sflag:s4] =	dma.local [hbm:s3], $0xF7A  }
0x26: {  	[smem:$0x3F96] =	sst s1;
	(tag) =	ssettag s2;
	_ =	strace s9  }
0x27: {  	s1 =	sld [smem:$0x3FA6]  }
0x28: {  	s2 =	sld [smem:$0x3FA7]  }
0x29: {  	s4 =	sld [smem:$0x3FA9]  }
0x2a: {  	p0 =	seq.s32 s5, $0x0;
	s5 =	sld [smem:$0x3FAA]  }
0x2b: {  	s6 =	sld [smem:$0x3FAB]  }
0x2c: {  	s7 =	sld [smem:$0x3FAC]  }
0x2d: {  	s3 =	simm.s32 $0x108;
	s8 =	sld [smem:$0x3FAD]  }
0x2e: {  	s3 =	simm.s32 @!p0 $0x1082;
	s9 =	sld [smem:$0x3FAE]  }
0x2f: {  	lr =	sadd.s32 s0, s3;
	s0 =	sld [smem:$0x3FA5]  }
0x30: {  	s3 =	sld [smem:$0x3FA8]  }
0x31: {  	[smem:$0x3FB1] =	sst s10  }
0x32: {  	s10 =	sld [smem:$0x3FAF];
	_ =	sdelay $0x3  }
0x33: {  	p0 =	seq.s32 s10, $0x1;
	s10 =	sld [smem:$0x3FB1];
	_ =	sdelay $0x3  }
0x34: {  	[smem:$0x3FB1] =	sst s10  }
0x35: {  	s10 =	sld [smem:$0x3FB0];
	_ =	sdelay $0x3  }
0x36: {  	p1 =	seq.s32 s10, $0x1;
	s10 =	sld [smem:$0x3FB1];
	_ =	sdelay $0x3  }
0x37: {  	[smem:$0x3FB1] =	sst s10  }
0x38: {  	s10 =	sld [smem:$0x3FB2]  }
0x39: {  	_ = 	snop;
	(pc) =	sbr.ind lr, $3  }
0x3a: {  	_ = 	snop  }
0x3b: {  	_ = 	snop  }
0x3c: {  	p2 =	seq.s32 s10, $0x1;
	s10 =	sld [smem:$0x3FB1]  }
0x3d: {  	_ =	shalt  }
0x3e: {  	_ =	shalt  }
0x3f: {  	_ =	shalt  }
0x40: {  	_ =	shalt  }
0x41: {  	_ =	shalt  }
0x42: {  	_ =	shalt  }
0x43: {  	_ =	shalt  }
0x44: {  	_ =	shalt  }
0x45: {  	_ =	shalt  }
0x46: {  	_ =	shalt  }
0x47: {  	_ =	shalt  }
0x48: {  	_ =	shalt  }
0x49: {  	_ =	shalt  }
0x4a: {  	_ =	shalt  }
0x4b: {  	_ =	shalt  }
0x4c: {  	_ =	shalt  }
0x4d: {  	_ =	shalt  }
0x4e: {  	_ =	shalt  }
0x4f: {  	_ =	shalt  }
0x50: {  	_ =	shalt  }
0x51: {  	_ =	shalt  }
0x52: {  	_ =	shalt  }
0x53: {  	_ =	shalt  }
0x54: {  	_ =	shalt  }
0x55: {  	_ =	shalt  }
0x56: {  	_ =	shalt  }
0x57: {  	_ =	shalt  }
0x58: {  	_ =	shalt  }
0x59: {  	_ =	shalt  }
0x5a: {  	_ =	shalt  }
0x5b: {  	_ =	shalt  }
0x5c: {  	_ =	shalt  }
0x5d: {  	_ =	shalt  }
0x5e: {  	_ =	shalt  }
0x5f: {  	_ =	shalt  }
0x60: {  	_ =	shalt  }
0x61: {  	_ =	shalt  }
0x62: {  	_ =	shalt  }
0x63: {  	_ =	shalt  }
0x64: {  	_ =	shalt  }
0x65: {  	_ =	shalt  }
0x66: {  	_ =	shalt  }
0x67: {  	_ =	shalt  }
0x68: {  	_ =	shalt  }
0x69: {  	_ =	shalt  }
0x6a: {  	_ =	shalt  }
0x6b: {  	_ =	shalt  }
0x6c: {  	_ =	shalt  }
0x6d: {  	_ =	shalt  }
0x6e: {  	_ =	shalt  }
0x6f: {  	_ =	shalt  }
0x70: {  	_ =	shalt  }
0x71: {  	_ =	shalt  }
0x72: {  	_ =	shalt  }
0x73: {  	_ =	shalt  }
0x74: {  	_ =	shalt  }
0x75: {  	_ =	shalt  }
0x76: {  	_ =	shalt  }
0x77: {  	_ =	shalt  }
0x78: {  	_ =	shalt  }
0x79: {  	_ =	shalt  }
0x7a: {  	_ =	shalt  }
0x7b: {  	_ =	shalt  }
0x7c: {  	_ =	shalt  }
0x7d: {  	_ =	shalt  }
0x7e: {  	_ =	shalt  }
0x7f: {  	_ =	shalt  }
0x80: {  	_ =	shalt  }
0x81: {  	_ =	shalt  }
0x82: {  	_ =	shalt  }
0x83: {  	_ =	shalt  }
0x84: {  	_ =	shalt  }
0x85: {  	_ =	shalt  }
0x86: {  	_ =	shalt  }
0x87: {  	_ =	shalt  }
.Lfunc_end0:
.L_simem_size_0:
called_computation.2_lowered:
.L_overlay_start_0:
0x88: {  	s2 =	sld [smem:$0x3FD9]  }
0x89: {  	s3 =	sld [smem:$0x3FFE];
	_ =	sdelay $0x1  }
0x8a: {  	s1 =	srdreg.scid  }
0x8b: {  	s0 =	sand.u32 $0x1, s1  }
0x8c: {  	s16 =	sshll.u32 s0, $0xA;
	s2 =	sadd.s32 s3, s2  }
0x8d: {  	s2 =	sadd.s32 s2, s16  }
0x8e: {  	[smem:$0x3FBD] =	sst s2  }
0x8f: {  	_ = 	snop  }
0x90: {  	(tm) =	ssettm $0x1  }
0x91: {  	s17 =	sld [smem:$0x3FFB];
	_ =	sdelay $0x3  }
0x92: {  	_ =	strace s17  }
0x93: {  	s2 =	sld [smem:$0x3FFC];
	_ =	sdelay $0x3  }
0x94: {  	_ =	strace s2  }
0x95: {  	s2 =	sld [smem:$0x3FFD];
	_ =	sdelay $0x3  }
0x96: {  	_ =	strace s2  }
0x97: {  	_ =	strace $0x8FFFFFFF  }
0x98: {  	s18 =	sld [smem:$0x3FDB];
	_ =	sdelay $0x1  }
0x99: {  	s19 =	simm.s32 $_scs_section_size  }
0x9a: {  	s4 =	simm.s32 $_size__tile_overlayer_lowered;
	s5 =	simm.s32 $_tile_overlayer_lowered  }
0x9b: {  	s22 =	simm.s32 $0x1BFF;
	s21 =	sshll.u32 s5, $0x1;
	s2 =	sadd.s32 s19, s18  }
0x9c: {  	s6 =	simm.s32 $0x0;
	s20 =	sshll.u32 s4, $0x1;
	s4 =	sadd.s32 s21, s2  }
0x9d: {  	[timem:s6], [sflag:s22] =	dma.local [hbm:s4], s20  }
0x9e: {  	_ =	swait.ge [sflag:s22], s20  }
0x9f: {  	s3 =	ssub.s32 $0x0, s20;
	[sflag:s22] =	ssyncset.done $0x0  }
0xa0: {  	[sflag:s22] =	ssyncadd.s32 s3;
	_ =	sdelay $0x1  }
0xa1: {  	s23 =	simm.s32 $0x1B8B  }
0xa2: {  	_ =	swait.ge [sflag:s23], $0x1  }
0xa3: {  	[sflag:s23] =	ssyncset.done $0x0  }
0xa4: {  	s25 =	simm.s32 $0x1B8E;
	s24 =	sld [smem:$0x3FFE];
	[sflag:s23] =	ssyncadd.s32 $0xFFFFFFFF  }
0xa5: {  	s26 =	simm.s32 $execute0_lowered;
	[smem:$0x3FD2] =	sst s25  }
0xa6: {  	s4 =	sshll.u32 s26, $0x1;
	_ =	strace $0x8000004C;
	[dreg:$0x1] =	wrdreg $0xFFFFFFFF  }
0xa7: {  	s28 =	simm.s32 $_size_execute0_lowered;
	s2 =	sadd.s32 s2, s4;
	[dreg:$0x0] =	wrdreg $0x0  }
0xa8: {  	s4 =	sshll.u32 s28, $0x1;
	[dreg:$0x2] =	wrdreg s2  }
0xa9: {  	[dreg:$0x3] =	wrdreg s4  }
0xaa: {  	[dreg:$0x4] =	wrdreg $0xC0  }
0xab: {  	_ =	task [dreg:s6], $0x5FFFF  }
0xac: {  	[dreg:$0x1] =	wrdreg $0xFFFFFFFF  }
0xad: {  	[dreg:$0x0] =	wrdreg $0x60  }
0xae: {  	[dreg:$0x2] =	wrdreg s24  }
0xaf: {  	[dreg:$0x3] =	wrdreg $0x14B400  }
0xb0: {  	[dreg:$0x4] =	wrdreg $0x9  }
0xb1: {  	_ =	task.clear_ibuf [dreg:s6], $0x5FFFF;
	_ =	strace $0x9000004C  }
0xb2: {  	s29 =	simm.s32 $0x9;
	_ =	strace $0x8000004E  }
0xb3: {  	_ =	swait.ge [sflag:s29], $0x1  }
0xb4: {  	[sflag:s29] =	ssyncadd.s32 $0xFFFFFFFF  }
0xb5: {  	_ =	strace $0x9000004E  }
0xb6: {  	_ =	sfence  }
0xb7: {  	s30 =	sld [smem:$0x0];
	_ =	sdelay $0x2  }
0xb8: {  	s31 =	sshll.u32 s1, $0xD;
	s1 =	sshrl.u32 s1, $0x2  }
0xb9: {  	s3 =	sand.u32 $0x4000, s31;
	s1 =	sadd.s32 s1, s30  }
0xba: {  	s0 =	sor.u32 s3, s0;
	s1 =	sshll.u32 s1, $0x11  }
0xbb: {  	s0 =	sor.u32 s1, s0  }
0xbc: {  	s0 =	sadd.s32 $0x8F2B, s0  }
0xbd: {  	[sflag:s0] =	ssyncadd.remote.s32 $0x1  }
0xbe: {  	_ =	sfence.sel $0xFFFF  }
0xbf: {  	[dreg:$0x0] =	wrdreg $0xFFFFFFFF;
	(pc) =	sbr.abs _section_cstart, $3  }
0xc0: {  	[dreg:$0x1] =	wrdreg $0xFFFFFFFF  }
0xc1: {  	_ =	task.clear_ibuf [dreg:s6], $0x2FFFF;
	_ =	strace $0x9FFFFFFF  }
0xc2: {  	(tm) =	ssettm $0x7FFFFFFF  }
0xc3: {  	_ =	shalt  }
tec
execute0_lowered:
.L_overlay_start_1:
0x0: {  	(tag) =	ssettag $0x1  }
0x1: {  	s0 =	srdreg.scid;
	s3 =	rddreg [dreg:$0x0]  }
0x2: {  	s9 =	stileid.u32;
	s2 =	rddreg [dreg:$0x1];
	s4 =	simm.s32 $0x0  }
0x3: {  	s12 =	simm.s32 $0x15;
	s14 =	simm.s32 $0x64;
	s24 =	simm.s32 $0x5140  }
0x4: {  	s17 =	simm.s32 $0x8340;
	s19 =	simm.s32 $0xB540;
	s22 =	simm.s32 $0xCE40  }
0x5: {  	s21 =	simm.s32 $0x1;
	s20 =	simm.s32 $0x10040;
	s23 =	simm.s32 $0x3  }
0x6: {  	s15 =	simm.s32 $0x13240;
	s29 =	simm.s32 $0x7;
	s11 =	simm.s32 $0x9  }
0x7: {  	s28 =	simm.s32 $0xB;
	s10 =	simm.s32 $0x0;
	s0 =	sand.u32 $0x1, s0  }
0x8: {  	s5 =	smul.u32 $0xA000, s9;
	[smem:$0x7FF] =	sst s4;
	s4 =	sadd.s32 $0x25000, s3  }
0x9: {  	s31 =	sshll.u32 s9, $0x6;
	s1 =	sshll.u32 s0, $0x4;
	s6 =	smul.u32 $0xA0000, s0  }
0xa: {  	_ =	strace $0x8000004D;
	s0 =	ssub.s32 $0x2, s0;
	s16 =	sor.u32 $0x1C15, s31  }
0xb: {  	s1 =	sor.u32 s9, s1;
	s7 =	sshrl.u32 s5, $0x3;
	s8 =	sshrl.u32 s0, $0x1  }
0xc: {  	s26 =	sadd.s32 s5, s2;
	[dreg:$0x8] =	wrdreg s16;
	s1 =	smul.u32 $0x514, s1  }
0xd: {  	s6 =	sadd.s32 s5, s6;
	s7 =	sadd.s32 s7, s3;
	s0 =	ssub.s32 s0, s8  }
0xe: {  	s18 =	sshrl.u32 s26, $0x3;
	s5 =	simm.s32 $0xD;
	s8 =	simm.s32 $0x10  }
0xf: {  	s6 =	sshrl.u32 s6, $0x3;
	s30 =	sadd.s32 $0x38A00, s7;
	[dreg:$0x9] =	wrdreg s18  }
0x10: {  	s0 =	smax.u32 s0, $0x1;
	s1 =	sadd.s32 s1, s3;
	[dreg:$0x5] =	wrdreg s30  }
.Ltmp0:
0x11: {  	[dreg:$0x7] =	wrdreg s0;
	s25 =	sadd.s32 $0x1AC00, s1;
	(pc) =	sbr.rel .LBB2_1-.Ltmp0, $4  }
0x12: {  	s3 =	sadd.s32 s6, s3;
	s1 =	sadd.s32 $0x1800, s1;
	[dreg:$0x3] =	wrdreg s25  }
0x13: {  	s7 =	simm.s32 $0xF;
	s3 =	sadd.s32 $0x4CA00, s3;
	[dreg:$0x4] =	wrdreg s1  }
0x14: {  	s0 =	simm.s32 $0xA;
	s6 =	simm.s32 $0xE;
	[dreg:$0x6] =	wrdreg s3  }
0x15: {  	s25 =	simm.s32 $0x5;
	s1 =	simm.s32 $0x8;
	s3 =	simm.s32 $0xC  }
.LBB2_6:
0x16: {  	s9 =	simm.s32 $0x6  }
0x17: {  	_ =	swait.ge [sflag:s9], $0x1900  }
0x18: {  	[sflag:s9] =	ssyncset.done $0x0  }
0x19: {  	s16 =	simm.s32 $0x4F38;
	[sflag:s9] =	ssyncadd.s32 $0xFFFFE700  }
0x1a: {  	[spmem:s2] =	stream.indirect.scatter.add.f32 [tilespmem:s22], [sflag:$0x10], $0x40, s16, s14, $0xb8;
	[tilespmem:$0x1EB40] =	vst v63  }
0x1b: {  	_ =	swait.ge [sflag:s29], $0x1900  }
0x1c: {  	[sflag:s29] =	ssyncset.done $0x0  }
0x1d: {  	s18 =	simm.s32 $0x4FA0;
	s10 =	simm.s32 $0xE740;
	[sflag:s29] =	ssyncadd.s32 $0xFFFFE700  }
0x1e: {  	[spmem:s2] =	stream.indirect.scatter.add.f32 [tilespmem:s10], [sflag:$0x11], $0x40, s18, s14, $0xb8;
	[tilespmem:$0x1EB40] =	vst v63  }
0x1f: {  	_ =	swait.ge [sflag:s1], $0x1900  }
0x20: {  	[sflag:s1] =	ssyncset.done $0x0  }
0x21: {  	s26 =	simm.s32 $0x5008;
	[sflag:s1] =	ssyncadd.s32 $0xFFFFE700  }
0x22: {  	[spmem:s2] =	stream.indirect.scatter.add.f32 [tilespmem:s20], [sflag:$0x12], $0x40, s26, s14, $0xb8;
	[tilespmem:$0x1EB40] =	vst v63  }
0x23: {  	_ =	swait.ge [sflag:s11], $0x1900  }
0x24: {  	[sflag:s11] =	ssyncset.done $0x0  }
0x25: {  	s30 =	simm.s32 $0x5070;
	s31 =	simm.s32 $0x11940;
	[sflag:s11] =	ssyncadd.s32 $0xFFFFE700  }
0x26: {  	[spmem:s2] =	stream.indirect.scatter.add.f32 [tilespmem:s31], [sflag:$0x13], $0x40, s30, s14, $0xb8;
	[tilespmem:$0x1EB40] =	vst v63  }
0x27: {  	_ =	swait.ge [sflag:s0], $0x1900  }
0x28: {  	[sflag:s0] =	ssyncset.done $0x0  }
0x29: {  	s10 =	simm.s32 $0x50D8;
	[sflag:s0] =	ssyncadd.s32 $0xFFFFE700  }
0x2a: {  	[spmem:s2] =	stream.indirect.scatter.add.f32 [tilespmem:s15], [sflag:$0x14], $0x40, s10, s14, $0xb8;
	[tilespmem:$0x1EB40] =	vst v63  }
0x2b: {  	_ =	swait.ge [sflag:s28], $0x1900  }
0x2c: {  	[sflag:s28] =	ssyncset.done $0x0  }
0x2d: {  	[sflag:s28] =	ssyncadd.s32 $0xFFFFE700  }
0x2e: {  	_ =	swait.ge [sflag:s3], $0x1900  }
0x2f: {  	[sflag:s3] =	ssyncset.done $0x0  }
0x30: {  	[sflag:s3] =	ssyncadd.s32 $0xFFFFE700  }
0x31: {  	_ =	swait.ge [sflag:s5], $0x1900  }
0x32: {  	[sflag:s5] =	ssyncset.done $0x0  }
0x33: {  	[sflag:s5] =	ssyncadd.s32 $0xFFFFE700  }
0x34: {  	_ =	swait.ge [sflag:s6], $0x1900  }
0x35: {  	[sflag:s6] =	ssyncset.done $0x0  }
0x36: {  	[sflag:s6] =	ssyncadd.s32 $0xFFFFE700  }
0x37: {  	_ =	swait.ge [sflag:s7], $0x1900  }
0x38: {  	[sflag:s7] =	ssyncset.done $0x0  }
0x39: {  	[sflag:s7] =	ssyncadd.s32 $0xFFFFE700  }
0x3a: {  	_ =	swait.ge [sflag:s8], $0x1900  }
0x3b: {  	[sflag:s8] =	ssyncset.done $0x0  }
0x3c: {  	s12 =	simm.s32 $0x11;
	[sflag:s8] =	ssyncadd.s32 $0xFFFFE700  }
0x3d: {  	_ =	swait.ge [sflag:s12], $0x1900  }
0x3e: {  	[sflag:s12] =	ssyncset.done $0x0  }
0x3f: {  	s13 =	simm.s32 $0x12;
	[sflag:s12] =	ssyncadd.s32 $0xFFFFE700  }
0x40: {  	_ =	swait.ge [sflag:s13], $0x1900  }
0x41: {  	[sflag:s13] =	ssyncset.done $0x0  }
0x42: {  	s16 =	simm.s32 $0x13;
	[sflag:s13] =	ssyncadd.s32 $0xFFFFE700  }
0x43: {  	_ =	swait.ge [sflag:s16], $0x1900  }
0x44: {  	[sflag:s16] =	ssyncset.done $0x0  }
0x45: {  	s18 =	simm.s32 $0x14;
	[sflag:s16] =	ssyncadd.s32 $0xFFFFE700  }
0x46: {  	_ =	swait.ge [sflag:s18], $0x1900  }
0x47: {  	[sflag:s18] =	ssyncset.done $0x0  }
0x48: {  	[sflag:s18] =	ssyncadd.s32 $0xFFFFE700  }
0x49: {  	[bflag:$0x0] =	sbarrier.arrive $0xFFFF  }
0x4a: {  	s26 =	rddreg [dreg:$0x6]  }
0x4b: {  	s16 =	rddreg [dreg:$0x8]  }
0x4c: {  	s12 =	simm.s32 $0x15;
	s18 =	rddreg [dreg:$0x9]  }
0x4d: {  	[hbm:s26], [sflag:s16] =	dma.local [spmem:s18], $0x1400  }
0x4e: {  	_ =	swait.ge [sflag:s12], $0x1400  }
0x4f: {  	s30 =	rddreg [dreg:$0xa]  }
0x50: {  	s31 =	rddreg [dreg:$0x7];
	s10 =	sadd.s32 $0x1, s30  }
0x51: {  	p0 =	sne.s32 s10, s31  }
.Ltmp1:
0x52: {  	_ = 	snop;
	(pc) =	sbr.rel @!p0 .LBB2_7-.Ltmp1, $3  }
0x53: {  	_ =	sdelay $0x1  }
0x54: {  	[sflag:s12] =	ssyncset.done $0x0  }
0x55: {  	[sflag:s12] =	ssyncadd.s32 $0xFFFFEC00  }
.LBB2_1:
0x56: {  	[dreg:$0xa] =	wrdreg s10  }
0x57: {  	s9 =	simm.s32 $0x0;
	s26 =	rddreg [dreg:$0x3]  }
0x58: {  	[tilespmem:s9], [sflag:$0x15] =	stream.linear.gather [hbm4b:s26+s9], $0x28A0, $0x38;
	[tilespmem:$0x1EB40] =	vst v63  }
0x59: {  	_ =	swait.ge [sflag:s12], $0x28A0  }
0x5a: {  	[sflag:s12] =	ssyncset.done $0x0  }
0x5b: {  	s13 =	simm.s32 $0x28A0;
	s30 =	rddreg [dreg:$0x4];
	[sflag:s12] =	ssyncadd.s32 $0xFFFFD760  }
0x5c: {  	[tilespmem:s13], [sflag:$0x15] =	stream.linear.gather [hbm4b:s30+s9], $0x28A0, $0x38;
	[tilespmem:$0x1EB40] =	vst v63  }
0x5d: {  	_ =	swait.ge [sflag:s12], $0x28A0  }
0x5e: {  	[sflag:s12] =	ssyncset.done $0x0  }
0x5f: {  	s31 =	rddreg [dreg:$0x5];
	[sflag:s12] =	ssyncadd.s32 $0xFFFFD760  }
0x60: {  	[spmem:s18], [sflag:s16] =	dma.local [hbm:s31], $0x1400  }
.Ltmp2:
0x61: {  	_ =	swait.ge [sflag:s12], $0x1400;
	(pc) =	sbr.rel .LBB2_2-.Ltmp2, $4  }
0x62: {  	[sflag:s12] =	ssyncset.done $0x0  }
0x63: {  	[sflag:s12] =	ssyncadd.s32 $0xFFFFEC00  }
0x64: {  	[bflag:$0x0] =	sbarrier.arrive $0xFFFF  }
0x65: {  	s18 =	simm.s32 $0x0;
	s12 =	simm.s32 $0x0  }
.LBB2_4:
0x66: {  	_ =	swait.ge [sflag:s28], $0x1900  }
0x67: {  	[sflag:s28] =	ssyncset.done $0x0  }
0x68: {  	s9 =	sshra.s32 s12, $0x2;
	s10 =	simm.s32 $0x6;
	[sflag:s28] =	ssyncadd.s32 $0xFFFFE700  }
0x69: {  	[tilespmem:s24], [sflag:$0x1] =	stream.indirect.gather [hbm4b:s4+s14], $0x40, s9, s14, $0xb8;
	[tilespmem:$0x1EB40] =	vst v63  }
0x6a: {  	_ =	swait.ge [sflag:s10], $0x1900  }
0x6b: {  	[sflag:s10] =	ssyncset.done $0x0  }
0x6c: {  	s16 =	sadd.s32 $0x2698, s9;
	[sflag:s10] =	ssyncadd.s32 $0xFFFFE700  }
0x6d: {  	[spmem:s2] =	stream.indirect.scatter.add.f32 [tilespmem:s22], [sflag:$0x10], $0x40, s16, s14, $0xb8;
	[tilespmem:$0x1EB40] =	vst v63  }
0x6e: {  	_ =	swait.ge [sflag:s3], $0x1900  }
0x6f: {  	[sflag:s3] =	ssyncset.done $0x0  }
0x70: {  	s13 =	simm.s32 $0x6A40;
	s26 =	sadd.s32 $0x68, s9;
	[sflag:s3] =	ssyncadd.s32 $0xFFFFE700  }
0x71: {  	[tilespmem:s13], [sflag:$0x2] =	stream.indirect.gather [hbm4b:s4+s14], $0x40, s26, s14, $0xb8;
	[tilespmem:$0x1EB40] =	vst v63  }
0x72: {  	_ =	swait.ge [sflag:s29], $0x1900  }
0x73: {  	[sflag:s29] =	ssyncset.done $0x0  }
0x74: {  	s16 =	sadd.s32 $0x2700, s9;
	s26 =	simm.s32 $0xE740;
	[sflag:s29] =	ssyncadd.s32 $0xFFFFE700  }
0x75: {  	[spmem:s2] =	stream.indirect.scatter.add.f32 [tilespmem:s26], [sflag:$0x11], $0x40, s16, s14, $0xb8;
	[tilespmem:$0x1EB40] =	vst v63  }
0x76: {  	_ =	swait.ge [sflag:s5], $0x1900  }
0x77: {  	[sflag:s5] =	ssyncset.done $0x0  }
0x78: {  	s16 =	sadd.s32 $0xD0, s9;
	[sflag:s5] =	ssyncadd.s32 $0xFFFFE700  }
0x79: {  	[tilespmem:s17], [sflag:$0x3] =	stream.indirect.gather [hbm4b:s4+s14], $0x40, s16, s14, $0xb8;
	[tilespmem:$0x1EB40] =	vst v63  }
0x7a: {  	_ =	swait.ge [sflag:s1], $0x1900  }
0x7b: {  	[sflag:s1] =	ssyncset.done $0x0  }
0x7c: {  	s26 =	sadd.s32 $0x2768, s9;
	[sflag:s1] =	ssyncadd.s32 $0xFFFFE700  }
0x7d: {  	[spmem:s2] =	stream.indirect.scatter.add.f32 [tilespmem:s20], [sflag:$0x12], $0x40, s26, s14, $0xb8;
	[tilespmem:$0x1EB40] =	vst v63  }
0x7e: {  	_ =	swait.ge [sflag:s6], $0x1900  }
0x7f: {  	[sflag:s6] =	ssyncset.done $0x0  }
0x80: {  	s13 =	sadd.s32 $0x138, s9;
	s16 =	simm.s32 $0x9C40;
	[sflag:s6] =	ssyncadd.s32 $0xFFFFE700  }
0x81: {  	[tilespmem:s16], [sflag:$0x4] =	stream.indirect.gather [hbm4b:s4+s14], $0x40, s13, s14, $0xb8;
	[tilespmem:$0x1EB40] =	vst v63  }
0x82: {  	_ =	swait.ge [sflag:s11], $0x1900  }
0x83: {  	[sflag:s11] =	ssyncset.done $0x0  }
0x84: {  	s17 =	sadd.s32 $0x27D0, s9;
	s20 =	simm.s32 $0x11940;
	[sflag:s11] =	ssyncadd.s32 $0xFFFFE700  }
0x85: {  	[spmem:s2] =	stream.indirect.scatter.add.f32 [tilespmem:s20], [sflag:$0x13], $0x40, s17, s14, $0xb8;
	[tilespmem:$0x1EB40] =	vst v63  }
0x86: {  	_ =	swait.ge [sflag:s7], $0x1900  }
0x87: {  	[sflag:s7] =	ssyncset.done $0x0  }
0x88: {  	s26 =	sadd.s32 $0x1A0, s9;
	[sflag:s7] =	ssyncadd.s32 $0xFFFFE700  }
0x89: {  	[tilespmem:s19], [sflag:$0x5] =	stream.indirect.gather [hbm4b:s4+s14], $0x40, s26, s14, $0xb8;
	[tilespmem:$0x1EB40] =	vst v63  }
0x8a: {  	s30 =	sadd.s32 $0xD0, s18;
	_ =	swait.ge [sflag:s0], $0x1900  }
0x8b: {  	s31 =	smov.u32 s12;
	s10 =	sadd.s32 $0x1A0, s18;
	[sflag:s0] =	ssyncset.done $0x0  }
0x8c: {  	s9 =	sadd.s32 $0x2838, s9;
	s16 =	sadd.s32 $0x68, s18;
	[sflag:s0] =	ssyncadd.s32 $0xFFFFE700  }
0x8d: {  	[spmem:s2] =	stream.indirect.scatter.add.f32 [tilespmem:s15], [sflag:$0x14], $0x40, s9, s14, $0xb8;
	[tilespmem:$0x1EB40] =	vst v63  }
0x8e: {  	s13 =	smov.u32 s18;
	s17 =	simm.s32 $0x13240;
	_ =	swait.ge [sflag:s8], $0x1900  }
0x8f: {  	s26 =	simm.s32 $0xB540;
	s19 =	simm.s32 $0x8340;
	[sflag:s8] =	ssyncset.done $0x0  }
0x90: {  	s9 =	sadd.s32 $0x138, s18;
	s15 =	simm.s32 $0x10040;
	[sflag:s8] =	ssyncadd.s32 $0xFFFFE700  }
.LBB2_5:
0x91: {  	s31 =	sshra.s32 s31, $0x2  }
0x92: {  	s20 =	sadd.s32 $0x208, s31  }
0x93: {  	[tilespmem:s22], [sflag:$0x6] =	stream.indirect.gather [hbm4b:s4+s14], $0x40, s20, s14, $0xb8;
	[tilespmem:$0x1EB40] =	vst v63  }
0x94: {  	_ =	swait.ge [sflag:s21], $0x1900  }
0x95: {  	[sflag:s21] =	ssyncset.done $0x0  }
0x96: {  	p0 =	seq.s32 s12, $0x0;
	s13 =	sadd.s32 $0x28A0, s13;
	[sflag:s21] =	ssyncadd.s32 $0xFFFFE700  }
0x97: {  	[spmem:s2] =	stream.indirect.scatter.add.f32 [tilespmem:s24], [sflag:$0xB], $0x40, s13, s14, $0xb8;
	[tilespmem:$0x1EB40] =	vst v63  }
0x98: {  	s20 =	simm.s32 @p0 $0x64;
	s22 =	simm.s32 @p0 $0xE740;
	s13 =	sadd.s32 @p0 $0x270, s31  }
0x99: {  	[tilespmem:s22], [sflag:$0x7] =	stream.indirect.gather @p0 [hbm4b:s4+s20], $0x40, s13, s20, $0xb8;
	[tilespmem:$0x1EB40] =	vst v63  }
0x9a: {  	s13 =	simm.s32 @p0 $0x2  }
0x9b: {  	_ =	swait.ge @p0 [sflag:s13], $0x1900  }
0x9c: {  	[sflag:s13] =	ssyncset.done @p0 $0x0  }
0x9d: {  	s22 =	simm.s32 @p0 $0x6A40;
	[sflag:s13] =	ssyncadd.s32 @p0 $0xFFFFE700;
	s13 =	sadd.s32 @p0 $0x28A0, s16  }
0x9e: {  	[spmem:s2] =	stream.indirect.scatter.add.f32 @p0 [tilespmem:s22], [sflag:$0xC], $0x40, s13, s20, $0xb8;
	[tilespmem:$0x1EB40] =	vst v63  }
0x9f: {  	s13 =	simm.s32 @!p0 $0x11  }
0xa0: {  	_ =	swait.ge @!p0 [sflag:s13], $0x1900  }
0xa1: {  	s24 =	simm.s32 @!p0 $0xE740;
	[sflag:s13] =	ssyncset.done @!p0 $0x0  }
0xa2: {  	s22 =	simm.s32 @!p0 $0x64;
	[sflag:s13] =	ssyncadd.s32 @!p0 $0xFFFFE700;
	s13 =	sadd.s32 @!p0 $0x270, s31  }
0xa3: {  	[tilespmem:s24], [sflag:$0x7] =	stream.indirect.gather @!p0 [hbm4b:s4+s22], $0x40, s13, s22, $0xb8;
	[tilespmem:$0x1EB40] =	vst v63  }
0xa4: {  	s13 =	simm.s32 @!p0 $0x2  }
0xa5: {  	_ =	swait.ge @!p0 [sflag:s13], $0x1900  }
0xa6: {  	[sflag:s13] =	ssyncset.done @!p0 $0x0  }
0xa7: {  	[sflag:s13] =	ssyncadd.s32 @!p0 $0xFFFFE700;
	s13 =	sadd.s32 @!p0 $0x28A0, s16;
	s16 =	simm.s32 @!p0 $0x6A40  }
0xa8: {  	[spmem:s2] =	stream.indirect.scatter.add.f32 @!p0 [tilespmem:s16], [sflag:$0xC], $0x40, s13, s22, $0xb8;
	[tilespmem:$0x1EB40] =	vst v63  }
0xa9: {  	s13 =	simm.s32 @!p0 $0x12  }
0xaa: {  	_ =	swait.ge @!p0 [sflag:s13], $0x1900  }
0xab: {  	[sflag:s13] =	ssyncset.done @!p0 $0x0  }
0xac: {  	s16 =	sadd.s32 $0x2D8, s31;
	[sflag:s13] =	ssyncadd.s32 @!p0 $0xFFFFE700  }
0xad: {  	[tilespmem:s15], [sflag:$0x8] =	stream.indirect.gather [hbm4b:s4+s14], $0x40, s16, s14, $0xb8;
	[tilespmem:$0x1EB40] =	vst v63  }
0xae: {  	_ =	swait.ge [sflag:s23], $0x1900  }
0xaf: {  	[sflag:s23] =	ssyncset.done $0x0  }
0xb0: {  	s16 =	sadd.s32 $0x28A0, s30;
	[sflag:s23] =	ssyncadd.s32 $0xFFFFE700  }
0xb1: {  	[spmem:s2] =	stream.indirect.scatter.add.f32 [tilespmem:s19], [sflag:$0xD], $0x40, s16, s14, $0xb8;
	[tilespmem:$0x1EB40] =	vst v63  }
0xb2: {  	s13 =	sadd.s32 @p0 $0x340, s31;
	s16 =	simm.s32 @p0 $0x11940  }
0xb3: {  	[tilespmem:s16], [sflag:$0x9] =	stream.indirect.gather @p0 [hbm4b:s4+s20], $0x40, s13, s20, $0xb8;
	[tilespmem:$0x1EB40] =	vst v63  }
0xb4: {  	s13 =	simm.s32 @p0 $0x4  }
0xb5: {  	_ =	swait.ge @p0 [sflag:s13], $0x1900  }
0xb6: {  	[sflag:s13] =	ssyncset.done @p0 $0x0  }
0xb7: {  	s16 =	simm.s32 @p0 $0x9C40;
	[sflag:s13] =	ssyncadd.s32 @p0 $0xFFFFE700;
	s13 =	sadd.s32 @p0 $0x28A0, s9  }
0xb8: {  	[spmem:s2] =	stream.indirect.scatter.add.f32 @p0 [tilespmem:s16], [sflag:$0xE], $0x40, s13, s20, $0xb8;
	[tilespmem:$0x1EB40] =	vst v63  }
0xb9: {  	s13 =	simm.s32 @!p0 $0x13  }
0xba: {  	_ =	swait.ge @!p0 [sflag:s13], $0x1900  }
0xbb: {  	[sflag:s13] =	ssyncset.done @!p0 $0x0  }
0xbc: {  	s16 =	simm.s32 @!p0 $0x11940;
	[sflag:s13] =	ssyncadd.s32 @!p0 $0xFFFFE700;
	s13 =	sadd.s32 @!p0 $0x340, s31  }
0xbd: {  	[tilespmem:s16], [sflag:$0x9] =	stream.indirect.gather @!p0 [hbm4b:s4+s22], $0x40, s13, s22, $0xb8;
	[tilespmem:$0x1EB40] =	vst v63  }
0xbe: {  	s13 =	simm.s32 @!p0 $0x4  }
0xbf: {  	_ =	swait.ge @!p0 [sflag:s13], $0x1900  }
0xc0: {  	[sflag:s13] =	ssyncset.done @!p0 $0x0  }
0xc1: {  	s9 =	sadd.s32 @!p0 $0x28A0, s9;
	[sflag:s13] =	ssyncadd.s32 @!p0 $0xFFFFE700;
	s13 =	simm.s32 @!p0 $0x9C40  }
0xc2: {  	[spmem:s2] =	stream.indirect.scatter.add.f32 @!p0 [tilespmem:s13], [sflag:$0xE], $0x40, s9, s22, $0xb8;
	[tilespmem:$0x1EB40] =	vst v63  }
0xc3: {  	s9 =	simm.s32 @!p0 $0x14  }
0xc4: {  	_ =	swait.ge @!p0 [sflag:s9], $0x1900  }
0xc5: {  	s12 =	sadd.s32 $0x1040, s12;
	[sflag:s9] =	ssyncset.done @!p0 $0x0  }
0xc6: {  	s30 =	sadd.s32 $0x3A8, s31;
	[sflag:s9] =	ssyncadd.s32 @!p0 $0xFFFFE700;
	p0 =	sne.s32 s12, $0xA280  }
0xc7: {  	[tilespmem:s17], [sflag:$0xA] =	stream.indirect.gather [hbm4b:s4+s14], $0x40, s30, s14, $0xb8;
	[tilespmem:$0x1EB40] =	vst v63  }
.Ltmp3:
0xc8: {  	s18 =	sadd.s32 $0x410, s18;
	s24 =	simm.s32 $0x5140;
	(pc) =	sbr.rel @!p0 .LBB2_6-.Ltmp3, $4  }
0xc9: {  	s15 =	simm.s32 $0x13240;
	s19 =	simm.s32 $0xB540;
	_ =	swait.ge [sflag:s25], $0x1900  }
0xca: {  	s20 =	simm.s32 $0x10040;
	s31 =	sadd.s32 $0x28A0, s10;
	[sflag:s25] =	ssyncset.done $0x0  }
0xcb: {  	s22 =	simm.s32 $0xCE40;
	s17 =	simm.s32 $0x8340;
	[sflag:s25] =	ssyncadd.s32 $0xFFFFE700  }
0xcc: {  	[spmem:s2] =	stream.indirect.scatter.add.f32 [tilespmem:s26], [sflag:$0xF], $0x40, s31, s14, $0xb8;
	[tilespmem:$0x1EB40] =	vst v63  }
.LBB2_2:
0xcd: {  	p0 =	sne.s32 s12, $0x0  }
.Ltmp4:
0xce: {  	_ = 	snop;
	(pc) =	sbr.rel @p0 .LBB2_4-.Ltmp4, $1  }
0xcf: {  	_ =	sdelay $0x3  }
0xd0: {  	s31 =	simm.s32 $0x0  }
0xd1: {  	[tilespmem:s24], [sflag:$0x1] =	stream.indirect.gather [hbm4b:s4+s14], $0x40, s31, s14, $0xb8;
	[tilespmem:$0x1EB40] =	vst v63  }
0xd2: {  	s16 =	simm.s32 $0x68;
	s9 =	simm.s32 $0x6A40  }
0xd3: {  	[tilespmem:s9], [sflag:$0x2] =	stream.indirect.gather [hbm4b:s4+s14], $0x40, s16, s14, $0xb8;
	[tilespmem:$0x1EB40] =	vst v63  }
0xd4: {  	s19 =	simm.s32 $0x8340;
	s30 =	simm.s32 $0xD0  }
0xd5: {  	[tilespmem:s19], [sflag:$0x3] =	stream.indirect.gather [hbm4b:s4+s14], $0x40, s30, s14, $0xb8;
	[tilespmem:$0x1EB40] =	vst v63  }
.Ltmp5:
0xd6: {  	s26 =	simm.s32 $0xB540;
	(pc) =	sbr.rel .LBB2_5-.Ltmp5, $4  }
0xd7: {  	s10 =	simm.s32 $0x9C40;
	s13 =	simm.s32 $0x0;
	s9 =	simm.s32 $0x138  }
0xd8: {  	[tilespmem:s10], [sflag:$0x4] =	stream.indirect.gather [hbm4b:s4+s14], $0x40, s9, s14, $0xb8;
	[tilespmem:$0x1EB40] =	vst v63  }
0xd9: {  	s17 =	simm.s32 $0x13240;
	s15 =	simm.s32 $0x10040;
	s10 =	simm.s32 $0x1A0  }
0xda: {  	[tilespmem:s26], [sflag:$0x5] =	stream.indirect.gather [hbm4b:s4+s14], $0x40, s10, s14, $0xb8;
	[tilespmem:$0x1EB40] =	vst v63  }
.LBB2_7:
0xdb: {  	_ =	sfence.sel $0x180000  }
0xdc: {  	[bflag:$0x0] =	sbarrier.arrive $0xFFFF  }
0xdd: {  	_ =	strace $0x9000004D  }
0xde: {  	s0 =	stileid.u32;
	[bflag:$0x2] =	sbarrier.arrive $0xFFFF  }
0xdf: {  	p0 =	sne.s32 s0, $0x0;
	s0 =	rddreg [dreg:$0x2]  }
0xe0: {  	s0 =	sadd.s32 @!p0 $0x100000, s0  }
0xe1: {  	[sflag:s0] =	ssyncadd.tile.s32 @!p0 $0x1;
	_ =	shalt  }
.Lfunc_end2:
_tile_overlayer_lowered:
.L_overlay_start_2:
0xe2: {  	(tag) =	ssettag $0x2  }
0xe3: {  	s0 =	rddreg [dreg:$0x0];
	s2 =	stileid.u32  }
0xe4: {  	s1 =	rddreg [dreg:$0x1];
	p0 =	sne.s32 s2, $0x0  }
0xe5: {  	s3 =	rddreg [dreg:$0x2];
	[bflag:$0x3] =	sbarrier.arrive $0xFFFF;
	s2 =	simm.s32 @!p0 $0x1C15  }
0xe6: {  	[timem:s3], [sflag:s2] =	dma.local @!p0 [hbm:s0], s1  }
0xe7: {  	s0 =	simm.s32 @!p0 $0x15  }
0xe8: {  	_ =	swait.ge @!p0 [sflag:s0], s1  }
0xe9: {  	s1 =	ssub.s32 @!p0 $0x0, s1;
	[sflag:s0] =	ssyncset.done @!p0 $0x0  }
0xea: {  	[sflag:s0] =	ssyncadd.s32 @!p0 s1  }
0xeb: {  	[bflag:$0x3] =	sbarrier.arrive $0xFFFF  }
0xec: {  	_ =	shalt  }

// kernel: kernel.8.cloned.1.call-start
scs
__scs_entry_jumppad:
0x0: {  	(pc) =	sbr.rel $0x88, $3  }
0x1: {  	(tag) =	ssettag $0x0;
	lr =	simm.s32 $0x1  }
0x2: {  	[smem:$0x3F96] =	sst lr;
	_ =	strace $0xD0000000  }
0x3: {  	_ = 	snop  }
0x4: {  	_ = 	snop  }
0x5: {  	_ = 	snop  }
0x6: {  	_ = 	snop  }
0x7: {  	_ = 	snop  }
__scs_overlays_trampoline_lowered:
0x8: {  	[smem:$0x3FA5] =	sst s0  }
0x9: {  	[smem:$0x3FA6] =	sst s1  }
0xa: {  	[smem:$0x3FA7] =	sst s2  }
0xb: {  	[smem:$0x3FA8] =	sst s3  }
0xc: {  	[smem:$0x3FA9] =	sst s4  }
0xd: {  	[smem:$0x3FAA] =	sst s5  }
0xe: {  	[smem:$0x3FAB] =	sst s6  }
0xf: {  	[smem:$0x3FAC] =	sst s7  }
0x10: {  	[smem:$0x3FAD] =	sst s8  }
0x11: {  	[smem:$0x3FAE] =	sst s9;
	s0 =	simm.s32 @!p0 $0x0  }
0x12: {  	s1 =	sld [smem:$0x3F94];
	s0 =	simm.s32 @p0 $0x1  }
0x13: {  	[smem:$0x3FAF] =	sst s0;
	s0 =	simm.s32 @!p1 $0x0  }
0x14: {  	s2 =	sld [smem:$0x3F93];
	s0 =	simm.s32 @p1 $0x1  }
0x15: {  	[smem:$0x3FB0] =	sst s0;
	s0 =	simm.s32 @!p2 $0x0  }
0x16: {  	s3 =	sld [smem:$0x3FDB];
	s0 =	simm.s32 @p2 $0x1  }
0x17: {  	s4 =	simm.s32 $0x1BF5;
	[smem:$0x3FB2] =	sst s0  }
0x18: {  	s0 =	sld [smem:$0x3F95];
	_ =	swait.ge [sflag:s4], $0x0  }
0x19: {  	s7 =	sld [smem:$0x3F96]  }
0x1a: {  	s8 =	sadd.s32 $0xFFFFE003, lr  }
0x1b: {  	s9 =	sadd.s32 $0xFFFFFEF7, lr;
	s5 =	simm.s32 $0xFFFFFFFF;
	p2 =	slt.u32 s8, $0xFFFFF086  }
0x1c: {  	p1 =	slt.u32 s9, $0xF7A;
	s5 =	simm.s32 @!p2 $0x0  }
0x1d: {  	s5 =	simm.s32 @p1 $0x1;
	p0 =	seq.s32 s7, s2  }
0x1e: {  	s7 =	smul.u32 @!p0 $0xF7A, s2;
	p2 =	seq.s32 @!p0 s5, $0x0  }
0x1f: {  	s9 =	smul.u32 $0xF7A, s1;
	s8 =	simm.s32 @!p0 $0x1BF5;
	p2 =	por !p2, p0  }
0x20: {  	[sflag:s8] =	ssyncset.s32 @!p0 $0xFFFFF086;
	s6 =	sadd.s32 @!p0 s3, s7;
	s7 =	simm.s32 @!p0 $0x108  }
0x21: {  	s3 =	sadd.s32 s3, s9;
	s6 =	sadd.s32 @!p0 $0x88, s6;
	s7 =	simm.s32 @p2 $0x1082  }
0x22: {  	[simem:s7], [sflag:s8] =	dma.local @!p0 [hbm:s6], $0xF7A  }
0x23: {  	s9 =	sor.u32 $0xD0000000, s2;
	s6 =	simm.s32 $0x108;
	_ =	swait.ge @!p0 [sflag:s8], $0x0  }
0x24: {  	s3 =	sadd.s32 $0x88, s3;
	s6 =	simm.s32 @!p1 $0x1082;
	[sflag:s4] =	ssyncset.s32 $0xFFFFF086  }
0x25: {  	[simem:s6], [sflag:s4] =	dma.local [hbm:s3], $0xF7A  }
0x26: {  	[smem:$0x3F96] =	sst s1;
	(tag) =	ssettag s2;
	_ =	strace s9  }
0x27: {  	s1 =	sld [smem:$0x3FA6]  }
0x28: {  	s2 =	sld [smem:$0x3FA7]  }
0x29: {  	s4 =	sld [smem:$0x3FA9]  }
0x2a: {  	p0 =	seq.s32 s5, $0x0;
	s5 =	sld [smem:$0x3FAA]  }
0x2b: {  	s6 =	sld [smem:$0x3FAB]  }
0x2c: {  	s7 =	sld [smem:$0x3FAC]  }
0x2d: {  	s3 =	simm.s32 $0x108;
	s8 =	sld [smem:$0x3FAD]  }
0x2e: {  	s3 =	simm.s32 @!p0 $0x1082;
	s9 =	sld [smem:$0x3FAE]  }
0x2f: {  	lr =	sadd.s32 s0, s3;
	s0 =	sld [smem:$0x3FA5]  }
0x30: {  	s3 =	sld [smem:$0x3FA8]  }
0x31: {  	[smem:$0x3FB1] =	sst s10  }
0x32: {  	s10 =	sld [smem:$0x3FAF];
	_ =	sdelay $0x3  }
0x33: {  	p0 =	seq.s32 s10, $0x1;
	s10 =	sld [smem:$0x3FB1];
	_ =	sdelay $0x3  }
0x34: {  	[smem:$0x3FB1] =	sst s10  }
0x35: {  	s10 =	sld [smem:$0x3FB0];
	_ =	sdelay $0x3  }
0x36: {  	p1 =	seq.s32 s10, $0x1;
	s10 =	sld [smem:$0x3FB1];
	_ =	sdelay $0x3  }
0x37: {  	[smem:$0x3FB1] =	sst s10  }
0x38: {  	s10 =	sld [smem:$0x3FB2]  }
0x39: {  	_ = 	snop;
	(pc) =	sbr.ind lr, $3  }
0x3a: {  	_ = 	snop  }
0x3b: {  	_ = 	snop  }
0x3c: {  	p2 =	seq.s32 s10, $0x1;
	s10 =	sld [smem:$0x3FB1]  }
0x3d: {  	_ =	shalt  }
0x3e: {  	_ =	shalt  }
0x3f: {  	_ =	shalt  }
0x40: {  	_ =	shalt  }
0x41: {  	_ =	shalt  }
0x42: {  	_ =	shalt  }
0x43: {  	_ =	shalt  }
0x44: {  	_ =	shalt  }
0x45: {  	_ =	shalt  }
0x46: {  	_ =	shalt  }
0x47: {  	_ =	shalt  }
0x48: {  	_ =	shalt  }
0x49: {  	_ =	shalt  }
0x4a: {  	_ =	shalt  }
0x4b: {  	_ =	shalt  }
0x4c: {  	_ =	shalt  }
0x4d: {  	_ =	shalt  }
0x4e: {  	_ =	shalt  }
0x4f: {  	_ =	shalt  }
0x50: {  	_ =	shalt  }
0x51: {  	_ =	shalt  }
0x52: {  	_ =	shalt  }
0x53: {  	_ =	shalt  }
0x54: {  	_ =	shalt  }
0x55: {  	_ =	shalt  }
0x56: {  	_ =	shalt  }
0x57: {  	_ =	shalt  }
0x58: {  	_ =	shalt  }
0x59: {  	_ =	shalt  }
0x5a: {  	_ =	shalt  }
0x5b: {  	_ =	shalt  }
0x5c: {  	_ =	shalt  }
0x5d: {  	_ =	shalt  }
0x5e: {  	_ =	shalt  }
0x5f: {  	_ =	shalt  }
0x60: {  	_ =	shalt  }
0x61: {  	_ =	shalt  }
0x62: {  	_ =	shalt  }
0x63: {  	_ =	shalt  }
0x64: {  	_ =	shalt  }
0x65: {  	_ =	shalt  }
0x66: {  	_ =	shalt  }
0x67: {  	_ =	shalt  }
0x68: {  	_ =	shalt  }
0x69: {  	_ =	shalt  }
0x6a: {  	_ =	shalt  }
0x6b: {  	_ =	shalt  }
0x6c: {  	_ =	shalt  }
0x6d: {  	_ =	shalt  }
0x6e: {  	_ =	shalt  }
0x6f: {  	_ =	shalt  }
0x70: {  	_ =	shalt  }
0x71: {  	_ =	shalt  }
0x72: {  	_ =	shalt  }
0x73: {  	_ =	shalt  }
0x74: {  	_ =	shalt  }
0x75: {  	_ =	shalt  }
0x76: {  	_ =	shalt  }
0x77: {  	_ =	shalt  }
0x78: {  	_ =	shalt  }
0x79: {  	_ =	shalt  }
0x7a: {  	_ =	shalt  }
0x7b: {  	_ =	shalt  }
0x7c: {  	_ =	shalt  }
0x7d: {  	_ =	shalt  }
0x7e: {  	_ =	shalt  }
0x7f: {  	_ =	shalt  }
0x80: {  	_ =	shalt  }
0x81: {  	_ =	shalt  }
0x82: {  	_ =	shalt  }
0x83: {  	_ =	shalt  }
0x84: {  	_ =	shalt  }
0x85: {  	_ =	shalt  }
0x86: {  	_ =	shalt  }
0x87: {  	_ =	shalt  }
.Lfunc_end0:
.L_simem_size_0:
called_computation_lowered:
.L_overlay_start_0:
0x88: {  	s2 =	sld [smem:$0x3FD9]  }
0x89: {  	s3 =	sld [smem:$0x3FFE];
	_ =	sdelay $0x1  }
0x8a: {  	s1 =	srdreg.scid  }
0x8b: {  	s0 =	sand.u32 $0x1, s1  }
0x8c: {  	s16 =	sshll.u32 s0, $0xA;
	s2 =	sadd.s32 s3, s2  }
0x8d: {  	s2 =	sadd.s32 s2, s16  }
0x8e: {  	[smem:$0x3FBD] =	sst s2  }
0x8f: {  	_ = 	snop  }
0x90: {  	(tm) =	ssettm $0x1  }
0x91: {  	s17 =	sld [smem:$0x3FFB];
	_ =	sdelay $0x3  }
0x92: {  	_ =	strace s17  }
0x93: {  	s2 =	sld [smem:$0x3FFC];
	_ =	sdelay $0x3  }
0x94: {  	_ =	strace s2  }
0x95: {  	s2 =	sld [smem:$0x3FFD];
	_ =	sdelay $0x3  }
0x96: {  	_ =	strace s2  }
0x97: {  	_ =	strace $0x8FFFFFFF  }
0x98: {  	s18 =	sld [smem:$0x3FDB];
	_ =	sdelay $0x1  }
0x99: {  	s19 =	simm.s32 $_scs_section_size  }
0x9a: {  	s4 =	simm.s32 $_size__tile_overlayer_lowered;
	s5 =	simm.s32 $_tile_overlayer_lowered  }
0x9b: {  	s22 =	simm.s32 $0x1BFF;
	s21 =	sshll.u32 s5, $0x1;
	s2 =	sadd.s32 s19, s18  }
0x9c: {  	s6 =	simm.s32 $0x0;
	s20 =	sshll.u32 s4, $0x1;
	s4 =	sadd.s32 s21, s2  }
0x9d: {  	[timem:s6], [sflag:s22] =	dma.local [hbm:s4], s20  }
0x9e: {  	_ =	swait.ge [sflag:s22], s20  }
0x9f: {  	s3 =	ssub.s32 $0x0, s20;
	[sflag:s22] =	ssyncset.done $0x0  }
0xa0: {  	[sflag:s22] =	ssyncadd.s32 s3;
	_ =	sdelay $0x1  }
0xa1: {  	s23 =	simm.s32 $0x1B8B  }
0xa2: {  	_ =	swait.ge [sflag:s23], $0x1  }
0xa3: {  	[sflag:s23] =	ssyncset.done $0x0  }
0xa4: {  	s25 =	simm.s32 $0x1B8E;
	s24 =	sld [smem:$0x3FFE];
	[sflag:s23] =	ssyncadd.s32 $0xFFFFFFFF  }
0xa5: {  	s26 =	simm.s32 $execute0_lowered;
	[smem:$0x3FD2] =	sst s25  }
0xa6: {  	s4 =	sshll.u32 s26, $0x1;
	_ =	strace $0x80000046;
	[dreg:$0x1] =	wrdreg $0xFFFFFFFF  }
0xa7: {  	s28 =	simm.s32 $_size_execute0_lowered;
	s2 =	sadd.s32 s2, s4;
	[dreg:$0x0] =	wrdreg $0x0  }
0xa8: {  	s4 =	sshll.u32 s28, $0x1;
	[dreg:$0x2] =	wrdreg s2  }
0xa9: {  	[dreg:$0x3] =	wrdreg s4  }
0xaa: {  	[dreg:$0x4] =	wrdreg $0xC0  }
0xab: {  	_ =	task [dreg:s6], $0x5FFFF  }
0xac: {  	[dreg:$0x1] =	wrdreg $0xFFFFFFFF  }
0xad: {  	[dreg:$0x0] =	wrdreg $0x60  }
0xae: {  	[dreg:$0x2] =	wrdreg s24  }
0xaf: {  	[dreg:$0x3] =	wrdreg $0x2EE00  }
0xb0: {  	[dreg:$0x4] =	wrdreg $0x9  }
0xb1: {  	_ =	task.clear_ibuf [dreg:s6], $0x5FFFF;
	_ =	strace $0x90000046  }
0xb2: {  	s29 =	simm.s32 $0x9;
	_ =	strace $0x80000048  }
0xb3: {  	_ =	swait.ge [sflag:s29], $0x1  }
0xb4: {  	[sflag:s29] =	ssyncadd.s32 $0xFFFFFFFF  }
0xb5: {  	_ =	strace $0x90000048  }
0xb6: {  	_ =	sfence  }
0xb7: {  	s30 =	sld [smem:$0x0];
	_ =	sdelay $0x2  }
0xb8: {  	s31 =	sshll.u32 s1, $0xD;
	s1 =	sshrl.u32 s1, $0x2  }
0xb9: {  	s3 =	sand.u32 $0x4000, s31;
	s1 =	sadd.s32 s1, s30  }
0xba: {  	s0 =	sor.u32 s3, s0;
	s1 =	sshll.u32 s1, $0x11  }
0xbb: {  	s0 =	sor.u32 s1, s0  }
0xbc: {  	s0 =	sadd.s32 $0x8F2B, s0  }
0xbd: {  	[sflag:s0] =	ssyncadd.remote.s32 $0x1  }
0xbe: {  	_ =	sfence.sel $0xFFFF  }
0xbf: {  	[dreg:$0x0] =	wrdreg $0xFFFFFFFF;
	(pc) =	sbr.abs _section_cstart, $3  }
0xc0: {  	[dreg:$0x1] =	wrdreg $0xFFFFFFFF  }
0xc1: {  	_ =	task.clear_ibuf [dreg:s6], $0x2FFFF;
	_ =	strace $0x9FFFFFFF  }
0xc2: {  	(tm) =	ssettm $0x7FFFFFFF  }
0xc3: {  	_ =	shalt  }
tec
execute0_lowered:
.L_overlay_start_1:
0x0: {  	(tag) =	ssettag $0x1  }
0x1: {  	s0 =	srdreg.scid  }
0x2: {  	s9 =	stileid.u32;
	s3 =	rddreg [dreg:$0x0]  }
0x3: {  	s2 =	rddreg [dreg:$0x1];
	s4 =	simm.s32 $0x0;
	s8 =	simm.s32 $0xB  }
0x4: {  	s11 =	simm.s32 $0x64;
	s12 =	simm.s32 $0x28A0;
	s15 =	simm.s32 $0x138  }
0x5: {  	s16 =	simm.s32 $0x1A0;
	s17 =	simm.s32 $0x208;
	s18 =	simm.s32 $0x270  }
0x6: {  	s19 =	simm.s32 $0x2D8;
	s20 =	simm.s32 $0x340;
	s21 =	simm.s32 $0x3A8  }
0x7: {  	s22 =	simm.s32 $0x1;
	s23 =	simm.s32 $0x2;
	s28 =	simm.s32 $0x6  }
0x8: {  	s29 =	simm.s32 $0x7;
	s30 =	simm.s32 $0x8;
	s31 =	simm.s32 $0x9  }
0x9: {  	s0 =	sand.u32 $0x1, s0;
	s5 =	smul.u32 $0x2800, s9;
	[smem:$0x7FF] =	sst s4  }
0xa: {  	s26 =	sshll.u32 s9, $0x6;
	s1 =	sshll.u32 s0, $0x4;
	s24 =	smul.u32 $0x28000, s0  }
0xb: {  	_ =	strace $0x80000047;
	s0 =	ssub.s32 $0x2, s0;
	s1 =	sor.u32 s9, s1  }
0xc: {  	s6 =	sshrl.u32 s5, $0x3;
	s7 =	sshrl.u32 s0, $0x1;
	s25 =	sadd.s32 s5, s2  }
0xd: {  	s9 =	sor.u32 $0x1C0B, s26;
	s26 =	simm.s32 $0x5;
	s1 =	smul.u32 $0x514, s1  }
0xe: {  	s4 =	sadd.s32 s5, s24;
	s6 =	sadd.s32 s6, s3;
	s0 =	ssub.s32 s0, s7  }
0xf: {  	s10 =	sshrl.u32 s25, $0x3;
	s24 =	simm.s32 $0x3;
	s25 =	simm.s32 $0x4  }
0x10: {  	s4 =	sshrl.u32 s4, $0x3;
	s5 =	sadd.s32 $0xBC00, s6;
	s7 =	smax.u32 s0, $0x1  }
0x11: {  	s0 =	simm.s32 $0x0;
	s1 =	sadd.s32 s1, s3;
	s3 =	sadd.s32 s4, s3  }
0x12: {  	v0 =	vimm.f32 $1.000000000e+00;
	s4 =	sadd.s32 $0x1800, s1;
	s6 =	sadd.s32 $0x10C00, s3;
	s1 =	simm.s32 $0xA  }
.LBB2_1:
0x13: {  	s3 =	simm.s32 $0x0  }
0x14: {  	[tilespmem:s3], [sflag:$0xB] =	stream.linear.gather [hbm4b:s4+s3], $0x28A0, $0x38;
	[tilespmem:$0x56E0] =	vst v63  }
0x15: {  	_ =	swait.ge [sflag:s8], $0x28A0  }
0x16: {  	[sflag:s8] =	ssyncset.done $0x0  }
0x17: {  	s13 =	simm.s32 $0x0;
	s3 =	simm.s32 $0x40;
	[sflag:s8] =	ssyncadd.s32 $0xFFFFD760  }
.LBB2_2:
0x18: {  	p0 =	sne.s32 s3, $0x18C0;
	[tilespmem:s13+$0x28A0] =	vst v0;
	s13 =	smov.u32 s3;
	s3 =	sadd.s32 $0x40, s3  }
.Ltmp0:
0x19: {  	(pc) =	sbr.rel @p0 .LBB2_2-.Ltmp0, $2  }
0x1a: {  	_ =	sdelay $0x2  }
0x1b: {  	s13 =	sshra.s32 s13, $0x2  }
0x1c: {  	[tilespmem:s13+$0x28A0] =	vst v0  }
0x1d: {  	[spmem:s10], [sflag:s9] =	dma.local [hbm:s5], $0x500  }
0x1e: {  	_ =	swait.ge [sflag:s8], $0x500  }
0x1f: {  	[sflag:s8] =	ssyncset.done $0x0  }
0x20: {  	[sflag:s8] =	ssyncadd.s32 $0xFFFFFB00  }
0x21: {  	s3 =	simm.s32 $0x0;
	[bflag:$0x0] =	sbarrier.arrive $0xFFFF  }
0x22: {  	[spmem:s2] =	stream.indirect.scatter.add.f32 [tilespmem:s12], [sflag:$0x1], $0x10, s3, s11, $0xb8;
	[tilespmem:$0x56E0] =	vst v63  }
0x23: {  	s14 =	simm.s32 $0x68  }
0x24: {  	[spmem:s2] =	stream.indirect.scatter.add.f32 [tilespmem:s12], [sflag:$0x2], $0x10, s14, s11, $0xb8;
	[tilespmem:$0x56E0] =	vst v63  }
0x25: {  	s13 =	simm.s32 $0xD0  }
0x26: {  	[spmem:s2] =	stream.indirect.scatter.add.f32 [tilespmem:s12], [sflag:$0x3], $0x10, s13, s11, $0xb8;
	[tilespmem:$0x56E0] =	vst v63  }
0x27: {  	_ = 	snop  }
0x28: {  	[spmem:s2] =	stream.indirect.scatter.add.f32 [tilespmem:s12], [sflag:$0x4], $0x10, s15, s11, $0xb8;
	[tilespmem:$0x56E0] =	vst v63  }
0x29: {  	_ = 	snop  }
0x2a: {  	[spmem:s2] =	stream.indirect.scatter.add.f32 [tilespmem:s12], [sflag:$0x5], $0x10, s16, s11, $0xb8;
	[tilespmem:$0x56E0] =	vst v63  }
0x2b: {  	_ = 	snop  }
0x2c: {  	[spmem:s2] =	stream.indirect.scatter.add.f32 [tilespmem:s12], [sflag:$0x6], $0x10, s17, s11, $0xb8;
	[tilespmem:$0x56E0] =	vst v63  }
0x2d: {  	_ = 	snop  }
0x2e: {  	[spmem:s2] =	stream.indirect.scatter.add.f32 [tilespmem:s12], [sflag:$0x7], $0x10, s18, s11, $0xb8;
	[tilespmem:$0x56E0] =	vst v63  }
0x2f: {  	_ = 	snop  }
0x30: {  	[spmem:s2] =	stream.indirect.scatter.add.f32 [tilespmem:s12], [sflag:$0x8], $0x10, s19, s11, $0xb8;
	[tilespmem:$0x56E0] =	vst v63  }
0x31: {  	_ = 	snop  }
0x32: {  	[spmem:s2] =	stream.indirect.scatter.add.f32 [tilespmem:s12], [sflag:$0x9], $0x10, s20, s11, $0xb8;
	[tilespmem:$0x56E0] =	vst v63  }
0x33: {  	_ = 	snop  }
0x34: {  	[spmem:s2] =	stream.indirect.scatter.add.f32 [tilespmem:s12], [sflag:$0xA], $0x10, s21, s11, $0xb8;
	[tilespmem:$0x56E0] =	vst v63  }
0x35: {  	_ =	swait.ge [sflag:s22], $0x640  }
0x36: {  	[sflag:s22] =	ssyncset.done $0x0  }
0x37: {  	s14 =	simm.s32 $0x410;
	[sflag:s22] =	ssyncadd.s32 $0xFFFFF9C0  }
0x38: {  	[spmem:s2] =	stream.indirect.scatter.add.f32 [tilespmem:s12], [sflag:$0x1], $0x10, s14, s11, $0xb8;
	[tilespmem:$0x56E0] =	vst v63  }
0x39: {  	_ =	swait.ge [sflag:s23], $0x640  }
0x3a: {  	[sflag:s23] =	ssyncset.done $0x0  }
0x3b: {  	s13 =	simm.s32 $0x478;
	[sflag:s23] =	ssyncadd.s32 $0xFFFFF9C0  }
0x3c: {  	[spmem:s2] =	stream.indirect.scatter.add.f32 [tilespmem:s12], [sflag:$0x2], $0x10, s13, s11, $0xb8;
	[tilespmem:$0x56E0] =	vst v63  }
0x3d: {  	_ =	swait.ge [sflag:s24], $0x640  }
0x3e: {  	[sflag:s24] =	ssyncset.done $0x0  }
0x3f: {  	s14 =	simm.s32 $0x4E0;
	[sflag:s24] =	ssyncadd.s32 $0xFFFFF9C0  }
0x40: {  	[spmem:s2] =	stream.indirect.scatter.add.f32 [tilespmem:s12], [sflag:$0x3], $0x10, s14, s11, $0xb8;
	[tilespmem:$0x56E0] =	vst v63  }
0x41: {  	_ =	swait.ge [sflag:s25], $0x640  }
0x42: {  	[sflag:s25] =	ssyncset.done $0x0  }
0x43: {  	s13 =	simm.s32 $0x548;
	[sflag:s25] =	ssyncadd.s32 $0xFFFFF9C0  }
0x44: {  	[spmem:s2] =	stream.indirect.scatter.add.f32 [tilespmem:s12], [sflag:$0x4], $0x10, s13, s11, $0xb8;
	[tilespmem:$0x56E0] =	vst v63  }
0x45: {  	_ =	swait.ge [sflag:s26], $0x640  }
0x46: {  	[sflag:s26] =	ssyncset.done $0x0  }
0x47: {  	s14 =	simm.s32 $0x5B0;
	[sflag:s26] =	ssyncadd.s32 $0xFFFFF9C0  }
0x48: {  	[spmem:s2] =	stream.indirect.scatter.add.f32 [tilespmem:s12], [sflag:$0x5], $0x10, s14, s11, $0xb8;
	[tilespmem:$0x56E0] =	vst v63  }
0x49: {  	_ =	swait.ge [sflag:s28], $0x640  }
0x4a: {  	[sflag:s28] =	ssyncset.done $0x0  }
0x4b: {  	s13 =	simm.s32 $0x618;
	[sflag:s28] =	ssyncadd.s32 $0xFFFFF9C0  }
0x4c: {  	[spmem:s2] =	stream.indirect.scatter.add.f32 [tilespmem:s12], [sflag:$0x6], $0x10, s13, s11, $0xb8;
	[tilespmem:$0x56E0] =	vst v63  }
0x4d: {  	_ =	swait.ge [sflag:s29], $0x640  }
0x4e: {  	[sflag:s29] =	ssyncset.done $0x0  }
0x4f: {  	s14 =	simm.s32 $0x680;
	[sflag:s29] =	ssyncadd.s32 $0xFFFFF9C0  }
0x50: {  	[spmem:s2] =	stream.indirect.scatter.add.f32 [tilespmem:s12], [sflag:$0x7], $0x10, s14, s11, $0xb8;
	[tilespmem:$0x56E0] =	vst v63  }
0x51: {  	_ =	swait.ge [sflag:s30], $0x640  }
0x52: {  	[sflag:s30] =	ssyncset.done $0x0  }
0x53: {  	s13 =	simm.s32 $0x6E8;
	[sflag:s30] =	ssyncadd.s32 $0xFFFFF9C0  }
0x54: {  	[spmem:s2] =	stream.indirect.scatter.add.f32 [tilespmem:s12], [sflag:$0x8], $0x10, s13, s11, $0xb8;
	[tilespmem:$0x56E0] =	vst v63  }
0x55: {  	_ =	swait.ge [sflag:s31], $0x640  }
0x56: {  	[sflag:s31] =	ssyncset.done $0x0  }
0x57: {  	s14 =	simm.s32 $0x750;
	[sflag:s31] =	ssyncadd.s32 $0xFFFFF9C0  }
0x58: {  	[spmem:s2] =	stream.indirect.scatter.add.f32 [tilespmem:s12], [sflag:$0x9], $0x10, s14, s11, $0xb8;
	[tilespmem:$0x56E0] =	vst v63  }
0x59: {  	_ =	swait.ge [sflag:s1], $0x640  }
0x5a: {  	[sflag:s1] =	ssyncset.done $0x0  }
0x5b: {  	s3 =	simm.s32 $0x1040;
	s13 =	simm.s32 $0x7B8;
	[sflag:s1] =	ssyncadd.s32 $0xFFFFF9C0  }
.LBB2_4:
0x5c: {  	[spmem:s2] =	stream.indirect.scatter.add.f32 [tilespmem:s12], [sflag:$0xA], $0x10, s13, s11, $0xb8;
	[tilespmem:$0x56E0] =	vst v63  }
0x5d: {  	s13 =	smov.u32 s3  }
0x5e: {  	p0 =	sne.s32 s3, $0x8200;
	s3 =	sadd.s32 $0x1040, s3;
	_ =	swait.ge [sflag:s22], $0x640  }
0x5f: {  	s13 =	sshra.s32 s13, $0x2;
	[sflag:s22] =	ssyncset.done $0x0  }
0x60: {  	s14 =	sadd.s32 $0x410, s13;
	[sflag:s22] =	ssyncadd.s32 $0xFFFFF9C0  }
0x61: {  	[spmem:s2] =	stream.indirect.scatter.add.f32 [tilespmem:s12], [sflag:$0x1], $0x10, s14, s11, $0xb8;
	[tilespmem:$0x56E0] =	vst v63  }
0x62: {  	_ =	swait.ge [sflag:s23], $0x640  }
0x63: {  	[sflag:s23] =	ssyncset.done $0x0  }
0x64: {  	s14 =	sadd.s32 $0x478, s13;
	[sflag:s23] =	ssyncadd.s32 $0xFFFFF9C0  }
0x65: {  	[spmem:s2] =	stream.indirect.scatter.add.f32 [tilespmem:s12], [sflag:$0x2], $0x10, s14, s11, $0xb8;
	[tilespmem:$0x56E0] =	vst v63  }
0x66: {  	_ =	swait.ge [sflag:s24], $0x640  }
0x67: {  	[sflag:s24] =	ssyncset.done $0x0  }
0x68: {  	s14 =	sadd.s32 $0x4E0, s13;
	[sflag:s24] =	ssyncadd.s32 $0xFFFFF9C0  }
0x69: {  	[spmem:s2] =	stream.indirect.scatter.add.f32 [tilespmem:s12], [sflag:$0x3], $0x10, s14, s11, $0xb8;
	[tilespmem:$0x56E0] =	vst v63  }
0x6a: {  	_ =	swait.ge [sflag:s25], $0x640  }
0x6b: {  	[sflag:s25] =	ssyncset.done $0x0  }
0x6c: {  	s14 =	sadd.s32 $0x548, s13;
	[sflag:s25] =	ssyncadd.s32 $0xFFFFF9C0  }
0x6d: {  	[spmem:s2] =	stream.indirect.scatter.add.f32 [tilespmem:s12], [sflag:$0x4], $0x10, s14, s11, $0xb8;
	[tilespmem:$0x56E0] =	vst v63  }
0x6e: {  	_ =	swait.ge [sflag:s26], $0x640  }
0x6f: {  	[sflag:s26] =	ssyncset.done $0x0  }
0x70: {  	s14 =	sadd.s32 $0x5B0, s13;
	[sflag:s26] =	ssyncadd.s32 $0xFFFFF9C0  }
0x71: {  	[spmem:s2] =	stream.indirect.scatter.add.f32 [tilespmem:s12], [sflag:$0x5], $0x10, s14, s11, $0xb8;
	[tilespmem:$0x56E0] =	vst v63  }
0x72: {  	_ =	swait.ge [sflag:s28], $0x640  }
0x73: {  	[sflag:s28] =	ssyncset.done $0x0  }
0x74: {  	s14 =	sadd.s32 $0x618, s13;
	[sflag:s28] =	ssyncadd.s32 $0xFFFFF9C0  }
0x75: {  	[spmem:s2] =	stream.indirect.scatter.add.f32 [tilespmem:s12], [sflag:$0x6], $0x10, s14, s11, $0xb8;
	[tilespmem:$0x56E0] =	vst v63  }
0x76: {  	_ =	swait.ge [sflag:s29], $0x640  }
0x77: {  	[sflag:s29] =	ssyncset.done $0x0  }
0x78: {  	s14 =	sadd.s32 $0x680, s13;
	[sflag:s29] =	ssyncadd.s32 $0xFFFFF9C0  }
0x79: {  	[spmem:s2] =	stream.indirect.scatter.add.f32 [tilespmem:s12], [sflag:$0x7], $0x10, s14, s11, $0xb8;
	[tilespmem:$0x56E0] =	vst v63  }
0x7a: {  	_ =	swait.ge [sflag:s30], $0x640  }
0x7b: {  	[sflag:s30] =	ssyncset.done $0x0  }
0x7c: {  	s14 =	sadd.s32 $0x6E8, s13;
	[sflag:s30] =	ssyncadd.s32 $0xFFFFF9C0  }
0x7d: {  	[spmem:s2] =	stream.indirect.scatter.add.f32 [tilespmem:s12], [sflag:$0x8], $0x10, s14, s11, $0xb8;
	[tilespmem:$0x56E0] =	vst v63  }
0x7e: {  	_ =	swait.ge [sflag:s31], $0x640  }
0x7f: {  	[sflag:s31] =	ssyncset.done $0x0  }
.Ltmp1:
0x80: {  	s14 =	sadd.s32 $0x750, s13;
	[sflag:s31] =	ssyncadd.s32 $0xFFFFF9C0;
	(pc) =	sbr.rel @p0 .LBB2_4-.Ltmp1, $4  }
0x81: {  	[spmem:s2] =	stream.indirect.scatter.add.f32 [tilespmem:s12], [sflag:$0x9], $0x10, s14, s11, $0xb8;
	[tilespmem:$0x56E0] =	vst v63  }
0x82: {  	_ =	swait.ge [sflag:s1], $0x640  }
0x83: {  	[sflag:s1] =	ssyncset.done $0x0  }
0x84: {  	s13 =	sadd.s32 $0x7B8, s13;
	[sflag:s1] =	ssyncadd.s32 $0xFFFFF9C0  }
0x85: {  	[spmem:s2] =	stream.indirect.scatter.add.f32 [tilespmem:s12], [sflag:$0xA], $0x10, s13, s11, $0xb8;
	[tilespmem:$0x56E0] =	vst v63  }
0x86: {  	_ =	swait.ge [sflag:s22], $0x640  }
0x87: {  	[sflag:s22] =	ssyncset.done $0x0  }
0x88: {  	[sflag:s22] =	ssyncadd.s32 $0xFFFFF9C0  }
0x89: {  	_ =	swait.ge [sflag:s23], $0x640  }
0x8a: {  	[sflag:s23] =	ssyncset.done $0x0  }
0x8b: {  	[sflag:s23] =	ssyncadd.s32 $0xFFFFF9C0  }
0x8c: {  	_ =	swait.ge [sflag:s24], $0x640  }
0x8d: {  	[sflag:s24] =	ssyncset.done $0x0  }
0x8e: {  	[sflag:s24] =	ssyncadd.s32 $0xFFFFF9C0  }
0x8f: {  	_ =	swait.ge [sflag:s25], $0x640  }
0x90: {  	[sflag:s25] =	ssyncset.done $0x0  }
0x91: {  	[sflag:s25] =	ssyncadd.s32 $0xFFFFF9C0  }
0x92: {  	_ =	swait.ge [sflag:s26], $0x640  }
0x93: {  	[sflag:s26] =	ssyncset.done $0x0  }
0x94: {  	[sflag:s26] =	ssyncadd.s32 $0xFFFFF9C0  }
0x95: {  	_ =	swait.ge [sflag:s28], $0x640  }
0x96: {  	[sflag:s28] =	ssyncset.done $0x0  }
0x97: {  	[sflag:s28] =	ssyncadd.s32 $0xFFFFF9C0  }
0x98: {  	_ =	swait.ge [sflag:s29], $0x640  }
0x99: {  	[sflag:s29] =	ssyncset.done $0x0  }
0x9a: {  	[sflag:s29] =	ssyncadd.s32 $0xFFFFF9C0  }
0x9b: {  	_ =	swait.ge [sflag:s30], $0x640  }
0x9c: {  	[sflag:s30] =	ssyncset.done $0x0  }
0x9d: {  	[sflag:s30] =	ssyncadd.s32 $0xFFFFF9C0  }
0x9e: {  	_ =	swait.ge [sflag:s31], $0x640  }
0x9f: {  	[sflag:s31] =	ssyncset.done $0x0  }
0xa0: {  	[sflag:s31] =	ssyncadd.s32 $0xFFFFF9C0  }
0xa1: {  	_ =	swait.ge [sflag:s1], $0x640  }
0xa2: {  	s0 =	sadd.s32 $0x1, s0;
	[sflag:s1] =	ssyncset.done $0x0  }
0xa3: {  	p0 =	sne.s32 s0, s7;
	[sflag:s1] =	ssyncadd.s32 $0xFFFFF9C0  }
.Ltmp2:
0xa4: {  	[bflag:$0x0] =	sbarrier.arrive $0xFFFF;
	(pc) =	sbr.rel @p0 .LBB2_1-.Ltmp2, $4  }
0xa5: {  	[hbm:s6], [sflag:s9] =	dma.local [spmem:s10], $0x500  }
0xa6: {  	_ =	swait.ge [sflag:s8], $0x500  }
0xa7: {  	[sflag:s8] =	ssyncset.done $0x0  }
0xa8: {  	[sflag:s8] =	ssyncadd.s32 $0xFFFFFB00  }
0xa9: {  	_ =	sfence.sel $0x180000  }
0xaa: {  	[bflag:$0x0] =	sbarrier.arrive $0xFFFF  }
0xab: {  	_ =	strace $0x90000047  }
0xac: {  	s0 =	stileid.u32;
	[bflag:$0x2] =	sbarrier.arrive $0xFFFF  }
0xad: {  	p0 =	sne.s32 s0, $0x0;
	s0 =	rddreg [dreg:$0x2]  }
0xae: {  	s0 =	sadd.s32 @!p0 $0x100000, s0  }
0xaf: {  	[sflag:s0] =	ssyncadd.tile.s32 @!p0 $0x1;
	_ =	shalt  }
.Lfunc_end2:
_tile_overlayer_lowered:
.L_overlay_start_2:
0xb0: {  	(tag) =	ssettag $0x2  }
0xb1: {  	s0 =	rddreg [dreg:$0x0];
	s2 =	stileid.u32  }
0xb2: {  	s1 =	rddreg [dreg:$0x1];
	p0 =	sne.s32 s2, $0x0  }
0xb3: {  	s3 =	rddreg [dreg:$0x2];
	[bflag:$0x3] =	sbarrier.arrive $0xFFFF;
	s2 =	simm.s32 @!p0 $0x1C0B  }
0xb4: {  	[timem:s3], [sflag:s2] =	dma.local @!p0 [hbm:s0], s1  }
0xb5: {  	s0 =	simm.s32 @!p0 $0xB  }
0xb6: {  	_ =	swait.ge @!p0 [sflag:s0], s1  }
0xb7: {  	s1 =	ssub.s32 @!p0 $0x0, s1;
	[sflag:s0] =	ssyncset.done @!p0 $0x0  }
0xb8: {  	[sflag:s0] =	ssyncadd.s32 @!p0 s1  }
0xb9: {  	[bflag:$0x3] =	sbarrier.arrive $0xFFFF  }
0xba: {  	_ =	shalt  }

</sc_bundles>
